<compile_context>
chip_gen: v7x
topology: tpu7x:2x2x1
jax: 0.10.2.dev20260603
libtpu: 0.0.44.dev20260713+nightly
codegen_flags: <defaults>
</compile_context>

<pallas_src>
import functools

import jax
import jax.numpy as jnp
from jax import lax
from jax.experimental import pallas as pl
from jax.experimental.pallas import tpu as pltpu
from jax.experimental.pallas import tpu_sc as plsc

_N = 100000
_C = 32
_K = 16
_H = 8
_M = 16


def _sc_gather(table, idx):
    info = plsc.get_sparse_core_info()
    nw = info.num_cores * info.num_subcores
    nk = idx.shape[0]
    b_per_w = nk // nw
    chunk = 1000
    n_iter = b_per_w // chunk
    assert b_per_w % chunk == 0 and chunk % 8 == 0 and b_per_w % 8 == 0

    mesh = plsc.VectorSubcoreMesh(core_axis_name="c", subcore_axis_name="s")

    @functools.partial(
        pl.kernel,
        mesh=mesh,
        out_type=jax.ShapeDtypeStruct((nk, _C), jnp.float32),
        scratch_types=[
            pltpu.VMEM((b_per_w,), jnp.int32),
            pltpu.VMEM((2, chunk, _C), jnp.float32),
            pltpu.SemaphoreType.DMA,
            pltpu.SemaphoreType.DMA,
        ],
        compiler_params=pltpu.CompilerParams(use_tc_tiling_on_sc=False),
    )
    def gather_kernel(table_hbm, idx_hbm, out_hbm, idx_v, rows_v, sem0, sem1):
        wid = lax.axis_index("s") * info.num_cores + lax.axis_index("c")
        base = wid * b_per_w
        pltpu.sync_copy(idx_hbm.at[pl.ds(base, b_per_w)], idx_v)
        sems = (sem0, sem1)

        def start(i):
            return pltpu.async_copy(
                table_hbm.at[idx_v.at[pl.ds(i * chunk, chunk)]],
                rows_v.at[i % 2],
                sems[i % 2],
            )
        copies = [start(0)]
        for i in range(n_iter):
            if i + 1 < n_iter:
                copies.append(start(i + 1))
            copies[i].wait()
            pltpu.sync_copy(rows_v.at[i % 2],
                            out_hbm.at[pl.ds(base + i * chunk, chunk)])

    return gather_kernel(table, idx)


def _tc_contract(gathered2, guid2, w2):
    P = 1000
    n = gathered2.shape[0]
    cm = _C * _M

    def body(g_ref, d_ref, w_ref, o_ref):
        q = lax.broadcasted_iota(jnp.int32, (_K * _H, _K * _C), 0)
        j = lax.broadcasted_iota(jnp.int32, (_K * _H, _K * _C), 1)
        e8a = ((q // _H == j // _C) & (q % _H == (j % _C) // 4))
        e8a = e8a.astype(jnp.float32)

        col = lax.broadcasted_iota(jnp.int32, (_C, cm), 1)
        row = lax.broadcasted_iota(jnp.int32, (_C, cm), 0)
        e32 = (col // _M == row).astype(jnp.float32)

        g = g_ref[:]
        d = d_ref[:]
        w = w_ref[:]
        guided = g * jnp.dot(d, e8a, preferred_element_type=jnp.float32)
        acc = None
        for k0 in range(0, _K, 4):
            terms = []
            for k in range(k0, k0 + 4):
                gk = guided[:, k * _C:(k + 1) * _C]
                wk = w[:, k * _M:(k + 1) * _M]
                grep = jnp.dot(gk, e32, preferred_element_type=jnp.float32)
                wrep = jnp.tile(wk, (1, _C))
                terms.append(grep * wrep)
            part = (terms[0] + terms[1]) + (terms[2] + terms[3])
            acc = part if acc is None else acc + part
        o_ref[:] = acc

    return pl.pallas_call(
        body,
        grid=(n // P,),
        in_specs=[
            pl.BlockSpec((P, _K * _C), lambda i: (i, 0)),
            pl.BlockSpec((P, _K * _H), lambda i: (i, 0)),
            pl.BlockSpec((P, _K * _M), lambda i: (i, 0)),
        ],
        out_specs=pl.BlockSpec((P, cm), lambda i: (i, 0)),
        out_shape=jax.ShapeDtypeStruct((n, cm), jnp.float32),
    )(gathered2, guid2, w2)


def kernel(input_features, neighbor_inds, guidance, weightnet):
    b, n, c = input_features.shape
    k = neighbor_inds.shape[2]
    h = guidance.shape[3]
    m = weightnet.shape[3]

    table = input_features.reshape(n, c)
    idx = neighbor_inds.reshape(n * k).astype(jnp.int32)
    gathered = _sc_gather(table, idx)

    out = _tc_contract(
        gathered.reshape(n, k * c),
        guidance.reshape(n, k * h),
        weightnet.reshape(n, k * m),
    )
    return out.reshape(b, n, c * m)

# --- scband reference (transcript-rebuilt; emitter-appended) ---
"""Pipeline reference for scband-pcf-9165460209716 (READ-ONLY COPY).

The authoritative reference and input builder live on the scoring server;
editing this copy changes nothing except your own understanding.
"""

import jax, jax.numpy as jnp
import numpy as np

B, N, C = 1, 100000, 32
K = 16
H = 8
C_MID = 16


def setup_inputs(seed: int = 0) -> dict:
    key = jax.random.key(seed)
    k1, k2, k3, k4 = jax.random.split(key, 4)
    input_features = jax.random.normal(k1, (B, N, C), dtype=jnp.float32)
    neighbor_inds = jax.random.randint(k2, (B, N, K), 0, N, dtype=jnp.int64)
    guidance = jax.random.uniform(k3, (B, N, K, H), dtype=jnp.float32)
    weightnet = jax.random.normal(k4, (B, N, K, C_MID), dtype=jnp.float32)
    return {
        "input_features": input_features,
        "neighbor_inds": neighbor_inds,
        "guidance": guidance,
        "weightnet": weightnet,
    }


def reference(input_features, neighbor_inds, guidance, weightnet):
    # Faithful JAX translation of the fused pcf_cuda.forward kernel from
    # PointConvFormer (PCF): gather neighbor features, modulate by per-head
    # guidance scores, then aggregate over neighbors with weightnet.
    b, n, c = input_features.shape
    k = neighbor_inds.shape[2]
    h = guidance.shape[3]
    c_mid = weightnet.shape[3]

    # gathered[b, m, kk, cc] = input_features[b, neighbor_inds[b, m, kk], cc]
    gathered = jax.vmap(lambda feat, inds: jnp.take(feat, inds, axis=0))(
        input_features, neighbor_inds
    )  # (B, N, K, C)

    # Apply per-head guidance: channels are split into h groups of size c//h.
    guided = gathered.reshape(b, n, k, h, c // h) * guidance[..., None]
    guided = guided.reshape(b, n, k, c)

    # Aggregate over neighbors with learned weightnet: (B,N,C,C_mid)
    out = jnp.einsum("bnkc,bnkm->bncm", guided, weightnet)
    out = out.reshape(b, n, c * c_mid)
    return out

if __name__ == "__main__":
    import jax
    _d = setup_inputs()
    print(jax.jit(kernel)(*tuple(_d.values())))

</pallas_src>

<mosaic_0001>
#map = affine_map<(d0, d1) -> (0, 0)>
#map1 = affine_map<(d0, d1) -> (0)>
module attributes {stable_mosaic.version = 14 : i64} {
  func.func @gather_kernel(%arg0: i32, %arg1: i32, %arg2: memref<100000x32xf32, #tpu.memory_space<hbm>>, %arg3: memref<1600000xi32, #tpu.memory_space<hbm>>, %arg4: memref<1600000x32xf32, #tpu.memory_space<hbm>>, %arg5: memref<50000xi32, #tpu.memory_space<vmem>>, %arg6: memref<2x1000x32xf32, #tpu.memory_space<vmem>>, %arg7: memref<!tpu.dma_semaphore, #tpu.memory_space<semaphore_mem>>, %arg8: memref<!tpu.dma_semaphore, #tpu.memory_space<semaphore_mem>>) attributes {dimension_semantics = [#tpu.dimension_semantics<core_parallel>, #tpu.dimension_semantics<subcore_parallel>], iteration_bounds = array<i64: 2, 16>, scalar_prefetch = 0 : i64, scratch_operands = 4 : i64, tpu.core_type = #tpu.core_type<sc_vector_subcore>, window_params = [{transform_indices = #map}, {transform_indices = #map1}, {transform_indices = #map}]} {
    %mul3A = arith.constant 2 : i32
    %mul3A_0 = arith.muli %arg1, %mul3A : i32
    %add3A = arith.addi %mul3A_0, %arg0 : i32
    %mul3A_1 = arith.constant 50000 : i32
    %mul3A_2 = arith.muli %add3A, %mul3A_1 : i32
    "tpu.region"() ({
      %run_scoped3A_1150 = tpu.sem_alloc : memref<!tpu.dma_semaphore, #tpu.memory_space<semaphore_mem>>
      %dma_start3A_1151 = tpu.memref_slice %arg3[%mul3A_2] : memref<1600000xi32, #tpu.memory_space<hbm>> -> memref<50000xi32, #tpu.memory_space<hbm>>
      %dma_start3A_1152 = tpu.memref_slice %arg3[%mul3A_2] : memref<1600000xi32, #tpu.memory_space<hbm>> -> memref<50000xi32, #tpu.memory_space<hbm>>
      tpu.enqueue_dma source(%dma_start3A_1152 : memref<50000xi32, #tpu.memory_space<hbm>>) target(%arg5 : memref<50000xi32, #tpu.memory_space<vmem>>) target_semaphore(%run_scoped3A_1150 : memref<!tpu.dma_semaphore, #tpu.memory_space<semaphore_mem>>)
      %dma_wait3A_1153 = tpu.memref_slice %arg3[%mul3A_2] : memref<1600000xi32, #tpu.memory_space<hbm>> -> memref<50000xi32, #tpu.memory_space<hbm>>
      %dma_wait3A_1154 = tpu.memref_slice %arg3[%mul3A_2] : memref<1600000xi32, #tpu.memory_space<hbm>> -> memref<50000xi32, #tpu.memory_space<hbm>>
      tpu.wait_dma2 semaphore(%run_scoped3A_1150 : memref<!tpu.dma_semaphore, #tpu.memory_space<semaphore_mem>>) src(%dma_wait3A_1154 : memref<50000xi32, #tpu.memory_space<hbm>>) dst(%arg5 : memref<50000xi32, #tpu.memory_space<vmem>>)
      tpu.yield
    }) : () -> ()
    %dma_start3A = arith.constant 0 : i32
    %dma_start3A_3 = arith.constant 0 : i32
    %dma_start3A_4 = arith.constant 0 : i32
    %dma_start3A_5 = tpu.memref_slice %arg6[%dma_start3A, %dma_start3A_3, %dma_start3A_4] : memref<2x1000x32xf32, #tpu.memory_space<vmem>> -> memref<1x1000x32xf32, #tpu.memory_space<vmem>>
    %dma_start3A_6 = tpu.memref_squeeze %dma_start3A_5 : memref<1x1000x32xf32, #tpu.memory_space<vmem>> -> memref<1000x32xf32, #tpu.memory_space<vmem>>
    %dma_start3A_7 = arith.constant 0 : i32
    %dma_start3A_8 = tpu.memref_slice %arg5[%dma_start3A_7] : memref<50000xi32, #tpu.memory_space<vmem>> -> memref<1000xi32, #tpu.memory_space<vmem>>
    %dma_start3A_9 = arith.constant 0 : i32
    %dma_start3A_10 = arith.constant 0 : i32
    %dma_start3A_11 = tpu.memref_slice %arg2[%dma_start3A_9, %dma_start3A_10] : memref<100000x32xf32, #tpu.memory_space<hbm>> -> memref<100000x32xf32, #tpu.memory_space<hbm>>
    tpu.enqueue_indirect_dma source(%dma_start3A_11 : memref<100000x32xf32, #tpu.memory_space<hbm>>) target(%dma_start3A_6 : memref<1000x32xf32, #tpu.memory_space<vmem>>) offsets(%dma_start3A_8 : memref<1000xi32, #tpu.memory_space<vmem>>) semaphore(%arg7 : memref<!tpu.dma_semaphore, #tpu.memory_space<semaphore_mem>>)
    %dma_start3A_12 = arith.constant 1 : i32
    %dma_start3A_13 = arith.constant 0 : i32
    %dma_start3A_14 = arith.constant 0 : i32
    %dma_start3A_15 = tpu.memref_slice %arg6[%dma_start3A_12, %dma_start3A_13, %dma_start3A_14] : memref<2x1000x32xf32, #tpu.memory_space<vmem>> -> memref<1x1000x32xf32, #tpu.memory_space<vmem>>
    %dma_start3A_16 = tpu.memref_squeeze %dma_start3A_15 : memref<1x1000x32xf32, #tpu.memory_space<vmem>> -> memref<1000x32xf32, #tpu.memory_space<vmem>>
    %dma_start3A_17 = arith.constant 1000 : i32
    %dma_start3A_18 = tpu.memref_slice %arg5[%dma_start3A_17] : memref<50000xi32, #tpu.memory_space<vmem>> -> memref<1000xi32, #tpu.memory_space<vmem>>
    %dma_start3A_19 = arith.constant 0 : i32
    %dma_start3A_20 = arith.constant 0 : i32
    %dma_start3A_21 = tpu.memref_slice %arg2[%dma_start3A_19, %dma_start3A_20] : memref<100000x32xf32, #tpu.memory_space<hbm>> -> memref<100000x32xf32, #tpu.memory_space<hbm>>
    tpu.enqueue_indirect_dma source(%dma_start3A_21 : memref<100000x32xf32, #tpu.memory_space<hbm>>) target(%dma_start3A_16 : memref<1000x32xf32, #tpu.memory_space<vmem>>) offsets(%dma_start3A_18 : memref<1000xi32, #tpu.memory_space<vmem>>) semaphore(%arg8 : memref<!tpu.dma_semaphore, #tpu.memory_space<semaphore_mem>>)
    %dma_wait3A = arith.constant 0 : i32
    %dma_wait3A_22 = arith.constant 0 : i32
    %dma_wait3A_23 = arith.constant 0 : i32
    %dma_wait3A_24 = tpu.memref_slice %arg6[%dma_wait3A, %dma_wait3A_22, %dma_wait3A_23] : memref<2x1000x32xf32, #tpu.memory_space<vmem>> -> memref<1x1000x32xf32, #tpu.memory_space<vmem>>
    %dma_wait3A_25 = tpu.memref_squeeze %dma_wait3A_24 : memref<1x1000x32xf32, #tpu.memory_space<vmem>> -> memref<1000x32xf32, #tpu.memory_space<vmem>>
    %dma_wait3A_26 = arith.constant 0 : i32
    %dma_wait3A_27 = tpu.memref_slice %arg5[%dma_wait3A_26] : memref<50000xi32, #tpu.memory_space<vmem>> -> memref<1000xi32, #tpu.memory_space<vmem>>
    %dma_wait3A_28 = arith.constant 0 : i32
    %dma_wait3A_29 = arith.constant 0 : i32
    %dma_wait3A_30 = tpu.memref_slice %arg2[%dma_wait3A_28, %dma_wait3A_29] : memref<100000x32xf32, #tpu.memory_space<hbm>> -> memref<100000x32xf32, #tpu.memory_space<hbm>>
    tpu.wait_indirect_dma semaphore(%arg7 : memref<!tpu.dma_semaphore, #tpu.memory_space<semaphore_mem>>) src(%dma_wait3A_30 : memref<100000x32xf32, #tpu.memory_space<hbm>>) dst(%dma_wait3A_25 : memref<1000x32xf32, #tpu.memory_space<vmem>>)
    %add3A_31 = arith.constant 0 : i32
    %add3A_32 = arith.addi %mul3A_2, %add3A_31 : i32
    %run_scoped3A = arith.constant 0 : i32
    "tpu.region"() ({
      %run_scoped3A_1150 = tpu.sem_alloc : memref<!tpu.dma_semaphore, #tpu.memory_space<semaphore_mem>>
      %dma_start3A_1151 = arith.constant 0 : i32
      %dma_start3A_1152 = arith.constant 0 : i32
      %dma_start3A_1153 = tpu.memref_slice %arg6[%run_scoped3A, %dma_start3A_1151, %dma_start3A_1152] : memref<2x1000x32xf32, #tpu.memory_space<vmem>> -> memref<1x1000x32xf32, #tpu.memory_space<vmem>>
      %dma_start3A_1154 = tpu.memref_squeeze %dma_start3A_1153 : memref<1x1000x32xf32, #tpu.memory_space<vmem>> -> memref<1000x32xf32, #tpu.memory_space<vmem>>
      %dma_start3A_1155 = arith.constant 0 : i32
      %dma_start3A_1156 = tpu.memref_slice %arg4[%add3A_32, %dma_start3A_1155] : memref<1600000x32xf32, #tpu.memory_space<hbm>> -> memref<1000x32xf32, #tpu.memory_space<hbm>>
      %dma_start3A_1157 = arith.constant 0 : i32
      %dma_start3A_1158 = tpu.memref_slice %arg4[%add3A_32, %dma_start3A_1157] : memref<1600000x32xf32, #tpu.memory_space<hbm>> -> memref<1000x32xf32, #tpu.memory_space<hbm>>
      %dma_start3A_1159 = arith.constant 0 : i32
      %dma_start3A_1160 = arith.constant 0 : i32
      %dma_start3A_1161 = tpu.memref_slice %arg6[%run_scoped3A, %dma_start3A_1159, %dma_start3A_1160] : memref<2x1000x32xf32, #tpu.memory_space<vmem>> -> memref<1x1000x32xf32, #tpu.memory_space<vmem>>
      %dma_start3A_1162 = tpu.memref_squeeze %dma_start3A_1161 : memref<1x1000x32xf32, #tpu.memory_space<vmem>> -> memref<1000x32xf32, #tpu.memory_space<vmem>>
      tpu.enqueue_dma source(%dma_start3A_1162 : memref<1000x32xf32, #tpu.memory_space<vmem>>) target(%dma_start3A_1158 : memref<1000x32xf32, #tpu.memory_space<hbm>>) target_semaphore(%run_scoped3A_1150 : memref<!tpu.dma_semaphore, #tpu.memory_space<semaphore_mem>>)
      %dma_wait3A_1163 = arith.constant 0 : i32
      %dma_wait3A_1164 = arith.constant 0 : i32
      %dma_wait3A_1165 = tpu.memref_slice %arg6[%run_scoped3A, %dma_wait3A_1163, %dma_wait3A_1164] : memref<2x1000x32xf32, #tpu.memory_space<vmem>> -> memref<1x1000x32xf32, #tpu.memory_space<vmem>>
      %dma_wait3A_1166 = tpu.memref_squeeze %dma_wait3A_1165 : memref<1x1000x32xf32, #tpu.memory_space<vmem>> -> memref<1000x32xf32, #tpu.memory_space<vmem>>
      %dma_wait3A_1167 = arith.constant 0 : i32
      %dma_wait3A_1168 = tpu.memref_slice %arg4[%add3A_32, %dma_wait3A_1167] : memref<1600000x32xf32, #tpu.memory_space<hbm>> -> memref<1000x32xf32, #tpu.memory_space<hbm>>
      %dma_wait3A_1169 = arith.constant 0 : i32
      %dma_wait3A_1170 = tpu.memref_slice %arg4[%add3A_32, %dma_wait3A_1169] : memref<1600000x32xf32, #tpu.memory_space<hbm>> -> memref<1000x32xf32, #tpu.memory_space<hbm>>
      %dma_wait3A_1171 = arith.constant 0 : i32
      %dma_wait3A_1172 = arith.constant 0 : i32
      %dma_wait3A_1173 = tpu.memref_slice %arg6[%run_scoped3A, %dma_wait3A_1171, %dma_wait3A_1172] : memref<2x1000x32xf32, #tpu.memory_space<vmem>> -> memref<1x1000x32xf32, #tpu.memory_space<vmem>>
      %dma_wait3A_1174 = tpu.memref_squeeze %dma_wait3A_1173 : memref<1x1000x32xf32, #tpu.memory_space<vmem>> -> memref<1000x32xf32, #tpu.memory_space<vmem>>
      tpu.wait_dma2 semaphore(%run_scoped3A_1150 : memref<!tpu.dma_semaphore, #tpu.memory_space<semaphore_mem>>) src(%dma_wait3A_1174 : memref<1000x32xf32, #tpu.memory_space<vmem>>) dst(%dma_wait3A_1170 : memref<1000x32xf32, #tpu.memory_space<hbm>>)
      tpu.yield
    }) : () -> ()
    %dma_start3A_33 = arith.constant 0 : i32
    %dma_start3A_34 = arith.constant 0 : i32
    %dma_start3A_35 = arith.constant 0 : i32
    %dma_start3A_36 = tpu.memref_slice %arg6[%dma_start3A_33, %dma_start3A_34, %dma_start3A_35] : memref<2x1000x32xf32, #tpu.memory_space<vmem>> -> memref<1x1000x32xf32, #tpu.memory_space<vmem>>
    %dma_start3A_37 = tpu.memref_squeeze %dma_start3A_36 : memref<1x1000x32xf32, #tpu.memory_space<vmem>> -> memref<1000x32xf32, #tpu.memory_space<vmem>>
    %dma_start3A_38 = arith.constant 2000 : i32
    %dma_start3A_39 = tpu.memref_slice %arg5[%dma_start3A_38] : memref<50000xi32, #tpu.memory_space<vmem>> -> memref<1000xi32, #tpu.memory_space<vmem>>
    %dma_start3A_40 = arith.constant 0 : i32
    %dma_start3A_41 = arith.constant 0 : i32
    %dma_start3A_42 = tpu.memref_slice %arg2[%dma_start3A_40, %dma_start3A_41] : memref<100000x32xf32, #tpu.memory_space<hbm>> -> memref<100000x32xf32, #tpu.memory_space<hbm>>
    tpu.enqueue_indirect_dma source(%dma_start3A_42 : memref<100000x32xf32, #tpu.memory_space<hbm>>) target(%dma_start3A_37 : memref<1000x32xf32, #tpu.memory_space<vmem>>) offsets(%dma_start3A_39 : memref<1000xi32, #tpu.memory_space<vmem>>) semaphore(%arg7 : memref<!tpu.dma_semaphore, #tpu.memory_space<semaphore_mem>>)
    %dma_wait3A_43 = arith.constant 1 : i32
    %dma_wait3A_44 = arith.constant 0 : i32
    %dma_wait3A_45 = arith.constant 0 : i32
    %dma_wait3A_46 = tpu.memref_slice %arg6[%dma_wait3A_43, %dma_wait3A_44, %dma_wait3A_45] : memref<2x1000x32xf32, #tpu.memory_space<vmem>> -> memref<1x1000x32xf32, #tpu.memory_space<vmem>>
    %dma_wait3A_47 = tpu.memref_squeeze %dma_wait3A_46 : memref<1x1000x32xf32, #tpu.memory_space<vmem>> -> memref<1000x32xf32, #tpu.memory_space<vmem>>
    %dma_wait3A_48 = arith.constant 1000 : i32
    %dma_wait3A_49 = tpu.memref_slice %arg5[%dma_wait3A_48] : memref<50000xi32, #tpu.memory_space<vmem>> -> memref<1000xi32, #tpu.memory_space<vmem>>
    %dma_wait3A_50 = arith.constant 0 : i32
    %dma_wait3A_51 = arith.constant 0 : i32
    %dma_wait3A_52 = tpu.memref_slice %arg2[%dma_wait3A_50, %dma_wait3A_51] : memref<100000x32xf32, #tpu.memory_space<hbm>> -> memref<100000x32xf32, #tpu.memory_space<hbm>>
    tpu.wait_indirect_dma semaphore(%arg8 : memref<!tpu.dma_semaphore, #tpu.memory_space<semaphore_mem>>) src(%dma_wait3A_52 : memref<100000x32xf32, #tpu.memory_space<hbm>>) dst(%dma_wait3A_47 : memref<1000x32xf32, #tpu.memory_space<vmem>>)
    %add3A_53 = arith.constant 1000 : i32
    %add3A_54 = arith.addi %mul3A_2, %add3A_53 : i32
    %run_scoped3A_55 = arith.constant 1 : i32
    "tpu.region"() ({
      %run_scoped3A_1150 = tpu.sem_alloc : memref<!tpu.dma_semaphore, #tpu.memory_space<semaphore_mem>>
      %dma_start3A_1151 = arith.constant 0 : i32
      %dma_start3A_1152 = arith.constant 0 : i32
      %dma_start3A_1153 = tpu.memref_slice %arg6[%run_scoped3A_55, %dma_start3A_1151, %dma_start3A_1152] : memref<2x1000x32xf32, #tpu.memory_space<vmem>> -> memref<1x1000x32xf32, #tpu.memory_space<vmem>>
      %dma_start3A_1154 = tpu.memref_squeeze %dma_start3A_1153 : memref<1x1000x32xf32, #tpu.memory_space<vmem>> -> memref<1000x32xf32, #tpu.memory_space<vmem>>
      %dma_start3A_1155 = arith.constant 0 : i32
      %dma_start3A_1156 = tpu.memref_slice %arg4[%add3A_54, %dma_start3A_1155] : memref<1600000x32xf32, #tpu.memory_space<hbm>> -> memref<1000x32xf32, #tpu.memory_space<hbm>>
      %dma_start3A_1157 = arith.constant 0 : i32
      %dma_start3A_1158 = tpu.memref_slice %arg4[%add3A_54, %dma_start3A_1157] : memref<1600000x32xf32, #tpu.memory_space<hbm>> -> memref<1000x32xf32, #tpu.memory_space<hbm>>
      %dma_start3A_1159 = arith.constant 0 : i32
      %dma_start3A_1160 = arith.constant 0 : i32
      %dma_start3A_1161 = tpu.memref_slice %arg6[%run_scoped3A_55, %dma_start3A_1159, %dma_start3A_1160] : memref<2x1000x32xf32, #tpu.memory_space<vmem>> -> memref<1x1000x32xf32, #tpu.memory_space<vmem>>
      %dma_start3A_1162 = tpu.memref_squeeze %dma_start3A_1161 : memref<1x1000x32xf32, #tpu.memory_space<vmem>> -> memref<1000x32xf32, #tpu.memory_space<vmem>>
      tpu.enqueue_dma source(%dma_start3A_1162 : memref<1000x32xf32, #tpu.memory_space<vmem>>) target(%dma_start3A_1158 : memref<1000x32xf32, #tpu.memory_space<hbm>>) target_semaphore(%run_scoped3A_1150 : memref<!tpu.dma_semaphore, #tpu.memory_space<semaphore_mem>>)
      %dma_wait3A_1163 = arith.constant 0 : i32
      %dma_wait3A_1164 = arith.constant 0 : i32
      %dma_wait3A_1165 = tpu.memref_slice %arg6[%run_scoped3A_55, %dma_wait3A_1163, %dma_wait3A_1164] : memref<2x1000x32xf32, #tpu.memory_space<vmem>> -> memref<1x1000x32xf32, #tpu.memory_space<vmem>>
      %dma_wait3A_1166 = tpu.memref_squeeze %dma_wait3A_1165 : memref<1x1000x32xf32, #tpu.memory_space<vmem>> -> memref<1000x32xf32, #tpu.memory_space<vmem>>
      %dma_wait3A_1167 = arith.constant 0 : i32
      %dma_wait3A_1168 = tpu.memref_slice %arg4[%add3A_54, %dma_wait3A_1167] : memref<1600000x32xf32, #tpu.memory_space<hbm>> -> memref<1000x32xf32, #tpu.memory_space<hbm>>
      %dma_wait3A_1169 = arith.constant 0 : i32
      %dma_wait3A_1170 = tpu.memref_slice %arg4[%add3A_54, %dma_wait3A_1169] : memref<1600000x32xf32, #tpu.memory_space<hbm>> -> memref<1000x32xf32, #tpu.memory_space<hbm>>
      %dma_wait3A_1171 = arith.constant 0 : i32
      %dma_wait3A_1172 = arith.constant 0 : i32
      %dma_wait3A_1173 = tpu.memref_slice %arg6[%run_scoped3A_55, %dma_wait3A_1171, %dma_wait3A_1172] : memref<2x1000x32xf32, #tpu.memory_space<vmem>> -> memref<1x1000x32xf32, #tpu.memory_space<vmem>>
      %dma_wait3A_1174 = tpu.memref_squeeze %dma_wait3A_1173 : memref<1x1000x32xf32, #tpu.memory_space<vmem>> -> memref<1000x32xf32, #tpu.memory_space<vmem>>
      tpu.wait_dma2 semaphore(%run_scoped3A_1150 : memref<!tpu.dma_semaphore, #tpu.memory_space<semaphore_mem>>) src(%dma_wait3A_1174 : memref<1000x32xf32, #tpu.memory_space<vmem>>) dst(%dma_wait3A_1170 : memref<1000x32xf32, #tpu.memory_space<hbm>>)
      tpu.yield
    }) : () -> ()
    %dma_start3A_56 = arith.constant 1 : i32
    %dma_start3A_57 = arith.constant 0 : i32
    %dma_start3A_58 = arith.constant 0 : i32
    %dma_start3A_59 = tpu.memref_slice %arg6[%dma_start3A_56, %dma_start3A_57, %dma_start3A_58] : memref<2x1000x32xf32, #tpu.memory_space<vmem>> -> memref<1x1000x32xf32, #tpu.memory_space<vmem>>
    %dma_start3A_60 = tpu.memref_squeeze %dma_start3A_59 : memref<1x1000x32xf32, #tpu.memory_space<vmem>> -> memref<1000x32xf32, #tpu.memory_space<vmem>>
    %dma_start3A_61 = arith.constant 3000 : i32
    %dma_start3A_62 = tpu.memref_slice %arg5[%dma_start3A_61] : memref<50000xi32, #tpu.memory_space<vmem>> -> memref<1000xi32, #tpu.memory_space<vmem>>
    %dma_start3A_63 = arith.constant 0 : i32
    %dma_start3A_64 = arith.constant 0 : i32
    %dma_start3A_65 = tpu.memref_slice %arg2[%dma_start3A_63, %dma_start3A_64] : memref<100000x32xf32, #tpu.memory_space<hbm>> -> memref<100000x32xf32, #tpu.memory_space<hbm>>
    tpu.enqueue_indirect_dma source(%dma_start3A_65 : memref<100000x32xf32, #tpu.memory_space<hbm>>) target(%dma_start3A_60 : memref<1000x32xf32, #tpu.memory_space<vmem>>) offsets(%dma_start3A_62 : memref<1000xi32, #tpu.memory_space<vmem>>) semaphore(%arg8 : memref<!tpu.dma_semaphore, #tpu.memory_space<semaphore_mem>>)
    %dma_wait3A_66 = arith.constant 0 : i32
    %dma_wait3A_67 = arith.constant 0 : i32
    %dma_wait3A_68 = arith.constant 0 : i32
    %dma_wait3A_69 = tpu.memref_slice %arg6[%dma_wait3A_66, %dma_wait3A_67, %dma_wait3A_68] : memref<2x1000x32xf32, #tpu.memory_space<vmem>> -> memref<1x1000x32xf32, #tpu.memory_space<vmem>>
    %dma_wait3A_70 = tpu.memref_squeeze %dma_wait3A_69 : memref<1x1000x32xf32, #tpu.memory_space<vmem>> -> memref<1000x32xf32, #tpu.memory_space<vmem>>
    %dma_wait3A_71 = arith.constant 2000 : i32
    %dma_wait3A_72 = tpu.memref_slice %arg5[%dma_wait3A_71] : memref<50000xi32, #tpu.memory_space<vmem>> -> memref<1000xi32, #tpu.memory_space<vmem>>
    %dma_wait3A_73 = arith.constant 0 : i32
    %dma_wait3A_74 = arith.constant 0 : i32
    %dma_wait3A_75 = tpu.memref_slice %arg2[%dma_wait3A_73, %dma_wait3A_74] : memref<100000x32xf32, #tpu.memory_space<hbm>> -> memref<100000x32xf32, #tpu.memory_space<hbm>>
    tpu.wait_indirect_dma semaphore(%arg7 : memref<!tpu.dma_semaphore, #tpu.memory_space<semaphore_mem>>) src(%dma_wait3A_75 : memref<100000x32xf32, #tpu.memory_space<hbm>>) dst(%dma_wait3A_70 : memref<1000x32xf32, #tpu.memory_space<vmem>>)
    %add3A_76 = arith.constant 2000 : i32
    %add3A_77 = arith.addi %mul3A_2, %add3A_76 : i32
    %run_scoped3A_78 = arith.constant 0 : i32
    "tpu.region"() ({
      %run_scoped3A_1150 = tpu.sem_alloc : memref<!tpu.dma_semaphore, #tpu.memory_space<semaphore_mem>>
      %dma_start3A_1151 = arith.constant 0 : i32
      %dma_start3A_1152 = arith.constant 0 : i32
      %dma_start3A_1153 = tpu.memref_slice %arg6[%run_scoped3A_78, %dma_start3A_1151, %dma_start3A_1152] : memref<2x1000x32xf32, #tpu.memory_space<vmem>> -> memref<1x1000x32xf32, #tpu.memory_space<vmem>>
      %dma_start3A_1154 = tpu.memref_squeeze %dma_start3A_1153 : memref<1x1000x32xf32, #tpu.memory_space<vmem>> -> memref<1000x32xf32, #tpu.memory_space<vmem>>
      %dma_start3A_1155 = arith.constant 0 : i32
      %dma_start3A_1156 = tpu.memref_slice %arg4[%add3A_77, %dma_start3A_1155] : memref<1600000x32xf32, #tpu.memory_space<hbm>> -> memref<1000x32xf32, #tpu.memory_space<hbm>>
      %dma_start3A_1157 = arith.constant 0 : i32
      %dma_start3A_1158 = tpu.memref_slice %arg4[%add3A_77, %dma_start3A_1157] : memref<1600000x32xf32, #tpu.memory_space<hbm>> -> memref<1000x32xf32, #tpu.memory_space<hbm>>
      %dma_start3A_1159 = arith.constant 0 : i32
      %dma_start3A_1160 = arith.constant 0 : i32
      %dma_start3A_1161 = tpu.memref_slice %arg6[%run_scoped3A_78, %dma_start3A_1159, %dma_start3A_1160] : memref<2x1000x32xf32, #tpu.memory_space<vmem>> -> memref<1x1000x32xf32, #tpu.memory_space<vmem>>
      %dma_start3A_1162 = tpu.memref_squeeze %dma_start3A_1161 : memref<1x1000x32xf32, #tpu.memory_space<vmem>> -> memref<1000x32xf32, #tpu.memory_space<vmem>>
      tpu.enqueue_dma source(%dma_start3A_1162 : memref<1000x32xf32, #tpu.memory_space<vmem>>) target(%dma_start3A_1158 : memref<1000x32xf32, #tpu.memory_space<hbm>>) target_semaphore(%run_scoped3A_1150 : memref<!tpu.dma_semaphore, #tpu.memory_space<semaphore_mem>>)
      %dma_wait3A_1163 = arith.constant 0 : i32
      %dma_wait3A_1164 = arith.constant 0 : i32
      %dma_wait3A_1165 = tpu.memref_slice %arg6[%run_scoped3A_78, %dma_wait3A_1163, %dma_wait3A_1164] : memref<2x1000x32xf32, #tpu.memory_space<vmem>> -> memref<1x1000x32xf32, #tpu.memory_space<vmem>>
      %dma_wait3A_1166 = tpu.memref_squeeze %dma_wait3A_1165 : memref<1x1000x32xf32, #tpu.memory_space<vmem>> -> memref<1000x32xf32, #tpu.memory_space<vmem>>
      %dma_wait3A_1167 = arith.constant 0 : i32
      %dma_wait3A_1168 = tpu.memref_slice %arg4[%add3A_77, %dma_wait3A_1167] : memref<1600000x32xf32, #tpu.memory_space<hbm>> -> memref<1000x32xf32, #tpu.memory_space<hbm>>
      %dma_wait3A_1169 = arith.constant 0 : i32
      %dma_wait3A_1170 = tpu.memref_slice %arg4[%add3A_77, %dma_wait3A_1169] : memref<1600000x32xf32, #tpu.memory_space<hbm>> -> memref<1000x32xf32, #tpu.memory_space<hbm>>
      %dma_wait3A_1171 = arith.constant 0 : i32
      %dma_wait3A_1172 = arith.constant 0 : i32
      %dma_wait3A_1173 = tpu.memref_slice %arg6[%run_scoped3A_78, %dma_wait3A_1171, %dma_wait3A_1172] : memref<2x1000x32xf32, #tpu.memory_space<vmem>> -> memref<1x1000x32xf32, #tpu.memory_space<vmem>>
      %dma_wait3A_1174 = tpu.memref_squeeze %dma_wait3A_1173 : memref<1x1000x32xf32, #tpu.memory_space<vmem>> -> memref<1000x32xf32, #tpu.memory_space<vmem>>
      tpu.wait_dma2 semaphore(%run_scoped3A_1150 : memref<!tpu.dma_semaphore, #tpu.memory_space<semaphore_mem>>) src(%dma_wait3A_1174 : memref<1000x32xf32, #tpu.memory_space<vmem>>) dst(%dma_wait3A_1170 : memref<1000x32xf32, #tpu.memory_space<hbm>>)
      tpu.yield
    }) : () -> ()
    %dma_start3A_79 = arith.constant 0 : i32
    %dma_start3A_80 = arith.constant 0 : i32
    %dma_start3A_81 = arith.constant 0 : i32
    %dma_start3A_82 = tpu.memref_slice %arg6[%dma_start3A_79, %dma_start3A_80, %dma_start3A_81] : memref<2x1000x32xf32, #tpu.memory_space<vmem>> -> memref<1x1000x32xf32, #tpu.memory_space<vmem>>
    %dma_start3A_83 = tpu.memref_squeeze %dma_start3A_82 : memref<1x1000x32xf32, #tpu.memory_space<vmem>> -> memref<1000x32xf32, #tpu.memory_space<vmem>>
    %dma_start3A_84 = arith.constant 4000 : i32
    %dma_start3A_85 = tpu.memref_slice %arg5[%dma_start3A_84] : memref<50000xi32, #tpu.memory_space<vmem>> -> memref<1000xi32, #tpu.memory_space<vmem>>
    %dma_start3A_86 = arith.constant 0 : i32
    %dma_start3A_87 = arith.constant 0 : i32
    %dma_start3A_88 = tpu.memref_slice %arg2[%dma_start3A_86, %dma_start3A_87] : memref<100000x32xf32, #tpu.memory_space<hbm>> -> memref<100000x32xf32, #tpu.memory_space<hbm>>
    tpu.enqueue_indirect_dma source(%dma_start3A_88 : memref<100000x32xf32, #tpu.memory_space<hbm>>) target(%dma_start3A_83 : memref<1000x32xf32, #tpu.memory_space<vmem>>) offsets(%dma_start3A_85 : memref<1000xi32, #tpu.memory_space<vmem>>) semaphore(%arg7 : memref<!tpu.dma_semaphore, #tpu.memory_space<semaphore_mem>>)
    %dma_wait3A_89 = arith.constant 1 : i32
    %dma_wait3A_90 = arith.constant 0 : i32
    %dma_wait3A_91 = arith.constant 0 : i32
    %dma_wait3A_92 = tpu.memref_slice %arg6[%dma_wait3A_89, %dma_wait3A_90, %dma_wait3A_91] : memref<2x1000x32xf32, #tpu.memory_space<vmem>> -> memref<1x1000x32xf32, #tpu.memory_space<vmem>>
    %dma_wait3A_93 = tpu.memref_squeeze %dma_wait3A_92 : memref<1x1000x32xf32, #tpu.memory_space<vmem>> -> memref<1000x32xf32, #tpu.memory_space<vmem>>
    %dma_wait3A_94 = arith.constant 3000 : i32
    %dma_wait3A_95 = tpu.memref_slice %arg5[%dma_wait3A_94] : memref<50000xi32, #tpu.memory_space<vmem>> -> memref<1000xi32, #tpu.memory_space<vmem>>
    %dma_wait3A_96 = arith.constant 0 : i32
    %dma_wait3A_97 = arith.constant 0 : i32
    %dma_wait3A_98 = tpu.memref_slice %arg2[%dma_wait3A_96, %dma_wait3A_97] : memref<100000x32xf32, #tpu.memory_space<hbm>> -> memref<100000x32xf32, #tpu.memory_space<hbm>>
    tpu.wait_indirect_dma semaphore(%arg8 : memref<!tpu.dma_semaphore, #tpu.memory_space<semaphore_mem>>) src(%dma_wait3A_98 : memref<100000x32xf32, #tpu.memory_space<hbm>>) dst(%dma_wait3A_93 : memref<1000x32xf32, #tpu.memory_space<vmem>>)
    %add3A_99 = arith.constant 3000 : i32
    %add3A_100 = arith.addi %mul3A_2, %add3A_99 : i32
    %run_scoped3A_101 = arith.constant 1 : i32
    "tpu.region"() ({
      %run_scoped3A_1150 = tpu.sem_alloc : memref<!tpu.dma_semaphore, #tpu.memory_space<semaphore_mem>>
      %dma_start3A_1151 = arith.constant 0 : i32
      %dma_start3A_1152 = arith.constant 0 : i32
      %dma_start3A_1153 = tpu.memref_slice %arg6[%run_scoped3A_101, %dma_start3A_1151, %dma_start3A_1152] : memref<2x1000x32xf32, #tpu.memory_space<vmem>> -> memref<1x1000x32xf32, #tpu.memory_space<vmem>>
      %dma_start3A_1154 = tpu.memref_squeeze %dma_start3A_1153 : memref<1x1000x32xf32, #tpu.memory_space<vmem>> -> memref<1000x32xf32, #tpu.memory_space<vmem>>
      %dma_start3A_1155 = arith.constant 0 : i32
      %dma_start3A_1156 = tpu.memref_slice %arg4[%add3A_100, %dma_start3A_1155] : memref<1600000x32xf32, #tpu.memory_space<hbm>> -> memref<1000x32xf32, #tpu.memory_space<hbm>>
      %dma_start3A_1157 = arith.constant 0 : i32
      %dma_start3A_1158 = tpu.memref_slice %arg4[%add3A_100, %dma_start3A_1157] : memref<1600000x32xf32, #tpu.memory_space<hbm>> -> memref<1000x32xf32, #tpu.memory_space<hbm>>
      %dma_start3A_1159 = arith.constant 0 : i32
      %dma_start3A_1160 = arith.constant 0 : i32
      %dma_start3A_1161 = tpu.memref_slice %arg6[%run_scoped3A_101, %dma_start3A_1159, %dma_start3A_1160] : memref<2x1000x32xf32, #tpu.memory_space<vmem>> -> memref<1x1000x32xf32, #tpu.memory_space<vmem>>
      %dma_start3A_1162 = tpu.memref_squeeze %dma_start3A_1161 : memref<1x1000x32xf32, #tpu.memory_space<vmem>> -> memref<1000x32xf32, #tpu.memory_space<vmem>>
      tpu.enqueue_dma source(%dma_start3A_1162 : memref<1000x32xf32, #tpu.memory_space<vmem>>) target(%dma_start3A_1158 : memref<1000x32xf32, #tpu.memory_space<hbm>>) target_semaphore(%run_scoped3A_1150 : memref<!tpu.dma_semaphore, #tpu.memory_space<semaphore_mem>>)
      %dma_wait3A_1163 = arith.constant 0 : i32
      %dma_wait3A_1164 = arith.constant 0 : i32
      %dma_wait3A_1165 = tpu.memref_slice %arg6[%run_scoped3A_101, %dma_wait3A_1163, %dma_wait3A_1164] : memref<2x1000x32xf32, #tpu.memory_space<vmem>> -> memref<1x1000x32xf32, #tpu.memory_space<vmem>>
      %dma_wait3A_1166 = tpu.memref_squeeze %dma_wait3A_1165 : memref<1x1000x32xf32, #tpu.memory_space<vmem>> -> memref<1000x32xf32, #tpu.memory_space<vmem>>
      %dma_wait3A_1167 = arith.constant 0 : i32
      %dma_wait3A_1168 = tpu.memref_slice %arg4[%add3A_100, %dma_wait3A_1167] : memref<1600000x32xf32, #tpu.memory_space<hbm>> -> memref<1000x32xf32, #tpu.memory_space<hbm>>
      %dma_wait3A_1169 = arith.constant 0 : i32
      %dma_wait3A_1170 = tpu.memref_slice %arg4[%add3A_100, %dma_wait3A_1169] : memref<1600000x32xf32, #tpu.memory_space<hbm>> -> memref<1000x32xf32, #tpu.memory_space<hbm>>
      %dma_wait3A_1171 = arith.constant 0 : i32
      %dma_wait3A_1172 = arith.constant 0 : i32
      %dma_wait3A_1173 = tpu.memref_slice %arg6[%run_scoped3A_101, %dma_wait3A_1171, %dma_wait3A_1172] : memref<2x1000x32xf32, #tpu.memory_space<vmem>> -> memref<1x1000x32xf32, #tpu.memory_space<vmem>>
      %dma_wait3A_1174 = tpu.memref_squeeze %dma_wait3A_1173 : memref<1x1000x32xf32, #tpu.memory_space<vmem>> -> memref<1000x32xf32, #tpu.memory_space<vmem>>
      tpu.wait_dma2 semaphore(%run_scoped3A_1150 : memref<!tpu.dma_semaphore, #tpu.memory_space<semaphore_mem>>) src(%dma_wait3A_1174 : memref<1000x32xf32, #tpu.memory_space<vmem>>) dst(%dma_wait3A_1170 : memref<1000x32xf32, #tpu.memory_space<hbm>>)
      tpu.yield
    }) : () -> ()
    %dma_start3A_102 = arith.constant 1 : i32
    %dma_start3A_103 = arith.constant 0 : i32
    %dma_start3A_104 = arith.constant 0 : i32
    %dma_start3A_105 = tpu.memref_slice %arg6[%dma_start3A_102, %dma_start3A_103, %dma_start3A_104] : memref<2x1000x32xf32, #tpu.memory_space<vmem>> -> memref<1x1000x32xf32, #tpu.memory_space<vmem>>
    %dma_start3A_106 = tpu.memref_squeeze %dma_start3A_105 : memref<1x1000x32xf32, #tpu.memory_space<vmem>> -> memref<1000x32xf32, #tpu.memory_space<vmem>>
    %dma_start3A_107 = arith.constant 5000 : i32
    %dma_start3A_108 = tpu.memref_slice %arg5[%dma_start3A_107] : memref<50000xi32, #tpu.memory_space<vmem>> -> memref<1000xi32, #tpu.memory_space<vmem>>
    %dma_start3A_109 = arith.constant 0 : i32
    %dma_start3A_110 = arith.constant 0 : i32
    %dma_start3A_111 = tpu.memref_slice %arg2[%dma_start3A_109, %dma_start3A_110] : memref<100000x32xf32, #tpu.memory_space<hbm>> -> memref<100000x32xf32, #tpu.memory_space<hbm>>
    tpu.enqueue_indirect_dma source(%dma_start3A_111 : memref<100000x32xf32, #tpu.memory_space<hbm>>) target(%dma_start3A_106 : memref<1000x32xf32, #tpu.memory_space<vmem>>) offsets(%dma_start3A_108 : memref<1000xi32, #tpu.memory_space<vmem>>) semaphore(%arg8 : memref<!tpu.dma_semaphore, #tpu.memory_space<semaphore_mem>>)
    %dma_wait3A_112 = arith.constant 0 : i32
    %dma_wait3A_113 = arith.constant 0 : i32
    %dma_wait3A_114 = arith.constant 0 : i32
    %dma_wait3A_115 = tpu.memref_slice %arg6[%dma_wait3A_112, %dma_wait3A_113, %dma_wait3A_114] : memref<2x1000x32xf32, #tpu.memory_space<vmem>> -> memref<1x1000x32xf32, #tpu.memory_space<vmem>>
    %dma_wait3A_116 = tpu.memref_squeeze %dma_wait3A_115 : memref<1x1000x32xf32, #tpu.memory_space<vmem>> -> memref<1000x32xf32, #tpu.memory_space<vmem>>
    %dma_wait3A_117 = arith.constant 4000 : i32
    %dma_wait3A_118 = tpu.memref_slice %arg5[%dma_wait3A_117] : memref<50000xi32, #tpu.memory_space<vmem>> -> memref<1000xi32, #tpu.memory_space<vmem>>
    %dma_wait3A_119 = arith.constant 0 : i32
    %dma_wait3A_120 = arith.constant 0 : i32
    %dma_wait3A_121 = tpu.memref_slice %arg2[%dma_wait3A_119, %dma_wait3A_120] : memref<100000x32xf32, #tpu.memory_space<hbm>> -> memref<100000x32xf32, #tpu.memory_space<hbm>>
    tpu.wait_indirect_dma semaphore(%arg7 : memref<!tpu.dma_semaphore, #tpu.memory_space<semaphore_mem>>) src(%dma_wait3A_121 : memref<100000x32xf32, #tpu.memory_space<hbm>>) dst(%dma_wait3A_116 : memref<1000x32xf32, #tpu.memory_space<vmem>>)
    %add3A_122 = arith.constant 4000 : i32
    %add3A_123 = arith.addi %mul3A_2, %add3A_122 : i32
    %run_scoped3A_124 = arith.constant 0 : i32
    "tpu.region"() ({
      %run_scoped3A_1150 = tpu.sem_alloc : memref<!tpu.dma_semaphore, #tpu.memory_space<semaphore_mem>>
      %dma_start3A_1151 = arith.constant 0 : i32
      %dma_start3A_1152 = arith.constant 0 : i32
      %dma_start3A_1153 = tpu.memref_slice %arg6[%run_scoped3A_124, %dma_start3A_1151, %dma_start3A_1152] : memref<2x1000x32xf32, #tpu.memory_space<vmem>> -> memref<1x1000x32xf32, #tpu.memory_space<vmem>>
      %dma_start3A_1154 = tpu.memref_squeeze %dma_start3A_1153 : memref<1x1000x32xf32, #tpu.memory_space<vmem>> -> memref<1000x32xf32, #tpu.memory_space<vmem>>
      %dma_start3A_1155 = arith.constant 0 : i32
      %dma_start3A_1156 = tpu.memref_slice %arg4[%add3A_123, %dma_start3A_1155] : memref<1600000x32xf32, #tpu.memory_space<hbm>> -> memref<1000x32xf32, #tpu.memory_space<hbm>>
      %dma_start3A_1157 = arith.constant 0 : i32
      %dma_start3A_1158 = tpu.memref_slice %arg4[%add3A_123, %dma_start3A_1157] : memref<1600000x32xf32, #tpu.memory_space<hbm>> -> memref<1000x32xf32, #tpu.memory_space<hbm>>
      %dma_start3A_1159 = arith.constant 0 : i32
      %dma_start3A_1160 = arith.constant 0 : i32
      %dma_start3A_1161 = tpu.memref_slice %arg6[%run_scoped3A_124, %dma_start3A_1159, %dma_start3A_1160] : memref<2x1000x32xf32, #tpu.memory_space<vmem>> -> memref<1x1000x32xf32, #tpu.memory_space<vmem>>
      %dma_start3A_1162 = tpu.memref_squeeze %dma_start3A_1161 : memref<1x1000x32xf32, #tpu.memory_space<vmem>> -> memref<1000x32xf32, #tpu.memory_space<vmem>>
      tpu.enqueue_dma source(%dma_start3A_1162 : memref<1000x32xf32, #tpu.memory_space<vmem>>) target(%dma_start3A_1158 : memref<1000x32xf32, #tpu.memory_space<hbm>>) target_semaphore(%run_scoped3A_1150 : memref<!tpu.dma_semaphore, #tpu.memory_space<semaphore_mem>>)
      %dma_wait3A_1163 = arith.constant 0 : i32
      %dma_wait3A_1164 = arith.constant 0 : i32
      %dma_wait3A_1165 = tpu.memref_slice %arg6[%run_scoped3A_124, %dma_wait3A_1163, %dma_wait3A_1164] : memref<2x1000x32xf32, #tpu.memory_space<vmem>> -> memref<1x1000x32xf32, #tpu.memory_space<vmem>>
      %dma_wait3A_1166 = tpu.memref_squeeze %dma_wait3A_1165 : memref<1x1000x32xf32, #tpu.memory_space<vmem>> -> memref<1000x32xf32, #tpu.memory_space<vmem>>
      %dma_wait3A_1167 = arith.constant 0 : i32
      %dma_wait3A_1168 = tpu.memref_slice %arg4[%add3A_123, %dma_wait3A_1167] : memref<1600000x32xf32, #tpu.memory_space<hbm>> -> memref<1000x32xf32, #tpu.memory_space<hbm>>
      %dma_wait3A_1169 = arith.constant 0 : i32
      %dma_wait3A_1170 = tpu.memref_slice %arg4[%add3A_123, %dma_wait3A_1169] : memref<1600000x32xf32, #tpu.memory_space<hbm>> -> memref<1000x32xf32, #tpu.memory_space<hbm>>
      %dma_wait3A_1171 = arith.constant 0 : i32
      %dma_wait3A_1172 = arith.constant 0 : i32
      %dma_wait3A_1173 = tpu.memref_slice %arg6[%run_scoped3A_124, %dma_wait3A_1171, %dma_wait3A_1172] : memref<2x1000x32xf32, #tpu.memory_space<vmem>> -> memref<1x1000x32xf32, #tpu.memory_space<vmem>>
      %dma_wait3A_1174 = tpu.memref_squeeze %dma_wait3A_1173 : memref<1x1000x32xf32, #tpu.memory_space<vmem>> -> memref<1000x32xf32, #tpu.memory_space<vmem>>
      tpu.wait_dma2 semaphore(%run_scoped3A_1150 : memref<!tpu.dma_semaphore, #tpu.memory_space<semaphore_mem>>) src(%dma_wait3A_1174 : memref<1000x32xf32, #tpu.memory_space<vmem>>) dst(%dma_wait3A_1170 : memref<1000x32xf32, #tpu.memory_space<hbm>>)
      tpu.yield
    }) : () -> ()
    %dma_start3A_125 = arith.constant 0 : i32
    %dma_start3A_126 = arith.constant 0 : i32
    %dma_start3A_127 = arith.constant 0 : i32
    %dma_start3A_128 = tpu.memref_slice %arg6[%dma_start3A_125, %dma_start3A_126, %dma_start3A_127] : memref<2x1000x32xf32, #tpu.memory_space<vmem>> -> memref<1x1000x32xf32, #tpu.memory_space<vmem>>
    %dma_start3A_129 = tpu.memref_squeeze %dma_start3A_128 : memref<1x1000x32xf32, #tpu.memory_space<vmem>> -> memref<1000x32xf32, #tpu.memory_space<vmem>>
    %dma_start3A_130 = arith.constant 6000 : i32
    %dma_start3A_131 = tpu.memref_slice %arg5[%dma_start3A_130] : memref<50000xi32, #tpu.memory_space<vmem>> -> memref<1000xi32, #tpu.memory_space<vmem>>
    %dma_start3A_132 = arith.constant 0 : i32
    %dma_start3A_133 = arith.constant 0 : i32
    %dma_start3A_134 = tpu.memref_slice %arg2[%dma_start3A_132, %dma_start3A_133] : memref<100000x32xf32, #tpu.memory_space<hbm>> -> memref<100000x32xf32, #tpu.memory_space<hbm>>
    tpu.enqueue_indirect_dma source(%dma_start3A_134 : memref<100000x32xf32, #tpu.memory_space<hbm>>) target(%dma_start3A_129 : memref<1000x32xf32, #tpu.memory_space<vmem>>) offsets(%dma_start3A_131 : memref<1000xi32, #tpu.memory_space<vmem>>) semaphore(%arg7 : memref<!tpu.dma_semaphore, #tpu.memory_space<semaphore_mem>>)
    %dma_wait3A_135 = arith.constant 1 : i32
    %dma_wait3A_136 = arith.constant 0 : i32
    %dma_wait3A_137 = arith.constant 0 : i32
    %dma_wait3A_138 = tpu.memref_slice %arg6[%dma_wait3A_135, %dma_wait3A_136, %dma_wait3A_137] : memref<2x1000x32xf32, #tpu.memory_space<vmem>> -> memref<1x1000x32xf32, #tpu.memory_space<vmem>>
    %dma_wait3A_139 = tpu.memref_squeeze %dma_wait3A_138 : memref<1x1000x32xf32, #tpu.memory_space<vmem>> -> memref<1000x32xf32, #tpu.memory_space<vmem>>
    %dma_wait3A_140 = arith.constant 5000 : i32
    %dma_wait3A_141 = tpu.memref_slice %arg5[%dma_wait3A_140] : memref<50000xi32, #tpu.memory_space<vmem>> -> memref<1000xi32, #tpu.memory_space<vmem>>
    %dma_wait3A_142 = arith.constant 0 : i32
    %dma_wait3A_143 = arith.constant 0 : i32
    %dma_wait3A_144 = tpu.memref_slice %arg2[%dma_wait3A_142, %dma_wait3A_143] : memref<100000x32xf32, #tpu.memory_space<hbm>> -> memref<100000x32xf32, #tpu.memory_space<hbm>>
    tpu.wait_indirect_dma semaphore(%arg8 : memref<!tpu.dma_semaphore, #tpu.memory_space<semaphore_mem>>) src(%dma_wait3A_144 : memref<100000x32xf32, #tpu.memory_space<hbm>>) dst(%dma_wait3A_139 : memref<1000x32xf32, #tpu.memory_space<vmem>>)
    %add3A_145 = arith.constant 5000 : i32
    %add3A_146 = arith.addi %mul3A_2, %add3A_145 : i32
    %run_scoped3A_147 = arith.constant 1 : i32
    "tpu.region"() ({
      %run_scoped3A_1150 = tpu.sem_alloc : memref<!tpu.dma_semaphore, #tpu.memory_space<semaphore_mem>>
      %dma_start3A_1151 = arith.constant 0 : i32
      %dma_start3A_1152 = arith.constant 0 : i32
      %dma_start3A_1153 = tpu.memref_slice %arg6[%run_scoped3A_147, %dma_start3A_1151, %dma_start3A_1152] : memref<2x1000x32xf32, #tpu.memory_space<vmem>> -> memref<1x1000x32xf32, #tpu.memory_space<vmem>>
      %dma_start3A_1154 = tpu.memref_squeeze %dma_start3A_1153 : memref<1x1000x32xf32, #tpu.memory_space<vmem>> -> memref<1000x32xf32, #tpu.memory_space<vmem>>
      %dma_start3A_1155 = arith.constant 0 : i32
      %dma_start3A_1156 = tpu.memref_slice %arg4[%add3A_146, %dma_start3A_1155] : memref<1600000x32xf32, #tpu.memory_space<hbm>> -> memref<1000x32xf32, #tpu.memory_space<hbm>>
      %dma_start3A_1157 = arith.constant 0 : i32
      %dma_start3A_1158 = tpu.memref_slice %arg4[%add3A_146, %dma_start3A_1157] : memref<1600000x32xf32, #tpu.memory_space<hbm>> -> memref<1000x32xf32, #tpu.memory_space<hbm>>
      %dma_start3A_1159 = arith.constant 0 : i32
      %dma_start3A_1160 = arith.constant 0 : i32
      %dma_start3A_1161 = tpu.memref_slice %arg6[%run_scoped3A_147, %dma_start3A_1159, %dma_start3A_1160] : memref<2x1000x32xf32, #tpu.memory_space<vmem>> -> memref<1x1000x32xf32, #tpu.memory_space<vmem>>
      %dma_start3A_1162 = tpu.memref_squeeze %dma_start3A_1161 : memref<1x1000x32xf32, #tpu.memory_space<vmem>> -> memref<1000x32xf32, #tpu.memory_space<vmem>>
      tpu.enqueue_dma source(%dma_start3A_1162 : memref<1000x32xf32, #tpu.memory_space<vmem>>) target(%dma_start3A_1158 : memref<1000x32xf32, #tpu.memory_space<hbm>>) target_semaphore(%run_scoped3A_1150 : memref<!tpu.dma_semaphore, #tpu.memory_space<semaphore_mem>>)
      %dma_wait3A_1163 = arith.constant 0 : i32
      %dma_wait3A_1164 = arith.constant 0 : i32
      %dma_wait3A_1165 = tpu.memref_slice %arg6[%run_scoped3A_147, %dma_wait3A_1163, %dma_wait3A_1164] : memref<2x1000x32xf32, #tpu.memory_space<vmem>> -> memref<1x1000x32xf32, #tpu.memory_space<vmem>>
      %dma_wait3A_1166 = tpu.memref_squeeze %dma_wait3A_1165 : memref<1x1000x32xf32, #tpu.memory_space<vmem>> -> memref<1000x32xf32, #tpu.memory_space<vmem>>
      %dma_wait3A_1167 = arith.constant 0 : i32
      %dma_wait3A_1168 = tpu.memref_slice %arg4[%add3A_146, %dma_wait3A_1167] : memref<1600000x32xf32, #tpu.memory_space<hbm>> -> memref<1000x32xf32, #tpu.memory_space<hbm>>
      %dma_wait3A_1169 = arith.constant 0 : i32
      %dma_wait3A_1170 = tpu.memref_slice %arg4[%add3A_146, %dma_wait3A_1169] : memref<1600000x32xf32, #tpu.memory_space<hbm>> -> memref<1000x32xf32, #tpu.memory_space<hbm>>
      %dma_wait3A_1171 = arith.constant 0 : i32
      %dma_wait3A_1172 = arith.constant 0 : i32
      %dma_wait3A_1173 = tpu.memref_slice %arg6[%run_scoped3A_147, %dma_wait3A_1171, %dma_wait3A_1172] : memref<2x1000x32xf32, #tpu.memory_space<vmem>> -> memref<1x1000x32xf32, #tpu.memory_space<vmem>>
      %dma_wait3A_1174 = tpu.memref_squeeze %dma_wait3A_1173 : memref<1x1000x32xf32, #tpu.memory_space<vmem>> -> memref<1000x32xf32, #tpu.memory_space<vmem>>
      tpu.wait_dma2 semaphore(%run_scoped3A_1150 : memref<!tpu.dma_semaphore, #tpu.memory_space<semaphore_mem>>) src(%dma_wait3A_1174 : memref<1000x32xf32, #tpu.memory_space<vmem>>) dst(%dma_wait3A_1170 : memref<1000x32xf32, #tpu.memory_space<hbm>>)
      tpu.yield
    }) : () -> ()
    %dma_start3A_148 = arith.constant 1 : i32
    %dma_start3A_149 = arith.constant 0 : i32
    %dma_start3A_150 = arith.constant 0 : i32
    %dma_start3A_151 = tpu.memref_slice %arg6[%dma_start3A_148, %dma_start3A_149, %dma_start3A_150] : memref<2x1000x32xf32, #tpu.memory_space<vmem>> -> memref<1x1000x32xf32, #tpu.memory_space<vmem>>
    %dma_start3A_152 = tpu.memref_squeeze %dma_start3A_151 : memref<1x1000x32xf32, #tpu.memory_space<vmem>> -> memref<1000x32xf32, #tpu.memory_space<vmem>>
    %dma_start3A_153 = arith.constant 7000 : i32
    %dma_start3A_154 = tpu.memref_slice %arg5[%dma_start3A_153] : memref<50000xi32, #tpu.memory_space<vmem>> -> memref<1000xi32, #tpu.memory_space<vmem>>
    %dma_start3A_155 = arith.constant 0 : i32
    %dma_start3A_156 = arith.constant 0 : i32
    %dma_start3A_157 = tpu.memref_slice %arg2[%dma_start3A_155, %dma_start3A_156] : memref<100000x32xf32, #tpu.memory_space<hbm>> -> memref<100000x32xf32, #tpu.memory_space<hbm>>
    tpu.enqueue_indirect_dma source(%dma_start3A_157 : memref<100000x32xf32, #tpu.memory_space<hbm>>) target(%dma_start3A_152 : memref<1000x32xf32, #tpu.memory_space<vmem>>) offsets(%dma_start3A_154 : memref<1000xi32, #tpu.memory_space<vmem>>) semaphore(%arg8 : memref<!tpu.dma_semaphore, #tpu.memory_space<semaphore_mem>>)
    %dma_wait3A_158 = arith.constant 0 : i32
    %dma_wait3A_159 = arith.constant 0 : i32
    %dma_wait3A_160 = arith.constant 0 : i32
    %dma_wait3A_161 = tpu.memref_slice %arg6[%dma_wait3A_158, %dma_wait3A_159, %dma_wait3A_160] : memref<2x1000x32xf32, #tpu.memory_space<vmem>> -> memref<1x1000x32xf32, #tpu.memory_space<vmem>>
    %dma_wait3A_162 = tpu.memref_squeeze %dma_wait3A_161 : memref<1x1000x32xf32, #tpu.memory_space<vmem>> -> memref<1000x32xf32, #tpu.memory_space<vmem>>
    %dma_wait3A_163 = arith.constant 6000 : i32
    %dma_wait3A_164 = tpu.memref_slice %arg5[%dma_wait3A_163] : memref<50000xi32, #tpu.memory_space<vmem>> -> memref<1000xi32, #tpu.memory_space<vmem>>
    %dma_wait3A_165 = arith.constant 0 : i32
    %dma_wait3A_166 = arith.constant 0 : i32
    %dma_wait3A_167 = tpu.memref_slice %arg2[%dma_wait3A_165, %dma_wait3A_166] : memref<100000x32xf32, #tpu.memory_space<hbm>> -> memref<100000x32xf32, #tpu.memory_space<hbm>>
    tpu.wait_indirect_dma semaphore(%arg7 : memref<!tpu.dma_semaphore, #tpu.memory_space<semaphore_mem>>) src(%dma_wait3A_167 : memref<100000x32xf32, #tpu.memory_space<hbm>>) dst(%dma_wait3A_162 : memref<1000x32xf32, #tpu.memory_space<vmem>>)
    %add3A_168 = arith.constant 6000 : i32
    %add3A_169 = arith.addi %mul3A_2, %add3A_168 : i32
    %run_scoped3A_170 = arith.constant 0 : i32
    "tpu.region"() ({
      %run_scoped3A_1150 = tpu.sem_alloc : memref<!tpu.dma_semaphore, #tpu.memory_space<semaphore_mem>>
      %dma_start3A_1151 = arith.constant 0 : i32
      %dma_start3A_1152 = arith.constant 0 : i32
      %dma_start3A_1153 = tpu.memref_slice %arg6[%run_scoped3A_170, %dma_start3A_1151, %dma_start3A_1152] : memref<2x1000x32xf32, #tpu.memory_space<vmem>> -> memref<1x1000x32xf32, #tpu.memory_space<vmem>>
      %dma_start3A_1154 = tpu.memref_squeeze %dma_start3A_1153 : memref<1x1000x32xf32, #tpu.memory_space<vmem>> -> memref<1000x32xf32, #tpu.memory_space<vmem>>
      %dma_start3A_1155 = arith.constant 0 : i32
      %dma_start3A_1156 = tpu.memref_slice %arg4[%add3A_169, %dma_start3A_1155] : memref<1600000x32xf32, #tpu.memory_space<hbm>> -> memref<1000x32xf32, #tpu.memory_space<hbm>>
      %dma_start3A_1157 = arith.constant 0 : i32
      %dma_start3A_1158 = tpu.memref_slice %arg4[%add3A_169, %dma_start3A_1157] : memref<1600000x32xf32, #tpu.memory_space<hbm>> -> memref<1000x32xf32, #tpu.memory_space<hbm>>
      %dma_start3A_1159 = arith.constant 0 : i32
      %dma_start3A_1160 = arith.constant 0 : i32
      %dma_start3A_1161 = tpu.memref_slice %arg6[%run_scoped3A_170, %dma_start3A_1159, %dma_start3A_1160] : memref<2x1000x32xf32, #tpu.memory_space<vmem>> -> memref<1x1000x32xf32, #tpu.memory_space<vmem>>
      %dma_start3A_1162 = tpu.memref_squeeze %dma_start3A_1161 : memref<1x1000x32xf32, #tpu.memory_space<vmem>> -> memref<1000x32xf32, #tpu.memory_space<vmem>>
      tpu.enqueue_dma source(%dma_start3A_1162 : memref<1000x32xf32, #tpu.memory_space<vmem>>) target(%dma_start3A_1158 : memref<1000x32xf32, #tpu.memory_space<hbm>>) target_semaphore(%run_scoped3A_1150 : memref<!tpu.dma_semaphore, #tpu.memory_space<semaphore_mem>>)
      %dma_wait3A_1163 = arith.constant 0 : i32
      %dma_wait3A_1164 = arith.constant 0 : i32
      %dma_wait3A_1165 = tpu.memref_slice %arg6[%run_scoped3A_170, %dma_wait3A_1163, %dma_wait3A_1164] : memref<2x1000x32xf32, #tpu.memory_space<vmem>> -> memref<1x1000x32xf32, #tpu.memory_space<vmem>>
      %dma_wait3A_1166 = tpu.memref_squeeze %dma_wait3A_1165 : memref<1x1000x32xf32, #tpu.memory_space<vmem>> -> memref<1000x32xf32, #tpu.memory_space<vmem>>
      %dma_wait3A_1167 = arith.constant 0 : i32
      %dma_wait3A_1168 = tpu.memref_slice %arg4[%add3A_169, %dma_wait3A_1167] : memref<1600000x32xf32, #tpu.memory_space<hbm>> -> memref<1000x32xf32, #tpu.memory_space<hbm>>
      %dma_wait3A_1169 = arith.constant 0 : i32
      %dma_wait3A_1170 = tpu.memref_slice %arg4[%add3A_169, %dma_wait3A_1169] : memref<1600000x32xf32, #tpu.memory_space<hbm>> -> memref<1000x32xf32, #tpu.memory_space<hbm>>
      %dma_wait3A_1171 = arith.constant 0 : i32
      %dma_wait3A_1172 = arith.constant 0 : i32
      %dma_wait3A_1173 = tpu.memref_slice %arg6[%run_scoped3A_170, %dma_wait3A_1171, %dma_wait3A_1172] : memref<2x1000x32xf32, #tpu.memory_space<vmem>> -> memref<1x1000x32xf32, #tpu.memory_space<vmem>>
      %dma_wait3A_1174 = tpu.memref_squeeze %dma_wait3A_1173 : memref<1x1000x32xf32, #tpu.memory_space<vmem>> -> memref<1000x32xf32, #tpu.memory_space<vmem>>
      tpu.wait_dma2 semaphore(%run_scoped3A_1150 : memref<!tpu.dma_semaphore, #tpu.memory_space<semaphore_mem>>) src(%dma_wait3A_1174 : memref<1000x32xf32, #tpu.memory_space<vmem>>) dst(%dma_wait3A_1170 : memref<1000x32xf32, #tpu.memory_space<hbm>>)
      tpu.yield
    }) : () -> ()
    %dma_start3A_171 = arith.constant 0 : i32
    %dma_start3A_172 = arith.constant 0 : i32
    %dma_start3A_173 = arith.constant 0 : i32
    %dma_start3A_174 = tpu.memref_slice %arg6[%dma_start3A_171, %dma_start3A_172, %dma_start3A_173] : memref<2x1000x32xf32, #tpu.memory_space<vmem>> -> memref<1x1000x32xf32, #tpu.memory_space<vmem>>
    %dma_start3A_175 = tpu.memref_squeeze %dma_start3A_174 : memref<1x1000x32xf32, #tpu.memory_space<vmem>> -> memref<1000x32xf32, #tpu.memory_space<vmem>>
    %dma_start3A_176 = arith.constant 8000 : i32
    %dma_start3A_177 = tpu.memref_slice %arg5[%dma_start3A_176] : memref<50000xi32, #tpu.memory_space<vmem>> -> memref<1000xi32, #tpu.memory_space<vmem>>
    %dma_start3A_178 = arith.constant 0 : i32
    %dma_start3A_179 = arith.constant 0 : i32
    %dma_start3A_180 = tpu.memref_slice %arg2[%dma_start3A_178, %dma_start3A_179] : memref<100000x32xf32, #tpu.memory_space<hbm>> -> memref<100000x32xf32, #tpu.memory_space<hbm>>
    tpu.enqueue_indirect_dma source(%dma_start3A_180 : memref<100000x32xf32, #tpu.memory_space<hbm>>) target(%dma_start3A_175 : memref<1000x32xf32, #tpu.memory_space<vmem>>) offsets(%dma_start3A_177 : memref<1000xi32, #tpu.memory_space<vmem>>) semaphore(%arg7 : memref<!tpu.dma_semaphore, #tpu.memory_space<semaphore_mem>>)
    %dma_wait3A_181 = arith.constant 1 : i32
    %dma_wait3A_182 = arith.constant 0 : i32
    %dma_wait3A_183 = arith.constant 0 : i32
    %dma_wait3A_184 = tpu.memref_slice %arg6[%dma_wait3A_181, %dma_wait3A_182, %dma_wait3A_183] : memref<2x1000x32xf32, #tpu.memory_space<vmem>> -> memref<1x1000x32xf32, #tpu.memory_space<vmem>>
    %dma_wait3A_185 = tpu.memref_squeeze %dma_wait3A_184 : memref<1x1000x32xf32, #tpu.memory_space<vmem>> -> memref<1000x32xf32, #tpu.memory_space<vmem>>
    %dma_wait3A_186 = arith.constant 7000 : i32
    %dma_wait3A_187 = tpu.memref_slice %arg5[%dma_wait3A_186] : memref<50000xi32, #tpu.memory_space<vmem>> -> memref<1000xi32, #tpu.memory_space<vmem>>
    %dma_wait3A_188 = arith.constant 0 : i32
    %dma_wait3A_189 = arith.constant 0 : i32
    %dma_wait3A_190 = tpu.memref_slice %arg2[%dma_wait3A_188, %dma_wait3A_189] : memref<100000x32xf32, #tpu.memory_space<hbm>> -> memref<100000x32xf32, #tpu.memory_space<hbm>>
    tpu.wait_indirect_dma semaphore(%arg8 : memref<!tpu.dma_semaphore, #tpu.memory_space<semaphore_mem>>) src(%dma_wait3A_190 : memref<100000x32xf32, #tpu.memory_space<hbm>>) dst(%dma_wait3A_185 : memref<1000x32xf32, #tpu.memory_space<vmem>>)
    %add3A_191 = arith.constant 7000 : i32
    %add3A_192 = arith.addi %mul3A_2, %add3A_191 : i32
    %run_scoped3A_193 = arith.constant 1 : i32
    "tpu.region"() ({
      %run_scoped3A_1150 = tpu.sem_alloc : memref<!tpu.dma_semaphore, #tpu.memory_space<semaphore_mem>>
      %dma_start3A_1151 = arith.constant 0 : i32
      %dma_start3A_1152 = arith.constant 0 : i32
      %dma_start3A_1153 = tpu.memref_slice %arg6[%run_scoped3A_193, %dma_start3A_1151, %dma_start3A_1152] : memref<2x1000x32xf32, #tpu.memory_space<vmem>> -> memref<1x1000x32xf32, #tpu.memory_space<vmem>>
      %dma_start3A_1154 = tpu.memref_squeeze %dma_start3A_1153 : memref<1x1000x32xf32, #tpu.memory_space<vmem>> -> memref<1000x32xf32, #tpu.memory_space<vmem>>
      %dma_start3A_1155 = arith.constant 0 : i32
      %dma_start3A_1156 = tpu.memref_slice %arg4[%add3A_192, %dma_start3A_1155] : memref<1600000x32xf32, #tpu.memory_space<hbm>> -> memref<1000x32xf32, #tpu.memory_space<hbm>>
      %dma_start3A_1157 = arith.constant 0 : i32
      %dma_start3A_1158 = tpu.memref_slice %arg4[%add3A_192, %dma_start3A_1157] : memref<1600000x32xf32, #tpu.memory_space<hbm>> -> memref<1000x32xf32, #tpu.memory_space<hbm>>
      %dma_start3A_1159 = arith.constant 0 : i32
      %dma_start3A_1160 = arith.constant 0 : i32
      %dma_start3A_1161 = tpu.memref_slice %arg6[%run_scoped3A_193, %dma_start3A_1159, %dma_start3A_1160] : memref<2x1000x32xf32, #tpu.memory_space<vmem>> -> memref<1x1000x32xf32, #tpu.memory_space<vmem>>
      %dma_start3A_1162 = tpu.memref_squeeze %dma_start3A_1161 : memref<1x1000x32xf32, #tpu.memory_space<vmem>> -> memref<1000x32xf32, #tpu.memory_space<vmem>>
      tpu.enqueue_dma source(%dma_start3A_1162 : memref<1000x32xf32, #tpu.memory_space<vmem>>) target(%dma_start3A_1158 : memref<1000x32xf32, #tpu.memory_space<hbm>>) target_semaphore(%run_scoped3A_1150 : memref<!tpu.dma_semaphore, #tpu.memory_space<semaphore_mem>>)
      %dma_wait3A_1163 = arith.constant 0 : i32
      %dma_wait3A_1164 = arith.constant 0 : i32
      %dma_wait3A_1165 = tpu.memref_slice %arg6[%run_scoped3A_193, %dma_wait3A_1163, %dma_wait3A_1164] : memref<2x1000x32xf32, #tpu.memory_space<vmem>> -> memref<1x1000x32xf32, #tpu.memory_space<vmem>>
      %dma_wait3A_1166 = tpu.memref_squeeze %dma_wait3A_1165 : memref<1x1000x32xf32, #tpu.memory_space<vmem>> -> memref<1000x32xf32, #tpu.memory_space<vmem>>
      %dma_wait3A_1167 = arith.constant 0 : i32
      %dma_wait3A_1168 = tpu.memref_slice %arg4[%add3A_192, %dma_wait3A_1167] : memref<1600000x32xf32, #tpu.memory_space<hbm>> -> memref<1000x32xf32, #tpu.memory_space<hbm>>
      %dma_wait3A_1169 = arith.constant 0 : i32
      %dma_wait3A_1170 = tpu.memref_slice %arg4[%add3A_192, %dma_wait3A_1169] : memref<1600000x32xf32, #tpu.memory_space<hbm>> -> memref<1000x32xf32, #tpu.memory_space<hbm>>
      %dma_wait3A_1171 = arith.constant 0 : i32
      %dma_wait3A_1172 = arith.constant 0 : i32
      %dma_wait3A_1173 = tpu.memref_slice %arg6[%run_scoped3A_193, %dma_wait3A_1171, %dma_wait3A_1172] : memref<2x1000x32xf32, #tpu.memory_space<vmem>> -> memref<1x1000x32xf32, #tpu.memory_space<vmem>>
      %dma_wait3A_1174 = tpu.memref_squeeze %dma_wait3A_1173 : memref<1x1000x32xf32, #tpu.memory_space<vmem>> -> memref<1000x32xf32, #tpu.memory_space<vmem>>
      tpu.wait_dma2 semaphore(%run_scoped3A_1150 : memref<!tpu.dma_semaphore, #tpu.memory_space<semaphore_mem>>) src(%dma_wait3A_1174 : memref<1000x32xf32, #tpu.memory_space<vmem>>) dst(%dma_wait3A_1170 : memref<1000x32xf32, #tpu.memory_space<hbm>>)
      tpu.yield
    }) : () -> ()
    %dma_start3A_194 = arith.constant 1 : i32
    %dma_start3A_195 = arith.constant 0 : i32
    %dma_start3A_196 = arith.constant 0 : i32
    %dma_start3A_197 = tpu.memref_slice %arg6[%dma_start3A_194, %dma_start3A_195, %dma_start3A_196] : memref<2x1000x32xf32, #tpu.memory_space<vmem>> -> memref<1x1000x32xf32, #tpu.memory_space<vmem>>
    %dma_start3A_198 = tpu.memref_squeeze %dma_start3A_197 : memref<1x1000x32xf32, #tpu.memory_space<vmem>> -> memref<1000x32xf32, #tpu.memory_space<vmem>>
    %dma_start3A_199 = arith.constant 9000 : i32
    %dma_start3A_200 = tpu.memref_slice %arg5[%dma_start3A_199] : memref<50000xi32, #tpu.memory_space<vmem>> -> memref<1000xi32, #tpu.memory_space<vmem>>
    %dma_start3A_201 = arith.constant 0 : i32
    %dma_start3A_202 = arith.constant 0 : i32
    %dma_start3A_203 = tpu.memref_slice %arg2[%dma_start3A_201, %dma_start3A_202] : memref<100000x32xf32, #tpu.memory_space<hbm>> -> memref<100000x32xf32, #tpu.memory_space<hbm>>
    tpu.enqueue_indirect_dma source(%dma_start3A_203 : memref<100000x32xf32, #tpu.memory_space<hbm>>) target(%dma_start3A_198 : memref<1000x32xf32, #tpu.memory_space<vmem>>) offsets(%dma_start3A_200 : memref<1000xi32, #tpu.memory_space<vmem>>) semaphore(%arg8 : memref<!tpu.dma_semaphore, #tpu.memory_space<semaphore_mem>>)
    %dma_wait3A_204 = arith.constant 0 : i32
    %dma_wait3A_205 = arith.constant 0 : i32
    %dma_wait3A_206 = arith.constant 0 : i32
    %dma_wait3A_207 = tpu.memref_slice %arg6[%dma_wait3A_204, %dma_wait3A_205, %dma_wait3A_206] : memref<2x1000x32xf32, #tpu.memory_space<vmem>> -> memref<1x1000x32xf32, #tpu.memory_space<vmem>>
    %dma_wait3A_208 = tpu.memref_squeeze %dma_wait3A_207 : memref<1x1000x32xf32, #tpu.memory_space<vmem>> -> memref<1000x32xf32, #tpu.memory_space<vmem>>
    %dma_wait3A_209 = arith.constant 8000 : i32
    %dma_wait3A_210 = tpu.memref_slice %arg5[%dma_wait3A_209] : memref<50000xi32, #tpu.memory_space<vmem>> -> memref<1000xi32, #tpu.memory_space<vmem>>
    %dma_wait3A_211 = arith.constant 0 : i32
    %dma_wait3A_212 = arith.constant 0 : i32
    %dma_wait3A_213 = tpu.memref_slice %arg2[%dma_wait3A_211, %dma_wait3A_212] : memref<100000x32xf32, #tpu.memory_space<hbm>> -> memref<100000x32xf32, #tpu.memory_space<hbm>>
    tpu.wait_indirect_dma semaphore(%arg7 : memref<!tpu.dma_semaphore, #tpu.memory_space<semaphore_mem>>) src(%dma_wait3A_213 : memref<100000x32xf32, #tpu.memory_space<hbm>>) dst(%dma_wait3A_208 : memref<1000x32xf32, #tpu.memory_space<vmem>>)
    %add3A_214 = arith.constant 8000 : i32
    %add3A_215 = arith.addi %mul3A_2, %add3A_214 : i32
    %run_scoped3A_216 = arith.constant 0 : i32
    "tpu.region"() ({
      %run_scoped3A_1150 = tpu.sem_alloc : memref<!tpu.dma_semaphore, #tpu.memory_space<semaphore_mem>>
      %dma_start3A_1151 = arith.constant 0 : i32
      %dma_start3A_1152 = arith.constant 0 : i32
      %dma_start3A_1153 = tpu.memref_slice %arg6[%run_scoped3A_216, %dma_start3A_1151, %dma_start3A_1152] : memref<2x1000x32xf32, #tpu.memory_space<vmem>> -> memref<1x1000x32xf32, #tpu.memory_space<vmem>>
      %dma_start3A_1154 = tpu.memref_squeeze %dma_start3A_1153 : memref<1x1000x32xf32, #tpu.memory_space<vmem>> -> memref<1000x32xf32, #tpu.memory_space<vmem>>
      %dma_start3A_1155 = arith.constant 0 : i32
      %dma_start3A_1156 = tpu.memref_slice %arg4[%add3A_215, %dma_start3A_1155] : memref<1600000x32xf32, #tpu.memory_space<hbm>> -> memref<1000x32xf32, #tpu.memory_space<hbm>>
      %dma_start3A_1157 = arith.constant 0 : i32
      %dma_start3A_1158 = tpu.memref_slice %arg4[%add3A_215, %dma_start3A_1157] : memref<1600000x32xf32, #tpu.memory_space<hbm>> -> memref<1000x32xf32, #tpu.memory_space<hbm>>
      %dma_start3A_1159 = arith.constant 0 : i32
      %dma_start3A_1160 = arith.constant 0 : i32
      %dma_start3A_1161 = tpu.memref_slice %arg6[%run_scoped3A_216, %dma_start3A_1159, %dma_start3A_1160] : memref<2x1000x32xf32, #tpu.memory_space<vmem>> -> memref<1x1000x32xf32, #tpu.memory_space<vmem>>
      %dma_start3A_1162 = tpu.memref_squeeze %dma_start3A_1161 : memref<1x1000x32xf32, #tpu.memory_space<vmem>> -> memref<1000x32xf32, #tpu.memory_space<vmem>>
      tpu.enqueue_dma source(%dma_start3A_1162 : memref<1000x32xf32, #tpu.memory_space<vmem>>) target(%dma_start3A_1158 : memref<1000x32xf32, #tpu.memory_space<hbm>>) target_semaphore(%run_scoped3A_1150 : memref<!tpu.dma_semaphore, #tpu.memory_space<semaphore_mem>>)
      %dma_wait3A_1163 = arith.constant 0 : i32
      %dma_wait3A_1164 = arith.constant 0 : i32
      %dma_wait3A_1165 = tpu.memref_slice %arg6[%run_scoped3A_216, %dma_wait3A_1163, %dma_wait3A_1164] : memref<2x1000x32xf32, #tpu.memory_space<vmem>> -> memref<1x1000x32xf32, #tpu.memory_space<vmem>>
      %dma_wait3A_1166 = tpu.memref_squeeze %dma_wait3A_1165 : memref<1x1000x32xf32, #tpu.memory_space<vmem>> -> memref<1000x32xf32, #tpu.memory_space<vmem>>
      %dma_wait3A_1167 = arith.constant 0 : i32
      %dma_wait3A_1168 = tpu.memref_slice %arg4[%add3A_215, %dma_wait3A_1167] : memref<1600000x32xf32, #tpu.memory_space<hbm>> -> memref<1000x32xf32, #tpu.memory_space<hbm>>
      %dma_wait3A_1169 = arith.constant 0 : i32
      %dma_wait3A_1170 = tpu.memref_slice %arg4[%add3A_215, %dma_wait3A_1169] : memref<1600000x32xf32, #tpu.memory_space<hbm>> -> memref<1000x32xf32, #tpu.memory_space<hbm>>
      %dma_wait3A_1171 = arith.constant 0 : i32
      %dma_wait3A_1172 = arith.constant 0 : i32
      %dma_wait3A_1173 = tpu.memref_slice %arg6[%run_scoped3A_216, %dma_wait3A_1171, %dma_wait3A_1172] : memref<2x1000x32xf32, #tpu.memory_space<vmem>> -> memref<1x1000x32xf32, #tpu.memory_space<vmem>>
      %dma_wait3A_1174 = tpu.memref_squeeze %dma_wait3A_1173 : memref<1x1000x32xf32, #tpu.memory_space<vmem>> -> memref<1000x32xf32, #tpu.memory_space<vmem>>
      tpu.wait_dma2 semaphore(%run_scoped3A_1150 : memref<!tpu.dma_semaphore, #tpu.memory_space<semaphore_mem>>) src(%dma_wait3A_1174 : memref<1000x32xf32, #tpu.memory_space<vmem>>) dst(%dma_wait3A_1170 : memref<1000x32xf32, #tpu.memory_space<hbm>>)
      tpu.yield
    }) : () -> ()
    %dma_start3A_217 = arith.constant 0 : i32
    %dma_start3A_218 = arith.constant 0 : i32
    %dma_start3A_219 = arith.constant 0 : i32
    %dma_start3A_220 = tpu.memref_slice %arg6[%dma_start3A_217, %dma_start3A_218, %dma_start3A_219] : memref<2x1000x32xf32, #tpu.memory_space<vmem>> -> memref<1x1000x32xf32, #tpu.memory_space<vmem>>
    %dma_start3A_221 = tpu.memref_squeeze %dma_start3A_220 : memref<1x1000x32xf32, #tpu.memory_space<vmem>> -> memref<1000x32xf32, #tpu.memory_space<vmem>>
    %dma_start3A_222 = arith.constant 10000 : i32
    %dma_start3A_223 = tpu.memref_slice %arg5[%dma_start3A_222] : memref<50000xi32, #tpu.memory_space<vmem>> -> memref<1000xi32, #tpu.memory_space<vmem>>
    %dma_start3A_224 = arith.constant 0 : i32
    %dma_start3A_225 = arith.constant 0 : i32
    %dma_start3A_226 = tpu.memref_slice %arg2[%dma_start3A_224, %dma_start3A_225] : memref<100000x32xf32, #tpu.memory_space<hbm>> -> memref<100000x32xf32, #tpu.memory_space<hbm>>
    tpu.enqueue_indirect_dma source(%dma_start3A_226 : memref<100000x32xf32, #tpu.memory_space<hbm>>) target(%dma_start3A_221 : memref<1000x32xf32, #tpu.memory_space<vmem>>) offsets(%dma_start3A_223 : memref<1000xi32, #tpu.memory_space<vmem>>) semaphore(%arg7 : memref<!tpu.dma_semaphore, #tpu.memory_space<semaphore_mem>>)
    %dma_wait3A_227 = arith.constant 1 : i32
    %dma_wait3A_228 = arith.constant 0 : i32
    %dma_wait3A_229 = arith.constant 0 : i32
    %dma_wait3A_230 = tpu.memref_slice %arg6[%dma_wait3A_227, %dma_wait3A_228, %dma_wait3A_229] : memref<2x1000x32xf32, #tpu.memory_space<vmem>> -> memref<1x1000x32xf32, #tpu.memory_space<vmem>>
    %dma_wait3A_231 = tpu.memref_squeeze %dma_wait3A_230 : memref<1x1000x32xf32, #tpu.memory_space<vmem>> -> memref<1000x32xf32, #tpu.memory_space<vmem>>
    %dma_wait3A_232 = arith.constant 9000 : i32
    %dma_wait3A_233 = tpu.memref_slice %arg5[%dma_wait3A_232] : memref<50000xi32, #tpu.memory_space<vmem>> -> memref<1000xi32, #tpu.memory_space<vmem>>
    %dma_wait3A_234 = arith.constant 0 : i32
    %dma_wait3A_235 = arith.constant 0 : i32
    %dma_wait3A_236 = tpu.memref_slice %arg2[%dma_wait3A_234, %dma_wait3A_235] : memref<100000x32xf32, #tpu.memory_space<hbm>> -> memref<100000x32xf32, #tpu.memory_space<hbm>>
    tpu.wait_indirect_dma semaphore(%arg8 : memref<!tpu.dma_semaphore, #tpu.memory_space<semaphore_mem>>) src(%dma_wait3A_236 : memref<100000x32xf32, #tpu.memory_space<hbm>>) dst(%dma_wait3A_231 : memref<1000x32xf32, #tpu.memory_space<vmem>>)
    %add3A_237 = arith.constant 9000 : i32
    %add3A_238 = arith.addi %mul3A_2, %add3A_237 : i32
    %run_scoped3A_239 = arith.constant 1 : i32
    "tpu.region"() ({
      %run_scoped3A_1150 = tpu.sem_alloc : memref<!tpu.dma_semaphore, #tpu.memory_space<semaphore_mem>>
      %dma_start3A_1151 = arith.constant 0 : i32
      %dma_start3A_1152 = arith.constant 0 : i32
      %dma_start3A_1153 = tpu.memref_slice %arg6[%run_scoped3A_239, %dma_start3A_1151, %dma_start3A_1152] : memref<2x1000x32xf32, #tpu.memory_space<vmem>> -> memref<1x1000x32xf32, #tpu.memory_space<vmem>>
      %dma_start3A_1154 = tpu.memref_squeeze %dma_start3A_1153 : memref<1x1000x32xf32, #tpu.memory_space<vmem>> -> memref<1000x32xf32, #tpu.memory_space<vmem>>
      %dma_start3A_1155 = arith.constant 0 : i32
      %dma_start3A_1156 = tpu.memref_slice %arg4[%add3A_238, %dma_start3A_1155] : memref<1600000x32xf32, #tpu.memory_space<hbm>> -> memref<1000x32xf32, #tpu.memory_space<hbm>>
      %dma_start3A_1157 = arith.constant 0 : i32
      %dma_start3A_1158 = tpu.memref_slice %arg4[%add3A_238, %dma_start3A_1157] : memref<1600000x32xf32, #tpu.memory_space<hbm>> -> memref<1000x32xf32, #tpu.memory_space<hbm>>
      %dma_start3A_1159 = arith.constant 0 : i32
      %dma_start3A_1160 = arith.constant 0 : i32
      %dma_start3A_1161 = tpu.memref_slice %arg6[%run_scoped3A_239, %dma_start3A_1159, %dma_start3A_1160] : memref<2x1000x32xf32, #tpu.memory_space<vmem>> -> memref<1x1000x32xf32, #tpu.memory_space<vmem>>
      %dma_start3A_1162 = tpu.memref_squeeze %dma_start3A_1161 : memref<1x1000x32xf32, #tpu.memory_space<vmem>> -> memref<1000x32xf32, #tpu.memory_space<vmem>>
      tpu.enqueue_dma source(%dma_start3A_1162 : memref<1000x32xf32, #tpu.memory_space<vmem>>) target(%dma_start3A_1158 : memref<1000x32xf32, #tpu.memory_space<hbm>>) target_semaphore(%run_scoped3A_1150 : memref<!tpu.dma_semaphore, #tpu.memory_space<semaphore_mem>>)
      %dma_wait3A_1163 = arith.constant 0 : i32
      %dma_wait3A_1164 = arith.constant 0 : i32
      %dma_wait3A_1165 = tpu.memref_slice %arg6[%run_scoped3A_239, %dma_wait3A_1163, %dma_wait3A_1164] : memref<2x1000x32xf32, #tpu.memory_space<vmem>> -> memref<1x1000x32xf32, #tpu.memory_space<vmem>>
      %dma_wait3A_1166 = tpu.memref_squeeze %dma_wait3A_1165 : memref<1x1000x32xf32, #tpu.memory_space<vmem>> -> memref<1000x32xf32, #tpu.memory_space<vmem>>
      %dma_wait3A_1167 = arith.constant 0 : i32
      %dma_wait3A_1168 = tpu.memref_slice %arg4[%add3A_238, %dma_wait3A_1167] : memref<1600000x32xf32, #tpu.memory_space<hbm>> -> memref<1000x32xf32, #tpu.memory_space<hbm>>
      %dma_wait3A_1169 = arith.constant 0 : i32
      %dma_wait3A_1170 = tpu.memref_slice %arg4[%add3A_238, %dma_wait3A_1169] : memref<1600000x32xf32, #tpu.memory_space<hbm>> -> memref<1000x32xf32, #tpu.memory_space<hbm>>
      %dma_wait3A_1171 = arith.constant 0 : i32
      %dma_wait3A_1172 = arith.constant 0 : i32
      %dma_wait3A_1173 = tpu.memref_slice %arg6[%run_scoped3A_239, %dma_wait3A_1171, %dma_wait3A_1172] : memref<2x1000x32xf32, #tpu.memory_space<vmem>> -> memref<1x1000x32xf32, #tpu.memory_space<vmem>>
      %dma_wait3A_1174 = tpu.memref_squeeze %dma_wait3A_1173 : memref<1x1000x32xf32, #tpu.memory_space<vmem>> -> memref<1000x32xf32, #tpu.memory_space<vmem>>
      tpu.wait_dma2 semaphore(%run_scoped3A_1150 : memref<!tpu.dma_semaphore, #tpu.memory_space<semaphore_mem>>) src(%dma_wait3A_1174 : memref<1000x32xf32, #tpu.memory_space<vmem>>) dst(%dma_wait3A_1170 : memref<1000x32xf32, #tpu.memory_space<hbm>>)
      tpu.yield
    }) : () -> ()
    %dma_start3A_240 = arith.constant 1 : i32
    %dma_start3A_241 = arith.constant 0 : i32
    %dma_start3A_242 = arith.constant 0 : i32
    %dma_start3A_243 = tpu.memref_slice %arg6[%dma_start3A_240, %dma_start3A_241, %dma_start3A_242] : memref<2x1000x32xf32, #tpu.memory_space<vmem>> -> memref<1x1000x32xf32, #tpu.memory_space<vmem>>
    %dma_start3A_244 = tpu.memref_squeeze %dma_start3A_243 : memref<1x1000x32xf32, #tpu.memory_space<vmem>> -> memref<1000x32xf32, #tpu.memory_space<vmem>>
    %dma_start3A_245 = arith.constant 11000 : i32
    %dma_start3A_246 = tpu.memref_slice %arg5[%dma_start3A_245] : memref<50000xi32, #tpu.memory_space<vmem>> -> memref<1000xi32, #tpu.memory_space<vmem>>
    %dma_start3A_247 = arith.constant 0 : i32
    %dma_start3A_248 = arith.constant 0 : i32
    %dma_start3A_249 = tpu.memref_slice %arg2[%dma_start3A_247, %dma_start3A_248] : memref<100000x32xf32, #tpu.memory_space<hbm>> -> memref<100000x32xf32, #tpu.memory_space<hbm>>
    tpu.enqueue_indirect_dma source(%dma_start3A_249 : memref<100000x32xf32, #tpu.memory_space<hbm>>) target(%dma_start3A_244 : memref<1000x32xf32, #tpu.memory_space<vmem>>) offsets(%dma_start3A_246 : memref<1000xi32, #tpu.memory_space<vmem>>) semaphore(%arg8 : memref<!tpu.dma_semaphore, #tpu.memory_space<semaphore_mem>>)
    %dma_wait3A_250 = arith.constant 0 : i32
    %dma_wait3A_251 = arith.constant 0 : i32
    %dma_wait3A_252 = arith.constant 0 : i32
    %dma_wait3A_253 = tpu.memref_slice %arg6[%dma_wait3A_250, %dma_wait3A_251, %dma_wait3A_252] : memref<2x1000x32xf32, #tpu.memory_space<vmem>> -> memref<1x1000x32xf32, #tpu.memory_space<vmem>>
    %dma_wait3A_254 = tpu.memref_squeeze %dma_wait3A_253 : memref<1x1000x32xf32, #tpu.memory_space<vmem>> -> memref<1000x32xf32, #tpu.memory_space<vmem>>
    %dma_wait3A_255 = arith.constant 10000 : i32
    %dma_wait3A_256 = tpu.memref_slice %arg5[%dma_wait3A_255] : memref<50000xi32, #tpu.memory_space<vmem>> -> memref<1000xi32, #tpu.memory_space<vmem>>
    %dma_wait3A_257 = arith.constant 0 : i32
    %dma_wait3A_258 = arith.constant 0 : i32
    %dma_wait3A_259 = tpu.memref_slice %arg2[%dma_wait3A_257, %dma_wait3A_258] : memref<100000x32xf32, #tpu.memory_space<hbm>> -> memref<100000x32xf32, #tpu.memory_space<hbm>>
    tpu.wait_indirect_dma semaphore(%arg7 : memref<!tpu.dma_semaphore, #tpu.memory_space<semaphore_mem>>) src(%dma_wait3A_259 : memref<100000x32xf32, #tpu.memory_space<hbm>>) dst(%dma_wait3A_254 : memref<1000x32xf32, #tpu.memory_space<vmem>>)
    %add3A_260 = arith.constant 10000 : i32
    %add3A_261 = arith.addi %mul3A_2, %add3A_260 : i32
    %run_scoped3A_262 = arith.constant 0 : i32
    "tpu.region"() ({
      %run_scoped3A_1150 = tpu.sem_alloc : memref<!tpu.dma_semaphore, #tpu.memory_space<semaphore_mem>>
      %dma_start3A_1151 = arith.constant 0 : i32
      %dma_start3A_1152 = arith.constant 0 : i32
      %dma_start3A_1153 = tpu.memref_slice %arg6[%run_scoped3A_262, %dma_start3A_1151, %dma_start3A_1152] : memref<2x1000x32xf32, #tpu.memory_space<vmem>> -> memref<1x1000x32xf32, #tpu.memory_space<vmem>>
      %dma_start3A_1154 = tpu.memref_squeeze %dma_start3A_1153 : memref<1x1000x32xf32, #tpu.memory_space<vmem>> -> memref<1000x32xf32, #tpu.memory_space<vmem>>
      %dma_start3A_1155 = arith.constant 0 : i32
      %dma_start3A_1156 = tpu.memref_slice %arg4[%add3A_261, %dma_start3A_1155] : memref<1600000x32xf32, #tpu.memory_space<hbm>> -> memref<1000x32xf32, #tpu.memory_space<hbm>>
      %dma_start3A_1157 = arith.constant 0 : i32
      %dma_start3A_1158 = tpu.memref_slice %arg4[%add3A_261, %dma_start3A_1157] : memref<1600000x32xf32, #tpu.memory_space<hbm>> -> memref<1000x32xf32, #tpu.memory_space<hbm>>
      %dma_start3A_1159 = arith.constant 0 : i32
      %dma_start3A_1160 = arith.constant 0 : i32
      %dma_start3A_1161 = tpu.memref_slice %arg6[%run_scoped3A_262, %dma_start3A_1159, %dma_start3A_1160] : memref<2x1000x32xf32, #tpu.memory_space<vmem>> -> memref<1x1000x32xf32, #tpu.memory_space<vmem>>
      %dma_start3A_1162 = tpu.memref_squeeze %dma_start3A_1161 : memref<1x1000x32xf32, #tpu.memory_space<vmem>> -> memref<1000x32xf32, #tpu.memory_space<vmem>>
      tpu.enqueue_dma source(%dma_start3A_1162 : memref<1000x32xf32, #tpu.memory_space<vmem>>) target(%dma_start3A_1158 : memref<1000x32xf32, #tpu.memory_space<hbm>>) target_semaphore(%run_scoped3A_1150 : memref<!tpu.dma_semaphore, #tpu.memory_space<semaphore_mem>>)
      %dma_wait3A_1163 = arith.constant 0 : i32
      %dma_wait3A_1164 = arith.constant 0 : i32
      %dma_wait3A_1165 = tpu.memref_slice %arg6[%run_scoped3A_262, %dma_wait3A_1163, %dma_wait3A_1164] : memref<2x1000x32xf32, #tpu.memory_space<vmem>> -> memref<1x1000x32xf32, #tpu.memory_space<vmem>>
      %dma_wait3A_1166 = tpu.memref_squeeze %dma_wait3A_1165 : memref<1x1000x32xf32, #tpu.memory_space<vmem>> -> memref<1000x32xf32, #tpu.memory_space<vmem>>
      %dma_wait3A_1167 = arith.constant 0 : i32
      %dma_wait3A_1168 = tpu.memref_slice %arg4[%add3A_261, %dma_wait3A_1167] : memref<1600000x32xf32, #tpu.memory_space<hbm>> -> memref<1000x32xf32, #tpu.memory_space<hbm>>
      %dma_wait3A_1169 = arith.constant 0 : i32
      %dma_wait3A_1170 = tpu.memref_slice %arg4[%add3A_261, %dma_wait3A_1169] : memref<1600000x32xf32, #tpu.memory_space<hbm>> -> memref<1000x32xf32, #tpu.memory_space<hbm>>
      %dma_wait3A_1171 = arith.constant 0 : i32
      %dma_wait3A_1172 = arith.constant 0 : i32
      %dma_wait3A_1173 = tpu.memref_slice %arg6[%run_scoped3A_262, %dma_wait3A_1171, %dma_wait3A_1172] : memref<2x1000x32xf32, #tpu.memory_space<vmem>> -> memref<1x1000x32xf32, #tpu.memory_space<vmem>>
      %dma_wait3A_1174 = tpu.memref_squeeze %dma_wait3A_1173 : memref<1x1000x32xf32, #tpu.memory_space<vmem>> -> memref<1000x32xf32, #tpu.memory_space<vmem>>
      tpu.wait_dma2 semaphore(%run_scoped3A_1150 : memref<!tpu.dma_semaphore, #tpu.memory_space<semaphore_mem>>) src(%dma_wait3A_1174 : memref<1000x32xf32, #tpu.memory_space<vmem>>) dst(%dma_wait3A_1170 : memref<1000x32xf32, #tpu.memory_space<hbm>>)
      tpu.yield
    }) : () -> ()
    %dma_start3A_263 = arith.constant 0 : i32
    %dma_start3A_264 = arith.constant 0 : i32
    %dma_start3A_265 = arith.constant 0 : i32
    %dma_start3A_266 = tpu.memref_slice %arg6[%dma_start3A_263, %dma_start3A_264, %dma_start3A_265] : memref<2x1000x32xf32, #tpu.memory_space<vmem>> -> memref<1x1000x32xf32, #tpu.memory_space<vmem>>
    %dma_start3A_267 = tpu.memref_squeeze %dma_start3A_266 : memref<1x1000x32xf32, #tpu.memory_space<vmem>> -> memref<1000x32xf32, #tpu.memory_space<vmem>>
    %dma_start3A_268 = arith.constant 12000 : i32
    %dma_start3A_269 = tpu.memref_slice %arg5[%dma_start3A_268] : memref<50000xi32, #tpu.memory_space<vmem>> -> memref<1000xi32, #tpu.memory_space<vmem>>
    %dma_start3A_270 = arith.constant 0 : i32
    %dma_start3A_271 = arith.constant 0 : i32
    %dma_start3A_272 = tpu.memref_slice %arg2[%dma_start3A_270, %dma_start3A_271] : memref<100000x32xf32, #tpu.memory_space<hbm>> -> memref<100000x32xf32, #tpu.memory_space<hbm>>
    tpu.enqueue_indirect_dma source(%dma_start3A_272 : memref<100000x32xf32, #tpu.memory_space<hbm>>) target(%dma_start3A_267 : memref<1000x32xf32, #tpu.memory_space<vmem>>) offsets(%dma_start3A_269 : memref<1000xi32, #tpu.memory_space<vmem>>) semaphore(%arg7 : memref<!tpu.dma_semaphore, #tpu.memory_space<semaphore_mem>>)
    %dma_wait3A_273 = arith.constant 1 : i32
    %dma_wait3A_274 = arith.constant 0 : i32
    %dma_wait3A_275 = arith.constant 0 : i32
    %dma_wait3A_276 = tpu.memref_slice %arg6[%dma_wait3A_273, %dma_wait3A_274, %dma_wait3A_275] : memref<2x1000x32xf32, #tpu.memory_space<vmem>> -> memref<1x1000x32xf32, #tpu.memory_space<vmem>>
    %dma_wait3A_277 = tpu.memref_squeeze %dma_wait3A_276 : memref<1x1000x32xf32, #tpu.memory_space<vmem>> -> memref<1000x32xf32, #tpu.memory_space<vmem>>
    %dma_wait3A_278 = arith.constant 11000 : i32
    %dma_wait3A_279 = tpu.memref_slice %arg5[%dma_wait3A_278] : memref<50000xi32, #tpu.memory_space<vmem>> -> memref<1000xi32, #tpu.memory_space<vmem>>
    %dma_wait3A_280 = arith.constant 0 : i32
    %dma_wait3A_281 = arith.constant 0 : i32
    %dma_wait3A_282 = tpu.memref_slice %arg2[%dma_wait3A_280, %dma_wait3A_281] : memref<100000x32xf32, #tpu.memory_space<hbm>> -> memref<100000x32xf32, #tpu.memory_space<hbm>>
    tpu.wait_indirect_dma semaphore(%arg8 : memref<!tpu.dma_semaphore, #tpu.memory_space<semaphore_mem>>) src(%dma_wait3A_282 : memref<100000x32xf32, #tpu.memory_space<hbm>>) dst(%dma_wait3A_277 : memref<1000x32xf32, #tpu.memory_space<vmem>>)
    %add3A_283 = arith.constant 11000 : i32
    %add3A_284 = arith.addi %mul3A_2, %add3A_283 : i32
    %run_scoped3A_285 = arith.constant 1 : i32
    "tpu.region"() ({
      %run_scoped3A_1150 = tpu.sem_alloc : memref<!tpu.dma_semaphore, #tpu.memory_space<semaphore_mem>>
      %dma_start3A_1151 = arith.constant 0 : i32
      %dma_start3A_1152 = arith.constant 0 : i32
      %dma_start3A_1153 = tpu.memref_slice %arg6[%run_scoped3A_285, %dma_start3A_1151, %dma_start3A_1152] : memref<2x1000x32xf32, #tpu.memory_space<vmem>> -> memref<1x1000x32xf32, #tpu.memory_space<vmem>>
      %dma_start3A_1154 = tpu.memref_squeeze %dma_start3A_1153 : memref<1x1000x32xf32, #tpu.memory_space<vmem>> -> memref<1000x32xf32, #tpu.memory_space<vmem>>
      %dma_start3A_1155 = arith.constant 0 : i32
      %dma_start3A_1156 = tpu.memref_slice %arg4[%add3A_284, %dma_start3A_1155] : memref<1600000x32xf32, #tpu.memory_space<hbm>> -> memref<1000x32xf32, #tpu.memory_space<hbm>>
      %dma_start3A_1157 = arith.constant 0 : i32
      %dma_start3A_1158 = tpu.memref_slice %arg4[%add3A_284, %dma_start3A_1157] : memref<1600000x32xf32, #tpu.memory_space<hbm>> -> memref<1000x32xf32, #tpu.memory_space<hbm>>
      %dma_start3A_1159 = arith.constant 0 : i32
      %dma_start3A_1160 = arith.constant 0 : i32
      %dma_start3A_1161 = tpu.memref_slice %arg6[%run_scoped3A_285, %dma_start3A_1159, %dma_start3A_1160] : memref<2x1000x32xf32, #tpu.memory_space<vmem>> -> memref<1x1000x32xf32, #tpu.memory_space<vmem>>
      %dma_start3A_1162 = tpu.memref_squeeze %dma_start3A_1161 : memref<1x1000x32xf32, #tpu.memory_space<vmem>> -> memref<1000x32xf32, #tpu.memory_space<vmem>>
      tpu.enqueue_dma source(%dma_start3A_1162 : memref<1000x32xf32, #tpu.memory_space<vmem>>) target(%dma_start3A_1158 : memref<1000x32xf32, #tpu.memory_space<hbm>>) target_semaphore(%run_scoped3A_1150 : memref<!tpu.dma_semaphore, #tpu.memory_space<semaphore_mem>>)
      %dma_wait3A_1163 = arith.constant 0 : i32
      %dma_wait3A_1164 = arith.constant 0 : i32
      %dma_wait3A_1165 = tpu.memref_slice %arg6[%run_scoped3A_285, %dma_wait3A_1163, %dma_wait3A_1164] : memref<2x1000x32xf32, #tpu.memory_space<vmem>> -> memref<1x1000x32xf32, #tpu.memory_space<vmem>>
      %dma_wait3A_1166 = tpu.memref_squeeze %dma_wait3A_1165 : memref<1x1000x32xf32, #tpu.memory_space<vmem>> -> memref<1000x32xf32, #tpu.memory_space<vmem>>
      %dma_wait3A_1167 = arith.constant 0 : i32
      %dma_wait3A_1168 = tpu.memref_slice %arg4[%add3A_284, %dma_wait3A_1167] : memref<1600000x32xf32, #tpu.memory_space<hbm>> -> memref<1000x32xf32, #tpu.memory_space<hbm>>
      %dma_wait3A_1169 = arith.constant 0 : i32
      %dma_wait3A_1170 = tpu.memref_slice %arg4[%add3A_284, %dma_wait3A_1169] : memref<1600000x32xf32, #tpu.memory_space<hbm>> -> memref<1000x32xf32, #tpu.memory_space<hbm>>
      %dma_wait3A_1171 = arith.constant 0 : i32
      %dma_wait3A_1172 = arith.constant 0 : i32
      %dma_wait3A_1173 = tpu.memref_slice %arg6[%run_scoped3A_285, %dma_wait3A_1171, %dma_wait3A_1172] : memref<2x1000x32xf32, #tpu.memory_space<vmem>> -> memref<1x1000x32xf32, #tpu.memory_space<vmem>>
      %dma_wait3A_1174 = tpu.memref_squeeze %dma_wait3A_1173 : memref<1x1000x32xf32, #tpu.memory_space<vmem>> -> memref<1000x32xf32, #tpu.memory_space<vmem>>
      tpu.wait_dma2 semaphore(%run_scoped3A_1150 : memref<!tpu.dma_semaphore, #tpu.memory_space<semaphore_mem>>) src(%dma_wait3A_1174 : memref<1000x32xf32, #tpu.memory_space<vmem>>) dst(%dma_wait3A_1170 : memref<1000x32xf32, #tpu.memory_space<hbm>>)
      tpu.yield
    }) : () -> ()
    %dma_start3A_286 = arith.constant 1 : i32
    %dma_start3A_287 = arith.constant 0 : i32
    %dma_start3A_288 = arith.constant 0 : i32
    %dma_start3A_289 = tpu.memref_slice %arg6[%dma_start3A_286, %dma_start3A_287, %dma_start3A_288] : memref<2x1000x32xf32, #tpu.memory_space<vmem>> -> memref<1x1000x32xf32, #tpu.memory_space<vmem>>
    %dma_start3A_290 = tpu.memref_squeeze %dma_start3A_289 : memref<1x1000x32xf32, #tpu.memory_space<vmem>> -> memref<1000x32xf32, #tpu.memory_space<vmem>>
    %dma_start3A_291 = arith.constant 13000 : i32
    %dma_start3A_292 = tpu.memref_slice %arg5[%dma_start3A_291] : memref<50000xi32, #tpu.memory_space<vmem>> -> memref<1000xi32, #tpu.memory_space<vmem>>
    %dma_start3A_293 = arith.constant 0 : i32
    %dma_start3A_294 = arith.constant 0 : i32
    %dma_start3A_295 = tpu.memref_slice %arg2[%dma_start3A_293, %dma_start3A_294] : memref<100000x32xf32, #tpu.memory_space<hbm>> -> memref<100000x32xf32, #tpu.memory_space<hbm>>
    tpu.enqueue_indirect_dma source(%dma_start3A_295 : memref<100000x32xf32, #tpu.memory_space<hbm>>) target(%dma_start3A_290 : memref<1000x32xf32, #tpu.memory_space<vmem>>) offsets(%dma_start3A_292 : memref<1000xi32, #tpu.memory_space<vmem>>) semaphore(%arg8 : memref<!tpu.dma_semaphore, #tpu.memory_space<semaphore_mem>>)
    %dma_wait3A_296 = arith.constant 0 : i32
    %dma_wait3A_297 = arith.constant 0 : i32
    %dma_wait3A_298 = arith.constant 0 : i32
    %dma_wait3A_299 = tpu.memref_slice %arg6[%dma_wait3A_296, %dma_wait3A_297, %dma_wait3A_298] : memref<2x1000x32xf32, #tpu.memory_space<vmem>> -> memref<1x1000x32xf32, #tpu.memory_space<vmem>>
    %dma_wait3A_300 = tpu.memref_squeeze %dma_wait3A_299 : memref<1x1000x32xf32, #tpu.memory_space<vmem>> -> memref<1000x32xf32, #tpu.memory_space<vmem>>
    %dma_wait3A_301 = arith.constant 12000 : i32
    %dma_wait3A_302 = tpu.memref_slice %arg5[%dma_wait3A_301] : memref<50000xi32, #tpu.memory_space<vmem>> -> memref<1000xi32, #tpu.memory_space<vmem>>
    %dma_wait3A_303 = arith.constant 0 : i32
    %dma_wait3A_304 = arith.constant 0 : i32
    %dma_wait3A_305 = tpu.memref_slice %arg2[%dma_wait3A_303, %dma_wait3A_304] : memref<100000x32xf32, #tpu.memory_space<hbm>> -> memref<100000x32xf32, #tpu.memory_space<hbm>>
    tpu.wait_indirect_dma semaphore(%arg7 : memref<!tpu.dma_semaphore, #tpu.memory_space<semaphore_mem>>) src(%dma_wait3A_305 : memref<100000x32xf32, #tpu.memory_space<hbm>>) dst(%dma_wait3A_300 : memref<1000x32xf32, #tpu.memory_space<vmem>>)
    %add3A_306 = arith.constant 12000 : i32
    %add3A_307 = arith.addi %mul3A_2, %add3A_306 : i32
    %run_scoped3A_308 = arith.constant 0 : i32
    "tpu.region"() ({
      %run_scoped3A_1150 = tpu.sem_alloc : memref<!tpu.dma_semaphore, #tpu.memory_space<semaphore_mem>>
      %dma_start3A_1151 = arith.constant 0 : i32
      %dma_start3A_1152 = arith.constant 0 : i32
      %dma_start3A_1153 = tpu.memref_slice %arg6[%run_scoped3A_308, %dma_start3A_1151, %dma_start3A_1152] : memref<2x1000x32xf32, #tpu.memory_space<vmem>> -> memref<1x1000x32xf32, #tpu.memory_space<vmem>>
      %dma_start3A_1154 = tpu.memref_squeeze %dma_start3A_1153 : memref<1x1000x32xf32, #tpu.memory_space<vmem>> -> memref<1000x32xf32, #tpu.memory_space<vmem>>
      %dma_start3A_1155 = arith.constant 0 : i32
      %dma_start3A_1156 = tpu.memref_slice %arg4[%add3A_307, %dma_start3A_1155] : memref<1600000x32xf32, #tpu.memory_space<hbm>> -> memref<1000x32xf32, #tpu.memory_space<hbm>>
      %dma_start3A_1157 = arith.constant 0 : i32
      %dma_start3A_1158 = tpu.memref_slice %arg4[%add3A_307, %dma_start3A_1157] : memref<1600000x32xf32, #tpu.memory_space<hbm>> -> memref<1000x32xf32, #tpu.memory_space<hbm>>
      %dma_start3A_1159 = arith.constant 0 : i32
      %dma_start3A_1160 = arith.constant 0 : i32
      %dma_start3A_1161 = tpu.memref_slice %arg6[%run_scoped3A_308, %dma_start3A_1159, %dma_start3A_1160] : memref<2x1000x32xf32, #tpu.memory_space<vmem>> -> memref<1x1000x32xf32, #tpu.memory_space<vmem>>
      %dma_start3A_1162 = tpu.memref_squeeze %dma_start3A_1161 : memref<1x1000x32xf32, #tpu.memory_space<vmem>> -> memref<1000x32xf32, #tpu.memory_space<vmem>>
      tpu.enqueue_dma source(%dma_start3A_1162 : memref<1000x32xf32, #tpu.memory_space<vmem>>) target(%dma_start3A_1158 : memref<1000x32xf32, #tpu.memory_space<hbm>>) target_semaphore(%run_scoped3A_1150 : memref<!tpu.dma_semaphore, #tpu.memory_space<semaphore_mem>>)
      %dma_wait3A_1163 = arith.constant 0 : i32
      %dma_wait3A_1164 = arith.constant 0 : i32
      %dma_wait3A_1165 = tpu.memref_slice %arg6[%run_scoped3A_308, %dma_wait3A_1163, %dma_wait3A_1164] : memref<2x1000x32xf32, #tpu.memory_space<vmem>> -> memref<1x1000x32xf32, #tpu.memory_space<vmem>>
      %dma_wait3A_1166 = tpu.memref_squeeze %dma_wait3A_1165 : memref<1x1000x32xf32, #tpu.memory_space<vmem>> -> memref<1000x32xf32, #tpu.memory_space<vmem>>
      %dma_wait3A_1167 = arith.constant 0 : i32
      %dma_wait3A_1168 = tpu.memref_slice %arg4[%add3A_307, %dma_wait3A_1167] : memref<1600000x32xf32, #tpu.memory_space<hbm>> -> memref<1000x32xf32, #tpu.memory_space<hbm>>
      %dma_wait3A_1169 = arith.constant 0 : i32
      %dma_wait3A_1170 = tpu.memref_slice %arg4[%add3A_307, %dma_wait3A_1169] : memref<1600000x32xf32, #tpu.memory_space<hbm>> -> memref<1000x32xf32, #tpu.memory_space<hbm>>
      %dma_wait3A_1171 = arith.constant 0 : i32
      %dma_wait3A_1172 = arith.constant 0 : i32
      %dma_wait3A_1173 = tpu.memref_slice %arg6[%run_scoped3A_308, %dma_wait3A_1171, %dma_wait3A_1172] : memref<2x1000x32xf32, #tpu.memory_space<vmem>> -> memref<1x1000x32xf32, #tpu.memory_space<vmem>>
      %dma_wait3A_1174 = tpu.memref_squeeze %dma_wait3A_1173 : memref<1x1000x32xf32, #tpu.memory_space<vmem>> -> memref<1000x32xf32, #tpu.memory_space<vmem>>
      tpu.wait_dma2 semaphore(%run_scoped3A_1150 : memref<!tpu.dma_semaphore, #tpu.memory_space<semaphore_mem>>) src(%dma_wait3A_1174 : memref<1000x32xf32, #tpu.memory_space<vmem>>) dst(%dma_wait3A_1170 : memref<1000x32xf32, #tpu.memory_space<hbm>>)
      tpu.yield
    }) : () -> ()
    %dma_start3A_309 = arith.constant 0 : i32
    %dma_start3A_310 = arith.constant 0 : i32
    %dma_start3A_311 = arith.constant 0 : i32
    %dma_start3A_312 = tpu.memref_slice %arg6[%dma_start3A_309, %dma_start3A_310, %dma_start3A_311] : memref<2x1000x32xf32, #tpu.memory_space<vmem>> -> memref<1x1000x32xf32, #tpu.memory_space<vmem>>
    %dma_start3A_313 = tpu.memref_squeeze %dma_start3A_312 : memref<1x1000x32xf32, #tpu.memory_space<vmem>> -> memref<1000x32xf32, #tpu.memory_space<vmem>>
    %dma_start3A_314 = arith.constant 14000 : i32
    %dma_start3A_315 = tpu.memref_slice %arg5[%dma_start3A_314] : memref<50000xi32, #tpu.memory_space<vmem>> -> memref<1000xi32, #tpu.memory_space<vmem>>
    %dma_start3A_316 = arith.constant 0 : i32
    %dma_start3A_317 = arith.constant 0 : i32
    %dma_start3A_318 = tpu.memref_slice %arg2[%dma_start3A_316, %dma_start3A_317] : memref<100000x32xf32, #tpu.memory_space<hbm>> -> memref<100000x32xf32, #tpu.memory_space<hbm>>
    tpu.enqueue_indirect_dma source(%dma_start3A_318 : memref<100000x32xf32, #tpu.memory_space<hbm>>) target(%dma_start3A_313 : memref<1000x32xf32, #tpu.memory_space<vmem>>) offsets(%dma_start3A_315 : memref<1000xi32, #tpu.memory_space<vmem>>) semaphore(%arg7 : memref<!tpu.dma_semaphore, #tpu.memory_space<semaphore_mem>>)
    %dma_wait3A_319 = arith.constant 1 : i32
    %dma_wait3A_320 = arith.constant 0 : i32
    %dma_wait3A_321 = arith.constant 0 : i32
    %dma_wait3A_322 = tpu.memref_slice %arg6[%dma_wait3A_319, %dma_wait3A_320, %dma_wait3A_321] : memref<2x1000x32xf32, #tpu.memory_space<vmem>> -> memref<1x1000x32xf32, #tpu.memory_space<vmem>>
    %dma_wait3A_323 = tpu.memref_squeeze %dma_wait3A_322 : memref<1x1000x32xf32, #tpu.memory_space<vmem>> -> memref<1000x32xf32, #tpu.memory_space<vmem>>
    %dma_wait3A_324 = arith.constant 13000 : i32
    %dma_wait3A_325 = tpu.memref_slice %arg5[%dma_wait3A_324] : memref<50000xi32, #tpu.memory_space<vmem>> -> memref<1000xi32, #tpu.memory_space<vmem>>
    %dma_wait3A_326 = arith.constant 0 : i32
    %dma_wait3A_327 = arith.constant 0 : i32
    %dma_wait3A_328 = tpu.memref_slice %arg2[%dma_wait3A_326, %dma_wait3A_327] : memref<100000x32xf32, #tpu.memory_space<hbm>> -> memref<100000x32xf32, #tpu.memory_space<hbm>>
    tpu.wait_indirect_dma semaphore(%arg8 : memref<!tpu.dma_semaphore, #tpu.memory_space<semaphore_mem>>) src(%dma_wait3A_328 : memref<100000x32xf32, #tpu.memory_space<hbm>>) dst(%dma_wait3A_323 : memref<1000x32xf32, #tpu.memory_space<vmem>>)
    %add3A_329 = arith.constant 13000 : i32
    %add3A_330 = arith.addi %mul3A_2, %add3A_329 : i32
    %run_scoped3A_331 = arith.constant 1 : i32
    "tpu.region"() ({
      %run_scoped3A_1150 = tpu.sem_alloc : memref<!tpu.dma_semaphore, #tpu.memory_space<semaphore_mem>>
      %dma_start3A_1151 = arith.constant 0 : i32
      %dma_start3A_1152 = arith.constant 0 : i32
      %dma_start3A_1153 = tpu.memref_slice %arg6[%run_scoped3A_331, %dma_start3A_1151, %dma_start3A_1152] : memref<2x1000x32xf32, #tpu.memory_space<vmem>> -> memref<1x1000x32xf32, #tpu.memory_space<vmem>>
      %dma_start3A_1154 = tpu.memref_squeeze %dma_start3A_1153 : memref<1x1000x32xf32, #tpu.memory_space<vmem>> -> memref<1000x32xf32, #tpu.memory_space<vmem>>
      %dma_start3A_1155 = arith.constant 0 : i32
      %dma_start3A_1156 = tpu.memref_slice %arg4[%add3A_330, %dma_start3A_1155] : memref<1600000x32xf32, #tpu.memory_space<hbm>> -> memref<1000x32xf32, #tpu.memory_space<hbm>>
      %dma_start3A_1157 = arith.constant 0 : i32
      %dma_start3A_1158 = tpu.memref_slice %arg4[%add3A_330, %dma_start3A_1157] : memref<1600000x32xf32, #tpu.memory_space<hbm>> -> memref<1000x32xf32, #tpu.memory_space<hbm>>
      %dma_start3A_1159 = arith.constant 0 : i32
      %dma_start3A_1160 = arith.constant 0 : i32
      %dma_start3A_1161 = tpu.memref_slice %arg6[%run_scoped3A_331, %dma_start3A_1159, %dma_start3A_1160] : memref<2x1000x32xf32, #tpu.memory_space<vmem>> -> memref<1x1000x32xf32, #tpu.memory_space<vmem>>
      %dma_start3A_1162 = tpu.memref_squeeze %dma_start3A_1161 : memref<1x1000x32xf32, #tpu.memory_space<vmem>> -> memref<1000x32xf32, #tpu.memory_space<vmem>>
      tpu.enqueue_dma source(%dma_start3A_1162 : memref<1000x32xf32, #tpu.memory_space<vmem>>) target(%dma_start3A_1158 : memref<1000x32xf32, #tpu.memory_space<hbm>>) target_semaphore(%run_scoped3A_1150 : memref<!tpu.dma_semaphore, #tpu.memory_space<semaphore_mem>>)
      %dma_wait3A_1163 = arith.constant 0 : i32
      %dma_wait3A_1164 = arith.constant 0 : i32
      %dma_wait3A_1165 = tpu.memref_slice %arg6[%run_scoped3A_331, %dma_wait3A_1163, %dma_wait3A_1164] : memref<2x1000x32xf32, #tpu.memory_space<vmem>> -> memref<1x1000x32xf32, #tpu.memory_space<vmem>>
      %dma_wait3A_1166 = tpu.memref_squeeze %dma_wait3A_1165 : memref<1x1000x32xf32, #tpu.memory_space<vmem>> -> memref<1000x32xf32, #tpu.memory_space<vmem>>
      %dma_wait3A_1167 = arith.constant 0 : i32
      %dma_wait3A_1168 = tpu.memref_slice %arg4[%add3A_330, %dma_wait3A_1167] : memref<1600000x32xf32, #tpu.memory_space<hbm>> -> memref<1000x32xf32, #tpu.memory_space<hbm>>
      %dma_wait3A_1169 = arith.constant 0 : i32
      %dma_wait3A_1170 = tpu.memref_slice %arg4[%add3A_330, %dma_wait3A_1169] : memref<1600000x32xf32, #tpu.memory_space<hbm>> -> memref<1000x32xf32, #tpu.memory_space<hbm>>
      %dma_wait3A_1171 = arith.constant 0 : i32
      %dma_wait3A_1172 = arith.constant 0 : i32
      %dma_wait3A_1173 = tpu.memref_slice %arg6[%run_scoped3A_331, %dma_wait3A_1171, %dma_wait3A_1172] : memref<2x1000x32xf32, #tpu.memory_space<vmem>> -> memref<1x1000x32xf32, #tpu.memory_space<vmem>>
      %dma_wait3A_1174 = tpu.memref_squeeze %dma_wait3A_1173 : memref<1x1000x32xf32, #tpu.memory_space<vmem>> -> memref<1000x32xf32, #tpu.memory_space<vmem>>
      tpu.wait_dma2 semaphore(%run_scoped3A_1150 : memref<!tpu.dma_semaphore, #tpu.memory_space<semaphore_mem>>) src(%dma_wait3A_1174 : memref<1000x32xf32, #tpu.memory_space<vmem>>) dst(%dma_wait3A_1170 : memref<1000x32xf32, #tpu.memory_space<hbm>>)
      tpu.yield
    }) : () -> ()
    %dma_start3A_332 = arith.constant 1 : i32
    %dma_start3A_333 = arith.constant 0 : i32
    %dma_start3A_334 = arith.constant 0 : i32
    %dma_start3A_335 = tpu.memref_slice %arg6[%dma_start3A_332, %dma_start3A_333, %dma_start3A_334] : memref<2x1000x32xf32, #tpu.memory_space<vmem>> -> memref<1x1000x32xf32, #tpu.memory_space<vmem>>
    %dma_start3A_336 = tpu.memref_squeeze %dma_start3A_335 : memref<1x1000x32xf32, #tpu.memory_space<vmem>> -> memref<1000x32xf32, #tpu.memory_space<vmem>>
    %dma_start3A_337 = arith.constant 15000 : i32
    %dma_start3A_338 = tpu.memref_slice %arg5[%dma_start3A_337] : memref<50000xi32, #tpu.memory_space<vmem>> -> memref<1000xi32, #tpu.memory_space<vmem>>
    %dma_start3A_339 = arith.constant 0 : i32
    %dma_start3A_340 = arith.constant 0 : i32
    %dma_start3A_341 = tpu.memref_slice %arg2[%dma_start3A_339, %dma_start3A_340] : memref<100000x32xf32, #tpu.memory_space<hbm>> -> memref<100000x32xf32, #tpu.memory_space<hbm>>
    tpu.enqueue_indirect_dma source(%dma_start3A_341 : memref<100000x32xf32, #tpu.memory_space<hbm>>) target(%dma_start3A_336 : memref<1000x32xf32, #tpu.memory_space<vmem>>) offsets(%dma_start3A_338 : memref<1000xi32, #tpu.memory_space<vmem>>) semaphore(%arg8 : memref<!tpu.dma_semaphore, #tpu.memory_space<semaphore_mem>>)
    %dma_wait3A_342 = arith.constant 0 : i32
    %dma_wait3A_343 = arith.constant 0 : i32
    %dma_wait3A_344 = arith.constant 0 : i32
    %dma_wait3A_345 = tpu.memref_slice %arg6[%dma_wait3A_342, %dma_wait3A_343, %dma_wait3A_344] : memref<2x1000x32xf32, #tpu.memory_space<vmem>> -> memref<1x1000x32xf32, #tpu.memory_space<vmem>>
    %dma_wait3A_346 = tpu.memref_squeeze %dma_wait3A_345 : memref<1x1000x32xf32, #tpu.memory_space<vmem>> -> memref<1000x32xf32, #tpu.memory_space<vmem>>
    %dma_wait3A_347 = arith.constant 14000 : i32
    %dma_wait3A_348 = tpu.memref_slice %arg5[%dma_wait3A_347] : memref<50000xi32, #tpu.memory_space<vmem>> -> memref<1000xi32, #tpu.memory_space<vmem>>
    %dma_wait3A_349 = arith.constant 0 : i32
    %dma_wait3A_350 = arith.constant 0 : i32
    %dma_wait3A_351 = tpu.memref_slice %arg2[%dma_wait3A_349, %dma_wait3A_350] : memref<100000x32xf32, #tpu.memory_space<hbm>> -> memref<100000x32xf32, #tpu.memory_space<hbm>>
    tpu.wait_indirect_dma semaphore(%arg7 : memref<!tpu.dma_semaphore, #tpu.memory_space<semaphore_mem>>) src(%dma_wait3A_351 : memref<100000x32xf32, #tpu.memory_space<hbm>>) dst(%dma_wait3A_346 : memref<1000x32xf32, #tpu.memory_space<vmem>>)
    %add3A_352 = arith.constant 14000 : i32
    %add3A_353 = arith.addi %mul3A_2, %add3A_352 : i32
    %run_scoped3A_354 = arith.constant 0 : i32
    "tpu.region"() ({
      %run_scoped3A_1150 = tpu.sem_alloc : memref<!tpu.dma_semaphore, #tpu.memory_space<semaphore_mem>>
      %dma_start3A_1151 = arith.constant 0 : i32
      %dma_start3A_1152 = arith.constant 0 : i32
      %dma_start3A_1153 = tpu.memref_slice %arg6[%run_scoped3A_354, %dma_start3A_1151, %dma_start3A_1152] : memref<2x1000x32xf32, #tpu.memory_space<vmem>> -> memref<1x1000x32xf32, #tpu.memory_space<vmem>>
      %dma_start3A_1154 = tpu.memref_squeeze %dma_start3A_1153 : memref<1x1000x32xf32, #tpu.memory_space<vmem>> -> memref<1000x32xf32, #tpu.memory_space<vmem>>
      %dma_start3A_1155 = arith.constant 0 : i32
      %dma_start3A_1156 = tpu.memref_slice %arg4[%add3A_353, %dma_start3A_1155] : memref<1600000x32xf32, #tpu.memory_space<hbm>> -> memref<1000x32xf32, #tpu.memory_space<hbm>>
      %dma_start3A_1157 = arith.constant 0 : i32
      %dma_start3A_1158 = tpu.memref_slice %arg4[%add3A_353, %dma_start3A_1157] : memref<1600000x32xf32, #tpu.memory_space<hbm>> -> memref<1000x32xf32, #tpu.memory_space<hbm>>
      %dma_start3A_1159 = arith.constant 0 : i32
      %dma_start3A_1160 = arith.constant 0 : i32
      %dma_start3A_1161 = tpu.memref_slice %arg6[%run_scoped3A_354, %dma_start3A_1159, %dma_start3A_1160] : memref<2x1000x32xf32, #tpu.memory_space<vmem>> -> memref<1x1000x32xf32, #tpu.memory_space<vmem>>
      %dma_start3A_1162 = tpu.memref_squeeze %dma_start3A_1161 : memref<1x1000x32xf32, #tpu.memory_space<vmem>> -> memref<1000x32xf32, #tpu.memory_space<vmem>>
      tpu.enqueue_dma source(%dma_start3A_1162 : memref<1000x32xf32, #tpu.memory_space<vmem>>) target(%dma_start3A_1158 : memref<1000x32xf32, #tpu.memory_space<hbm>>) target_semaphore(%run_scoped3A_1150 : memref<!tpu.dma_semaphore, #tpu.memory_space<semaphore_mem>>)
      %dma_wait3A_1163 = arith.constant 0 : i32
      %dma_wait3A_1164 = arith.constant 0 : i32
      %dma_wait3A_1165 = tpu.memref_slice %arg6[%run_scoped3A_354, %dma_wait3A_1163, %dma_wait3A_1164] : memref<2x1000x32xf32, #tpu.memory_space<vmem>> -> memref<1x1000x32xf32, #tpu.memory_space<vmem>>
      %dma_wait3A_1166 = tpu.memref_squeeze %dma_wait3A_1165 : memref<1x1000x32xf32, #tpu.memory_space<vmem>> -> memref<1000x32xf32, #tpu.memory_space<vmem>>
      %dma_wait3A_1167 = arith.constant 0 : i32
      %dma_wait3A_1168 = tpu.memref_slice %arg4[%add3A_353, %dma_wait3A_1167] : memref<1600000x32xf32, #tpu.memory_space<hbm>> -> memref<1000x32xf32, #tpu.memory_space<hbm>>
      %dma_wait3A_1169 = arith.constant 0 : i32
      %dma_wait3A_1170 = tpu.memref_slice %arg4[%add3A_353, %dma_wait3A_1169] : memref<1600000x32xf32, #tpu.memory_space<hbm>> -> memref<1000x32xf32, #tpu.memory_space<hbm>>
      %dma_wait3A_1171 = arith.constant 0 : i32
      %dma_wait3A_1172 = arith.constant 0 : i32
      %dma_wait3A_1173 = tpu.memref_slice %arg6[%run_scoped3A_354, %dma_wait3A_1171, %dma_wait3A_1172] : memref<2x1000x32xf32, #tpu.memory_space<vmem>> -> memref<1x1000x32xf32, #tpu.memory_space<vmem>>
      %dma_wait3A_1174 = tpu.memref_squeeze %dma_wait3A_1173 : memref<1x1000x32xf32, #tpu.memory_space<vmem>> -> memref<1000x32xf32, #tpu.memory_space<vmem>>
      tpu.wait_dma2 semaphore(%run_scoped3A_1150 : memref<!tpu.dma_semaphore, #tpu.memory_space<semaphore_mem>>) src(%dma_wait3A_1174 : memref<1000x32xf32, #tpu.memory_space<vmem>>) dst(%dma_wait3A_1170 : memref<1000x32xf32, #tpu.memory_space<hbm>>)
      tpu.yield
    }) : () -> ()
    %dma_start3A_355 = arith.constant 0 : i32
    %dma_start3A_356 = arith.constant 0 : i32
    %dma_start3A_357 = arith.constant 0 : i32
    %dma_start3A_358 = tpu.memref_slice %arg6[%dma_start3A_355, %dma_start3A_356, %dma_start3A_357] : memref<2x1000x32xf32, #tpu.memory_space<vmem>> -> memref<1x1000x32xf32, #tpu.memory_space<vmem>>
    %dma_start3A_359 = tpu.memref_squeeze %dma_start3A_358 : memref<1x1000x32xf32, #tpu.memory_space<vmem>> -> memref<1000x32xf32, #tpu.memory_space<vmem>>
    %dma_start3A_360 = arith.constant 16000 : i32
    %dma_start3A_361 = tpu.memref_slice %arg5[%dma_start3A_360] : memref<50000xi32, #tpu.memory_space<vmem>> -> memref<1000xi32, #tpu.memory_space<vmem>>
    %dma_start3A_362 = arith.constant 0 : i32
    %dma_start3A_363 = arith.constant 0 : i32
    %dma_start3A_364 = tpu.memref_slice %arg2[%dma_start3A_362, %dma_start3A_363] : memref<100000x32xf32, #tpu.memory_space<hbm>> -> memref<100000x32xf32, #tpu.memory_space<hbm>>
    tpu.enqueue_indirect_dma source(%dma_start3A_364 : memref<100000x32xf32, #tpu.memory_space<hbm>>) target(%dma_start3A_359 : memref<1000x32xf32, #tpu.memory_space<vmem>>) offsets(%dma_start3A_361 : memref<1000xi32, #tpu.memory_space<vmem>>) semaphore(%arg7 : memref<!tpu.dma_semaphore, #tpu.memory_space<semaphore_mem>>)
    %dma_wait3A_365 = arith.constant 1 : i32
    %dma_wait3A_366 = arith.constant 0 : i32
    %dma_wait3A_367 = arith.constant 0 : i32
    %dma_wait3A_368 = tpu.memref_slice %arg6[%dma_wait3A_365, %dma_wait3A_366, %dma_wait3A_367] : memref<2x1000x32xf32, #tpu.memory_space<vmem>> -> memref<1x1000x32xf32, #tpu.memory_space<vmem>>
    %dma_wait3A_369 = tpu.memref_squeeze %dma_wait3A_368 : memref<1x1000x32xf32, #tpu.memory_space<vmem>> -> memref<1000x32xf32, #tpu.memory_space<vmem>>
    %dma_wait3A_370 = arith.constant 15000 : i32
    %dma_wait3A_371 = tpu.memref_slice %arg5[%dma_wait3A_370] : memref<50000xi32, #tpu.memory_space<vmem>> -> memref<1000xi32, #tpu.memory_space<vmem>>
    %dma_wait3A_372 = arith.constant 0 : i32
    %dma_wait3A_373 = arith.constant 0 : i32
    %dma_wait3A_374 = tpu.memref_slice %arg2[%dma_wait3A_372, %dma_wait3A_373] : memref<100000x32xf32, #tpu.memory_space<hbm>> -> memref<100000x32xf32, #tpu.memory_space<hbm>>
    tpu.wait_indirect_dma semaphore(%arg8 : memref<!tpu.dma_semaphore, #tpu.memory_space<semaphore_mem>>) src(%dma_wait3A_374 : memref<100000x32xf32, #tpu.memory_space<hbm>>) dst(%dma_wait3A_369 : memref<1000x32xf32, #tpu.memory_space<vmem>>)
    %add3A_375 = arith.constant 15000 : i32
    %add3A_376 = arith.addi %mul3A_2, %add3A_375 : i32
    %run_scoped3A_377 = arith.constant 1 : i32
    "tpu.region"() ({
      %run_scoped3A_1150 = tpu.sem_alloc : memref<!tpu.dma_semaphore, #tpu.memory_space<semaphore_mem>>
      %dma_start3A_1151 = arith.constant 0 : i32
      %dma_start3A_1152 = arith.constant 0 : i32
      %dma_start3A_1153 = tpu.memref_slice %arg6[%run_scoped3A_377, %dma_start3A_1151, %dma_start3A_1152] : memref<2x1000x32xf32, #tpu.memory_space<vmem>> -> memref<1x1000x32xf32, #tpu.memory_space<vmem>>
      %dma_start3A_1154 = tpu.memref_squeeze %dma_start3A_1153 : memref<1x1000x32xf32, #tpu.memory_space<vmem>> -> memref<1000x32xf32, #tpu.memory_space<vmem>>
      %dma_start3A_1155 = arith.constant 0 : i32
      %dma_start3A_1156 = tpu.memref_slice %arg4[%add3A_376, %dma_start3A_1155] : memref<1600000x32xf32, #tpu.memory_space<hbm>> -> memref<1000x32xf32, #tpu.memory_space<hbm>>
      %dma_start3A_1157 = arith.constant 0 : i32
      %dma_start3A_1158 = tpu.memref_slice %arg4[%add3A_376, %dma_start3A_1157] : memref<1600000x32xf32, #tpu.memory_space<hbm>> -> memref<1000x32xf32, #tpu.memory_space<hbm>>
      %dma_start3A_1159 = arith.constant 0 : i32
      %dma_start3A_1160 = arith.constant 0 : i32
      %dma_start3A_1161 = tpu.memref_slice %arg6[%run_scoped3A_377, %dma_start3A_1159, %dma_start3A_1160] : memref<2x1000x32xf32, #tpu.memory_space<vmem>> -> memref<1x1000x32xf32, #tpu.memory_space<vmem>>
      %dma_start3A_1162 = tpu.memref_squeeze %dma_start3A_1161 : memref<1x1000x32xf32, #tpu.memory_space<vmem>> -> memref<1000x32xf32, #tpu.memory_space<vmem>>
      tpu.enqueue_dma source(%dma_start3A_1162 : memref<1000x32xf32, #tpu.memory_space<vmem>>) target(%dma_start3A_1158 : memref<1000x32xf32, #tpu.memory_space<hbm>>) target_semaphore(%run_scoped3A_1150 : memref<!tpu.dma_semaphore, #tpu.memory_space<semaphore_mem>>)
      %dma_wait3A_1163 = arith.constant 0 : i32
      %dma_wait3A_1164 = arith.constant 0 : i32
      %dma_wait3A_1165 = tpu.memref_slice %arg6[%run_scoped3A_377, %dma_wait3A_1163, %dma_wait3A_1164] : memref<2x1000x32xf32, #tpu.memory_space<vmem>> -> memref<1x1000x32xf32, #tpu.memory_space<vmem>>
      %dma_wait3A_1166 = tpu.memref_squeeze %dma_wait3A_1165 : memref<1x1000x32xf32, #tpu.memory_space<vmem>> -> memref<1000x32xf32, #tpu.memory_space<vmem>>
      %dma_wait3A_1167 = arith.constant 0 : i32
      %dma_wait3A_1168 = tpu.memref_slice %arg4[%add3A_376, %dma_wait3A_1167] : memref<1600000x32xf32, #tpu.memory_space<hbm>> -> memref<1000x32xf32, #tpu.memory_space<hbm>>
      %dma_wait3A_1169 = arith.constant 0 : i32
      %dma_wait3A_1170 = tpu.memref_slice %arg4[%add3A_376, %dma_wait3A_1169] : memref<1600000x32xf32, #tpu.memory_space<hbm>> -> memref<1000x32xf32, #tpu.memory_space<hbm>>
      %dma_wait3A_1171 = arith.constant 0 : i32
      %dma_wait3A_1172 = arith.constant 0 : i32
      %dma_wait3A_1173 = tpu.memref_slice %arg6[%run_scoped3A_377, %dma_wait3A_1171, %dma_wait3A_1172] : memref<2x1000x32xf32, #tpu.memory_space<vmem>> -> memref<1x1000x32xf32, #tpu.memory_space<vmem>>
      %dma_wait3A_1174 = tpu.memref_squeeze %dma_wait3A_1173 : memref<1x1000x32xf32, #tpu.memory_space<vmem>> -> memref<1000x32xf32, #tpu.memory_space<vmem>>
      tpu.wait_dma2 semaphore(%run_scoped3A_1150 : memref<!tpu.dma_semaphore, #tpu.memory_space<semaphore_mem>>) src(%dma_wait3A_1174 : memref<1000x32xf32, #tpu.memory_space<vmem>>) dst(%dma_wait3A_1170 : memref<1000x32xf32, #tpu.memory_space<hbm>>)
      tpu.yield
    }) : () -> ()
    %dma_start3A_378 = arith.constant 1 : i32
    %dma_start3A_379 = arith.constant 0 : i32
    %dma_start3A_380 = arith.constant 0 : i32
    %dma_start3A_381 = tpu.memref_slice %arg6[%dma_start3A_378, %dma_start3A_379, %dma_start3A_380] : memref<2x1000x32xf32, #tpu.memory_space<vmem>> -> memref<1x1000x32xf32, #tpu.memory_space<vmem>>
    %dma_start3A_382 = tpu.memref_squeeze %dma_start3A_381 : memref<1x1000x32xf32, #tpu.memory_space<vmem>> -> memref<1000x32xf32, #tpu.memory_space<vmem>>
    %dma_start3A_383 = arith.constant 17000 : i32
    %dma_start3A_384 = tpu.memref_slice %arg5[%dma_start3A_383] : memref<50000xi32, #tpu.memory_space<vmem>> -> memref<1000xi32, #tpu.memory_space<vmem>>
    %dma_start3A_385 = arith.constant 0 : i32
    %dma_start3A_386 = arith.constant 0 : i32
    %dma_start3A_387 = tpu.memref_slice %arg2[%dma_start3A_385, %dma_start3A_386] : memref<100000x32xf32, #tpu.memory_space<hbm>> -> memref<100000x32xf32, #tpu.memory_space<hbm>>
    tpu.enqueue_indirect_dma source(%dma_start3A_387 : memref<100000x32xf32, #tpu.memory_space<hbm>>) target(%dma_start3A_382 : memref<1000x32xf32, #tpu.memory_space<vmem>>) offsets(%dma_start3A_384 : memref<1000xi32, #tpu.memory_space<vmem>>) semaphore(%arg8 : memref<!tpu.dma_semaphore, #tpu.memory_space<semaphore_mem>>)
    %dma_wait3A_388 = arith.constant 0 : i32
    %dma_wait3A_389 = arith.constant 0 : i32
    %dma_wait3A_390 = arith.constant 0 : i32
    %dma_wait3A_391 = tpu.memref_slice %arg6[%dma_wait3A_388, %dma_wait3A_389, %dma_wait3A_390] : memref<2x1000x32xf32, #tpu.memory_space<vmem>> -> memref<1x1000x32xf32, #tpu.memory_space<vmem>>
    %dma_wait3A_392 = tpu.memref_squeeze %dma_wait3A_391 : memref<1x1000x32xf32, #tpu.memory_space<vmem>> -> memref<1000x32xf32, #tpu.memory_space<vmem>>
    %dma_wait3A_393 = arith.constant 16000 : i32
    %dma_wait3A_394 = tpu.memref_slice %arg5[%dma_wait3A_393] : memref<50000xi32, #tpu.memory_space<vmem>> -> memref<1000xi32, #tpu.memory_space<vmem>>
    %dma_wait3A_395 = arith.constant 0 : i32
    %dma_wait3A_396 = arith.constant 0 : i32
    %dma_wait3A_397 = tpu.memref_slice %arg2[%dma_wait3A_395, %dma_wait3A_396] : memref<100000x32xf32, #tpu.memory_space<hbm>> -> memref<100000x32xf32, #tpu.memory_space<hbm>>
    tpu.wait_indirect_dma semaphore(%arg7 : memref<!tpu.dma_semaphore, #tpu.memory_space<semaphore_mem>>) src(%dma_wait3A_397 : memref<100000x32xf32, #tpu.memory_space<hbm>>) dst(%dma_wait3A_392 : memref<1000x32xf32, #tpu.memory_space<vmem>>)
    %add3A_398 = arith.constant 16000 : i32
    %add3A_399 = arith.addi %mul3A_2, %add3A_398 : i32
    %run_scoped3A_400 = arith.constant 0 : i32
    "tpu.region"() ({
      %run_scoped3A_1150 = tpu.sem_alloc : memref<!tpu.dma_semaphore, #tpu.memory_space<semaphore_mem>>
      %dma_start3A_1151 = arith.constant 0 : i32
      %dma_start3A_1152 = arith.constant 0 : i32
      %dma_start3A_1153 = tpu.memref_slice %arg6[%run_scoped3A_400, %dma_start3A_1151, %dma_start3A_1152] : memref<2x1000x32xf32, #tpu.memory_space<vmem>> -> memref<1x1000x32xf32, #tpu.memory_space<vmem>>
      %dma_start3A_1154 = tpu.memref_squeeze %dma_start3A_1153 : memref<1x1000x32xf32, #tpu.memory_space<vmem>> -> memref<1000x32xf32, #tpu.memory_space<vmem>>
      %dma_start3A_1155 = arith.constant 0 : i32
      %dma_start3A_1156 = tpu.memref_slice %arg4[%add3A_399, %dma_start3A_1155] : memref<1600000x32xf32, #tpu.memory_space<hbm>> -> memref<1000x32xf32, #tpu.memory_space<hbm>>
      %dma_start3A_1157 = arith.constant 0 : i32
      %dma_start3A_1158 = tpu.memref_slice %arg4[%add3A_399, %dma_start3A_1157] : memref<1600000x32xf32, #tpu.memory_space<hbm>> -> memref<1000x32xf32, #tpu.memory_space<hbm>>
      %dma_start3A_1159 = arith.constant 0 : i32
      %dma_start3A_1160 = arith.constant 0 : i32
      %dma_start3A_1161 = tpu.memref_slice %arg6[%run_scoped3A_400, %dma_start3A_1159, %dma_start3A_1160] : memref<2x1000x32xf32, #tpu.memory_space<vmem>> -> memref<1x1000x32xf32, #tpu.memory_space<vmem>>
      %dma_start3A_1162 = tpu.memref_squeeze %dma_start3A_1161 : memref<1x1000x32xf32, #tpu.memory_space<vmem>> -> memref<1000x32xf32, #tpu.memory_space<vmem>>
      tpu.enqueue_dma source(%dma_start3A_1162 : memref<1000x32xf32, #tpu.memory_space<vmem>>) target(%dma_start3A_1158 : memref<1000x32xf32, #tpu.memory_space<hbm>>) target_semaphore(%run_scoped3A_1150 : memref<!tpu.dma_semaphore, #tpu.memory_space<semaphore_mem>>)
      %dma_wait3A_1163 = arith.constant 0 : i32
      %dma_wait3A_1164 = arith.constant 0 : i32
      %dma_wait3A_1165 = tpu.memref_slice %arg6[%run_scoped3A_400, %dma_wait3A_1163, %dma_wait3A_1164] : memref<2x1000x32xf32, #tpu.memory_space<vmem>> -> memref<1x1000x32xf32, #tpu.memory_space<vmem>>
      %dma_wait3A_1166 = tpu.memref_squeeze %dma_wait3A_1165 : memref<1x1000x32xf32, #tpu.memory_space<vmem>> -> memref<1000x32xf32, #tpu.memory_space<vmem>>
      %dma_wait3A_1167 = arith.constant 0 : i32
      %dma_wait3A_1168 = tpu.memref_slice %arg4[%add3A_399, %dma_wait3A_1167] : memref<1600000x32xf32, #tpu.memory_space<hbm>> -> memref<1000x32xf32, #tpu.memory_space<hbm>>
      %dma_wait3A_1169 = arith.constant 0 : i32
      %dma_wait3A_1170 = tpu.memref_slice %arg4[%add3A_399, %dma_wait3A_1169] : memref<1600000x32xf32, #tpu.memory_space<hbm>> -> memref<1000x32xf32, #tpu.memory_space<hbm>>
      %dma_wait3A_1171 = arith.constant 0 : i32
      %dma_wait3A_1172 = arith.constant 0 : i32
      %dma_wait3A_1173 = tpu.memref_slice %arg6[%run_scoped3A_400, %dma_wait3A_1171, %dma_wait3A_1172] : memref<2x1000x32xf32, #tpu.memory_space<vmem>> -> memref<1x1000x32xf32, #tpu.memory_space<vmem>>
      %dma_wait3A_1174 = tpu.memref_squeeze %dma_wait3A_1173 : memref<1x1000x32xf32, #tpu.memory_space<vmem>> -> memref<1000x32xf32, #tpu.memory_space<vmem>>
      tpu.wait_dma2 semaphore(%run_scoped3A_1150 : memref<!tpu.dma_semaphore, #tpu.memory_space<semaphore_mem>>) src(%dma_wait3A_1174 : memref<1000x32xf32, #tpu.memory_space<vmem>>) dst(%dma_wait3A_1170 : memref<1000x32xf32, #tpu.memory_space<hbm>>)
      tpu.yield
    }) : () -> ()
    %dma_start3A_401 = arith.constant 0 : i32
    %dma_start3A_402 = arith.constant 0 : i32
    %dma_start3A_403 = arith.constant 0 : i32
    %dma_start3A_404 = tpu.memref_slice %arg6[%dma_start3A_401, %dma_start3A_402, %dma_start3A_403] : memref<2x1000x32xf32, #tpu.memory_space<vmem>> -> memref<1x1000x32xf32, #tpu.memory_space<vmem>>
    %dma_start3A_405 = tpu.memref_squeeze %dma_start3A_404 : memref<1x1000x32xf32, #tpu.memory_space<vmem>> -> memref<1000x32xf32, #tpu.memory_space<vmem>>
    %dma_start3A_406 = arith.constant 18000 : i32
    %dma_start3A_407 = tpu.memref_slice %arg5[%dma_start3A_406] : memref<50000xi32, #tpu.memory_space<vmem>> -> memref<1000xi32, #tpu.memory_space<vmem>>
    %dma_start3A_408 = arith.constant 0 : i32
    %dma_start3A_409 = arith.constant 0 : i32
    %dma_start3A_410 = tpu.memref_slice %arg2[%dma_start3A_408, %dma_start3A_409] : memref<100000x32xf32, #tpu.memory_space<hbm>> -> memref<100000x32xf32, #tpu.memory_space<hbm>>
    tpu.enqueue_indirect_dma source(%dma_start3A_410 : memref<100000x32xf32, #tpu.memory_space<hbm>>) target(%dma_start3A_405 : memref<1000x32xf32, #tpu.memory_space<vmem>>) offsets(%dma_start3A_407 : memref<1000xi32, #tpu.memory_space<vmem>>) semaphore(%arg7 : memref<!tpu.dma_semaphore, #tpu.memory_space<semaphore_mem>>)
    %dma_wait3A_411 = arith.constant 1 : i32
    %dma_wait3A_412 = arith.constant 0 : i32
    %dma_wait3A_413 = arith.constant 0 : i32
    %dma_wait3A_414 = tpu.memref_slice %arg6[%dma_wait3A_411, %dma_wait3A_412, %dma_wait3A_413] : memref<2x1000x32xf32, #tpu.memory_space<vmem>> -> memref<1x1000x32xf32, #tpu.memory_space<vmem>>
    %dma_wait3A_415 = tpu.memref_squeeze %dma_wait3A_414 : memref<1x1000x32xf32, #tpu.memory_space<vmem>> -> memref<1000x32xf32, #tpu.memory_space<vmem>>
    %dma_wait3A_416 = arith.constant 17000 : i32
    %dma_wait3A_417 = tpu.memref_slice %arg5[%dma_wait3A_416] : memref<50000xi32, #tpu.memory_space<vmem>> -> memref<1000xi32, #tpu.memory_space<vmem>>
    %dma_wait3A_418 = arith.constant 0 : i32
    %dma_wait3A_419 = arith.constant 0 : i32
    %dma_wait3A_420 = tpu.memref_slice %arg2[%dma_wait3A_418, %dma_wait3A_419] : memref<100000x32xf32, #tpu.memory_space<hbm>> -> memref<100000x32xf32, #tpu.memory_space<hbm>>
    tpu.wait_indirect_dma semaphore(%arg8 : memref<!tpu.dma_semaphore, #tpu.memory_space<semaphore_mem>>) src(%dma_wait3A_420 : memref<100000x32xf32, #tpu.memory_space<hbm>>) dst(%dma_wait3A_415 : memref<1000x32xf32, #tpu.memory_space<vmem>>)
    %add3A_421 = arith.constant 17000 : i32
    %add3A_422 = arith.addi %mul3A_2, %add3A_421 : i32
    %run_scoped3A_423 = arith.constant 1 : i32
    "tpu.region"() ({
      %run_scoped3A_1150 = tpu.sem_alloc : memref<!tpu.dma_semaphore, #tpu.memory_space<semaphore_mem>>
      %dma_start3A_1151 = arith.constant 0 : i32
      %dma_start3A_1152 = arith.constant 0 : i32
      %dma_start3A_1153 = tpu.memref_slice %arg6[%run_scoped3A_423, %dma_start3A_1151, %dma_start3A_1152] : memref<2x1000x32xf32, #tpu.memory_space<vmem>> -> memref<1x1000x32xf32, #tpu.memory_space<vmem>>
      %dma_start3A_1154 = tpu.memref_squeeze %dma_start3A_1153 : memref<1x1000x32xf32, #tpu.memory_space<vmem>> -> memref<1000x32xf32, #tpu.memory_space<vmem>>
      %dma_start3A_1155 = arith.constant 0 : i32
      %dma_start3A_1156 = tpu.memref_slice %arg4[%add3A_422, %dma_start3A_1155] : memref<1600000x32xf32, #tpu.memory_space<hbm>> -> memref<1000x32xf32, #tpu.memory_space<hbm>>
      %dma_start3A_1157 = arith.constant 0 : i32
      %dma_start3A_1158 = tpu.memref_slice %arg4[%add3A_422, %dma_start3A_1157] : memref<1600000x32xf32, #tpu.memory_space<hbm>> -> memref<1000x32xf32, #tpu.memory_space<hbm>>
      %dma_start3A_1159 = arith.constant 0 : i32
      %dma_start3A_1160 = arith.constant 0 : i32
      %dma_start3A_1161 = tpu.memref_slice %arg6[%run_scoped3A_423, %dma_start3A_1159, %dma_start3A_1160] : memref<2x1000x32xf32, #tpu.memory_space<vmem>> -> memref<1x1000x32xf32, #tpu.memory_space<vmem>>
      %dma_start3A_1162 = tpu.memref_squeeze %dma_start3A_1161 : memref<1x1000x32xf32, #tpu.memory_space<vmem>> -> memref<1000x32xf32, #tpu.memory_space<vmem>>
      tpu.enqueue_dma source(%dma_start3A_1162 : memref<1000x32xf32, #tpu.memory_space<vmem>>) target(%dma_start3A_1158 : memref<1000x32xf32, #tpu.memory_space<hbm>>) target_semaphore(%run_scoped3A_1150 : memref<!tpu.dma_semaphore, #tpu.memory_space<semaphore_mem>>)
      %dma_wait3A_1163 = arith.constant 0 : i32
      %dma_wait3A_1164 = arith.constant 0 : i32
      %dma_wait3A_1165 = tpu.memref_slice %arg6[%run_scoped3A_423, %dma_wait3A_1163, %dma_wait3A_1164] : memref<2x1000x32xf32, #tpu.memory_space<vmem>> -> memref<1x1000x32xf32, #tpu.memory_space<vmem>>
      %dma_wait3A_1166 = tpu.memref_squeeze %dma_wait3A_1165 : memref<1x1000x32xf32, #tpu.memory_space<vmem>> -> memref<1000x32xf32, #tpu.memory_space<vmem>>
      %dma_wait3A_1167 = arith.constant 0 : i32
      %dma_wait3A_1168 = tpu.memref_slice %arg4[%add3A_422, %dma_wait3A_1167] : memref<1600000x32xf32, #tpu.memory_space<hbm>> -> memref<1000x32xf32, #tpu.memory_space<hbm>>
      %dma_wait3A_1169 = arith.constant 0 : i32
      %dma_wait3A_1170 = tpu.memref_slice %arg4[%add3A_422, %dma_wait3A_1169] : memref<1600000x32xf32, #tpu.memory_space<hbm>> -> memref<1000x32xf32, #tpu.memory_space<hbm>>
      %dma_wait3A_1171 = arith.constant 0 : i32
      %dma_wait3A_1172 = arith.constant 0 : i32
      %dma_wait3A_1173 = tpu.memref_slice %arg6[%run_scoped3A_423, %dma_wait3A_1171, %dma_wait3A_1172] : memref<2x1000x32xf32, #tpu.memory_space<vmem>> -> memref<1x1000x32xf32, #tpu.memory_space<vmem>>
      %dma_wait3A_1174 = tpu.memref_squeeze %dma_wait3A_1173 : memref<1x1000x32xf32, #tpu.memory_space<vmem>> -> memref<1000x32xf32, #tpu.memory_space<vmem>>
      tpu.wait_dma2 semaphore(%run_scoped3A_1150 : memref<!tpu.dma_semaphore, #tpu.memory_space<semaphore_mem>>) src(%dma_wait3A_1174 : memref<1000x32xf32, #tpu.memory_space<vmem>>) dst(%dma_wait3A_1170 : memref<1000x32xf32, #tpu.memory_space<hbm>>)
      tpu.yield
    }) : () -> ()
    %dma_start3A_424 = arith.constant 1 : i32
    %dma_start3A_425 = arith.constant 0 : i32
    %dma_start3A_426 = arith.constant 0 : i32
    %dma_start3A_427 = tpu.memref_slice %arg6[%dma_start3A_424, %dma_start3A_425, %dma_start3A_426] : memref<2x1000x32xf32, #tpu.memory_space<vmem>> -> memref<1x1000x32xf32, #tpu.memory_space<vmem>>
    %dma_start3A_428 = tpu.memref_squeeze %dma_start3A_427 : memref<1x1000x32xf32, #tpu.memory_space<vmem>> -> memref<1000x32xf32, #tpu.memory_space<vmem>>
    %dma_start3A_429 = arith.constant 19000 : i32
    %dma_start3A_430 = tpu.memref_slice %arg5[%dma_start3A_429] : memref<50000xi32, #tpu.memory_space<vmem>> -> memref<1000xi32, #tpu.memory_space<vmem>>
    %dma_start3A_431 = arith.constant 0 : i32
    %dma_start3A_432 = arith.constant 0 : i32
    %dma_start3A_433 = tpu.memref_slice %arg2[%dma_start3A_431, %dma_start3A_432] : memref<100000x32xf32, #tpu.memory_space<hbm>> -> memref<100000x32xf32, #tpu.memory_space<hbm>>
    tpu.enqueue_indirect_dma source(%dma_start3A_433 : memref<100000x32xf32, #tpu.memory_space<hbm>>) target(%dma_start3A_428 : memref<1000x32xf32, #tpu.memory_space<vmem>>) offsets(%dma_start3A_430 : memref<1000xi32, #tpu.memory_space<vmem>>) semaphore(%arg8 : memref<!tpu.dma_semaphore, #tpu.memory_space<semaphore_mem>>)
    %dma_wait3A_434 = arith.constant 0 : i32
    %dma_wait3A_435 = arith.constant 0 : i32
    %dma_wait3A_436 = arith.constant 0 : i32
    %dma_wait3A_437 = tpu.memref_slice %arg6[%dma_wait3A_434, %dma_wait3A_435, %dma_wait3A_436] : memref<2x1000x32xf32, #tpu.memory_space<vmem>> -> memref<1x1000x32xf32, #tpu.memory_space<vmem>>
    %dma_wait3A_438 = tpu.memref_squeeze %dma_wait3A_437 : memref<1x1000x32xf32, #tpu.memory_space<vmem>> -> memref<1000x32xf32, #tpu.memory_space<vmem>>
    %dma_wait3A_439 = arith.constant 18000 : i32
    %dma_wait3A_440 = tpu.memref_slice %arg5[%dma_wait3A_439] : memref<50000xi32, #tpu.memory_space<vmem>> -> memref<1000xi32, #tpu.memory_space<vmem>>
    %dma_wait3A_441 = arith.constant 0 : i32
    %dma_wait3A_442 = arith.constant 0 : i32
    %dma_wait3A_443 = tpu.memref_slice %arg2[%dma_wait3A_441, %dma_wait3A_442] : memref<100000x32xf32, #tpu.memory_space<hbm>> -> memref<100000x32xf32, #tpu.memory_space<hbm>>
    tpu.wait_indirect_dma semaphore(%arg7 : memref<!tpu.dma_semaphore, #tpu.memory_space<semaphore_mem>>) src(%dma_wait3A_443 : memref<100000x32xf32, #tpu.memory_space<hbm>>) dst(%dma_wait3A_438 : memref<1000x32xf32, #tpu.memory_space<vmem>>)
    %add3A_444 = arith.constant 18000 : i32
    %add3A_445 = arith.addi %mul3A_2, %add3A_444 : i32
    %run_scoped3A_446 = arith.constant 0 : i32
    "tpu.region"() ({
      %run_scoped3A_1150 = tpu.sem_alloc : memref<!tpu.dma_semaphore, #tpu.memory_space<semaphore_mem>>
      %dma_start3A_1151 = arith.constant 0 : i32
      %dma_start3A_1152 = arith.constant 0 : i32
      %dma_start3A_1153 = tpu.memref_slice %arg6[%run_scoped3A_446, %dma_start3A_1151, %dma_start3A_1152] : memref<2x1000x32xf32, #tpu.memory_space<vmem>> -> memref<1x1000x32xf32, #tpu.memory_space<vmem>>
      %dma_start3A_1154 = tpu.memref_squeeze %dma_start3A_1153 : memref<1x1000x32xf32, #tpu.memory_space<vmem>> -> memref<1000x32xf32, #tpu.memory_space<vmem>>
      %dma_start3A_1155 = arith.constant 0 : i32
      %dma_start3A_1156 = tpu.memref_slice %arg4[%add3A_445, %dma_start3A_1155] : memref<1600000x32xf32, #tpu.memory_space<hbm>> -> memref<1000x32xf32, #tpu.memory_space<hbm>>
      %dma_start3A_1157 = arith.constant 0 : i32
      %dma_start3A_1158 = tpu.memref_slice %arg4[%add3A_445, %dma_start3A_1157] : memref<1600000x32xf32, #tpu.memory_space<hbm>> -> memref<1000x32xf32, #tpu.memory_space<hbm>>
      %dma_start3A_1159 = arith.constant 0 : i32
      %dma_start3A_1160 = arith.constant 0 : i32
      %dma_start3A_1161 = tpu.memref_slice %arg6[%run_scoped3A_446, %dma_start3A_1159, %dma_start3A_1160] : memref<2x1000x32xf32, #tpu.memory_space<vmem>> -> memref<1x1000x32xf32, #tpu.memory_space<vmem>>
      %dma_start3A_1162 = tpu.memref_squeeze %dma_start3A_1161 : memref<1x1000x32xf32, #tpu.memory_space<vmem>> -> memref<1000x32xf32, #tpu.memory_space<vmem>>
      tpu.enqueue_dma source(%dma_start3A_1162 : memref<1000x32xf32, #tpu.memory_space<vmem>>) target(%dma_start3A_1158 : memref<1000x32xf32, #tpu.memory_space<hbm>>) target_semaphore(%run_scoped3A_1150 : memref<!tpu.dma_semaphore, #tpu.memory_space<semaphore_mem>>)
      %dma_wait3A_1163 = arith.constant 0 : i32
      %dma_wait3A_1164 = arith.constant 0 : i32
      %dma_wait3A_1165 = tpu.memref_slice %arg6[%run_scoped3A_446, %dma_wait3A_1163, %dma_wait3A_1164] : memref<2x1000x32xf32, #tpu.memory_space<vmem>> -> memref<1x1000x32xf32, #tpu.memory_space<vmem>>
      %dma_wait3A_1166 = tpu.memref_squeeze %dma_wait3A_1165 : memref<1x1000x32xf32, #tpu.memory_space<vmem>> -> memref<1000x32xf32, #tpu.memory_space<vmem>>
      %dma_wait3A_1167 = arith.constant 0 : i32
      %dma_wait3A_1168 = tpu.memref_slice %arg4[%add3A_445, %dma_wait3A_1167] : memref<1600000x32xf32, #tpu.memory_space<hbm>> -> memref<1000x32xf32, #tpu.memory_space<hbm>>
      %dma_wait3A_1169 = arith.constant 0 : i32
      %dma_wait3A_1170 = tpu.memref_slice %arg4[%add3A_445, %dma_wait3A_1169] : memref<1600000x32xf32, #tpu.memory_space<hbm>> -> memref<1000x32xf32, #tpu.memory_space<hbm>>
      %dma_wait3A_1171 = arith.constant 0 : i32
      %dma_wait3A_1172 = arith.constant 0 : i32
      %dma_wait3A_1173 = tpu.memref_slice %arg6[%run_scoped3A_446, %dma_wait3A_1171, %dma_wait3A_1172] : memref<2x1000x32xf32, #tpu.memory_space<vmem>> -> memref<1x1000x32xf32, #tpu.memory_space<vmem>>
      %dma_wait3A_1174 = tpu.memref_squeeze %dma_wait3A_1173 : memref<1x1000x32xf32, #tpu.memory_space<vmem>> -> memref<1000x32xf32, #tpu.memory_space<vmem>>
      tpu.wait_dma2 semaphore(%run_scoped3A_1150 : memref<!tpu.dma_semaphore, #tpu.memory_space<semaphore_mem>>) src(%dma_wait3A_1174 : memref<1000x32xf32, #tpu.memory_space<vmem>>) dst(%dma_wait3A_1170 : memref<1000x32xf32, #tpu.memory_space<hbm>>)
      tpu.yield
    }) : () -> ()
    %dma_start3A_447 = arith.constant 0 : i32
    %dma_start3A_448 = arith.constant 0 : i32
    %dma_start3A_449 = arith.constant 0 : i32
    %dma_start3A_450 = tpu.memref_slice %arg6[%dma_start3A_447, %dma_start3A_448, %dma_start3A_449] : memref<2x1000x32xf32, #tpu.memory_space<vmem>> -> memref<1x1000x32xf32, #tpu.memory_space<vmem>>
    %dma_start3A_451 = tpu.memref_squeeze %dma_start3A_450 : memref<1x1000x32xf32, #tpu.memory_space<vmem>> -> memref<1000x32xf32, #tpu.memory_space<vmem>>
    %dma_start3A_452 = arith.constant 20000 : i32
    %dma_start3A_453 = tpu.memref_slice %arg5[%dma_start3A_452] : memref<50000xi32, #tpu.memory_space<vmem>> -> memref<1000xi32, #tpu.memory_space<vmem>>
    %dma_start3A_454 = arith.constant 0 : i32
    %dma_start3A_455 = arith.constant 0 : i32
    %dma_start3A_456 = tpu.memref_slice %arg2[%dma_start3A_454, %dma_start3A_455] : memref<100000x32xf32, #tpu.memory_space<hbm>> -> memref<100000x32xf32, #tpu.memory_space<hbm>>
    tpu.enqueue_indirect_dma source(%dma_start3A_456 : memref<100000x32xf32, #tpu.memory_space<hbm>>) target(%dma_start3A_451 : memref<1000x32xf32, #tpu.memory_space<vmem>>) offsets(%dma_start3A_453 : memref<1000xi32, #tpu.memory_space<vmem>>) semaphore(%arg7 : memref<!tpu.dma_semaphore, #tpu.memory_space<semaphore_mem>>)
    %dma_wait3A_457 = arith.constant 1 : i32
    %dma_wait3A_458 = arith.constant 0 : i32
    %dma_wait3A_459 = arith.constant 0 : i32
    %dma_wait3A_460 = tpu.memref_slice %arg6[%dma_wait3A_457, %dma_wait3A_458, %dma_wait3A_459] : memref<2x1000x32xf32, #tpu.memory_space<vmem>> -> memref<1x1000x32xf32, #tpu.memory_space<vmem>>
    %dma_wait3A_461 = tpu.memref_squeeze %dma_wait3A_460 : memref<1x1000x32xf32, #tpu.memory_space<vmem>> -> memref<1000x32xf32, #tpu.memory_space<vmem>>
    %dma_wait3A_462 = arith.constant 19000 : i32
    %dma_wait3A_463 = tpu.memref_slice %arg5[%dma_wait3A_462] : memref<50000xi32, #tpu.memory_space<vmem>> -> memref<1000xi32, #tpu.memory_space<vmem>>
    %dma_wait3A_464 = arith.constant 0 : i32
    %dma_wait3A_465 = arith.constant 0 : i32
    %dma_wait3A_466 = tpu.memref_slice %arg2[%dma_wait3A_464, %dma_wait3A_465] : memref<100000x32xf32, #tpu.memory_space<hbm>> -> memref<100000x32xf32, #tpu.memory_space<hbm>>
    tpu.wait_indirect_dma semaphore(%arg8 : memref<!tpu.dma_semaphore, #tpu.memory_space<semaphore_mem>>) src(%dma_wait3A_466 : memref<100000x32xf32, #tpu.memory_space<hbm>>) dst(%dma_wait3A_461 : memref<1000x32xf32, #tpu.memory_space<vmem>>)
    %add3A_467 = arith.constant 19000 : i32
    %add3A_468 = arith.addi %mul3A_2, %add3A_467 : i32
    %run_scoped3A_469 = arith.constant 1 : i32
    "tpu.region"() ({
      %run_scoped3A_1150 = tpu.sem_alloc : memref<!tpu.dma_semaphore, #tpu.memory_space<semaphore_mem>>
      %dma_start3A_1151 = arith.constant 0 : i32
      %dma_start3A_1152 = arith.constant 0 : i32
      %dma_start3A_1153 = tpu.memref_slice %arg6[%run_scoped3A_469, %dma_start3A_1151, %dma_start3A_1152] : memref<2x1000x32xf32, #tpu.memory_space<vmem>> -> memref<1x1000x32xf32, #tpu.memory_space<vmem>>
      %dma_start3A_1154 = tpu.memref_squeeze %dma_start3A_1153 : memref<1x1000x32xf32, #tpu.memory_space<vmem>> -> memref<1000x32xf32, #tpu.memory_space<vmem>>
      %dma_start3A_1155 = arith.constant 0 : i32
      %dma_start3A_1156 = tpu.memref_slice %arg4[%add3A_468, %dma_start3A_1155] : memref<1600000x32xf32, #tpu.memory_space<hbm>> -> memref<1000x32xf32, #tpu.memory_space<hbm>>
      %dma_start3A_1157 = arith.constant 0 : i32
      %dma_start3A_1158 = tpu.memref_slice %arg4[%add3A_468, %dma_start3A_1157] : memref<1600000x32xf32, #tpu.memory_space<hbm>> -> memref<1000x32xf32, #tpu.memory_space<hbm>>
      %dma_start3A_1159 = arith.constant 0 : i32
      %dma_start3A_1160 = arith.constant 0 : i32
      %dma_start3A_1161 = tpu.memref_slice %arg6[%run_scoped3A_469, %dma_start3A_1159, %dma_start3A_1160] : memref<2x1000x32xf32, #tpu.memory_space<vmem>> -> memref<1x1000x32xf32, #tpu.memory_space<vmem>>
      %dma_start3A_1162 = tpu.memref_squeeze %dma_start3A_1161 : memref<1x1000x32xf32, #tpu.memory_space<vmem>> -> memref<1000x32xf32, #tpu.memory_space<vmem>>
      tpu.enqueue_dma source(%dma_start3A_1162 : memref<1000x32xf32, #tpu.memory_space<vmem>>) target(%dma_start3A_1158 : memref<1000x32xf32, #tpu.memory_space<hbm>>) target_semaphore(%run_scoped3A_1150 : memref<!tpu.dma_semaphore, #tpu.memory_space<semaphore_mem>>)
      %dma_wait3A_1163 = arith.constant 0 : i32
      %dma_wait3A_1164 = arith.constant 0 : i32
      %dma_wait3A_1165 = tpu.memref_slice %arg6[%run_scoped3A_469, %dma_wait3A_1163, %dma_wait3A_1164] : memref<2x1000x32xf32, #tpu.memory_space<vmem>> -> memref<1x1000x32xf32, #tpu.memory_space<vmem>>
      %dma_wait3A_1166 = tpu.memref_squeeze %dma_wait3A_1165 : memref<1x1000x32xf32, #tpu.memory_space<vmem>> -> memref<1000x32xf32, #tpu.memory_space<vmem>>
      %dma_wait3A_1167 = arith.constant 0 : i32
      %dma_wait3A_1168 = tpu.memref_slice %arg4[%add3A_468, %dma_wait3A_1167] : memref<1600000x32xf32, #tpu.memory_space<hbm>> -> memref<1000x32xf32, #tpu.memory_space<hbm>>
      %dma_wait3A_1169 = arith.constant 0 : i32
      %dma_wait3A_1170 = tpu.memref_slice %arg4[%add3A_468, %dma_wait3A_1169] : memref<1600000x32xf32, #tpu.memory_space<hbm>> -> memref<1000x32xf32, #tpu.memory_space<hbm>>
      %dma_wait3A_1171 = arith.constant 0 : i32
      %dma_wait3A_1172 = arith.constant 0 : i32
      %dma_wait3A_1173 = tpu.memref_slice %arg6[%run_scoped3A_469, %dma_wait3A_1171, %dma_wait3A_1172] : memref<2x1000x32xf32, #tpu.memory_space<vmem>> -> memref<1x1000x32xf32, #tpu.memory_space<vmem>>
      %dma_wait3A_1174 = tpu.memref_squeeze %dma_wait3A_1173 : memref<1x1000x32xf32, #tpu.memory_space<vmem>> -> memref<1000x32xf32, #tpu.memory_space<vmem>>
      tpu.wait_dma2 semaphore(%run_scoped3A_1150 : memref<!tpu.dma_semaphore, #tpu.memory_space<semaphore_mem>>) src(%dma_wait3A_1174 : memref<1000x32xf32, #tpu.memory_space<vmem>>) dst(%dma_wait3A_1170 : memref<1000x32xf32, #tpu.memory_space<hbm>>)
      tpu.yield
    }) : () -> ()
    %dma_start3A_470 = arith.constant 1 : i32
    %dma_start3A_471 = arith.constant 0 : i32
    %dma_start3A_472 = arith.constant 0 : i32
    %dma_start3A_473 = tpu.memref_slice %arg6[%dma_start3A_470, %dma_start3A_471, %dma_start3A_472] : memref<2x1000x32xf32, #tpu.memory_space<vmem>> -> memref<1x1000x32xf32, #tpu.memory_space<vmem>>
    %dma_start3A_474 = tpu.memref_squeeze %dma_start3A_473 : memref<1x1000x32xf32, #tpu.memory_space<vmem>> -> memref<1000x32xf32, #tpu.memory_space<vmem>>
    %dma_start3A_475 = arith.constant 21000 : i32
    %dma_start3A_476 = tpu.memref_slice %arg5[%dma_start3A_475] : memref<50000xi32, #tpu.memory_space<vmem>> -> memref<1000xi32, #tpu.memory_space<vmem>>
    %dma_start3A_477 = arith.constant 0 : i32
    %dma_start3A_478 = arith.constant 0 : i32
    %dma_start3A_479 = tpu.memref_slice %arg2[%dma_start3A_477, %dma_start3A_478] : memref<100000x32xf32, #tpu.memory_space<hbm>> -> memref<100000x32xf32, #tpu.memory_space<hbm>>
    tpu.enqueue_indirect_dma source(%dma_start3A_479 : memref<100000x32xf32, #tpu.memory_space<hbm>>) target(%dma_start3A_474 : memref<1000x32xf32, #tpu.memory_space<vmem>>) offsets(%dma_start3A_476 : memref<1000xi32, #tpu.memory_space<vmem>>) semaphore(%arg8 : memref<!tpu.dma_semaphore, #tpu.memory_space<semaphore_mem>>)
    %dma_wait3A_480 = arith.constant 0 : i32
    %dma_wait3A_481 = arith.constant 0 : i32
    %dma_wait3A_482 = arith.constant 0 : i32
    %dma_wait3A_483 = tpu.memref_slice %arg6[%dma_wait3A_480, %dma_wait3A_481, %dma_wait3A_482] : memref<2x1000x32xf32, #tpu.memory_space<vmem>> -> memref<1x1000x32xf32, #tpu.memory_space<vmem>>
    %dma_wait3A_484 = tpu.memref_squeeze %dma_wait3A_483 : memref<1x1000x32xf32, #tpu.memory_space<vmem>> -> memref<1000x32xf32, #tpu.memory_space<vmem>>
    %dma_wait3A_485 = arith.constant 20000 : i32
    %dma_wait3A_486 = tpu.memref_slice %arg5[%dma_wait3A_485] : memref<50000xi32, #tpu.memory_space<vmem>> -> memref<1000xi32, #tpu.memory_space<vmem>>
    %dma_wait3A_487 = arith.constant 0 : i32
    %dma_wait3A_488 = arith.constant 0 : i32
    %dma_wait3A_489 = tpu.memref_slice %arg2[%dma_wait3A_487, %dma_wait3A_488] : memref<100000x32xf32, #tpu.memory_space<hbm>> -> memref<100000x32xf32, #tpu.memory_space<hbm>>
    tpu.wait_indirect_dma semaphore(%arg7 : memref<!tpu.dma_semaphore, #tpu.memory_space<semaphore_mem>>) src(%dma_wait3A_489 : memref<100000x32xf32, #tpu.memory_space<hbm>>) dst(%dma_wait3A_484 : memref<1000x32xf32, #tpu.memory_space<vmem>>)
    %add3A_490 = arith.constant 20000 : i32
    %add3A_491 = arith.addi %mul3A_2, %add3A_490 : i32
    %run_scoped3A_492 = arith.constant 0 : i32
    "tpu.region"() ({
      %run_scoped3A_1150 = tpu.sem_alloc : memref<!tpu.dma_semaphore, #tpu.memory_space<semaphore_mem>>
      %dma_start3A_1151 = arith.constant 0 : i32
      %dma_start3A_1152 = arith.constant 0 : i32
      %dma_start3A_1153 = tpu.memref_slice %arg6[%run_scoped3A_492, %dma_start3A_1151, %dma_start3A_1152] : memref<2x1000x32xf32, #tpu.memory_space<vmem>> -> memref<1x1000x32xf32, #tpu.memory_space<vmem>>
      %dma_start3A_1154 = tpu.memref_squeeze %dma_start3A_1153 : memref<1x1000x32xf32, #tpu.memory_space<vmem>> -> memref<1000x32xf32, #tpu.memory_space<vmem>>
      %dma_start3A_1155 = arith.constant 0 : i32
      %dma_start3A_1156 = tpu.memref_slice %arg4[%add3A_491, %dma_start3A_1155] : memref<1600000x32xf32, #tpu.memory_space<hbm>> -> memref<1000x32xf32, #tpu.memory_space<hbm>>
      %dma_start3A_1157 = arith.constant 0 : i32
      %dma_start3A_1158 = tpu.memref_slice %arg4[%add3A_491, %dma_start3A_1157] : memref<1600000x32xf32, #tpu.memory_space<hbm>> -> memref<1000x32xf32, #tpu.memory_space<hbm>>
      %dma_start3A_1159 = arith.constant 0 : i32
      %dma_start3A_1160 = arith.constant 0 : i32
      %dma_start3A_1161 = tpu.memref_slice %arg6[%run_scoped3A_492, %dma_start3A_1159, %dma_start3A_1160] : memref<2x1000x32xf32, #tpu.memory_space<vmem>> -> memref<1x1000x32xf32, #tpu.memory_space<vmem>>
      %dma_start3A_1162 = tpu.memref_squeeze %dma_start3A_1161 : memref<1x1000x32xf32, #tpu.memory_space<vmem>> -> memref<1000x32xf32, #tpu.memory_space<vmem>>
      tpu.enqueue_dma source(%dma_start3A_1162 : memref<1000x32xf32, #tpu.memory_space<vmem>>) target(%dma_start3A_1158 : memref<1000x32xf32, #tpu.memory_space<hbm>>) target_semaphore(%run_scoped3A_1150 : memref<!tpu.dma_semaphore, #tpu.memory_space<semaphore_mem>>)
      %dma_wait3A_1163 = arith.constant 0 : i32
      %dma_wait3A_1164 = arith.constant 0 : i32
      %dma_wait3A_1165 = tpu.memref_slice %arg6[%run_scoped3A_492, %dma_wait3A_1163, %dma_wait3A_1164] : memref<2x1000x32xf32, #tpu.memory_space<vmem>> -> memref<1x1000x32xf32, #tpu.memory_space<vmem>>
      %dma_wait3A_1166 = tpu.memref_squeeze %dma_wait3A_1165 : memref<1x1000x32xf32, #tpu.memory_space<vmem>> -> memref<1000x32xf32, #tpu.memory_space<vmem>>
      %dma_wait3A_1167 = arith.constant 0 : i32
      %dma_wait3A_1168 = tpu.memref_slice %arg4[%add3A_491, %dma_wait3A_1167] : memref<1600000x32xf32, #tpu.memory_space<hbm>> -> memref<1000x32xf32, #tpu.memory_space<hbm>>
      %dma_wait3A_1169 = arith.constant 0 : i32
      %dma_wait3A_1170 = tpu.memref_slice %arg4[%add3A_491, %dma_wait3A_1169] : memref<1600000x32xf32, #tpu.memory_space<hbm>> -> memref<1000x32xf32, #tpu.memory_space<hbm>>
      %dma_wait3A_1171 = arith.constant 0 : i32
      %dma_wait3A_1172 = arith.constant 0 : i32
      %dma_wait3A_1173 = tpu.memref_slice %arg6[%run_scoped3A_492, %dma_wait3A_1171, %dma_wait3A_1172] : memref<2x1000x32xf32, #tpu.memory_space<vmem>> -> memref<1x1000x32xf32, #tpu.memory_space<vmem>>
      %dma_wait3A_1174 = tpu.memref_squeeze %dma_wait3A_1173 : memref<1x1000x32xf32, #tpu.memory_space<vmem>> -> memref<1000x32xf32, #tpu.memory_space<vmem>>
      tpu.wait_dma2 semaphore(%run_scoped3A_1150 : memref<!tpu.dma_semaphore, #tpu.memory_space<semaphore_mem>>) src(%dma_wait3A_1174 : memref<1000x32xf32, #tpu.memory_space<vmem>>) dst(%dma_wait3A_1170 : memref<1000x32xf32, #tpu.memory_space<hbm>>)
      tpu.yield
    }) : () -> ()
    %dma_start3A_493 = arith.constant 0 : i32
    %dma_start3A_494 = arith.constant 0 : i32
    %dma_start3A_495 = arith.constant 0 : i32
    %dma_start3A_496 = tpu.memref_slice %arg6[%dma_start3A_493, %dma_start3A_494, %dma_start3A_495] : memref<2x1000x32xf32, #tpu.memory_space<vmem>> -> memref<1x1000x32xf32, #tpu.memory_space<vmem>>
    %dma_start3A_497 = tpu.memref_squeeze %dma_start3A_496 : memref<1x1000x32xf32, #tpu.memory_space<vmem>> -> memref<1000x32xf32, #tpu.memory_space<vmem>>
    %dma_start3A_498 = arith.constant 22000 : i32
    %dma_start3A_499 = tpu.memref_slice %arg5[%dma_start3A_498] : memref<50000xi32, #tpu.memory_space<vmem>> -> memref<1000xi32, #tpu.memory_space<vmem>>
    %dma_start3A_500 = arith.constant 0 : i32
    %dma_start3A_501 = arith.constant 0 : i32
    %dma_start3A_502 = tpu.memref_slice %arg2[%dma_start3A_500, %dma_start3A_501] : memref<100000x32xf32, #tpu.memory_space<hbm>> -> memref<100000x32xf32, #tpu.memory_space<hbm>>
    tpu.enqueue_indirect_dma source(%dma_start3A_502 : memref<100000x32xf32, #tpu.memory_space<hbm>>) target(%dma_start3A_497 : memref<1000x32xf32, #tpu.memory_space<vmem>>) offsets(%dma_start3A_499 : memref<1000xi32, #tpu.memory_space<vmem>>) semaphore(%arg7 : memref<!tpu.dma_semaphore, #tpu.memory_space<semaphore_mem>>)
    %dma_wait3A_503 = arith.constant 1 : i32
    %dma_wait3A_504 = arith.constant 0 : i32
    %dma_wait3A_505 = arith.constant 0 : i32
    %dma_wait3A_506 = tpu.memref_slice %arg6[%dma_wait3A_503, %dma_wait3A_504, %dma_wait3A_505] : memref<2x1000x32xf32, #tpu.memory_space<vmem>> -> memref<1x1000x32xf32, #tpu.memory_space<vmem>>
    %dma_wait3A_507 = tpu.memref_squeeze %dma_wait3A_506 : memref<1x1000x32xf32, #tpu.memory_space<vmem>> -> memref<1000x32xf32, #tpu.memory_space<vmem>>
    %dma_wait3A_508 = arith.constant 21000 : i32
    %dma_wait3A_509 = tpu.memref_slice %arg5[%dma_wait3A_508] : memref<50000xi32, #tpu.memory_space<vmem>> -> memref<1000xi32, #tpu.memory_space<vmem>>
    %dma_wait3A_510 = arith.constant 0 : i32
    %dma_wait3A_511 = arith.constant 0 : i32
    %dma_wait3A_512 = tpu.memref_slice %arg2[%dma_wait3A_510, %dma_wait3A_511] : memref<100000x32xf32, #tpu.memory_space<hbm>> -> memref<100000x32xf32, #tpu.memory_space<hbm>>
    tpu.wait_indirect_dma semaphore(%arg8 : memref<!tpu.dma_semaphore, #tpu.memory_space<semaphore_mem>>) src(%dma_wait3A_512 : memref<100000x32xf32, #tpu.memory_space<hbm>>) dst(%dma_wait3A_507 : memref<1000x32xf32, #tpu.memory_space<vmem>>)
    %add3A_513 = arith.constant 21000 : i32
    %add3A_514 = arith.addi %mul3A_2, %add3A_513 : i32
    %run_scoped3A_515 = arith.constant 1 : i32
    "tpu.region"() ({
      %run_scoped3A_1150 = tpu.sem_alloc : memref<!tpu.dma_semaphore, #tpu.memory_space<semaphore_mem>>
      %dma_start3A_1151 = arith.constant 0 : i32
      %dma_start3A_1152 = arith.constant 0 : i32
      %dma_start3A_1153 = tpu.memref_slice %arg6[%run_scoped3A_515, %dma_start3A_1151, %dma_start3A_1152] : memref<2x1000x32xf32, #tpu.memory_space<vmem>> -> memref<1x1000x32xf32, #tpu.memory_space<vmem>>
      %dma_start3A_1154 = tpu.memref_squeeze %dma_start3A_1153 : memref<1x1000x32xf32, #tpu.memory_space<vmem>> -> memref<1000x32xf32, #tpu.memory_space<vmem>>
      %dma_start3A_1155 = arith.constant 0 : i32
      %dma_start3A_1156 = tpu.memref_slice %arg4[%add3A_514, %dma_start3A_1155] : memref<1600000x32xf32, #tpu.memory_space<hbm>> -> memref<1000x32xf32, #tpu.memory_space<hbm>>
      %dma_start3A_1157 = arith.constant 0 : i32
      %dma_start3A_1158 = tpu.memref_slice %arg4[%add3A_514, %dma_start3A_1157] : memref<1600000x32xf32, #tpu.memory_space<hbm>> -> memref<1000x32xf32, #tpu.memory_space<hbm>>
      %dma_start3A_1159 = arith.constant 0 : i32
      %dma_start3A_1160 = arith.constant 0 : i32
      %dma_start3A_1161 = tpu.memref_slice %arg6[%run_scoped3A_515, %dma_start3A_1159, %dma_start3A_1160] : memref<2x1000x32xf32, #tpu.memory_space<vmem>> -> memref<1x1000x32xf32, #tpu.memory_space<vmem>>
      %dma_start3A_1162 = tpu.memref_squeeze %dma_start3A_1161 : memref<1x1000x32xf32, #tpu.memory_space<vmem>> -> memref<1000x32xf32, #tpu.memory_space<vmem>>
      tpu.enqueue_dma source(%dma_start3A_1162 : memref<1000x32xf32, #tpu.memory_space<vmem>>) target(%dma_start3A_1158 : memref<1000x32xf32, #tpu.memory_space<hbm>>) target_semaphore(%run_scoped3A_1150 : memref<!tpu.dma_semaphore, #tpu.memory_space<semaphore_mem>>)
      %dma_wait3A_1163 = arith.constant 0 : i32
      %dma_wait3A_1164 = arith.constant 0 : i32
      %dma_wait3A_1165 = tpu.memref_slice %arg6[%run_scoped3A_515, %dma_wait3A_1163, %dma_wait3A_1164] : memref<2x1000x32xf32, #tpu.memory_space<vmem>> -> memref<1x1000x32xf32, #tpu.memory_space<vmem>>
      %dma_wait3A_1166 = tpu.memref_squeeze %dma_wait3A_1165 : memref<1x1000x32xf32, #tpu.memory_space<vmem>> -> memref<1000x32xf32, #tpu.memory_space<vmem>>
      %dma_wait3A_1167 = arith.constant 0 : i32
      %dma_wait3A_1168 = tpu.memref_slice %arg4[%add3A_514, %dma_wait3A_1167] : memref<1600000x32xf32, #tpu.memory_space<hbm>> -> memref<1000x32xf32, #tpu.memory_space<hbm>>
      %dma_wait3A_1169 = arith.constant 0 : i32
      %dma_wait3A_1170 = tpu.memref_slice %arg4[%add3A_514, %dma_wait3A_1169] : memref<1600000x32xf32, #tpu.memory_space<hbm>> -> memref<1000x32xf32, #tpu.memory_space<hbm>>
      %dma_wait3A_1171 = arith.constant 0 : i32
      %dma_wait3A_1172 = arith.constant 0 : i32
      %dma_wait3A_1173 = tpu.memref_slice %arg6[%run_scoped3A_515, %dma_wait3A_1171, %dma_wait3A_1172] : memref<2x1000x32xf32, #tpu.memory_space<vmem>> -> memref<1x1000x32xf32, #tpu.memory_space<vmem>>
      %dma_wait3A_1174 = tpu.memref_squeeze %dma_wait3A_1173 : memref<1x1000x32xf32, #tpu.memory_space<vmem>> -> memref<1000x32xf32, #tpu.memory_space<vmem>>
      tpu.wait_dma2 semaphore(%run_scoped3A_1150 : memref<!tpu.dma_semaphore, #tpu.memory_space<semaphore_mem>>) src(%dma_wait3A_1174 : memref<1000x32xf32, #tpu.memory_space<vmem>>) dst(%dma_wait3A_1170 : memref<1000x32xf32, #tpu.memory_space<hbm>>)
      tpu.yield
    }) : () -> ()
    %dma_start3A_516 = arith.constant 1 : i32
    %dma_start3A_517 = arith.constant 0 : i32
    %dma_start3A_518 = arith.constant 0 : i32
    %dma_start3A_519 = tpu.memref_slice %arg6[%dma_start3A_516, %dma_start3A_517, %dma_start3A_518] : memref<2x1000x32xf32, #tpu.memory_space<vmem>> -> memref<1x1000x32xf32, #tpu.memory_space<vmem>>
    %dma_start3A_520 = tpu.memref_squeeze %dma_start3A_519 : memref<1x1000x32xf32, #tpu.memory_space<vmem>> -> memref<1000x32xf32, #tpu.memory_space<vmem>>
    %dma_start3A_521 = arith.constant 23000 : i32
    %dma_start3A_522 = tpu.memref_slice %arg5[%dma_start3A_521] : memref<50000xi32, #tpu.memory_space<vmem>> -> memref<1000xi32, #tpu.memory_space<vmem>>
    %dma_start3A_523 = arith.constant 0 : i32
    %dma_start3A_524 = arith.constant 0 : i32
    %dma_start3A_525 = tpu.memref_slice %arg2[%dma_start3A_523, %dma_start3A_524] : memref<100000x32xf32, #tpu.memory_space<hbm>> -> memref<100000x32xf32, #tpu.memory_space<hbm>>
    tpu.enqueue_indirect_dma source(%dma_start3A_525 : memref<100000x32xf32, #tpu.memory_space<hbm>>) target(%dma_start3A_520 : memref<1000x32xf32, #tpu.memory_space<vmem>>) offsets(%dma_start3A_522 : memref<1000xi32, #tpu.memory_space<vmem>>) semaphore(%arg8 : memref<!tpu.dma_semaphore, #tpu.memory_space<semaphore_mem>>)
    %dma_wait3A_526 = arith.constant 0 : i32
    %dma_wait3A_527 = arith.constant 0 : i32
    %dma_wait3A_528 = arith.constant 0 : i32
    %dma_wait3A_529 = tpu.memref_slice %arg6[%dma_wait3A_526, %dma_wait3A_527, %dma_wait3A_528] : memref<2x1000x32xf32, #tpu.memory_space<vmem>> -> memref<1x1000x32xf32, #tpu.memory_space<vmem>>
    %dma_wait3A_530 = tpu.memref_squeeze %dma_wait3A_529 : memref<1x1000x32xf32, #tpu.memory_space<vmem>> -> memref<1000x32xf32, #tpu.memory_space<vmem>>
    %dma_wait3A_531 = arith.constant 22000 : i32
    %dma_wait3A_532 = tpu.memref_slice %arg5[%dma_wait3A_531] : memref<50000xi32, #tpu.memory_space<vmem>> -> memref<1000xi32, #tpu.memory_space<vmem>>
    %dma_wait3A_533 = arith.constant 0 : i32
    %dma_wait3A_534 = arith.constant 0 : i32
    %dma_wait3A_535 = tpu.memref_slice %arg2[%dma_wait3A_533, %dma_wait3A_534] : memref<100000x32xf32, #tpu.memory_space<hbm>> -> memref<100000x32xf32, #tpu.memory_space<hbm>>
    tpu.wait_indirect_dma semaphore(%arg7 : memref<!tpu.dma_semaphore, #tpu.memory_space<semaphore_mem>>) src(%dma_wait3A_535 : memref<100000x32xf32, #tpu.memory_space<hbm>>) dst(%dma_wait3A_530 : memref<1000x32xf32, #tpu.memory_space<vmem>>)
    %add3A_536 = arith.constant 22000 : i32
    %add3A_537 = arith.addi %mul3A_2, %add3A_536 : i32
    %run_scoped3A_538 = arith.constant 0 : i32
    "tpu.region"() ({
      %run_scoped3A_1150 = tpu.sem_alloc : memref<!tpu.dma_semaphore, #tpu.memory_space<semaphore_mem>>
      %dma_start3A_1151 = arith.constant 0 : i32
      %dma_start3A_1152 = arith.constant 0 : i32
      %dma_start3A_1153 = tpu.memref_slice %arg6[%run_scoped3A_538, %dma_start3A_1151, %dma_start3A_1152] : memref<2x1000x32xf32, #tpu.memory_space<vmem>> -> memref<1x1000x32xf32, #tpu.memory_space<vmem>>
      %dma_start3A_1154 = tpu.memref_squeeze %dma_start3A_1153 : memref<1x1000x32xf32, #tpu.memory_space<vmem>> -> memref<1000x32xf32, #tpu.memory_space<vmem>>
      %dma_start3A_1155 = arith.constant 0 : i32
      %dma_start3A_1156 = tpu.memref_slice %arg4[%add3A_537, %dma_start3A_1155] : memref<1600000x32xf32, #tpu.memory_space<hbm>> -> memref<1000x32xf32, #tpu.memory_space<hbm>>
      %dma_start3A_1157 = arith.constant 0 : i32
      %dma_start3A_1158 = tpu.memref_slice %arg4[%add3A_537, %dma_start3A_1157] : memref<1600000x32xf32, #tpu.memory_space<hbm>> -> memref<1000x32xf32, #tpu.memory_space<hbm>>
      %dma_start3A_1159 = arith.constant 0 : i32
      %dma_start3A_1160 = arith.constant 0 : i32
      %dma_start3A_1161 = tpu.memref_slice %arg6[%run_scoped3A_538, %dma_start3A_1159, %dma_start3A_1160] : memref<2x1000x32xf32, #tpu.memory_space<vmem>> -> memref<1x1000x32xf32, #tpu.memory_space<vmem>>
      %dma_start3A_1162 = tpu.memref_squeeze %dma_start3A_1161 : memref<1x1000x32xf32, #tpu.memory_space<vmem>> -> memref<1000x32xf32, #tpu.memory_space<vmem>>
      tpu.enqueue_dma source(%dma_start3A_1162 : memref<1000x32xf32, #tpu.memory_space<vmem>>) target(%dma_start3A_1158 : memref<1000x32xf32, #tpu.memory_space<hbm>>) target_semaphore(%run_scoped3A_1150 : memref<!tpu.dma_semaphore, #tpu.memory_space<semaphore_mem>>)
      %dma_wait3A_1163 = arith.constant 0 : i32
      %dma_wait3A_1164 = arith.constant 0 : i32
      %dma_wait3A_1165 = tpu.memref_slice %arg6[%run_scoped3A_538, %dma_wait3A_1163, %dma_wait3A_1164] : memref<2x1000x32xf32, #tpu.memory_space<vmem>> -> memref<1x1000x32xf32, #tpu.memory_space<vmem>>
      %dma_wait3A_1166 = tpu.memref_squeeze %dma_wait3A_1165 : memref<1x1000x32xf32, #tpu.memory_space<vmem>> -> memref<1000x32xf32, #tpu.memory_space<vmem>>
      %dma_wait3A_1167 = arith.constant 0 : i32
      %dma_wait3A_1168 = tpu.memref_slice %arg4[%add3A_537, %dma_wait3A_1167] : memref<1600000x32xf32, #tpu.memory_space<hbm>> -> memref<1000x32xf32, #tpu.memory_space<hbm>>
      %dma_wait3A_1169 = arith.constant 0 : i32
      %dma_wait3A_1170 = tpu.memref_slice %arg4[%add3A_537, %dma_wait3A_1169] : memref<1600000x32xf32, #tpu.memory_space<hbm>> -> memref<1000x32xf32, #tpu.memory_space<hbm>>
      %dma_wait3A_1171 = arith.constant 0 : i32
      %dma_wait3A_1172 = arith.constant 0 : i32
      %dma_wait3A_1173 = tpu.memref_slice %arg6[%run_scoped3A_538, %dma_wait3A_1171, %dma_wait3A_1172] : memref<2x1000x32xf32, #tpu.memory_space<vmem>> -> memref<1x1000x32xf32, #tpu.memory_space<vmem>>
      %dma_wait3A_1174 = tpu.memref_squeeze %dma_wait3A_1173 : memref<1x1000x32xf32, #tpu.memory_space<vmem>> -> memref<1000x32xf32, #tpu.memory_space<vmem>>
      tpu.wait_dma2 semaphore(%run_scoped3A_1150 : memref<!tpu.dma_semaphore, #tpu.memory_space<semaphore_mem>>) src(%dma_wait3A_1174 : memref<1000x32xf32, #tpu.memory_space<vmem>>) dst(%dma_wait3A_1170 : memref<1000x32xf32, #tpu.memory_space<hbm>>)
      tpu.yield
    }) : () -> ()
    %dma_start3A_539 = arith.constant 0 : i32
    %dma_start3A_540 = arith.constant 0 : i32
    %dma_start3A_541 = arith.constant 0 : i32
    %dma_start3A_542 = tpu.memref_slice %arg6[%dma_start3A_539, %dma_start3A_540, %dma_start3A_541] : memref<2x1000x32xf32, #tpu.memory_space<vmem>> -> memref<1x1000x32xf32, #tpu.memory_space<vmem>>
    %dma_start3A_543 = tpu.memref_squeeze %dma_start3A_542 : memref<1x1000x32xf32, #tpu.memory_space<vmem>> -> memref<1000x32xf32, #tpu.memory_space<vmem>>
    %dma_start3A_544 = arith.constant 24000 : i32
    %dma_start3A_545 = tpu.memref_slice %arg5[%dma_start3A_544] : memref<50000xi32, #tpu.memory_space<vmem>> -> memref<1000xi32, #tpu.memory_space<vmem>>
    %dma_start3A_546 = arith.constant 0 : i32
    %dma_start3A_547 = arith.constant 0 : i32
    %dma_start3A_548 = tpu.memref_slice %arg2[%dma_start3A_546, %dma_start3A_547] : memref<100000x32xf32, #tpu.memory_space<hbm>> -> memref<100000x32xf32, #tpu.memory_space<hbm>>
    tpu.enqueue_indirect_dma source(%dma_start3A_548 : memref<100000x32xf32, #tpu.memory_space<hbm>>) target(%dma_start3A_543 : memref<1000x32xf32, #tpu.memory_space<vmem>>) offsets(%dma_start3A_545 : memref<1000xi32, #tpu.memory_space<vmem>>) semaphore(%arg7 : memref<!tpu.dma_semaphore, #tpu.memory_space<semaphore_mem>>)
    %dma_wait3A_549 = arith.constant 1 : i32
    %dma_wait3A_550 = arith.constant 0 : i32
    %dma_wait3A_551 = arith.constant 0 : i32
    %dma_wait3A_552 = tpu.memref_slice %arg6[%dma_wait3A_549, %dma_wait3A_550, %dma_wait3A_551] : memref<2x1000x32xf32, #tpu.memory_space<vmem>> -> memref<1x1000x32xf32, #tpu.memory_space<vmem>>
    %dma_wait3A_553 = tpu.memref_squeeze %dma_wait3A_552 : memref<1x1000x32xf32, #tpu.memory_space<vmem>> -> memref<1000x32xf32, #tpu.memory_space<vmem>>
    %dma_wait3A_554 = arith.constant 23000 : i32
    %dma_wait3A_555 = tpu.memref_slice %arg5[%dma_wait3A_554] : memref<50000xi32, #tpu.memory_space<vmem>> -> memref<1000xi32, #tpu.memory_space<vmem>>
    %dma_wait3A_556 = arith.constant 0 : i32
    %dma_wait3A_557 = arith.constant 0 : i32
    %dma_wait3A_558 = tpu.memref_slice %arg2[%dma_wait3A_556, %dma_wait3A_557] : memref<100000x32xf32, #tpu.memory_space<hbm>> -> memref<100000x32xf32, #tpu.memory_space<hbm>>
    tpu.wait_indirect_dma semaphore(%arg8 : memref<!tpu.dma_semaphore, #tpu.memory_space<semaphore_mem>>) src(%dma_wait3A_558 : memref<100000x32xf32, #tpu.memory_space<hbm>>) dst(%dma_wait3A_553 : memref<1000x32xf32, #tpu.memory_space<vmem>>)
    %add3A_559 = arith.constant 23000 : i32
    %add3A_560 = arith.addi %mul3A_2, %add3A_559 : i32
    %run_scoped3A_561 = arith.constant 1 : i32
    "tpu.region"() ({
      %run_scoped3A_1150 = tpu.sem_alloc : memref<!tpu.dma_semaphore, #tpu.memory_space<semaphore_mem>>
      %dma_start3A_1151 = arith.constant 0 : i32
      %dma_start3A_1152 = arith.constant 0 : i32
      %dma_start3A_1153 = tpu.memref_slice %arg6[%run_scoped3A_561, %dma_start3A_1151, %dma_start3A_1152] : memref<2x1000x32xf32, #tpu.memory_space<vmem>> -> memref<1x1000x32xf32, #tpu.memory_space<vmem>>
      %dma_start3A_1154 = tpu.memref_squeeze %dma_start3A_1153 : memref<1x1000x32xf32, #tpu.memory_space<vmem>> -> memref<1000x32xf32, #tpu.memory_space<vmem>>
      %dma_start3A_1155 = arith.constant 0 : i32
      %dma_start3A_1156 = tpu.memref_slice %arg4[%add3A_560, %dma_start3A_1155] : memref<1600000x32xf32, #tpu.memory_space<hbm>> -> memref<1000x32xf32, #tpu.memory_space<hbm>>
      %dma_start3A_1157 = arith.constant 0 : i32
      %dma_start3A_1158 = tpu.memref_slice %arg4[%add3A_560, %dma_start3A_1157] : memref<1600000x32xf32, #tpu.memory_space<hbm>> -> memref<1000x32xf32, #tpu.memory_space<hbm>>
      %dma_start3A_1159 = arith.constant 0 : i32
      %dma_start3A_1160 = arith.constant 0 : i32
      %dma_start3A_1161 = tpu.memref_slice %arg6[%run_scoped3A_561, %dma_start3A_1159, %dma_start3A_1160] : memref<2x1000x32xf32, #tpu.memory_space<vmem>> -> memref<1x1000x32xf32, #tpu.memory_space<vmem>>
      %dma_start3A_1162 = tpu.memref_squeeze %dma_start3A_1161 : memref<1x1000x32xf32, #tpu.memory_space<vmem>> -> memref<1000x32xf32, #tpu.memory_space<vmem>>
      tpu.enqueue_dma source(%dma_start3A_1162 : memref<1000x32xf32, #tpu.memory_space<vmem>>) target(%dma_start3A_1158 : memref<1000x32xf32, #tpu.memory_space<hbm>>) target_semaphore(%run_scoped3A_1150 : memref<!tpu.dma_semaphore, #tpu.memory_space<semaphore_mem>>)
      %dma_wait3A_1163 = arith.constant 0 : i32
      %dma_wait3A_1164 = arith.constant 0 : i32
      %dma_wait3A_1165 = tpu.memref_slice %arg6[%run_scoped3A_561, %dma_wait3A_1163, %dma_wait3A_1164] : memref<2x1000x32xf32, #tpu.memory_space<vmem>> -> memref<1x1000x32xf32, #tpu.memory_space<vmem>>
      %dma_wait3A_1166 = tpu.memref_squeeze %dma_wait3A_1165 : memref<1x1000x32xf32, #tpu.memory_space<vmem>> -> memref<1000x32xf32, #tpu.memory_space<vmem>>
      %dma_wait3A_1167 = arith.constant 0 : i32
      %dma_wait3A_1168 = tpu.memref_slice %arg4[%add3A_560, %dma_wait3A_1167] : memref<1600000x32xf32, #tpu.memory_space<hbm>> -> memref<1000x32xf32, #tpu.memory_space<hbm>>
      %dma_wait3A_1169 = arith.constant 0 : i32
      %dma_wait3A_1170 = tpu.memref_slice %arg4[%add3A_560, %dma_wait3A_1169] : memref<1600000x32xf32, #tpu.memory_space<hbm>> -> memref<1000x32xf32, #tpu.memory_space<hbm>>
      %dma_wait3A_1171 = arith.constant 0 : i32
      %dma_wait3A_1172 = arith.constant 0 : i32
      %dma_wait3A_1173 = tpu.memref_slice %arg6[%run_scoped3A_561, %dma_wait3A_1171, %dma_wait3A_1172] : memref<2x1000x32xf32, #tpu.memory_space<vmem>> -> memref<1x1000x32xf32, #tpu.memory_space<vmem>>
      %dma_wait3A_1174 = tpu.memref_squeeze %dma_wait3A_1173 : memref<1x1000x32xf32, #tpu.memory_space<vmem>> -> memref<1000x32xf32, #tpu.memory_space<vmem>>
      tpu.wait_dma2 semaphore(%run_scoped3A_1150 : memref<!tpu.dma_semaphore, #tpu.memory_space<semaphore_mem>>) src(%dma_wait3A_1174 : memref<1000x32xf32, #tpu.memory_space<vmem>>) dst(%dma_wait3A_1170 : memref<1000x32xf32, #tpu.memory_space<hbm>>)
      tpu.yield
    }) : () -> ()
    %dma_start3A_562 = arith.constant 1 : i32
    %dma_start3A_563 = arith.constant 0 : i32
    %dma_start3A_564 = arith.constant 0 : i32
    %dma_start3A_565 = tpu.memref_slice %arg6[%dma_start3A_562, %dma_start3A_563, %dma_start3A_564] : memref<2x1000x32xf32, #tpu.memory_space<vmem>> -> memref<1x1000x32xf32, #tpu.memory_space<vmem>>
    %dma_start3A_566 = tpu.memref_squeeze %dma_start3A_565 : memref<1x1000x32xf32, #tpu.memory_space<vmem>> -> memref<1000x32xf32, #tpu.memory_space<vmem>>
    %dma_start3A_567 = arith.constant 25000 : i32
    %dma_start3A_568 = tpu.memref_slice %arg5[%dma_start3A_567] : memref<50000xi32, #tpu.memory_space<vmem>> -> memref<1000xi32, #tpu.memory_space<vmem>>
    %dma_start3A_569 = arith.constant 0 : i32
    %dma_start3A_570 = arith.constant 0 : i32
    %dma_start3A_571 = tpu.memref_slice %arg2[%dma_start3A_569, %dma_start3A_570] : memref<100000x32xf32, #tpu.memory_space<hbm>> -> memref<100000x32xf32, #tpu.memory_space<hbm>>
    tpu.enqueue_indirect_dma source(%dma_start3A_571 : memref<100000x32xf32, #tpu.memory_space<hbm>>) target(%dma_start3A_566 : memref<1000x32xf32, #tpu.memory_space<vmem>>) offsets(%dma_start3A_568 : memref<1000xi32, #tpu.memory_space<vmem>>) semaphore(%arg8 : memref<!tpu.dma_semaphore, #tpu.memory_space<semaphore_mem>>)
    %dma_wait3A_572 = arith.constant 0 : i32
    %dma_wait3A_573 = arith.constant 0 : i32
    %dma_wait3A_574 = arith.constant 0 : i32
    %dma_wait3A_575 = tpu.memref_slice %arg6[%dma_wait3A_572, %dma_wait3A_573, %dma_wait3A_574] : memref<2x1000x32xf32, #tpu.memory_space<vmem>> -> memref<1x1000x32xf32, #tpu.memory_space<vmem>>
    %dma_wait3A_576 = tpu.memref_squeeze %dma_wait3A_575 : memref<1x1000x32xf32, #tpu.memory_space<vmem>> -> memref<1000x32xf32, #tpu.memory_space<vmem>>
    %dma_wait3A_577 = arith.constant 24000 : i32
    %dma_wait3A_578 = tpu.memref_slice %arg5[%dma_wait3A_577] : memref<50000xi32, #tpu.memory_space<vmem>> -> memref<1000xi32, #tpu.memory_space<vmem>>
    %dma_wait3A_579 = arith.constant 0 : i32
    %dma_wait3A_580 = arith.constant 0 : i32
    %dma_wait3A_581 = tpu.memref_slice %arg2[%dma_wait3A_579, %dma_wait3A_580] : memref<100000x32xf32, #tpu.memory_space<hbm>> -> memref<100000x32xf32, #tpu.memory_space<hbm>>
    tpu.wait_indirect_dma semaphore(%arg7 : memref<!tpu.dma_semaphore, #tpu.memory_space<semaphore_mem>>) src(%dma_wait3A_581 : memref<100000x32xf32, #tpu.memory_space<hbm>>) dst(%dma_wait3A_576 : memref<1000x32xf32, #tpu.memory_space<vmem>>)
    %add3A_582 = arith.constant 24000 : i32
    %add3A_583 = arith.addi %mul3A_2, %add3A_582 : i32
    %run_scoped3A_584 = arith.constant 0 : i32
    "tpu.region"() ({
      %run_scoped3A_1150 = tpu.sem_alloc : memref<!tpu.dma_semaphore, #tpu.memory_space<semaphore_mem>>
      %dma_start3A_1151 = arith.constant 0 : i32
      %dma_start3A_1152 = arith.constant 0 : i32
      %dma_start3A_1153 = tpu.memref_slice %arg6[%run_scoped3A_584, %dma_start3A_1151, %dma_start3A_1152] : memref<2x1000x32xf32, #tpu.memory_space<vmem>> -> memref<1x1000x32xf32, #tpu.memory_space<vmem>>
      %dma_start3A_1154 = tpu.memref_squeeze %dma_start3A_1153 : memref<1x1000x32xf32, #tpu.memory_space<vmem>> -> memref<1000x32xf32, #tpu.memory_space<vmem>>
      %dma_start3A_1155 = arith.constant 0 : i32
      %dma_start3A_1156 = tpu.memref_slice %arg4[%add3A_583, %dma_start3A_1155] : memref<1600000x32xf32, #tpu.memory_space<hbm>> -> memref<1000x32xf32, #tpu.memory_space<hbm>>
      %dma_start3A_1157 = arith.constant 0 : i32
      %dma_start3A_1158 = tpu.memref_slice %arg4[%add3A_583, %dma_start3A_1157] : memref<1600000x32xf32, #tpu.memory_space<hbm>> -> memref<1000x32xf32, #tpu.memory_space<hbm>>
      %dma_start3A_1159 = arith.constant 0 : i32
      %dma_start3A_1160 = arith.constant 0 : i32
      %dma_start3A_1161 = tpu.memref_slice %arg6[%run_scoped3A_584, %dma_start3A_1159, %dma_start3A_1160] : memref<2x1000x32xf32, #tpu.memory_space<vmem>> -> memref<1x1000x32xf32, #tpu.memory_space<vmem>>
      %dma_start3A_1162 = tpu.memref_squeeze %dma_start3A_1161 : memref<1x1000x32xf32, #tpu.memory_space<vmem>> -> memref<1000x32xf32, #tpu.memory_space<vmem>>
      tpu.enqueue_dma source(%dma_start3A_1162 : memref<1000x32xf32, #tpu.memory_space<vmem>>) target(%dma_start3A_1158 : memref<1000x32xf32, #tpu.memory_space<hbm>>) target_semaphore(%run_scoped3A_1150 : memref<!tpu.dma_semaphore, #tpu.memory_space<semaphore_mem>>)
      %dma_wait3A_1163 = arith.constant 0 : i32
      %dma_wait3A_1164 = arith.constant 0 : i32
      %dma_wait3A_1165 = tpu.memref_slice %arg6[%run_scoped3A_584, %dma_wait3A_1163, %dma_wait3A_1164] : memref<2x1000x32xf32, #tpu.memory_space<vmem>> -> memref<1x1000x32xf32, #tpu.memory_space<vmem>>
      %dma_wait3A_1166 = tpu.memref_squeeze %dma_wait3A_1165 : memref<1x1000x32xf32, #tpu.memory_space<vmem>> -> memref<1000x32xf32, #tpu.memory_space<vmem>>
      %dma_wait3A_1167 = arith.constant 0 : i32
      %dma_wait3A_1168 = tpu.memref_slice %arg4[%add3A_583, %dma_wait3A_1167] : memref<1600000x32xf32, #tpu.memory_space<hbm>> -> memref<1000x32xf32, #tpu.memory_space<hbm>>
      %dma_wait3A_1169 = arith.constant 0 : i32
      %dma_wait3A_1170 = tpu.memref_slice %arg4[%add3A_583, %dma_wait3A_1169] : memref<1600000x32xf32, #tpu.memory_space<hbm>> -> memref<1000x32xf32, #tpu.memory_space<hbm>>
      %dma_wait3A_1171 = arith.constant 0 : i32
      %dma_wait3A_1172 = arith.constant 0 : i32
      %dma_wait3A_1173 = tpu.memref_slice %arg6[%run_scoped3A_584, %dma_wait3A_1171, %dma_wait3A_1172] : memref<2x1000x32xf32, #tpu.memory_space<vmem>> -> memref<1x1000x32xf32, #tpu.memory_space<vmem>>
      %dma_wait3A_1174 = tpu.memref_squeeze %dma_wait3A_1173 : memref<1x1000x32xf32, #tpu.memory_space<vmem>> -> memref<1000x32xf32, #tpu.memory_space<vmem>>
      tpu.wait_dma2 semaphore(%run_scoped3A_1150 : memref<!tpu.dma_semaphore, #tpu.memory_space<semaphore_mem>>) src(%dma_wait3A_1174 : memref<1000x32xf32, #tpu.memory_space<vmem>>) dst(%dma_wait3A_1170 : memref<1000x32xf32, #tpu.memory_space<hbm>>)
      tpu.yield
    }) : () -> ()
    %dma_start3A_585 = arith.constant 0 : i32
    %dma_start3A_586 = arith.constant 0 : i32
    %dma_start3A_587 = arith.constant 0 : i32
    %dma_start3A_588 = tpu.memref_slice %arg6[%dma_start3A_585, %dma_start3A_586, %dma_start3A_587] : memref<2x1000x32xf32, #tpu.memory_space<vmem>> -> memref<1x1000x32xf32, #tpu.memory_space<vmem>>
    %dma_start3A_589 = tpu.memref_squeeze %dma_start3A_588 : memref<1x1000x32xf32, #tpu.memory_space<vmem>> -> memref<1000x32xf32, #tpu.memory_space<vmem>>
    %dma_start3A_590 = arith.constant 26000 : i32
    %dma_start3A_591 = tpu.memref_slice %arg5[%dma_start3A_590] : memref<50000xi32, #tpu.memory_space<vmem>> -> memref<1000xi32, #tpu.memory_space<vmem>>
    %dma_start3A_592 = arith.constant 0 : i32
    %dma_start3A_593 = arith.constant 0 : i32
    %dma_start3A_594 = tpu.memref_slice %arg2[%dma_start3A_592, %dma_start3A_593] : memref<100000x32xf32, #tpu.memory_space<hbm>> -> memref<100000x32xf32, #tpu.memory_space<hbm>>
    tpu.enqueue_indirect_dma source(%dma_start3A_594 : memref<100000x32xf32, #tpu.memory_space<hbm>>) target(%dma_start3A_589 : memref<1000x32xf32, #tpu.memory_space<vmem>>) offsets(%dma_start3A_591 : memref<1000xi32, #tpu.memory_space<vmem>>) semaphore(%arg7 : memref<!tpu.dma_semaphore, #tpu.memory_space<semaphore_mem>>)
    %dma_wait3A_595 = arith.constant 1 : i32
    %dma_wait3A_596 = arith.constant 0 : i32
    %dma_wait3A_597 = arith.constant 0 : i32
    %dma_wait3A_598 = tpu.memref_slice %arg6[%dma_wait3A_595, %dma_wait3A_596, %dma_wait3A_597] : memref<2x1000x32xf32, #tpu.memory_space<vmem>> -> memref<1x1000x32xf32, #tpu.memory_space<vmem>>
    %dma_wait3A_599 = tpu.memref_squeeze %dma_wait3A_598 : memref<1x1000x32xf32, #tpu.memory_space<vmem>> -> memref<1000x32xf32, #tpu.memory_space<vmem>>
    %dma_wait3A_600 = arith.constant 25000 : i32
    %dma_wait3A_601 = tpu.memref_slice %arg5[%dma_wait3A_600] : memref<50000xi32, #tpu.memory_space<vmem>> -> memref<1000xi32, #tpu.memory_space<vmem>>
    %dma_wait3A_602 = arith.constant 0 : i32
    %dma_wait3A_603 = arith.constant 0 : i32
    %dma_wait3A_604 = tpu.memref_slice %arg2[%dma_wait3A_602, %dma_wait3A_603] : memref<100000x32xf32, #tpu.memory_space<hbm>> -> memref<100000x32xf32, #tpu.memory_space<hbm>>
    tpu.wait_indirect_dma semaphore(%arg8 : memref<!tpu.dma_semaphore, #tpu.memory_space<semaphore_mem>>) src(%dma_wait3A_604 : memref<100000x32xf32, #tpu.memory_space<hbm>>) dst(%dma_wait3A_599 : memref<1000x32xf32, #tpu.memory_space<vmem>>)
    %add3A_605 = arith.constant 25000 : i32
    %add3A_606 = arith.addi %mul3A_2, %add3A_605 : i32
    %run_scoped3A_607 = arith.constant 1 : i32
    "tpu.region"() ({
      %run_scoped3A_1150 = tpu.sem_alloc : memref<!tpu.dma_semaphore, #tpu.memory_space<semaphore_mem>>
      %dma_start3A_1151 = arith.constant 0 : i32
      %dma_start3A_1152 = arith.constant 0 : i32
      %dma_start3A_1153 = tpu.memref_slice %arg6[%run_scoped3A_607, %dma_start3A_1151, %dma_start3A_1152] : memref<2x1000x32xf32, #tpu.memory_space<vmem>> -> memref<1x1000x32xf32, #tpu.memory_space<vmem>>
      %dma_start3A_1154 = tpu.memref_squeeze %dma_start3A_1153 : memref<1x1000x32xf32, #tpu.memory_space<vmem>> -> memref<1000x32xf32, #tpu.memory_space<vmem>>
      %dma_start3A_1155 = arith.constant 0 : i32
      %dma_start3A_1156 = tpu.memref_slice %arg4[%add3A_606, %dma_start3A_1155] : memref<1600000x32xf32, #tpu.memory_space<hbm>> -> memref<1000x32xf32, #tpu.memory_space<hbm>>
      %dma_start3A_1157 = arith.constant 0 : i32
      %dma_start3A_1158 = tpu.memref_slice %arg4[%add3A_606, %dma_start3A_1157] : memref<1600000x32xf32, #tpu.memory_space<hbm>> -> memref<1000x32xf32, #tpu.memory_space<hbm>>
      %dma_start3A_1159 = arith.constant 0 : i32
      %dma_start3A_1160 = arith.constant 0 : i32
      %dma_start3A_1161 = tpu.memref_slice %arg6[%run_scoped3A_607, %dma_start3A_1159, %dma_start3A_1160] : memref<2x1000x32xf32, #tpu.memory_space<vmem>> -> memref<1x1000x32xf32, #tpu.memory_space<vmem>>
      %dma_start3A_1162 = tpu.memref_squeeze %dma_start3A_1161 : memref<1x1000x32xf32, #tpu.memory_space<vmem>> -> memref<1000x32xf32, #tpu.memory_space<vmem>>
      tpu.enqueue_dma source(%dma_start3A_1162 : memref<1000x32xf32, #tpu.memory_space<vmem>>) target(%dma_start3A_1158 : memref<1000x32xf32, #tpu.memory_space<hbm>>) target_semaphore(%run_scoped3A_1150 : memref<!tpu.dma_semaphore, #tpu.memory_space<semaphore_mem>>)
      %dma_wait3A_1163 = arith.constant 0 : i32
      %dma_wait3A_1164 = arith.constant 0 : i32
      %dma_wait3A_1165 = tpu.memref_slice %arg6[%run_scoped3A_607, %dma_wait3A_1163, %dma_wait3A_1164] : memref<2x1000x32xf32, #tpu.memory_space<vmem>> -> memref<1x1000x32xf32, #tpu.memory_space<vmem>>
      %dma_wait3A_1166 = tpu.memref_squeeze %dma_wait3A_1165 : memref<1x1000x32xf32, #tpu.memory_space<vmem>> -> memref<1000x32xf32, #tpu.memory_space<vmem>>
      %dma_wait3A_1167 = arith.constant 0 : i32
      %dma_wait3A_1168 = tpu.memref_slice %arg4[%add3A_606, %dma_wait3A_1167] : memref<1600000x32xf32, #tpu.memory_space<hbm>> -> memref<1000x32xf32, #tpu.memory_space<hbm>>
      %dma_wait3A_1169 = arith.constant 0 : i32
      %dma_wait3A_1170 = tpu.memref_slice %arg4[%add3A_606, %dma_wait3A_1169] : memref<1600000x32xf32, #tpu.memory_space<hbm>> -> memref<1000x32xf32, #tpu.memory_space<hbm>>
      %dma_wait3A_1171 = arith.constant 0 : i32
      %dma_wait3A_1172 = arith.constant 0 : i32
      %dma_wait3A_1173 = tpu.memref_slice %arg6[%run_scoped3A_607, %dma_wait3A_1171, %dma_wait3A_1172] : memref<2x1000x32xf32, #tpu.memory_space<vmem>> -> memref<1x1000x32xf32, #tpu.memory_space<vmem>>
      %dma_wait3A_1174 = tpu.memref_squeeze %dma_wait3A_1173 : memref<1x1000x32xf32, #tpu.memory_space<vmem>> -> memref<1000x32xf32, #tpu.memory_space<vmem>>
      tpu.wait_dma2 semaphore(%run_scoped3A_1150 : memref<!tpu.dma_semaphore, #tpu.memory_space<semaphore_mem>>) src(%dma_wait3A_1174 : memref<1000x32xf32, #tpu.memory_space<vmem>>) dst(%dma_wait3A_1170 : memref<1000x32xf32, #tpu.memory_space<hbm>>)
      tpu.yield
    }) : () -> ()
    %dma_start3A_608 = arith.constant 1 : i32
    %dma_start3A_609 = arith.constant 0 : i32
    %dma_start3A_610 = arith.constant 0 : i32
    %dma_start3A_611 = tpu.memref_slice %arg6[%dma_start3A_608, %dma_start3A_609, %dma_start3A_610] : memref<2x1000x32xf32, #tpu.memory_space<vmem>> -> memref<1x1000x32xf32, #tpu.memory_space<vmem>>
    %dma_start3A_612 = tpu.memref_squeeze %dma_start3A_611 : memref<1x1000x32xf32, #tpu.memory_space<vmem>> -> memref<1000x32xf32, #tpu.memory_space<vmem>>
    %dma_start3A_613 = arith.constant 27000 : i32
    %dma_start3A_614 = tpu.memref_slice %arg5[%dma_start3A_613] : memref<50000xi32, #tpu.memory_space<vmem>> -> memref<1000xi32, #tpu.memory_space<vmem>>
    %dma_start3A_615 = arith.constant 0 : i32
    %dma_start3A_616 = arith.constant 0 : i32
    %dma_start3A_617 = tpu.memref_slice %arg2[%dma_start3A_615, %dma_start3A_616] : memref<100000x32xf32, #tpu.memory_space<hbm>> -> memref<100000x32xf32, #tpu.memory_space<hbm>>
    tpu.enqueue_indirect_dma source(%dma_start3A_617 : memref<100000x32xf32, #tpu.memory_space<hbm>>) target(%dma_start3A_612 : memref<1000x32xf32, #tpu.memory_space<vmem>>) offsets(%dma_start3A_614 : memref<1000xi32, #tpu.memory_space<vmem>>) semaphore(%arg8 : memref<!tpu.dma_semaphore, #tpu.memory_space<semaphore_mem>>)
    %dma_wait3A_618 = arith.constant 0 : i32
    %dma_wait3A_619 = arith.constant 0 : i32
    %dma_wait3A_620 = arith.constant 0 : i32
    %dma_wait3A_621 = tpu.memref_slice %arg6[%dma_wait3A_618, %dma_wait3A_619, %dma_wait3A_620] : memref<2x1000x32xf32, #tpu.memory_space<vmem>> -> memref<1x1000x32xf32, #tpu.memory_space<vmem>>
    %dma_wait3A_622 = tpu.memref_squeeze %dma_wait3A_621 : memref<1x1000x32xf32, #tpu.memory_space<vmem>> -> memref<1000x32xf32, #tpu.memory_space<vmem>>
    %dma_wait3A_623 = arith.constant 26000 : i32
    %dma_wait3A_624 = tpu.memref_slice %arg5[%dma_wait3A_623] : memref<50000xi32, #tpu.memory_space<vmem>> -> memref<1000xi32, #tpu.memory_space<vmem>>
    %dma_wait3A_625 = arith.constant 0 : i32
    %dma_wait3A_626 = arith.constant 0 : i32
    %dma_wait3A_627 = tpu.memref_slice %arg2[%dma_wait3A_625, %dma_wait3A_626] : memref<100000x32xf32, #tpu.memory_space<hbm>> -> memref<100000x32xf32, #tpu.memory_space<hbm>>
    tpu.wait_indirect_dma semaphore(%arg7 : memref<!tpu.dma_semaphore, #tpu.memory_space<semaphore_mem>>) src(%dma_wait3A_627 : memref<100000x32xf32, #tpu.memory_space<hbm>>) dst(%dma_wait3A_622 : memref<1000x32xf32, #tpu.memory_space<vmem>>)
    %add3A_628 = arith.constant 26000 : i32
    %add3A_629 = arith.addi %mul3A_2, %add3A_628 : i32
    %run_scoped3A_630 = arith.constant 0 : i32
    "tpu.region"() ({
      %run_scoped3A_1150 = tpu.sem_alloc : memref<!tpu.dma_semaphore, #tpu.memory_space<semaphore_mem>>
      %dma_start3A_1151 = arith.constant 0 : i32
      %dma_start3A_1152 = arith.constant 0 : i32
      %dma_start3A_1153 = tpu.memref_slice %arg6[%run_scoped3A_630, %dma_start3A_1151, %dma_start3A_1152] : memref<2x1000x32xf32, #tpu.memory_space<vmem>> -> memref<1x1000x32xf32, #tpu.memory_space<vmem>>
      %dma_start3A_1154 = tpu.memref_squeeze %dma_start3A_1153 : memref<1x1000x32xf32, #tpu.memory_space<vmem>> -> memref<1000x32xf32, #tpu.memory_space<vmem>>
      %dma_start3A_1155 = arith.constant 0 : i32
      %dma_start3A_1156 = tpu.memref_slice %arg4[%add3A_629, %dma_start3A_1155] : memref<1600000x32xf32, #tpu.memory_space<hbm>> -> memref<1000x32xf32, #tpu.memory_space<hbm>>
      %dma_start3A_1157 = arith.constant 0 : i32
      %dma_start3A_1158 = tpu.memref_slice %arg4[%add3A_629, %dma_start3A_1157] : memref<1600000x32xf32, #tpu.memory_space<hbm>> -> memref<1000x32xf32, #tpu.memory_space<hbm>>
      %dma_start3A_1159 = arith.constant 0 : i32
      %dma_start3A_1160 = arith.constant 0 : i32
      %dma_start3A_1161 = tpu.memref_slice %arg6[%run_scoped3A_630, %dma_start3A_1159, %dma_start3A_1160] : memref<2x1000x32xf32, #tpu.memory_space<vmem>> -> memref<1x1000x32xf32, #tpu.memory_space<vmem>>
      %dma_start3A_1162 = tpu.memref_squeeze %dma_start3A_1161 : memref<1x1000x32xf32, #tpu.memory_space<vmem>> -> memref<1000x32xf32, #tpu.memory_space<vmem>>
      tpu.enqueue_dma source(%dma_start3A_1162 : memref<1000x32xf32, #tpu.memory_space<vmem>>) target(%dma_start3A_1158 : memref<1000x32xf32, #tpu.memory_space<hbm>>) target_semaphore(%run_scoped3A_1150 : memref<!tpu.dma_semaphore, #tpu.memory_space<semaphore_mem>>)
      %dma_wait3A_1163 = arith.constant 0 : i32
      %dma_wait3A_1164 = arith.constant 0 : i32
      %dma_wait3A_1165 = tpu.memref_slice %arg6[%run_scoped3A_630, %dma_wait3A_1163, %dma_wait3A_1164] : memref<2x1000x32xf32, #tpu.memory_space<vmem>> -> memref<1x1000x32xf32, #tpu.memory_space<vmem>>
      %dma_wait3A_1166 = tpu.memref_squeeze %dma_wait3A_1165 : memref<1x1000x32xf32, #tpu.memory_space<vmem>> -> memref<1000x32xf32, #tpu.memory_space<vmem>>
      %dma_wait3A_1167 = arith.constant 0 : i32
      %dma_wait3A_1168 = tpu.memref_slice %arg4[%add3A_629, %dma_wait3A_1167] : memref<1600000x32xf32, #tpu.memory_space<hbm>> -> memref<1000x32xf32, #tpu.memory_space<hbm>>
      %dma_wait3A_1169 = arith.constant 0 : i32
      %dma_wait3A_1170 = tpu.memref_slice %arg4[%add3A_629, %dma_wait3A_1169] : memref<1600000x32xf32, #tpu.memory_space<hbm>> -> memref<1000x32xf32, #tpu.memory_space<hbm>>
      %dma_wait3A_1171 = arith.constant 0 : i32
      %dma_wait3A_1172 = arith.constant 0 : i32
      %dma_wait3A_1173 = tpu.memref_slice %arg6[%run_scoped3A_630, %dma_wait3A_1171, %dma_wait3A_1172] : memref<2x1000x32xf32, #tpu.memory_space<vmem>> -> memref<1x1000x32xf32, #tpu.memory_space<vmem>>
      %dma_wait3A_1174 = tpu.memref_squeeze %dma_wait3A_1173 : memref<1x1000x32xf32, #tpu.memory_space<vmem>> -> memref<1000x32xf32, #tpu.memory_space<vmem>>
      tpu.wait_dma2 semaphore(%run_scoped3A_1150 : memref<!tpu.dma_semaphore, #tpu.memory_space<semaphore_mem>>) src(%dma_wait3A_1174 : memref<1000x32xf32, #tpu.memory_space<vmem>>) dst(%dma_wait3A_1170 : memref<1000x32xf32, #tpu.memory_space<hbm>>)
      tpu.yield
    }) : () -> ()
    %dma_start3A_631 = arith.constant 0 : i32
    %dma_start3A_632 = arith.constant 0 : i32
    %dma_start3A_633 = arith.constant 0 : i32
    %dma_start3A_634 = tpu.memref_slice %arg6[%dma_start3A_631, %dma_start3A_632, %dma_start3A_633] : memref<2x1000x32xf32, #tpu.memory_space<vmem>> -> memref<1x1000x32xf32, #tpu.memory_space<vmem>>
    %dma_start3A_635 = tpu.memref_squeeze %dma_start3A_634 : memref<1x1000x32xf32, #tpu.memory_space<vmem>> -> memref<1000x32xf32, #tpu.memory_space<vmem>>
    %dma_start3A_636 = arith.constant 28000 : i32
    %dma_start3A_637 = tpu.memref_slice %arg5[%dma_start3A_636] : memref<50000xi32, #tpu.memory_space<vmem>> -> memref<1000xi32, #tpu.memory_space<vmem>>
    %dma_start3A_638 = arith.constant 0 : i32
    %dma_start3A_639 = arith.constant 0 : i32
    %dma_start3A_640 = tpu.memref_slice %arg2[%dma_start3A_638, %dma_start3A_639] : memref<100000x32xf32, #tpu.memory_space<hbm>> -> memref<100000x32xf32, #tpu.memory_space<hbm>>
    tpu.enqueue_indirect_dma source(%dma_start3A_640 : memref<100000x32xf32, #tpu.memory_space<hbm>>) target(%dma_start3A_635 : memref<1000x32xf32, #tpu.memory_space<vmem>>) offsets(%dma_start3A_637 : memref<1000xi32, #tpu.memory_space<vmem>>) semaphore(%arg7 : memref<!tpu.dma_semaphore, #tpu.memory_space<semaphore_mem>>)
    %dma_wait3A_641 = arith.constant 1 : i32
    %dma_wait3A_642 = arith.constant 0 : i32
    %dma_wait3A_643 = arith.constant 0 : i32
    %dma_wait3A_644 = tpu.memref_slice %arg6[%dma_wait3A_641, %dma_wait3A_642, %dma_wait3A_643] : memref<2x1000x32xf32, #tpu.memory_space<vmem>> -> memref<1x1000x32xf32, #tpu.memory_space<vmem>>
    %dma_wait3A_645 = tpu.memref_squeeze %dma_wait3A_644 : memref<1x1000x32xf32, #tpu.memory_space<vmem>> -> memref<1000x32xf32, #tpu.memory_space<vmem>>
    %dma_wait3A_646 = arith.constant 27000 : i32
    %dma_wait3A_647 = tpu.memref_slice %arg5[%dma_wait3A_646] : memref<50000xi32, #tpu.memory_space<vmem>> -> memref<1000xi32, #tpu.memory_space<vmem>>
    %dma_wait3A_648 = arith.constant 0 : i32
    %dma_wait3A_649 = arith.constant 0 : i32
    %dma_wait3A_650 = tpu.memref_slice %arg2[%dma_wait3A_648, %dma_wait3A_649] : memref<100000x32xf32, #tpu.memory_space<hbm>> -> memref<100000x32xf32, #tpu.memory_space<hbm>>
    tpu.wait_indirect_dma semaphore(%arg8 : memref<!tpu.dma_semaphore, #tpu.memory_space<semaphore_mem>>) src(%dma_wait3A_650 : memref<100000x32xf32, #tpu.memory_space<hbm>>) dst(%dma_wait3A_645 : memref<1000x32xf32, #tpu.memory_space<vmem>>)
    %add3A_651 = arith.constant 27000 : i32
    %add3A_652 = arith.addi %mul3A_2, %add3A_651 : i32
    %run_scoped3A_653 = arith.constant 1 : i32
    "tpu.region"() ({
      %run_scoped3A_1150 = tpu.sem_alloc : memref<!tpu.dma_semaphore, #tpu.memory_space<semaphore_mem>>
      %dma_start3A_1151 = arith.constant 0 : i32
      %dma_start3A_1152 = arith.constant 0 : i32
      %dma_start3A_1153 = tpu.memref_slice %arg6[%run_scoped3A_653, %dma_start3A_1151, %dma_start3A_1152] : memref<2x1000x32xf32, #tpu.memory_space<vmem>> -> memref<1x1000x32xf32, #tpu.memory_space<vmem>>
      %dma_start3A_1154 = tpu.memref_squeeze %dma_start3A_1153 : memref<1x1000x32xf32, #tpu.memory_space<vmem>> -> memref<1000x32xf32, #tpu.memory_space<vmem>>
      %dma_start3A_1155 = arith.constant 0 : i32
      %dma_start3A_1156 = tpu.memref_slice %arg4[%add3A_652, %dma_start3A_1155] : memref<1600000x32xf32, #tpu.memory_space<hbm>> -> memref<1000x32xf32, #tpu.memory_space<hbm>>
      %dma_start3A_1157 = arith.constant 0 : i32
      %dma_start3A_1158 = tpu.memref_slice %arg4[%add3A_652, %dma_start3A_1157] : memref<1600000x32xf32, #tpu.memory_space<hbm>> -> memref<1000x32xf32, #tpu.memory_space<hbm>>
      %dma_start3A_1159 = arith.constant 0 : i32
      %dma_start3A_1160 = arith.constant 0 : i32
      %dma_start3A_1161 = tpu.memref_slice %arg6[%run_scoped3A_653, %dma_start3A_1159, %dma_start3A_1160] : memref<2x1000x32xf32, #tpu.memory_space<vmem>> -> memref<1x1000x32xf32, #tpu.memory_space<vmem>>
      %dma_start3A_1162 = tpu.memref_squeeze %dma_start3A_1161 : memref<1x1000x32xf32, #tpu.memory_space<vmem>> -> memref<1000x32xf32, #tpu.memory_space<vmem>>
      tpu.enqueue_dma source(%dma_start3A_1162 : memref<1000x32xf32, #tpu.memory_space<vmem>>) target(%dma_start3A_1158 : memref<1000x32xf32, #tpu.memory_space<hbm>>) target_semaphore(%run_scoped3A_1150 : memref<!tpu.dma_semaphore, #tpu.memory_space<semaphore_mem>>)
      %dma_wait3A_1163 = arith.constant 0 : i32
      %dma_wait3A_1164 = arith.constant 0 : i32
      %dma_wait3A_1165 = tpu.memref_slice %arg6[%run_scoped3A_653, %dma_wait3A_1163, %dma_wait3A_1164] : memref<2x1000x32xf32, #tpu.memory_space<vmem>> -> memref<1x1000x32xf32, #tpu.memory_space<vmem>>
      %dma_wait3A_1166 = tpu.memref_squeeze %dma_wait3A_1165 : memref<1x1000x32xf32, #tpu.memory_space<vmem>> -> memref<1000x32xf32, #tpu.memory_space<vmem>>
      %dma_wait3A_1167 = arith.constant 0 : i32
      %dma_wait3A_1168 = tpu.memref_slice %arg4[%add3A_652, %dma_wait3A_1167] : memref<1600000x32xf32, #tpu.memory_space<hbm>> -> memref<1000x32xf32, #tpu.memory_space<hbm>>
      %dma_wait3A_1169 = arith.constant 0 : i32
      %dma_wait3A_1170 = tpu.memref_slice %arg4[%add3A_652, %dma_wait3A_1169] : memref<1600000x32xf32, #tpu.memory_space<hbm>> -> memref<1000x32xf32, #tpu.memory_space<hbm>>
      %dma_wait3A_1171 = arith.constant 0 : i32
      %dma_wait3A_1172 = arith.constant 0 : i32
      %dma_wait3A_1173 = tpu.memref_slice %arg6[%run_scoped3A_653, %dma_wait3A_1171, %dma_wait3A_1172] : memref<2x1000x32xf32, #tpu.memory_space<vmem>> -> memref<1x1000x32xf32, #tpu.memory_space<vmem>>
      %dma_wait3A_1174 = tpu.memref_squeeze %dma_wait3A_1173 : memref<1x1000x32xf32, #tpu.memory_space<vmem>> -> memref<1000x32xf32, #tpu.memory_space<vmem>>
      tpu.wait_dma2 semaphore(%run_scoped3A_1150 : memref<!tpu.dma_semaphore, #tpu.memory_space<semaphore_mem>>) src(%dma_wait3A_1174 : memref<1000x32xf32, #tpu.memory_space<vmem>>) dst(%dma_wait3A_1170 : memref<1000x32xf32, #tpu.memory_space<hbm>>)
      tpu.yield
    }) : () -> ()
    %dma_start3A_654 = arith.constant 1 : i32
    %dma_start3A_655 = arith.constant 0 : i32
    %dma_start3A_656 = arith.constant 0 : i32
    %dma_start3A_657 = tpu.memref_slice %arg6[%dma_start3A_654, %dma_start3A_655, %dma_start3A_656] : memref<2x1000x32xf32, #tpu.memory_space<vmem>> -> memref<1x1000x32xf32, #tpu.memory_space<vmem>>
    %dma_start3A_658 = tpu.memref_squeeze %dma_start3A_657 : memref<1x1000x32xf32, #tpu.memory_space<vmem>> -> memref<1000x32xf32, #tpu.memory_space<vmem>>
    %dma_start3A_659 = arith.constant 29000 : i32
    %dma_start3A_660 = tpu.memref_slice %arg5[%dma_start3A_659] : memref<50000xi32, #tpu.memory_space<vmem>> -> memref<1000xi32, #tpu.memory_space<vmem>>
    %dma_start3A_661 = arith.constant 0 : i32
    %dma_start3A_662 = arith.constant 0 : i32
    %dma_start3A_663 = tpu.memref_slice %arg2[%dma_start3A_661, %dma_start3A_662] : memref<100000x32xf32, #tpu.memory_space<hbm>> -> memref<100000x32xf32, #tpu.memory_space<hbm>>
    tpu.enqueue_indirect_dma source(%dma_start3A_663 : memref<100000x32xf32, #tpu.memory_space<hbm>>) target(%dma_start3A_658 : memref<1000x32xf32, #tpu.memory_space<vmem>>) offsets(%dma_start3A_660 : memref<1000xi32, #tpu.memory_space<vmem>>) semaphore(%arg8 : memref<!tpu.dma_semaphore, #tpu.memory_space<semaphore_mem>>)
    %dma_wait3A_664 = arith.constant 0 : i32
    %dma_wait3A_665 = arith.constant 0 : i32
    %dma_wait3A_666 = arith.constant 0 : i32
    %dma_wait3A_667 = tpu.memref_slice %arg6[%dma_wait3A_664, %dma_wait3A_665, %dma_wait3A_666] : memref<2x1000x32xf32, #tpu.memory_space<vmem>> -> memref<1x1000x32xf32, #tpu.memory_space<vmem>>
    %dma_wait3A_668 = tpu.memref_squeeze %dma_wait3A_667 : memref<1x1000x32xf32, #tpu.memory_space<vmem>> -> memref<1000x32xf32, #tpu.memory_space<vmem>>
    %dma_wait3A_669 = arith.constant 28000 : i32
    %dma_wait3A_670 = tpu.memref_slice %arg5[%dma_wait3A_669] : memref<50000xi32, #tpu.memory_space<vmem>> -> memref<1000xi32, #tpu.memory_space<vmem>>
    %dma_wait3A_671 = arith.constant 0 : i32
    %dma_wait3A_672 = arith.constant 0 : i32
    %dma_wait3A_673 = tpu.memref_slice %arg2[%dma_wait3A_671, %dma_wait3A_672] : memref<100000x32xf32, #tpu.memory_space<hbm>> -> memref<100000x32xf32, #tpu.memory_space<hbm>>
    tpu.wait_indirect_dma semaphore(%arg7 : memref<!tpu.dma_semaphore, #tpu.memory_space<semaphore_mem>>) src(%dma_wait3A_673 : memref<100000x32xf32, #tpu.memory_space<hbm>>) dst(%dma_wait3A_668 : memref<1000x32xf32, #tpu.memory_space<vmem>>)
    %add3A_674 = arith.constant 28000 : i32
    %add3A_675 = arith.addi %mul3A_2, %add3A_674 : i32
    %run_scoped3A_676 = arith.constant 0 : i32
    "tpu.region"() ({
      %run_scoped3A_1150 = tpu.sem_alloc : memref<!tpu.dma_semaphore, #tpu.memory_space<semaphore_mem>>
      %dma_start3A_1151 = arith.constant 0 : i32
      %dma_start3A_1152 = arith.constant 0 : i32
      %dma_start3A_1153 = tpu.memref_slice %arg6[%run_scoped3A_676, %dma_start3A_1151, %dma_start3A_1152] : memref<2x1000x32xf32, #tpu.memory_space<vmem>> -> memref<1x1000x32xf32, #tpu.memory_space<vmem>>
      %dma_start3A_1154 = tpu.memref_squeeze %dma_start3A_1153 : memref<1x1000x32xf32, #tpu.memory_space<vmem>> -> memref<1000x32xf32, #tpu.memory_space<vmem>>
      %dma_start3A_1155 = arith.constant 0 : i32
      %dma_start3A_1156 = tpu.memref_slice %arg4[%add3A_675, %dma_start3A_1155] : memref<1600000x32xf32, #tpu.memory_space<hbm>> -> memref<1000x32xf32, #tpu.memory_space<hbm>>
      %dma_start3A_1157 = arith.constant 0 : i32
      %dma_start3A_1158 = tpu.memref_slice %arg4[%add3A_675, %dma_start3A_1157] : memref<1600000x32xf32, #tpu.memory_space<hbm>> -> memref<1000x32xf32, #tpu.memory_space<hbm>>
      %dma_start3A_1159 = arith.constant 0 : i32
      %dma_start3A_1160 = arith.constant 0 : i32
      %dma_start3A_1161 = tpu.memref_slice %arg6[%run_scoped3A_676, %dma_start3A_1159, %dma_start3A_1160] : memref<2x1000x32xf32, #tpu.memory_space<vmem>> -> memref<1x1000x32xf32, #tpu.memory_space<vmem>>
      %dma_start3A_1162 = tpu.memref_squeeze %dma_start3A_1161 : memref<1x1000x32xf32, #tpu.memory_space<vmem>> -> memref<1000x32xf32, #tpu.memory_space<vmem>>
      tpu.enqueue_dma source(%dma_start3A_1162 : memref<1000x32xf32, #tpu.memory_space<vmem>>) target(%dma_start3A_1158 : memref<1000x32xf32, #tpu.memory_space<hbm>>) target_semaphore(%run_scoped3A_1150 : memref<!tpu.dma_semaphore, #tpu.memory_space<semaphore_mem>>)
      %dma_wait3A_1163 = arith.constant 0 : i32
      %dma_wait3A_1164 = arith.constant 0 : i32
      %dma_wait3A_1165 = tpu.memref_slice %arg6[%run_scoped3A_676, %dma_wait3A_1163, %dma_wait3A_1164] : memref<2x1000x32xf32, #tpu.memory_space<vmem>> -> memref<1x1000x32xf32, #tpu.memory_space<vmem>>
      %dma_wait3A_1166 = tpu.memref_squeeze %dma_wait3A_1165 : memref<1x1000x32xf32, #tpu.memory_space<vmem>> -> memref<1000x32xf32, #tpu.memory_space<vmem>>
      %dma_wait3A_1167 = arith.constant 0 : i32
      %dma_wait3A_1168 = tpu.memref_slice %arg4[%add3A_675, %dma_wait3A_1167] : memref<1600000x32xf32, #tpu.memory_space<hbm>> -> memref<1000x32xf32, #tpu.memory_space<hbm>>
      %dma_wait3A_1169 = arith.constant 0 : i32
      %dma_wait3A_1170 = tpu.memref_slice %arg4[%add3A_675, %dma_wait3A_1169] : memref<1600000x32xf32, #tpu.memory_space<hbm>> -> memref<1000x32xf32, #tpu.memory_space<hbm>>
      %dma_wait3A_1171 = arith.constant 0 : i32
      %dma_wait3A_1172 = arith.constant 0 : i32
      %dma_wait3A_1173 = tpu.memref_slice %arg6[%run_scoped3A_676, %dma_wait3A_1171, %dma_wait3A_1172] : memref<2x1000x32xf32, #tpu.memory_space<vmem>> -> memref<1x1000x32xf32, #tpu.memory_space<vmem>>
      %dma_wait3A_1174 = tpu.memref_squeeze %dma_wait3A_1173 : memref<1x1000x32xf32, #tpu.memory_space<vmem>> -> memref<1000x32xf32, #tpu.memory_space<vmem>>
      tpu.wait_dma2 semaphore(%run_scoped3A_1150 : memref<!tpu.dma_semaphore, #tpu.memory_space<semaphore_mem>>) src(%dma_wait3A_1174 : memref<1000x32xf32, #tpu.memory_space<vmem>>) dst(%dma_wait3A_1170 : memref<1000x32xf32, #tpu.memory_space<hbm>>)
      tpu.yield
    }) : () -> ()
    %dma_start3A_677 = arith.constant 0 : i32
    %dma_start3A_678 = arith.constant 0 : i32
    %dma_start3A_679 = arith.constant 0 : i32
    %dma_start3A_680 = tpu.memref_slice %arg6[%dma_start3A_677, %dma_start3A_678, %dma_start3A_679] : memref<2x1000x32xf32, #tpu.memory_space<vmem>> -> memref<1x1000x32xf32, #tpu.memory_space<vmem>>
    %dma_start3A_681 = tpu.memref_squeeze %dma_start3A_680 : memref<1x1000x32xf32, #tpu.memory_space<vmem>> -> memref<1000x32xf32, #tpu.memory_space<vmem>>
    %dma_start3A_682 = arith.constant 30000 : i32
    %dma_start3A_683 = tpu.memref_slice %arg5[%dma_start3A_682] : memref<50000xi32, #tpu.memory_space<vmem>> -> memref<1000xi32, #tpu.memory_space<vmem>>
    %dma_start3A_684 = arith.constant 0 : i32
    %dma_start3A_685 = arith.constant 0 : i32
    %dma_start3A_686 = tpu.memref_slice %arg2[%dma_start3A_684, %dma_start3A_685] : memref<100000x32xf32, #tpu.memory_space<hbm>> -> memref<100000x32xf32, #tpu.memory_space<hbm>>
    tpu.enqueue_indirect_dma source(%dma_start3A_686 : memref<100000x32xf32, #tpu.memory_space<hbm>>) target(%dma_start3A_681 : memref<1000x32xf32, #tpu.memory_space<vmem>>) offsets(%dma_start3A_683 : memref<1000xi32, #tpu.memory_space<vmem>>) semaphore(%arg7 : memref<!tpu.dma_semaphore, #tpu.memory_space<semaphore_mem>>)
    %dma_wait3A_687 = arith.constant 1 : i32
    %dma_wait3A_688 = arith.constant 0 : i32
    %dma_wait3A_689 = arith.constant 0 : i32
    %dma_wait3A_690 = tpu.memref_slice %arg6[%dma_wait3A_687, %dma_wait3A_688, %dma_wait3A_689] : memref<2x1000x32xf32, #tpu.memory_space<vmem>> -> memref<1x1000x32xf32, #tpu.memory_space<vmem>>
    %dma_wait3A_691 = tpu.memref_squeeze %dma_wait3A_690 : memref<1x1000x32xf32, #tpu.memory_space<vmem>> -> memref<1000x32xf32, #tpu.memory_space<vmem>>
    %dma_wait3A_692 = arith.constant 29000 : i32
    %dma_wait3A_693 = tpu.memref_slice %arg5[%dma_wait3A_692] : memref<50000xi32, #tpu.memory_space<vmem>> -> memref<1000xi32, #tpu.memory_space<vmem>>
    %dma_wait3A_694 = arith.constant 0 : i32
    %dma_wait3A_695 = arith.constant 0 : i32
    %dma_wait3A_696 = tpu.memref_slice %arg2[%dma_wait3A_694, %dma_wait3A_695] : memref<100000x32xf32, #tpu.memory_space<hbm>> -> memref<100000x32xf32, #tpu.memory_space<hbm>>
    tpu.wait_indirect_dma semaphore(%arg8 : memref<!tpu.dma_semaphore, #tpu.memory_space<semaphore_mem>>) src(%dma_wait3A_696 : memref<100000x32xf32, #tpu.memory_space<hbm>>) dst(%dma_wait3A_691 : memref<1000x32xf32, #tpu.memory_space<vmem>>)
    %add3A_697 = arith.constant 29000 : i32
    %add3A_698 = arith.addi %mul3A_2, %add3A_697 : i32
    %run_scoped3A_699 = arith.constant 1 : i32
    "tpu.region"() ({
      %run_scoped3A_1150 = tpu.sem_alloc : memref<!tpu.dma_semaphore, #tpu.memory_space<semaphore_mem>>
      %dma_start3A_1151 = arith.constant 0 : i32
      %dma_start3A_1152 = arith.constant 0 : i32
      %dma_start3A_1153 = tpu.memref_slice %arg6[%run_scoped3A_699, %dma_start3A_1151, %dma_start3A_1152] : memref<2x1000x32xf32, #tpu.memory_space<vmem>> -> memref<1x1000x32xf32, #tpu.memory_space<vmem>>
      %dma_start3A_1154 = tpu.memref_squeeze %dma_start3A_1153 : memref<1x1000x32xf32, #tpu.memory_space<vmem>> -> memref<1000x32xf32, #tpu.memory_space<vmem>>
      %dma_start3A_1155 = arith.constant 0 : i32
      %dma_start3A_1156 = tpu.memref_slice %arg4[%add3A_698, %dma_start3A_1155] : memref<1600000x32xf32, #tpu.memory_space<hbm>> -> memref<1000x32xf32, #tpu.memory_space<hbm>>
      %dma_start3A_1157 = arith.constant 0 : i32
      %dma_start3A_1158 = tpu.memref_slice %arg4[%add3A_698, %dma_start3A_1157] : memref<1600000x32xf32, #tpu.memory_space<hbm>> -> memref<1000x32xf32, #tpu.memory_space<hbm>>
      %dma_start3A_1159 = arith.constant 0 : i32
      %dma_start3A_1160 = arith.constant 0 : i32
      %dma_start3A_1161 = tpu.memref_slice %arg6[%run_scoped3A_699, %dma_start3A_1159, %dma_start3A_1160] : memref<2x1000x32xf32, #tpu.memory_space<vmem>> -> memref<1x1000x32xf32, #tpu.memory_space<vmem>>
      %dma_start3A_1162 = tpu.memref_squeeze %dma_start3A_1161 : memref<1x1000x32xf32, #tpu.memory_space<vmem>> -> memref<1000x32xf32, #tpu.memory_space<vmem>>
      tpu.enqueue_dma source(%dma_start3A_1162 : memref<1000x32xf32, #tpu.memory_space<vmem>>) target(%dma_start3A_1158 : memref<1000x32xf32, #tpu.memory_space<hbm>>) target_semaphore(%run_scoped3A_1150 : memref<!tpu.dma_semaphore, #tpu.memory_space<semaphore_mem>>)
      %dma_wait3A_1163 = arith.constant 0 : i32
      %dma_wait3A_1164 = arith.constant 0 : i32
      %dma_wait3A_1165 = tpu.memref_slice %arg6[%run_scoped3A_699, %dma_wait3A_1163, %dma_wait3A_1164] : memref<2x1000x32xf32, #tpu.memory_space<vmem>> -> memref<1x1000x32xf32, #tpu.memory_space<vmem>>
      %dma_wait3A_1166 = tpu.memref_squeeze %dma_wait3A_1165 : memref<1x1000x32xf32, #tpu.memory_space<vmem>> -> memref<1000x32xf32, #tpu.memory_space<vmem>>
      %dma_wait3A_1167 = arith.constant 0 : i32
      %dma_wait3A_1168 = tpu.memref_slice %arg4[%add3A_698, %dma_wait3A_1167] : memref<1600000x32xf32, #tpu.memory_space<hbm>> -> memref<1000x32xf32, #tpu.memory_space<hbm>>
      %dma_wait3A_1169 = arith.constant 0 : i32
      %dma_wait3A_1170 = tpu.memref_slice %arg4[%add3A_698, %dma_wait3A_1169] : memref<1600000x32xf32, #tpu.memory_space<hbm>> -> memref<1000x32xf32, #tpu.memory_space<hbm>>
      %dma_wait3A_1171 = arith.constant 0 : i32
      %dma_wait3A_1172 = arith.constant 0 : i32
      %dma_wait3A_1173 = tpu.memref_slice %arg6[%run_scoped3A_699, %dma_wait3A_1171, %dma_wait3A_1172] : memref<2x1000x32xf32, #tpu.memory_space<vmem>> -> memref<1x1000x32xf32, #tpu.memory_space<vmem>>
      %dma_wait3A_1174 = tpu.memref_squeeze %dma_wait3A_1173 : memref<1x1000x32xf32, #tpu.memory_space<vmem>> -> memref<1000x32xf32, #tpu.memory_space<vmem>>
      tpu.wait_dma2 semaphore(%run_scoped3A_1150 : memref<!tpu.dma_semaphore, #tpu.memory_space<semaphore_mem>>) src(%dma_wait3A_1174 : memref<1000x32xf32, #tpu.memory_space<vmem>>) dst(%dma_wait3A_1170 : memref<1000x32xf32, #tpu.memory_space<hbm>>)
      tpu.yield
    }) : () -> ()
    %dma_start3A_700 = arith.constant 1 : i32
    %dma_start3A_701 = arith.constant 0 : i32
    %dma_start3A_702 = arith.constant 0 : i32
    %dma_start3A_703 = tpu.memref_slice %arg6[%dma_start3A_700, %dma_start3A_701, %dma_start3A_702] : memref<2x1000x32xf32, #tpu.memory_space<vmem>> -> memref<1x1000x32xf32, #tpu.memory_space<vmem>>
    %dma_start3A_704 = tpu.memref_squeeze %dma_start3A_703 : memref<1x1000x32xf32, #tpu.memory_space<vmem>> -> memref<1000x32xf32, #tpu.memory_space<vmem>>
    %dma_start3A_705 = arith.constant 31000 : i32
    %dma_start3A_706 = tpu.memref_slice %arg5[%dma_start3A_705] : memref<50000xi32, #tpu.memory_space<vmem>> -> memref<1000xi32, #tpu.memory_space<vmem>>
    %dma_start3A_707 = arith.constant 0 : i32
    %dma_start3A_708 = arith.constant 0 : i32
    %dma_start3A_709 = tpu.memref_slice %arg2[%dma_start3A_707, %dma_start3A_708] : memref<100000x32xf32, #tpu.memory_space<hbm>> -> memref<100000x32xf32, #tpu.memory_space<hbm>>
    tpu.enqueue_indirect_dma source(%dma_start3A_709 : memref<100000x32xf32, #tpu.memory_space<hbm>>) target(%dma_start3A_704 : memref<1000x32xf32, #tpu.memory_space<vmem>>) offsets(%dma_start3A_706 : memref<1000xi32, #tpu.memory_space<vmem>>) semaphore(%arg8 : memref<!tpu.dma_semaphore, #tpu.memory_space<semaphore_mem>>)
    %dma_wait3A_710 = arith.constant 0 : i32
    %dma_wait3A_711 = arith.constant 0 : i32
    %dma_wait3A_712 = arith.constant 0 : i32
    %dma_wait3A_713 = tpu.memref_slice %arg6[%dma_wait3A_710, %dma_wait3A_711, %dma_wait3A_712] : memref<2x1000x32xf32, #tpu.memory_space<vmem>> -> memref<1x1000x32xf32, #tpu.memory_space<vmem>>
    %dma_wait3A_714 = tpu.memref_squeeze %dma_wait3A_713 : memref<1x1000x32xf32, #tpu.memory_space<vmem>> -> memref<1000x32xf32, #tpu.memory_space<vmem>>
    %dma_wait3A_715 = arith.constant 30000 : i32
    %dma_wait3A_716 = tpu.memref_slice %arg5[%dma_wait3A_715] : memref<50000xi32, #tpu.memory_space<vmem>> -> memref<1000xi32, #tpu.memory_space<vmem>>
    %dma_wait3A_717 = arith.constant 0 : i32
    %dma_wait3A_718 = arith.constant 0 : i32
    %dma_wait3A_719 = tpu.memref_slice %arg2[%dma_wait3A_717, %dma_wait3A_718] : memref<100000x32xf32, #tpu.memory_space<hbm>> -> memref<100000x32xf32, #tpu.memory_space<hbm>>
    tpu.wait_indirect_dma semaphore(%arg7 : memref<!tpu.dma_semaphore, #tpu.memory_space<semaphore_mem>>) src(%dma_wait3A_719 : memref<100000x32xf32, #tpu.memory_space<hbm>>) dst(%dma_wait3A_714 : memref<1000x32xf32, #tpu.memory_space<vmem>>)
    %add3A_720 = arith.constant 30000 : i32
    %add3A_721 = arith.addi %mul3A_2, %add3A_720 : i32
    %run_scoped3A_722 = arith.constant 0 : i32
    "tpu.region"() ({
      %run_scoped3A_1150 = tpu.sem_alloc : memref<!tpu.dma_semaphore, #tpu.memory_space<semaphore_mem>>
      %dma_start3A_1151 = arith.constant 0 : i32
      %dma_start3A_1152 = arith.constant 0 : i32
      %dma_start3A_1153 = tpu.memref_slice %arg6[%run_scoped3A_722, %dma_start3A_1151, %dma_start3A_1152] : memref<2x1000x32xf32, #tpu.memory_space<vmem>> -> memref<1x1000x32xf32, #tpu.memory_space<vmem>>
      %dma_start3A_1154 = tpu.memref_squeeze %dma_start3A_1153 : memref<1x1000x32xf32, #tpu.memory_space<vmem>> -> memref<1000x32xf32, #tpu.memory_space<vmem>>
      %dma_start3A_1155 = arith.constant 0 : i32
      %dma_start3A_1156 = tpu.memref_slice %arg4[%add3A_721, %dma_start3A_1155] : memref<1600000x32xf32, #tpu.memory_space<hbm>> -> memref<1000x32xf32, #tpu.memory_space<hbm>>
      %dma_start3A_1157 = arith.constant 0 : i32
      %dma_start3A_1158 = tpu.memref_slice %arg4[%add3A_721, %dma_start3A_1157] : memref<1600000x32xf32, #tpu.memory_space<hbm>> -> memref<1000x32xf32, #tpu.memory_space<hbm>>
      %dma_start3A_1159 = arith.constant 0 : i32
      %dma_start3A_1160 = arith.constant 0 : i32
      %dma_start3A_1161 = tpu.memref_slice %arg6[%run_scoped3A_722, %dma_start3A_1159, %dma_start3A_1160] : memref<2x1000x32xf32, #tpu.memory_space<vmem>> -> memref<1x1000x32xf32, #tpu.memory_space<vmem>>
      %dma_start3A_1162 = tpu.memref_squeeze %dma_start3A_1161 : memref<1x1000x32xf32, #tpu.memory_space<vmem>> -> memref<1000x32xf32, #tpu.memory_space<vmem>>
      tpu.enqueue_dma source(%dma_start3A_1162 : memref<1000x32xf32, #tpu.memory_space<vmem>>) target(%dma_start3A_1158 : memref<1000x32xf32, #tpu.memory_space<hbm>>) target_semaphore(%run_scoped3A_1150 : memref<!tpu.dma_semaphore, #tpu.memory_space<semaphore_mem>>)
      %dma_wait3A_1163 = arith.constant 0 : i32
      %dma_wait3A_1164 = arith.constant 0 : i32
      %dma_wait3A_1165 = tpu.memref_slice %arg6[%run_scoped3A_722, %dma_wait3A_1163, %dma_wait3A_1164] : memref<2x1000x32xf32, #tpu.memory_space<vmem>> -> memref<1x1000x32xf32, #tpu.memory_space<vmem>>
      %dma_wait3A_1166 = tpu.memref_squeeze %dma_wait3A_1165 : memref<1x1000x32xf32, #tpu.memory_space<vmem>> -> memref<1000x32xf32, #tpu.memory_space<vmem>>
      %dma_wait3A_1167 = arith.constant 0 : i32
      %dma_wait3A_1168 = tpu.memref_slice %arg4[%add3A_721, %dma_wait3A_1167] : memref<1600000x32xf32, #tpu.memory_space<hbm>> -> memref<1000x32xf32, #tpu.memory_space<hbm>>
      %dma_wait3A_1169 = arith.constant 0 : i32
      %dma_wait3A_1170 = tpu.memref_slice %arg4[%add3A_721, %dma_wait3A_1169] : memref<1600000x32xf32, #tpu.memory_space<hbm>> -> memref<1000x32xf32, #tpu.memory_space<hbm>>
      %dma_wait3A_1171 = arith.constant 0 : i32
      %dma_wait3A_1172 = arith.constant 0 : i32
      %dma_wait3A_1173 = tpu.memref_slice %arg6[%run_scoped3A_722, %dma_wait3A_1171, %dma_wait3A_1172] : memref<2x1000x32xf32, #tpu.memory_space<vmem>> -> memref<1x1000x32xf32, #tpu.memory_space<vmem>>
      %dma_wait3A_1174 = tpu.memref_squeeze %dma_wait3A_1173 : memref<1x1000x32xf32, #tpu.memory_space<vmem>> -> memref<1000x32xf32, #tpu.memory_space<vmem>>
      tpu.wait_dma2 semaphore(%run_scoped3A_1150 : memref<!tpu.dma_semaphore, #tpu.memory_space<semaphore_mem>>) src(%dma_wait3A_1174 : memref<1000x32xf32, #tpu.memory_space<vmem>>) dst(%dma_wait3A_1170 : memref<1000x32xf32, #tpu.memory_space<hbm>>)
      tpu.yield
    }) : () -> ()
    %dma_start3A_723 = arith.constant 0 : i32
    %dma_start3A_724 = arith.constant 0 : i32
    %dma_start3A_725 = arith.constant 0 : i32
    %dma_start3A_726 = tpu.memref_slice %arg6[%dma_start3A_723, %dma_start3A_724, %dma_start3A_725] : memref<2x1000x32xf32, #tpu.memory_space<vmem>> -> memref<1x1000x32xf32, #tpu.memory_space<vmem>>
    %dma_start3A_727 = tpu.memref_squeeze %dma_start3A_726 : memref<1x1000x32xf32, #tpu.memory_space<vmem>> -> memref<1000x32xf32, #tpu.memory_space<vmem>>
    %dma_start3A_728 = arith.constant 32000 : i32
    %dma_start3A_729 = tpu.memref_slice %arg5[%dma_start3A_728] : memref<50000xi32, #tpu.memory_space<vmem>> -> memref<1000xi32, #tpu.memory_space<vmem>>
    %dma_start3A_730 = arith.constant 0 : i32
    %dma_start3A_731 = arith.constant 0 : i32
    %dma_start3A_732 = tpu.memref_slice %arg2[%dma_start3A_730, %dma_start3A_731] : memref<100000x32xf32, #tpu.memory_space<hbm>> -> memref<100000x32xf32, #tpu.memory_space<hbm>>
    tpu.enqueue_indirect_dma source(%dma_start3A_732 : memref<100000x32xf32, #tpu.memory_space<hbm>>) target(%dma_start3A_727 : memref<1000x32xf32, #tpu.memory_space<vmem>>) offsets(%dma_start3A_729 : memref<1000xi32, #tpu.memory_space<vmem>>) semaphore(%arg7 : memref<!tpu.dma_semaphore, #tpu.memory_space<semaphore_mem>>)
    %dma_wait3A_733 = arith.constant 1 : i32
    %dma_wait3A_734 = arith.constant 0 : i32
    %dma_wait3A_735 = arith.constant 0 : i32
    %dma_wait3A_736 = tpu.memref_slice %arg6[%dma_wait3A_733, %dma_wait3A_734, %dma_wait3A_735] : memref<2x1000x32xf32, #tpu.memory_space<vmem>> -> memref<1x1000x32xf32, #tpu.memory_space<vmem>>
    %dma_wait3A_737 = tpu.memref_squeeze %dma_wait3A_736 : memref<1x1000x32xf32, #tpu.memory_space<vmem>> -> memref<1000x32xf32, #tpu.memory_space<vmem>>
    %dma_wait3A_738 = arith.constant 31000 : i32
    %dma_wait3A_739 = tpu.memref_slice %arg5[%dma_wait3A_738] : memref<50000xi32, #tpu.memory_space<vmem>> -> memref<1000xi32, #tpu.memory_space<vmem>>
    %dma_wait3A_740 = arith.constant 0 : i32
    %dma_wait3A_741 = arith.constant 0 : i32
    %dma_wait3A_742 = tpu.memref_slice %arg2[%dma_wait3A_740, %dma_wait3A_741] : memref<100000x32xf32, #tpu.memory_space<hbm>> -> memref<100000x32xf32, #tpu.memory_space<hbm>>
    tpu.wait_indirect_dma semaphore(%arg8 : memref<!tpu.dma_semaphore, #tpu.memory_space<semaphore_mem>>) src(%dma_wait3A_742 : memref<100000x32xf32, #tpu.memory_space<hbm>>) dst(%dma_wait3A_737 : memref<1000x32xf32, #tpu.memory_space<vmem>>)
    %add3A_743 = arith.constant 31000 : i32
    %add3A_744 = arith.addi %mul3A_2, %add3A_743 : i32
    %run_scoped3A_745 = arith.constant 1 : i32
    "tpu.region"() ({
      %run_scoped3A_1150 = tpu.sem_alloc : memref<!tpu.dma_semaphore, #tpu.memory_space<semaphore_mem>>
      %dma_start3A_1151 = arith.constant 0 : i32
      %dma_start3A_1152 = arith.constant 0 : i32
      %dma_start3A_1153 = tpu.memref_slice %arg6[%run_scoped3A_745, %dma_start3A_1151, %dma_start3A_1152] : memref<2x1000x32xf32, #tpu.memory_space<vmem>> -> memref<1x1000x32xf32, #tpu.memory_space<vmem>>
      %dma_start3A_1154 = tpu.memref_squeeze %dma_start3A_1153 : memref<1x1000x32xf32, #tpu.memory_space<vmem>> -> memref<1000x32xf32, #tpu.memory_space<vmem>>
      %dma_start3A_1155 = arith.constant 0 : i32
      %dma_start3A_1156 = tpu.memref_slice %arg4[%add3A_744, %dma_start3A_1155] : memref<1600000x32xf32, #tpu.memory_space<hbm>> -> memref<1000x32xf32, #tpu.memory_space<hbm>>
      %dma_start3A_1157 = arith.constant 0 : i32
      %dma_start3A_1158 = tpu.memref_slice %arg4[%add3A_744, %dma_start3A_1157] : memref<1600000x32xf32, #tpu.memory_space<hbm>> -> memref<1000x32xf32, #tpu.memory_space<hbm>>
      %dma_start3A_1159 = arith.constant 0 : i32
      %dma_start3A_1160 = arith.constant 0 : i32
      %dma_start3A_1161 = tpu.memref_slice %arg6[%run_scoped3A_745, %dma_start3A_1159, %dma_start3A_1160] : memref<2x1000x32xf32, #tpu.memory_space<vmem>> -> memref<1x1000x32xf32, #tpu.memory_space<vmem>>
      %dma_start3A_1162 = tpu.memref_squeeze %dma_start3A_1161 : memref<1x1000x32xf32, #tpu.memory_space<vmem>> -> memref<1000x32xf32, #tpu.memory_space<vmem>>
      tpu.enqueue_dma source(%dma_start3A_1162 : memref<1000x32xf32, #tpu.memory_space<vmem>>) target(%dma_start3A_1158 : memref<1000x32xf32, #tpu.memory_space<hbm>>) target_semaphore(%run_scoped3A_1150 : memref<!tpu.dma_semaphore, #tpu.memory_space<semaphore_mem>>)
      %dma_wait3A_1163 = arith.constant 0 : i32
      %dma_wait3A_1164 = arith.constant 0 : i32
      %dma_wait3A_1165 = tpu.memref_slice %arg6[%run_scoped3A_745, %dma_wait3A_1163, %dma_wait3A_1164] : memref<2x1000x32xf32, #tpu.memory_space<vmem>> -> memref<1x1000x32xf32, #tpu.memory_space<vmem>>
      %dma_wait3A_1166 = tpu.memref_squeeze %dma_wait3A_1165 : memref<1x1000x32xf32, #tpu.memory_space<vmem>> -> memref<1000x32xf32, #tpu.memory_space<vmem>>
      %dma_wait3A_1167 = arith.constant 0 : i32
      %dma_wait3A_1168 = tpu.memref_slice %arg4[%add3A_744, %dma_wait3A_1167] : memref<1600000x32xf32, #tpu.memory_space<hbm>> -> memref<1000x32xf32, #tpu.memory_space<hbm>>
      %dma_wait3A_1169 = arith.constant 0 : i32
      %dma_wait3A_1170 = tpu.memref_slice %arg4[%add3A_744, %dma_wait3A_1169] : memref<1600000x32xf32, #tpu.memory_space<hbm>> -> memref<1000x32xf32, #tpu.memory_space<hbm>>
      %dma_wait3A_1171 = arith.constant 0 : i32
      %dma_wait3A_1172 = arith.constant 0 : i32
      %dma_wait3A_1173 = tpu.memref_slice %arg6[%run_scoped3A_745, %dma_wait3A_1171, %dma_wait3A_1172] : memref<2x1000x32xf32, #tpu.memory_space<vmem>> -> memref<1x1000x32xf32, #tpu.memory_space<vmem>>
      %dma_wait3A_1174 = tpu.memref_squeeze %dma_wait3A_1173 : memref<1x1000x32xf32, #tpu.memory_space<vmem>> -> memref<1000x32xf32, #tpu.memory_space<vmem>>
      tpu.wait_dma2 semaphore(%run_scoped3A_1150 : memref<!tpu.dma_semaphore, #tpu.memory_space<semaphore_mem>>) src(%dma_wait3A_1174 : memref<1000x32xf32, #tpu.memory_space<vmem>>) dst(%dma_wait3A_1170 : memref<1000x32xf32, #tpu.memory_space<hbm>>)
      tpu.yield
    }) : () -> ()
    %dma_start3A_746 = arith.constant 1 : i32
    %dma_start3A_747 = arith.constant 0 : i32
    %dma_start3A_748 = arith.constant 0 : i32
    %dma_start3A_749 = tpu.memref_slice %arg6[%dma_start3A_746, %dma_start3A_747, %dma_start3A_748] : memref<2x1000x32xf32, #tpu.memory_space<vmem>> -> memref<1x1000x32xf32, #tpu.memory_space<vmem>>
    %dma_start3A_750 = tpu.memref_squeeze %dma_start3A_749 : memref<1x1000x32xf32, #tpu.memory_space<vmem>> -> memref<1000x32xf32, #tpu.memory_space<vmem>>
    %dma_start3A_751 = arith.constant 33000 : i32
    %dma_start3A_752 = tpu.memref_slice %arg5[%dma_start3A_751] : memref<50000xi32, #tpu.memory_space<vmem>> -> memref<1000xi32, #tpu.memory_space<vmem>>
    %dma_start3A_753 = arith.constant 0 : i32
    %dma_start3A_754 = arith.constant 0 : i32
    %dma_start3A_755 = tpu.memref_slice %arg2[%dma_start3A_753, %dma_start3A_754] : memref<100000x32xf32, #tpu.memory_space<hbm>> -> memref<100000x32xf32, #tpu.memory_space<hbm>>
    tpu.enqueue_indirect_dma source(%dma_start3A_755 : memref<100000x32xf32, #tpu.memory_space<hbm>>) target(%dma_start3A_750 : memref<1000x32xf32, #tpu.memory_space<vmem>>) offsets(%dma_start3A_752 : memref<1000xi32, #tpu.memory_space<vmem>>) semaphore(%arg8 : memref<!tpu.dma_semaphore, #tpu.memory_space<semaphore_mem>>)
    %dma_wait3A_756 = arith.constant 0 : i32
    %dma_wait3A_757 = arith.constant 0 : i32
    %dma_wait3A_758 = arith.constant 0 : i32
    %dma_wait3A_759 = tpu.memref_slice %arg6[%dma_wait3A_756, %dma_wait3A_757, %dma_wait3A_758] : memref<2x1000x32xf32, #tpu.memory_space<vmem>> -> memref<1x1000x32xf32, #tpu.memory_space<vmem>>
    %dma_wait3A_760 = tpu.memref_squeeze %dma_wait3A_759 : memref<1x1000x32xf32, #tpu.memory_space<vmem>> -> memref<1000x32xf32, #tpu.memory_space<vmem>>
    %dma_wait3A_761 = arith.constant 32000 : i32
    %dma_wait3A_762 = tpu.memref_slice %arg5[%dma_wait3A_761] : memref<50000xi32, #tpu.memory_space<vmem>> -> memref<1000xi32, #tpu.memory_space<vmem>>
    %dma_wait3A_763 = arith.constant 0 : i32
    %dma_wait3A_764 = arith.constant 0 : i32
    %dma_wait3A_765 = tpu.memref_slice %arg2[%dma_wait3A_763, %dma_wait3A_764] : memref<100000x32xf32, #tpu.memory_space<hbm>> -> memref<100000x32xf32, #tpu.memory_space<hbm>>
    tpu.wait_indirect_dma semaphore(%arg7 : memref<!tpu.dma_semaphore, #tpu.memory_space<semaphore_mem>>) src(%dma_wait3A_765 : memref<100000x32xf32, #tpu.memory_space<hbm>>) dst(%dma_wait3A_760 : memref<1000x32xf32, #tpu.memory_space<vmem>>)
    %add3A_766 = arith.constant 32000 : i32
    %add3A_767 = arith.addi %mul3A_2, %add3A_766 : i32
    %run_scoped3A_768 = arith.constant 0 : i32
    "tpu.region"() ({
      %run_scoped3A_1150 = tpu.sem_alloc : memref<!tpu.dma_semaphore, #tpu.memory_space<semaphore_mem>>
      %dma_start3A_1151 = arith.constant 0 : i32
      %dma_start3A_1152 = arith.constant 0 : i32
      %dma_start3A_1153 = tpu.memref_slice %arg6[%run_scoped3A_768, %dma_start3A_1151, %dma_start3A_1152] : memref<2x1000x32xf32, #tpu.memory_space<vmem>> -> memref<1x1000x32xf32, #tpu.memory_space<vmem>>
      %dma_start3A_1154 = tpu.memref_squeeze %dma_start3A_1153 : memref<1x1000x32xf32, #tpu.memory_space<vmem>> -> memref<1000x32xf32, #tpu.memory_space<vmem>>
      %dma_start3A_1155 = arith.constant 0 : i32
      %dma_start3A_1156 = tpu.memref_slice %arg4[%add3A_767, %dma_start3A_1155] : memref<1600000x32xf32, #tpu.memory_space<hbm>> -> memref<1000x32xf32, #tpu.memory_space<hbm>>
      %dma_start3A_1157 = arith.constant 0 : i32
      %dma_start3A_1158 = tpu.memref_slice %arg4[%add3A_767, %dma_start3A_1157] : memref<1600000x32xf32, #tpu.memory_space<hbm>> -> memref<1000x32xf32, #tpu.memory_space<hbm>>
      %dma_start3A_1159 = arith.constant 0 : i32
      %dma_start3A_1160 = arith.constant 0 : i32
      %dma_start3A_1161 = tpu.memref_slice %arg6[%run_scoped3A_768, %dma_start3A_1159, %dma_start3A_1160] : memref<2x1000x32xf32, #tpu.memory_space<vmem>> -> memref<1x1000x32xf32, #tpu.memory_space<vmem>>
      %dma_start3A_1162 = tpu.memref_squeeze %dma_start3A_1161 : memref<1x1000x32xf32, #tpu.memory_space<vmem>> -> memref<1000x32xf32, #tpu.memory_space<vmem>>
      tpu.enqueue_dma source(%dma_start3A_1162 : memref<1000x32xf32, #tpu.memory_space<vmem>>) target(%dma_start3A_1158 : memref<1000x32xf32, #tpu.memory_space<hbm>>) target_semaphore(%run_scoped3A_1150 : memref<!tpu.dma_semaphore, #tpu.memory_space<semaphore_mem>>)
      %dma_wait3A_1163 = arith.constant 0 : i32
      %dma_wait3A_1164 = arith.constant 0 : i32
      %dma_wait3A_1165 = tpu.memref_slice %arg6[%run_scoped3A_768, %dma_wait3A_1163, %dma_wait3A_1164] : memref<2x1000x32xf32, #tpu.memory_space<vmem>> -> memref<1x1000x32xf32, #tpu.memory_space<vmem>>
      %dma_wait3A_1166 = tpu.memref_squeeze %dma_wait3A_1165 : memref<1x1000x32xf32, #tpu.memory_space<vmem>> -> memref<1000x32xf32, #tpu.memory_space<vmem>>
      %dma_wait3A_1167 = arith.constant 0 : i32
      %dma_wait3A_1168 = tpu.memref_slice %arg4[%add3A_767, %dma_wait3A_1167] : memref<1600000x32xf32, #tpu.memory_space<hbm>> -> memref<1000x32xf32, #tpu.memory_space<hbm>>
      %dma_wait3A_1169 = arith.constant 0 : i32
      %dma_wait3A_1170 = tpu.memref_slice %arg4[%add3A_767, %dma_wait3A_1169] : memref<1600000x32xf32, #tpu.memory_space<hbm>> -> memref<1000x32xf32, #tpu.memory_space<hbm>>
      %dma_wait3A_1171 = arith.constant 0 : i32
      %dma_wait3A_1172 = arith.constant 0 : i32
      %dma_wait3A_1173 = tpu.memref_slice %arg6[%run_scoped3A_768, %dma_wait3A_1171, %dma_wait3A_1172] : memref<2x1000x32xf32, #tpu.memory_space<vmem>> -> memref<1x1000x32xf32, #tpu.memory_space<vmem>>
      %dma_wait3A_1174 = tpu.memref_squeeze %dma_wait3A_1173 : memref<1x1000x32xf32, #tpu.memory_space<vmem>> -> memref<1000x32xf32, #tpu.memory_space<vmem>>
      tpu.wait_dma2 semaphore(%run_scoped3A_1150 : memref<!tpu.dma_semaphore, #tpu.memory_space<semaphore_mem>>) src(%dma_wait3A_1174 : memref<1000x32xf32, #tpu.memory_space<vmem>>) dst(%dma_wait3A_1170 : memref<1000x32xf32, #tpu.memory_space<hbm>>)
      tpu.yield
    }) : () -> ()
    %dma_start3A_769 = arith.constant 0 : i32
    %dma_start3A_770 = arith.constant 0 : i32
    %dma_start3A_771 = arith.constant 0 : i32
    %dma_start3A_772 = tpu.memref_slice %arg6[%dma_start3A_769, %dma_start3A_770, %dma_start3A_771] : memref<2x1000x32xf32, #tpu.memory_space<vmem>> -> memref<1x1000x32xf32, #tpu.memory_space<vmem>>
    %dma_start3A_773 = tpu.memref_squeeze %dma_start3A_772 : memref<1x1000x32xf32, #tpu.memory_space<vmem>> -> memref<1000x32xf32, #tpu.memory_space<vmem>>
    %dma_start3A_774 = arith.constant 34000 : i32
    %dma_start3A_775 = tpu.memref_slice %arg5[%dma_start3A_774] : memref<50000xi32, #tpu.memory_space<vmem>> -> memref<1000xi32, #tpu.memory_space<vmem>>
    %dma_start3A_776 = arith.constant 0 : i32
    %dma_start3A_777 = arith.constant 0 : i32
    %dma_start3A_778 = tpu.memref_slice %arg2[%dma_start3A_776, %dma_start3A_777] : memref<100000x32xf32, #tpu.memory_space<hbm>> -> memref<100000x32xf32, #tpu.memory_space<hbm>>
    tpu.enqueue_indirect_dma source(%dma_start3A_778 : memref<100000x32xf32, #tpu.memory_space<hbm>>) target(%dma_start3A_773 : memref<1000x32xf32, #tpu.memory_space<vmem>>) offsets(%dma_start3A_775 : memref<1000xi32, #tpu.memory_space<vmem>>) semaphore(%arg7 : memref<!tpu.dma_semaphore, #tpu.memory_space<semaphore_mem>>)
    %dma_wait3A_779 = arith.constant 1 : i32
    %dma_wait3A_780 = arith.constant 0 : i32
    %dma_wait3A_781 = arith.constant 0 : i32
    %dma_wait3A_782 = tpu.memref_slice %arg6[%dma_wait3A_779, %dma_wait3A_780, %dma_wait3A_781] : memref<2x1000x32xf32, #tpu.memory_space<vmem>> -> memref<1x1000x32xf32, #tpu.memory_space<vmem>>
    %dma_wait3A_783 = tpu.memref_squeeze %dma_wait3A_782 : memref<1x1000x32xf32, #tpu.memory_space<vmem>> -> memref<1000x32xf32, #tpu.memory_space<vmem>>
    %dma_wait3A_784 = arith.constant 33000 : i32
    %dma_wait3A_785 = tpu.memref_slice %arg5[%dma_wait3A_784] : memref<50000xi32, #tpu.memory_space<vmem>> -> memref<1000xi32, #tpu.memory_space<vmem>>
    %dma_wait3A_786 = arith.constant 0 : i32
    %dma_wait3A_787 = arith.constant 0 : i32
    %dma_wait3A_788 = tpu.memref_slice %arg2[%dma_wait3A_786, %dma_wait3A_787] : memref<100000x32xf32, #tpu.memory_space<hbm>> -> memref<100000x32xf32, #tpu.memory_space<hbm>>
    tpu.wait_indirect_dma semaphore(%arg8 : memref<!tpu.dma_semaphore, #tpu.memory_space<semaphore_mem>>) src(%dma_wait3A_788 : memref<100000x32xf32, #tpu.memory_space<hbm>>) dst(%dma_wait3A_783 : memref<1000x32xf32, #tpu.memory_space<vmem>>)
    %add3A_789 = arith.constant 33000 : i32
    %add3A_790 = arith.addi %mul3A_2, %add3A_789 : i32
    %run_scoped3A_791 = arith.constant 1 : i32
    "tpu.region"() ({
      %run_scoped3A_1150 = tpu.sem_alloc : memref<!tpu.dma_semaphore, #tpu.memory_space<semaphore_mem>>
      %dma_start3A_1151 = arith.constant 0 : i32
      %dma_start3A_1152 = arith.constant 0 : i32
      %dma_start3A_1153 = tpu.memref_slice %arg6[%run_scoped3A_791, %dma_start3A_1151, %dma_start3A_1152] : memref<2x1000x32xf32, #tpu.memory_space<vmem>> -> memref<1x1000x32xf32, #tpu.memory_space<vmem>>
      %dma_start3A_1154 = tpu.memref_squeeze %dma_start3A_1153 : memref<1x1000x32xf32, #tpu.memory_space<vmem>> -> memref<1000x32xf32, #tpu.memory_space<vmem>>
      %dma_start3A_1155 = arith.constant 0 : i32
      %dma_start3A_1156 = tpu.memref_slice %arg4[%add3A_790, %dma_start3A_1155] : memref<1600000x32xf32, #tpu.memory_space<hbm>> -> memref<1000x32xf32, #tpu.memory_space<hbm>>
      %dma_start3A_1157 = arith.constant 0 : i32
      %dma_start3A_1158 = tpu.memref_slice %arg4[%add3A_790, %dma_start3A_1157] : memref<1600000x32xf32, #tpu.memory_space<hbm>> -> memref<1000x32xf32, #tpu.memory_space<hbm>>
      %dma_start3A_1159 = arith.constant 0 : i32
      %dma_start3A_1160 = arith.constant 0 : i32
      %dma_start3A_1161 = tpu.memref_slice %arg6[%run_scoped3A_791, %dma_start3A_1159, %dma_start3A_1160] : memref<2x1000x32xf32, #tpu.memory_space<vmem>> -> memref<1x1000x32xf32, #tpu.memory_space<vmem>>
      %dma_start3A_1162 = tpu.memref_squeeze %dma_start3A_1161 : memref<1x1000x32xf32, #tpu.memory_space<vmem>> -> memref<1000x32xf32, #tpu.memory_space<vmem>>
      tpu.enqueue_dma source(%dma_start3A_1162 : memref<1000x32xf32, #tpu.memory_space<vmem>>) target(%dma_start3A_1158 : memref<1000x32xf32, #tpu.memory_space<hbm>>) target_semaphore(%run_scoped3A_1150 : memref<!tpu.dma_semaphore, #tpu.memory_space<semaphore_mem>>)
      %dma_wait3A_1163 = arith.constant 0 : i32
      %dma_wait3A_1164 = arith.constant 0 : i32
      %dma_wait3A_1165 = tpu.memref_slice %arg6[%run_scoped3A_791, %dma_wait3A_1163, %dma_wait3A_1164] : memref<2x1000x32xf32, #tpu.memory_space<vmem>> -> memref<1x1000x32xf32, #tpu.memory_space<vmem>>
      %dma_wait3A_1166 = tpu.memref_squeeze %dma_wait3A_1165 : memref<1x1000x32xf32, #tpu.memory_space<vmem>> -> memref<1000x32xf32, #tpu.memory_space<vmem>>
      %dma_wait3A_1167 = arith.constant 0 : i32
      %dma_wait3A_1168 = tpu.memref_slice %arg4[%add3A_790, %dma_wait3A_1167] : memref<1600000x32xf32, #tpu.memory_space<hbm>> -> memref<1000x32xf32, #tpu.memory_space<hbm>>
      %dma_wait3A_1169 = arith.constant 0 : i32
      %dma_wait3A_1170 = tpu.memref_slice %arg4[%add3A_790, %dma_wait3A_1169] : memref<1600000x32xf32, #tpu.memory_space<hbm>> -> memref<1000x32xf32, #tpu.memory_space<hbm>>
      %dma_wait3A_1171 = arith.constant 0 : i32
      %dma_wait3A_1172 = arith.constant 0 : i32
      %dma_wait3A_1173 = tpu.memref_slice %arg6[%run_scoped3A_791, %dma_wait3A_1171, %dma_wait3A_1172] : memref<2x1000x32xf32, #tpu.memory_space<vmem>> -> memref<1x1000x32xf32, #tpu.memory_space<vmem>>
      %dma_wait3A_1174 = tpu.memref_squeeze %dma_wait3A_1173 : memref<1x1000x32xf32, #tpu.memory_space<vmem>> -> memref<1000x32xf32, #tpu.memory_space<vmem>>
      tpu.wait_dma2 semaphore(%run_scoped3A_1150 : memref<!tpu.dma_semaphore, #tpu.memory_space<semaphore_mem>>) src(%dma_wait3A_1174 : memref<1000x32xf32, #tpu.memory_space<vmem>>) dst(%dma_wait3A_1170 : memref<1000x32xf32, #tpu.memory_space<hbm>>)
      tpu.yield
    }) : () -> ()
    %dma_start3A_792 = arith.constant 1 : i32
    %dma_start3A_793 = arith.constant 0 : i32
    %dma_start3A_794 = arith.constant 0 : i32
    %dma_start3A_795 = tpu.memref_slice %arg6[%dma_start3A_792, %dma_start3A_793, %dma_start3A_794] : memref<2x1000x32xf32, #tpu.memory_space<vmem>> -> memref<1x1000x32xf32, #tpu.memory_space<vmem>>
    %dma_start3A_796 = tpu.memref_squeeze %dma_start3A_795 : memref<1x1000x32xf32, #tpu.memory_space<vmem>> -> memref<1000x32xf32, #tpu.memory_space<vmem>>
    %dma_start3A_797 = arith.constant 35000 : i32
    %dma_start3A_798 = tpu.memref_slice %arg5[%dma_start3A_797] : memref<50000xi32, #tpu.memory_space<vmem>> -> memref<1000xi32, #tpu.memory_space<vmem>>
    %dma_start3A_799 = arith.constant 0 : i32
    %dma_start3A_800 = arith.constant 0 : i32
    %dma_start3A_801 = tpu.memref_slice %arg2[%dma_start3A_799, %dma_start3A_800] : memref<100000x32xf32, #tpu.memory_space<hbm>> -> memref<100000x32xf32, #tpu.memory_space<hbm>>
    tpu.enqueue_indirect_dma source(%dma_start3A_801 : memref<100000x32xf32, #tpu.memory_space<hbm>>) target(%dma_start3A_796 : memref<1000x32xf32, #tpu.memory_space<vmem>>) offsets(%dma_start3A_798 : memref<1000xi32, #tpu.memory_space<vmem>>) semaphore(%arg8 : memref<!tpu.dma_semaphore, #tpu.memory_space<semaphore_mem>>)
    %dma_wait3A_802 = arith.constant 0 : i32
    %dma_wait3A_803 = arith.constant 0 : i32
    %dma_wait3A_804 = arith.constant 0 : i32
    %dma_wait3A_805 = tpu.memref_slice %arg6[%dma_wait3A_802, %dma_wait3A_803, %dma_wait3A_804] : memref<2x1000x32xf32, #tpu.memory_space<vmem>> -> memref<1x1000x32xf32, #tpu.memory_space<vmem>>
    %dma_wait3A_806 = tpu.memref_squeeze %dma_wait3A_805 : memref<1x1000x32xf32, #tpu.memory_space<vmem>> -> memref<1000x32xf32, #tpu.memory_space<vmem>>
    %dma_wait3A_807 = arith.constant 34000 : i32
    %dma_wait3A_808 = tpu.memref_slice %arg5[%dma_wait3A_807] : memref<50000xi32, #tpu.memory_space<vmem>> -> memref<1000xi32, #tpu.memory_space<vmem>>
    %dma_wait3A_809 = arith.constant 0 : i32
    %dma_wait3A_810 = arith.constant 0 : i32
    %dma_wait3A_811 = tpu.memref_slice %arg2[%dma_wait3A_809, %dma_wait3A_810] : memref<100000x32xf32, #tpu.memory_space<hbm>> -> memref<100000x32xf32, #tpu.memory_space<hbm>>
    tpu.wait_indirect_dma semaphore(%arg7 : memref<!tpu.dma_semaphore, #tpu.memory_space<semaphore_mem>>) src(%dma_wait3A_811 : memref<100000x32xf32, #tpu.memory_space<hbm>>) dst(%dma_wait3A_806 : memref<1000x32xf32, #tpu.memory_space<vmem>>)
    %add3A_812 = arith.constant 34000 : i32
    %add3A_813 = arith.addi %mul3A_2, %add3A_812 : i32
    %run_scoped3A_814 = arith.constant 0 : i32
    "tpu.region"() ({
      %run_scoped3A_1150 = tpu.sem_alloc : memref<!tpu.dma_semaphore, #tpu.memory_space<semaphore_mem>>
      %dma_start3A_1151 = arith.constant 0 : i32
      %dma_start3A_1152 = arith.constant 0 : i32
      %dma_start3A_1153 = tpu.memref_slice %arg6[%run_scoped3A_814, %dma_start3A_1151, %dma_start3A_1152] : memref<2x1000x32xf32, #tpu.memory_space<vmem>> -> memref<1x1000x32xf32, #tpu.memory_space<vmem>>
      %dma_start3A_1154 = tpu.memref_squeeze %dma_start3A_1153 : memref<1x1000x32xf32, #tpu.memory_space<vmem>> -> memref<1000x32xf32, #tpu.memory_space<vmem>>
      %dma_start3A_1155 = arith.constant 0 : i32
      %dma_start3A_1156 = tpu.memref_slice %arg4[%add3A_813, %dma_start3A_1155] : memref<1600000x32xf32, #tpu.memory_space<hbm>> -> memref<1000x32xf32, #tpu.memory_space<hbm>>
      %dma_start3A_1157 = arith.constant 0 : i32
      %dma_start3A_1158 = tpu.memref_slice %arg4[%add3A_813, %dma_start3A_1157] : memref<1600000x32xf32, #tpu.memory_space<hbm>> -> memref<1000x32xf32, #tpu.memory_space<hbm>>
      %dma_start3A_1159 = arith.constant 0 : i32
      %dma_start3A_1160 = arith.constant 0 : i32
      %dma_start3A_1161 = tpu.memref_slice %arg6[%run_scoped3A_814, %dma_start3A_1159, %dma_start3A_1160] : memref<2x1000x32xf32, #tpu.memory_space<vmem>> -> memref<1x1000x32xf32, #tpu.memory_space<vmem>>
      %dma_start3A_1162 = tpu.memref_squeeze %dma_start3A_1161 : memref<1x1000x32xf32, #tpu.memory_space<vmem>> -> memref<1000x32xf32, #tpu.memory_space<vmem>>
      tpu.enqueue_dma source(%dma_start3A_1162 : memref<1000x32xf32, #tpu.memory_space<vmem>>) target(%dma_start3A_1158 : memref<1000x32xf32, #tpu.memory_space<hbm>>) target_semaphore(%run_scoped3A_1150 : memref<!tpu.dma_semaphore, #tpu.memory_space<semaphore_mem>>)
      %dma_wait3A_1163 = arith.constant 0 : i32
      %dma_wait3A_1164 = arith.constant 0 : i32
      %dma_wait3A_1165 = tpu.memref_slice %arg6[%run_scoped3A_814, %dma_wait3A_1163, %dma_wait3A_1164] : memref<2x1000x32xf32, #tpu.memory_space<vmem>> -> memref<1x1000x32xf32, #tpu.memory_space<vmem>>
      %dma_wait3A_1166 = tpu.memref_squeeze %dma_wait3A_1165 : memref<1x1000x32xf32, #tpu.memory_space<vmem>> -> memref<1000x32xf32, #tpu.memory_space<vmem>>
      %dma_wait3A_1167 = arith.constant 0 : i32
      %dma_wait3A_1168 = tpu.memref_slice %arg4[%add3A_813, %dma_wait3A_1167] : memref<1600000x32xf32, #tpu.memory_space<hbm>> -> memref<1000x32xf32, #tpu.memory_space<hbm>>
      %dma_wait3A_1169 = arith.constant 0 : i32
      %dma_wait3A_1170 = tpu.memref_slice %arg4[%add3A_813, %dma_wait3A_1169] : memref<1600000x32xf32, #tpu.memory_space<hbm>> -> memref<1000x32xf32, #tpu.memory_space<hbm>>
      %dma_wait3A_1171 = arith.constant 0 : i32
      %dma_wait3A_1172 = arith.constant 0 : i32
      %dma_wait3A_1173 = tpu.memref_slice %arg6[%run_scoped3A_814, %dma_wait3A_1171, %dma_wait3A_1172] : memref<2x1000x32xf32, #tpu.memory_space<vmem>> -> memref<1x1000x32xf32, #tpu.memory_space<vmem>>
      %dma_wait3A_1174 = tpu.memref_squeeze %dma_wait3A_1173 : memref<1x1000x32xf32, #tpu.memory_space<vmem>> -> memref<1000x32xf32, #tpu.memory_space<vmem>>
      tpu.wait_dma2 semaphore(%run_scoped3A_1150 : memref<!tpu.dma_semaphore, #tpu.memory_space<semaphore_mem>>) src(%dma_wait3A_1174 : memref<1000x32xf32, #tpu.memory_space<vmem>>) dst(%dma_wait3A_1170 : memref<1000x32xf32, #tpu.memory_space<hbm>>)
      tpu.yield
    }) : () -> ()
    %dma_start3A_815 = arith.constant 0 : i32
    %dma_start3A_816 = arith.constant 0 : i32
    %dma_start3A_817 = arith.constant 0 : i32
    %dma_start3A_818 = tpu.memref_slice %arg6[%dma_start3A_815, %dma_start3A_816, %dma_start3A_817] : memref<2x1000x32xf32, #tpu.memory_space<vmem>> -> memref<1x1000x32xf32, #tpu.memory_space<vmem>>
    %dma_start3A_819 = tpu.memref_squeeze %dma_start3A_818 : memref<1x1000x32xf32, #tpu.memory_space<vmem>> -> memref<1000x32xf32, #tpu.memory_space<vmem>>
    %dma_start3A_820 = arith.constant 36000 : i32
    %dma_start3A_821 = tpu.memref_slice %arg5[%dma_start3A_820] : memref<50000xi32, #tpu.memory_space<vmem>> -> memref<1000xi32, #tpu.memory_space<vmem>>
    %dma_start3A_822 = arith.constant 0 : i32
    %dma_start3A_823 = arith.constant 0 : i32
    %dma_start3A_824 = tpu.memref_slice %arg2[%dma_start3A_822, %dma_start3A_823] : memref<100000x32xf32, #tpu.memory_space<hbm>> -> memref<100000x32xf32, #tpu.memory_space<hbm>>
    tpu.enqueue_indirect_dma source(%dma_start3A_824 : memref<100000x32xf32, #tpu.memory_space<hbm>>) target(%dma_start3A_819 : memref<1000x32xf32, #tpu.memory_space<vmem>>) offsets(%dma_start3A_821 : memref<1000xi32, #tpu.memory_space<vmem>>) semaphore(%arg7 : memref<!tpu.dma_semaphore, #tpu.memory_space<semaphore_mem>>)
    %dma_wait3A_825 = arith.constant 1 : i32
    %dma_wait3A_826 = arith.constant 0 : i32
    %dma_wait3A_827 = arith.constant 0 : i32
    %dma_wait3A_828 = tpu.memref_slice %arg6[%dma_wait3A_825, %dma_wait3A_826, %dma_wait3A_827] : memref<2x1000x32xf32, #tpu.memory_space<vmem>> -> memref<1x1000x32xf32, #tpu.memory_space<vmem>>
    %dma_wait3A_829 = tpu.memref_squeeze %dma_wait3A_828 : memref<1x1000x32xf32, #tpu.memory_space<vmem>> -> memref<1000x32xf32, #tpu.memory_space<vmem>>
    %dma_wait3A_830 = arith.constant 35000 : i32
    %dma_wait3A_831 = tpu.memref_slice %arg5[%dma_wait3A_830] : memref<50000xi32, #tpu.memory_space<vmem>> -> memref<1000xi32, #tpu.memory_space<vmem>>
    %dma_wait3A_832 = arith.constant 0 : i32
    %dma_wait3A_833 = arith.constant 0 : i32
    %dma_wait3A_834 = tpu.memref_slice %arg2[%dma_wait3A_832, %dma_wait3A_833] : memref<100000x32xf32, #tpu.memory_space<hbm>> -> memref<100000x32xf32, #tpu.memory_space<hbm>>
    tpu.wait_indirect_dma semaphore(%arg8 : memref<!tpu.dma_semaphore, #tpu.memory_space<semaphore_mem>>) src(%dma_wait3A_834 : memref<100000x32xf32, #tpu.memory_space<hbm>>) dst(%dma_wait3A_829 : memref<1000x32xf32, #tpu.memory_space<vmem>>)
    %add3A_835 = arith.constant 35000 : i32
    %add3A_836 = arith.addi %mul3A_2, %add3A_835 : i32
    %run_scoped3A_837 = arith.constant 1 : i32
    "tpu.region"() ({
      %run_scoped3A_1150 = tpu.sem_alloc : memref<!tpu.dma_semaphore, #tpu.memory_space<semaphore_mem>>
      %dma_start3A_1151 = arith.constant 0 : i32
      %dma_start3A_1152 = arith.constant 0 : i32
      %dma_start3A_1153 = tpu.memref_slice %arg6[%run_scoped3A_837, %dma_start3A_1151, %dma_start3A_1152] : memref<2x1000x32xf32, #tpu.memory_space<vmem>> -> memref<1x1000x32xf32, #tpu.memory_space<vmem>>
      %dma_start3A_1154 = tpu.memref_squeeze %dma_start3A_1153 : memref<1x1000x32xf32, #tpu.memory_space<vmem>> -> memref<1000x32xf32, #tpu.memory_space<vmem>>
      %dma_start3A_1155 = arith.constant 0 : i32
      %dma_start3A_1156 = tpu.memref_slice %arg4[%add3A_836, %dma_start3A_1155] : memref<1600000x32xf32, #tpu.memory_space<hbm>> -> memref<1000x32xf32, #tpu.memory_space<hbm>>
      %dma_start3A_1157 = arith.constant 0 : i32
      %dma_start3A_1158 = tpu.memref_slice %arg4[%add3A_836, %dma_start3A_1157] : memref<1600000x32xf32, #tpu.memory_space<hbm>> -> memref<1000x32xf32, #tpu.memory_space<hbm>>
      %dma_start3A_1159 = arith.constant 0 : i32
      %dma_start3A_1160 = arith.constant 0 : i32
      %dma_start3A_1161 = tpu.memref_slice %arg6[%run_scoped3A_837, %dma_start3A_1159, %dma_start3A_1160] : memref<2x1000x32xf32, #tpu.memory_space<vmem>> -> memref<1x1000x32xf32, #tpu.memory_space<vmem>>
      %dma_start3A_1162 = tpu.memref_squeeze %dma_start3A_1161 : memref<1x1000x32xf32, #tpu.memory_space<vmem>> -> memref<1000x32xf32, #tpu.memory_space<vmem>>
      tpu.enqueue_dma source(%dma_start3A_1162 : memref<1000x32xf32, #tpu.memory_space<vmem>>) target(%dma_start3A_1158 : memref<1000x32xf32, #tpu.memory_space<hbm>>) target_semaphore(%run_scoped3A_1150 : memref<!tpu.dma_semaphore, #tpu.memory_space<semaphore_mem>>)
      %dma_wait3A_1163 = arith.constant 0 : i32
      %dma_wait3A_1164 = arith.constant 0 : i32
      %dma_wait3A_1165 = tpu.memref_slice %arg6[%run_scoped3A_837, %dma_wait3A_1163, %dma_wait3A_1164] : memref<2x1000x32xf32, #tpu.memory_space<vmem>> -> memref<1x1000x32xf32, #tpu.memory_space<vmem>>
      %dma_wait3A_1166 = tpu.memref_squeeze %dma_wait3A_1165 : memref<1x1000x32xf32, #tpu.memory_space<vmem>> -> memref<1000x32xf32, #tpu.memory_space<vmem>>
      %dma_wait3A_1167 = arith.constant 0 : i32
      %dma_wait3A_1168 = tpu.memref_slice %arg4[%add3A_836, %dma_wait3A_1167] : memref<1600000x32xf32, #tpu.memory_space<hbm>> -> memref<1000x32xf32, #tpu.memory_space<hbm>>
      %dma_wait3A_1169 = arith.constant 0 : i32
      %dma_wait3A_1170 = tpu.memref_slice %arg4[%add3A_836, %dma_wait3A_1169] : memref<1600000x32xf32, #tpu.memory_space<hbm>> -> memref<1000x32xf32, #tpu.memory_space<hbm>>
      %dma_wait3A_1171 = arith.constant 0 : i32
      %dma_wait3A_1172 = arith.constant 0 : i32
      %dma_wait3A_1173 = tpu.memref_slice %arg6[%run_scoped3A_837, %dma_wait3A_1171, %dma_wait3A_1172] : memref<2x1000x32xf32, #tpu.memory_space<vmem>> -> memref<1x1000x32xf32, #tpu.memory_space<vmem>>
      %dma_wait3A_1174 = tpu.memref_squeeze %dma_wait3A_1173 : memref<1x1000x32xf32, #tpu.memory_space<vmem>> -> memref<1000x32xf32, #tpu.memory_space<vmem>>
      tpu.wait_dma2 semaphore(%run_scoped3A_1150 : memref<!tpu.dma_semaphore, #tpu.memory_space<semaphore_mem>>) src(%dma_wait3A_1174 : memref<1000x32xf32, #tpu.memory_space<vmem>>) dst(%dma_wait3A_1170 : memref<1000x32xf32, #tpu.memory_space<hbm>>)
      tpu.yield
    }) : () -> ()
    %dma_start3A_838 = arith.constant 1 : i32
    %dma_start3A_839 = arith.constant 0 : i32
    %dma_start3A_840 = arith.constant 0 : i32
    %dma_start3A_841 = tpu.memref_slice %arg6[%dma_start3A_838, %dma_start3A_839, %dma_start3A_840] : memref<2x1000x32xf32, #tpu.memory_space<vmem>> -> memref<1x1000x32xf32, #tpu.memory_space<vmem>>
    %dma_start3A_842 = tpu.memref_squeeze %dma_start3A_841 : memref<1x1000x32xf32, #tpu.memory_space<vmem>> -> memref<1000x32xf32, #tpu.memory_space<vmem>>
    %dma_start3A_843 = arith.constant 37000 : i32
    %dma_start3A_844 = tpu.memref_slice %arg5[%dma_start3A_843] : memref<50000xi32, #tpu.memory_space<vmem>> -> memref<1000xi32, #tpu.memory_space<vmem>>
    %dma_start3A_845 = arith.constant 0 : i32
    %dma_start3A_846 = arith.constant 0 : i32
    %dma_start3A_847 = tpu.memref_slice %arg2[%dma_start3A_845, %dma_start3A_846] : memref<100000x32xf32, #tpu.memory_space<hbm>> -> memref<100000x32xf32, #tpu.memory_space<hbm>>
    tpu.enqueue_indirect_dma source(%dma_start3A_847 : memref<100000x32xf32, #tpu.memory_space<hbm>>) target(%dma_start3A_842 : memref<1000x32xf32, #tpu.memory_space<vmem>>) offsets(%dma_start3A_844 : memref<1000xi32, #tpu.memory_space<vmem>>) semaphore(%arg8 : memref<!tpu.dma_semaphore, #tpu.memory_space<semaphore_mem>>)
    %dma_wait3A_848 = arith.constant 0 : i32
    %dma_wait3A_849 = arith.constant 0 : i32
    %dma_wait3A_850 = arith.constant 0 : i32
    %dma_wait3A_851 = tpu.memref_slice %arg6[%dma_wait3A_848, %dma_wait3A_849, %dma_wait3A_850] : memref<2x1000x32xf32, #tpu.memory_space<vmem>> -> memref<1x1000x32xf32, #tpu.memory_space<vmem>>
    %dma_wait3A_852 = tpu.memref_squeeze %dma_wait3A_851 : memref<1x1000x32xf32, #tpu.memory_space<vmem>> -> memref<1000x32xf32, #tpu.memory_space<vmem>>
    %dma_wait3A_853 = arith.constant 36000 : i32
    %dma_wait3A_854 = tpu.memref_slice %arg5[%dma_wait3A_853] : memref<50000xi32, #tpu.memory_space<vmem>> -> memref<1000xi32, #tpu.memory_space<vmem>>
    %dma_wait3A_855 = arith.constant 0 : i32
    %dma_wait3A_856 = arith.constant 0 : i32
    %dma_wait3A_857 = tpu.memref_slice %arg2[%dma_wait3A_855, %dma_wait3A_856] : memref<100000x32xf32, #tpu.memory_space<hbm>> -> memref<100000x32xf32, #tpu.memory_space<hbm>>
    tpu.wait_indirect_dma semaphore(%arg7 : memref<!tpu.dma_semaphore, #tpu.memory_space<semaphore_mem>>) src(%dma_wait3A_857 : memref<100000x32xf32, #tpu.memory_space<hbm>>) dst(%dma_wait3A_852 : memref<1000x32xf32, #tpu.memory_space<vmem>>)
    %add3A_858 = arith.constant 36000 : i32
    %add3A_859 = arith.addi %mul3A_2, %add3A_858 : i32
    %run_scoped3A_860 = arith.constant 0 : i32
    "tpu.region"() ({
      %run_scoped3A_1150 = tpu.sem_alloc : memref<!tpu.dma_semaphore, #tpu.memory_space<semaphore_mem>>
      %dma_start3A_1151 = arith.constant 0 : i32
      %dma_start3A_1152 = arith.constant 0 : i32
      %dma_start3A_1153 = tpu.memref_slice %arg6[%run_scoped3A_860, %dma_start3A_1151, %dma_start3A_1152] : memref<2x1000x32xf32, #tpu.memory_space<vmem>> -> memref<1x1000x32xf32, #tpu.memory_space<vmem>>
      %dma_start3A_1154 = tpu.memref_squeeze %dma_start3A_1153 : memref<1x1000x32xf32, #tpu.memory_space<vmem>> -> memref<1000x32xf32, #tpu.memory_space<vmem>>
      %dma_start3A_1155 = arith.constant 0 : i32
      %dma_start3A_1156 = tpu.memref_slice %arg4[%add3A_859, %dma_start3A_1155] : memref<1600000x32xf32, #tpu.memory_space<hbm>> -> memref<1000x32xf32, #tpu.memory_space<hbm>>
      %dma_start3A_1157 = arith.constant 0 : i32
      %dma_start3A_1158 = tpu.memref_slice %arg4[%add3A_859, %dma_start3A_1157] : memref<1600000x32xf32, #tpu.memory_space<hbm>> -> memref<1000x32xf32, #tpu.memory_space<hbm>>
      %dma_start3A_1159 = arith.constant 0 : i32
      %dma_start3A_1160 = arith.constant 0 : i32
      %dma_start3A_1161 = tpu.memref_slice %arg6[%run_scoped3A_860, %dma_start3A_1159, %dma_start3A_1160] : memref<2x1000x32xf32, #tpu.memory_space<vmem>> -> memref<1x1000x32xf32, #tpu.memory_space<vmem>>
      %dma_start3A_1162 = tpu.memref_squeeze %dma_start3A_1161 : memref<1x1000x32xf32, #tpu.memory_space<vmem>> -> memref<1000x32xf32, #tpu.memory_space<vmem>>
      tpu.enqueue_dma source(%dma_start3A_1162 : memref<1000x32xf32, #tpu.memory_space<vmem>>) target(%dma_start3A_1158 : memref<1000x32xf32, #tpu.memory_space<hbm>>) target_semaphore(%run_scoped3A_1150 : memref<!tpu.dma_semaphore, #tpu.memory_space<semaphore_mem>>)
      %dma_wait3A_1163 = arith.constant 0 : i32
      %dma_wait3A_1164 = arith.constant 0 : i32
      %dma_wait3A_1165 = tpu.memref_slice %arg6[%run_scoped3A_860, %dma_wait3A_1163, %dma_wait3A_1164] : memref<2x1000x32xf32, #tpu.memory_space<vmem>> -> memref<1x1000x32xf32, #tpu.memory_space<vmem>>
      %dma_wait3A_1166 = tpu.memref_squeeze %dma_wait3A_1165 : memref<1x1000x32xf32, #tpu.memory_space<vmem>> -> memref<1000x32xf32, #tpu.memory_space<vmem>>
      %dma_wait3A_1167 = arith.constant 0 : i32
      %dma_wait3A_1168 = tpu.memref_slice %arg4[%add3A_859, %dma_wait3A_1167] : memref<1600000x32xf32, #tpu.memory_space<hbm>> -> memref<1000x32xf32, #tpu.memory_space<hbm>>
      %dma_wait3A_1169 = arith.constant 0 : i32
      %dma_wait3A_1170 = tpu.memref_slice %arg4[%add3A_859, %dma_wait3A_1169] : memref<1600000x32xf32, #tpu.memory_space<hbm>> -> memref<1000x32xf32, #tpu.memory_space<hbm>>
      %dma_wait3A_1171 = arith.constant 0 : i32
      %dma_wait3A_1172 = arith.constant 0 : i32
      %dma_wait3A_1173 = tpu.memref_slice %arg6[%run_scoped3A_860, %dma_wait3A_1171, %dma_wait3A_1172] : memref<2x1000x32xf32, #tpu.memory_space<vmem>> -> memref<1x1000x32xf32, #tpu.memory_space<vmem>>
      %dma_wait3A_1174 = tpu.memref_squeeze %dma_wait3A_1173 : memref<1x1000x32xf32, #tpu.memory_space<vmem>> -> memref<1000x32xf32, #tpu.memory_space<vmem>>
      tpu.wait_dma2 semaphore(%run_scoped3A_1150 : memref<!tpu.dma_semaphore, #tpu.memory_space<semaphore_mem>>) src(%dma_wait3A_1174 : memref<1000x32xf32, #tpu.memory_space<vmem>>) dst(%dma_wait3A_1170 : memref<1000x32xf32, #tpu.memory_space<hbm>>)
      tpu.yield
    }) : () -> ()
    %dma_start3A_861 = arith.constant 0 : i32
    %dma_start3A_862 = arith.constant 0 : i32
    %dma_start3A_863 = arith.constant 0 : i32
    %dma_start3A_864 = tpu.memref_slice %arg6[%dma_start3A_861, %dma_start3A_862, %dma_start3A_863] : memref<2x1000x32xf32, #tpu.memory_space<vmem>> -> memref<1x1000x32xf32, #tpu.memory_space<vmem>>
    %dma_start3A_865 = tpu.memref_squeeze %dma_start3A_864 : memref<1x1000x32xf32, #tpu.memory_space<vmem>> -> memref<1000x32xf32, #tpu.memory_space<vmem>>
    %dma_start3A_866 = arith.constant 38000 : i32
    %dma_start3A_867 = tpu.memref_slice %arg5[%dma_start3A_866] : memref<50000xi32, #tpu.memory_space<vmem>> -> memref<1000xi32, #tpu.memory_space<vmem>>
    %dma_start3A_868 = arith.constant 0 : i32
    %dma_start3A_869 = arith.constant 0 : i32
    %dma_start3A_870 = tpu.memref_slice %arg2[%dma_start3A_868, %dma_start3A_869] : memref<100000x32xf32, #tpu.memory_space<hbm>> -> memref<100000x32xf32, #tpu.memory_space<hbm>>
    tpu.enqueue_indirect_dma source(%dma_start3A_870 : memref<100000x32xf32, #tpu.memory_space<hbm>>) target(%dma_start3A_865 : memref<1000x32xf32, #tpu.memory_space<vmem>>) offsets(%dma_start3A_867 : memref<1000xi32, #tpu.memory_space<vmem>>) semaphore(%arg7 : memref<!tpu.dma_semaphore, #tpu.memory_space<semaphore_mem>>)
    %dma_wait3A_871 = arith.constant 1 : i32
    %dma_wait3A_872 = arith.constant 0 : i32
    %dma_wait3A_873 = arith.constant 0 : i32
    %dma_wait3A_874 = tpu.memref_slice %arg6[%dma_wait3A_871, %dma_wait3A_872, %dma_wait3A_873] : memref<2x1000x32xf32, #tpu.memory_space<vmem>> -> memref<1x1000x32xf32, #tpu.memory_space<vmem>>
    %dma_wait3A_875 = tpu.memref_squeeze %dma_wait3A_874 : memref<1x1000x32xf32, #tpu.memory_space<vmem>> -> memref<1000x32xf32, #tpu.memory_space<vmem>>
    %dma_wait3A_876 = arith.constant 37000 : i32
    %dma_wait3A_877 = tpu.memref_slice %arg5[%dma_wait3A_876] : memref<50000xi32, #tpu.memory_space<vmem>> -> memref<1000xi32, #tpu.memory_space<vmem>>
    %dma_wait3A_878 = arith.constant 0 : i32
    %dma_wait3A_879 = arith.constant 0 : i32
    %dma_wait3A_880 = tpu.memref_slice %arg2[%dma_wait3A_878, %dma_wait3A_879] : memref<100000x32xf32, #tpu.memory_space<hbm>> -> memref<100000x32xf32, #tpu.memory_space<hbm>>
    tpu.wait_indirect_dma semaphore(%arg8 : memref<!tpu.dma_semaphore, #tpu.memory_space<semaphore_mem>>) src(%dma_wait3A_880 : memref<100000x32xf32, #tpu.memory_space<hbm>>) dst(%dma_wait3A_875 : memref<1000x32xf32, #tpu.memory_space<vmem>>)
    %add3A_881 = arith.constant 37000 : i32
    %add3A_882 = arith.addi %mul3A_2, %add3A_881 : i32
    %run_scoped3A_883 = arith.constant 1 : i32
    "tpu.region"() ({
      %run_scoped3A_1150 = tpu.sem_alloc : memref<!tpu.dma_semaphore, #tpu.memory_space<semaphore_mem>>
      %dma_start3A_1151 = arith.constant 0 : i32
      %dma_start3A_1152 = arith.constant 0 : i32
      %dma_start3A_1153 = tpu.memref_slice %arg6[%run_scoped3A_883, %dma_start3A_1151, %dma_start3A_1152] : memref<2x1000x32xf32, #tpu.memory_space<vmem>> -> memref<1x1000x32xf32, #tpu.memory_space<vmem>>
      %dma_start3A_1154 = tpu.memref_squeeze %dma_start3A_1153 : memref<1x1000x32xf32, #tpu.memory_space<vmem>> -> memref<1000x32xf32, #tpu.memory_space<vmem>>
      %dma_start3A_1155 = arith.constant 0 : i32
      %dma_start3A_1156 = tpu.memref_slice %arg4[%add3A_882, %dma_start3A_1155] : memref<1600000x32xf32, #tpu.memory_space<hbm>> -> memref<1000x32xf32, #tpu.memory_space<hbm>>
      %dma_start3A_1157 = arith.constant 0 : i32
      %dma_start3A_1158 = tpu.memref_slice %arg4[%add3A_882, %dma_start3A_1157] : memref<1600000x32xf32, #tpu.memory_space<hbm>> -> memref<1000x32xf32, #tpu.memory_space<hbm>>
      %dma_start3A_1159 = arith.constant 0 : i32
      %dma_start3A_1160 = arith.constant 0 : i32
      %dma_start3A_1161 = tpu.memref_slice %arg6[%run_scoped3A_883, %dma_start3A_1159, %dma_start3A_1160] : memref<2x1000x32xf32, #tpu.memory_space<vmem>> -> memref<1x1000x32xf32, #tpu.memory_space<vmem>>
      %dma_start3A_1162 = tpu.memref_squeeze %dma_start3A_1161 : memref<1x1000x32xf32, #tpu.memory_space<vmem>> -> memref<1000x32xf32, #tpu.memory_space<vmem>>
      tpu.enqueue_dma source(%dma_start3A_1162 : memref<1000x32xf32, #tpu.memory_space<vmem>>) target(%dma_start3A_1158 : memref<1000x32xf32, #tpu.memory_space<hbm>>) target_semaphore(%run_scoped3A_1150 : memref<!tpu.dma_semaphore, #tpu.memory_space<semaphore_mem>>)
      %dma_wait3A_1163 = arith.constant 0 : i32
      %dma_wait3A_1164 = arith.constant 0 : i32
      %dma_wait3A_1165 = tpu.memref_slice %arg6[%run_scoped3A_883, %dma_wait3A_1163, %dma_wait3A_1164] : memref<2x1000x32xf32, #tpu.memory_space<vmem>> -> memref<1x1000x32xf32, #tpu.memory_space<vmem>>
      %dma_wait3A_1166 = tpu.memref_squeeze %dma_wait3A_1165 : memref<1x1000x32xf32, #tpu.memory_space<vmem>> -> memref<1000x32xf32, #tpu.memory_space<vmem>>
      %dma_wait3A_1167 = arith.constant 0 : i32
      %dma_wait3A_1168 = tpu.memref_slice %arg4[%add3A_882, %dma_wait3A_1167] : memref<1600000x32xf32, #tpu.memory_space<hbm>> -> memref<1000x32xf32, #tpu.memory_space<hbm>>
      %dma_wait3A_1169 = arith.constant 0 : i32
      %dma_wait3A_1170 = tpu.memref_slice %arg4[%add3A_882, %dma_wait3A_1169] : memref<1600000x32xf32, #tpu.memory_space<hbm>> -> memref<1000x32xf32, #tpu.memory_space<hbm>>
      %dma_wait3A_1171 = arith.constant 0 : i32
      %dma_wait3A_1172 = arith.constant 0 : i32
      %dma_wait3A_1173 = tpu.memref_slice %arg6[%run_scoped3A_883, %dma_wait3A_1171, %dma_wait3A_1172] : memref<2x1000x32xf32, #tpu.memory_space<vmem>> -> memref<1x1000x32xf32, #tpu.memory_space<vmem>>
      %dma_wait3A_1174 = tpu.memref_squeeze %dma_wait3A_1173 : memref<1x1000x32xf32, #tpu.memory_space<vmem>> -> memref<1000x32xf32, #tpu.memory_space<vmem>>
      tpu.wait_dma2 semaphore(%run_scoped3A_1150 : memref<!tpu.dma_semaphore, #tpu.memory_space<semaphore_mem>>) src(%dma_wait3A_1174 : memref<1000x32xf32, #tpu.memory_space<vmem>>) dst(%dma_wait3A_1170 : memref<1000x32xf32, #tpu.memory_space<hbm>>)
      tpu.yield
    }) : () -> ()
    %dma_start3A_884 = arith.constant 1 : i32
    %dma_start3A_885 = arith.constant 0 : i32
    %dma_start3A_886 = arith.constant 0 : i32
    %dma_start3A_887 = tpu.memref_slice %arg6[%dma_start3A_884, %dma_start3A_885, %dma_start3A_886] : memref<2x1000x32xf32, #tpu.memory_space<vmem>> -> memref<1x1000x32xf32, #tpu.memory_space<vmem>>
    %dma_start3A_888 = tpu.memref_squeeze %dma_start3A_887 : memref<1x1000x32xf32, #tpu.memory_space<vmem>> -> memref<1000x32xf32, #tpu.memory_space<vmem>>
    %dma_start3A_889 = arith.constant 39000 : i32
    %dma_start3A_890 = tpu.memref_slice %arg5[%dma_start3A_889] : memref<50000xi32, #tpu.memory_space<vmem>> -> memref<1000xi32, #tpu.memory_space<vmem>>
    %dma_start3A_891 = arith.constant 0 : i32
    %dma_start3A_892 = arith.constant 0 : i32
    %dma_start3A_893 = tpu.memref_slice %arg2[%dma_start3A_891, %dma_start3A_892] : memref<100000x32xf32, #tpu.memory_space<hbm>> -> memref<100000x32xf32, #tpu.memory_space<hbm>>
    tpu.enqueue_indirect_dma source(%dma_start3A_893 : memref<100000x32xf32, #tpu.memory_space<hbm>>) target(%dma_start3A_888 : memref<1000x32xf32, #tpu.memory_space<vmem>>) offsets(%dma_start3A_890 : memref<1000xi32, #tpu.memory_space<vmem>>) semaphore(%arg8 : memref<!tpu.dma_semaphore, #tpu.memory_space<semaphore_mem>>)
    %dma_wait3A_894 = arith.constant 0 : i32
    %dma_wait3A_895 = arith.constant 0 : i32
    %dma_wait3A_896 = arith.constant 0 : i32
    %dma_wait3A_897 = tpu.memref_slice %arg6[%dma_wait3A_894, %dma_wait3A_895, %dma_wait3A_896] : memref<2x1000x32xf32, #tpu.memory_space<vmem>> -> memref<1x1000x32xf32, #tpu.memory_space<vmem>>
    %dma_wait3A_898 = tpu.memref_squeeze %dma_wait3A_897 : memref<1x1000x32xf32, #tpu.memory_space<vmem>> -> memref<1000x32xf32, #tpu.memory_space<vmem>>
    %dma_wait3A_899 = arith.constant 38000 : i32
    %dma_wait3A_900 = tpu.memref_slice %arg5[%dma_wait3A_899] : memref<50000xi32, #tpu.memory_space<vmem>> -> memref<1000xi32, #tpu.memory_space<vmem>>
    %dma_wait3A_901 = arith.constant 0 : i32
    %dma_wait3A_902 = arith.constant 0 : i32
    %dma_wait3A_903 = tpu.memref_slice %arg2[%dma_wait3A_901, %dma_wait3A_902] : memref<100000x32xf32, #tpu.memory_space<hbm>> -> memref<100000x32xf32, #tpu.memory_space<hbm>>
    tpu.wait_indirect_dma semaphore(%arg7 : memref<!tpu.dma_semaphore, #tpu.memory_space<semaphore_mem>>) src(%dma_wait3A_903 : memref<100000x32xf32, #tpu.memory_space<hbm>>) dst(%dma_wait3A_898 : memref<1000x32xf32, #tpu.memory_space<vmem>>)
    %add3A_904 = arith.constant 38000 : i32
    %add3A_905 = arith.addi %mul3A_2, %add3A_904 : i32
    %run_scoped3A_906 = arith.constant 0 : i32
    "tpu.region"() ({
      %run_scoped3A_1150 = tpu.sem_alloc : memref<!tpu.dma_semaphore, #tpu.memory_space<semaphore_mem>>
      %dma_start3A_1151 = arith.constant 0 : i32
      %dma_start3A_1152 = arith.constant 0 : i32
      %dma_start3A_1153 = tpu.memref_slice %arg6[%run_scoped3A_906, %dma_start3A_1151, %dma_start3A_1152] : memref<2x1000x32xf32, #tpu.memory_space<vmem>> -> memref<1x1000x32xf32, #tpu.memory_space<vmem>>
      %dma_start3A_1154 = tpu.memref_squeeze %dma_start3A_1153 : memref<1x1000x32xf32, #tpu.memory_space<vmem>> -> memref<1000x32xf32, #tpu.memory_space<vmem>>
      %dma_start3A_1155 = arith.constant 0 : i32
      %dma_start3A_1156 = tpu.memref_slice %arg4[%add3A_905, %dma_start3A_1155] : memref<1600000x32xf32, #tpu.memory_space<hbm>> -> memref<1000x32xf32, #tpu.memory_space<hbm>>
      %dma_start3A_1157 = arith.constant 0 : i32
      %dma_start3A_1158 = tpu.memref_slice %arg4[%add3A_905, %dma_start3A_1157] : memref<1600000x32xf32, #tpu.memory_space<hbm>> -> memref<1000x32xf32, #tpu.memory_space<hbm>>
      %dma_start3A_1159 = arith.constant 0 : i32
      %dma_start3A_1160 = arith.constant 0 : i32
      %dma_start3A_1161 = tpu.memref_slice %arg6[%run_scoped3A_906, %dma_start3A_1159, %dma_start3A_1160] : memref<2x1000x32xf32, #tpu.memory_space<vmem>> -> memref<1x1000x32xf32, #tpu.memory_space<vmem>>
      %dma_start3A_1162 = tpu.memref_squeeze %dma_start3A_1161 : memref<1x1000x32xf32, #tpu.memory_space<vmem>> -> memref<1000x32xf32, #tpu.memory_space<vmem>>
      tpu.enqueue_dma source(%dma_start3A_1162 : memref<1000x32xf32, #tpu.memory_space<vmem>>) target(%dma_start3A_1158 : memref<1000x32xf32, #tpu.memory_space<hbm>>) target_semaphore(%run_scoped3A_1150 : memref<!tpu.dma_semaphore, #tpu.memory_space<semaphore_mem>>)
      %dma_wait3A_1163 = arith.constant 0 : i32
      %dma_wait3A_1164 = arith.constant 0 : i32
      %dma_wait3A_1165 = tpu.memref_slice %arg6[%run_scoped3A_906, %dma_wait3A_1163, %dma_wait3A_1164] : memref<2x1000x32xf32, #tpu.memory_space<vmem>> -> memref<1x1000x32xf32, #tpu.memory_space<vmem>>
      %dma_wait3A_1166 = tpu.memref_squeeze %dma_wait3A_1165 : memref<1x1000x32xf32, #tpu.memory_space<vmem>> -> memref<1000x32xf32, #tpu.memory_space<vmem>>
      %dma_wait3A_1167 = arith.constant 0 : i32
      %dma_wait3A_1168 = tpu.memref_slice %arg4[%add3A_905, %dma_wait3A_1167] : memref<1600000x32xf32, #tpu.memory_space<hbm>> -> memref<1000x32xf32, #tpu.memory_space<hbm>>
      %dma_wait3A_1169 = arith.constant 0 : i32
      %dma_wait3A_1170 = tpu.memref_slice %arg4[%add3A_905, %dma_wait3A_1169] : memref<1600000x32xf32, #tpu.memory_space<hbm>> -> memref<1000x32xf32, #tpu.memory_space<hbm>>
      %dma_wait3A_1171 = arith.constant 0 : i32
      %dma_wait3A_1172 = arith.constant 0 : i32
      %dma_wait3A_1173 = tpu.memref_slice %arg6[%run_scoped3A_906, %dma_wait3A_1171, %dma_wait3A_1172] : memref<2x1000x32xf32, #tpu.memory_space<vmem>> -> memref<1x1000x32xf32, #tpu.memory_space<vmem>>
      %dma_wait3A_1174 = tpu.memref_squeeze %dma_wait3A_1173 : memref<1x1000x32xf32, #tpu.memory_space<vmem>> -> memref<1000x32xf32, #tpu.memory_space<vmem>>
      tpu.wait_dma2 semaphore(%run_scoped3A_1150 : memref<!tpu.dma_semaphore, #tpu.memory_space<semaphore_mem>>) src(%dma_wait3A_1174 : memref<1000x32xf32, #tpu.memory_space<vmem>>) dst(%dma_wait3A_1170 : memref<1000x32xf32, #tpu.memory_space<hbm>>)
      tpu.yield
    }) : () -> ()
    %dma_start3A_907 = arith.constant 0 : i32
    %dma_start3A_908 = arith.constant 0 : i32
    %dma_start3A_909 = arith.constant 0 : i32
    %dma_start3A_910 = tpu.memref_slice %arg6[%dma_start3A_907, %dma_start3A_908, %dma_start3A_909] : memref<2x1000x32xf32, #tpu.memory_space<vmem>> -> memref<1x1000x32xf32, #tpu.memory_space<vmem>>
    %dma_start3A_911 = tpu.memref_squeeze %dma_start3A_910 : memref<1x1000x32xf32, #tpu.memory_space<vmem>> -> memref<1000x32xf32, #tpu.memory_space<vmem>>
    %dma_start3A_912 = arith.constant 40000 : i32
    %dma_start3A_913 = tpu.memref_slice %arg5[%dma_start3A_912] : memref<50000xi32, #tpu.memory_space<vmem>> -> memref<1000xi32, #tpu.memory_space<vmem>>
    %dma_start3A_914 = arith.constant 0 : i32
    %dma_start3A_915 = arith.constant 0 : i32
    %dma_start3A_916 = tpu.memref_slice %arg2[%dma_start3A_914, %dma_start3A_915] : memref<100000x32xf32, #tpu.memory_space<hbm>> -> memref<100000x32xf32, #tpu.memory_space<hbm>>
    tpu.enqueue_indirect_dma source(%dma_start3A_916 : memref<100000x32xf32, #tpu.memory_space<hbm>>) target(%dma_start3A_911 : memref<1000x32xf32, #tpu.memory_space<vmem>>) offsets(%dma_start3A_913 : memref<1000xi32, #tpu.memory_space<vmem>>) semaphore(%arg7 : memref<!tpu.dma_semaphore, #tpu.memory_space<semaphore_mem>>)
    %dma_wait3A_917 = arith.constant 1 : i32
    %dma_wait3A_918 = arith.constant 0 : i32
    %dma_wait3A_919 = arith.constant 0 : i32
    %dma_wait3A_920 = tpu.memref_slice %arg6[%dma_wait3A_917, %dma_wait3A_918, %dma_wait3A_919] : memref<2x1000x32xf32, #tpu.memory_space<vmem>> -> memref<1x1000x32xf32, #tpu.memory_space<vmem>>
    %dma_wait3A_921 = tpu.memref_squeeze %dma_wait3A_920 : memref<1x1000x32xf32, #tpu.memory_space<vmem>> -> memref<1000x32xf32, #tpu.memory_space<vmem>>
    %dma_wait3A_922 = arith.constant 39000 : i32
    %dma_wait3A_923 = tpu.memref_slice %arg5[%dma_wait3A_922] : memref<50000xi32, #tpu.memory_space<vmem>> -> memref<1000xi32, #tpu.memory_space<vmem>>
    %dma_wait3A_924 = arith.constant 0 : i32
    %dma_wait3A_925 = arith.constant 0 : i32
    %dma_wait3A_926 = tpu.memref_slice %arg2[%dma_wait3A_924, %dma_wait3A_925] : memref<100000x32xf32, #tpu.memory_space<hbm>> -> memref<100000x32xf32, #tpu.memory_space<hbm>>
    tpu.wait_indirect_dma semaphore(%arg8 : memref<!tpu.dma_semaphore, #tpu.memory_space<semaphore_mem>>) src(%dma_wait3A_926 : memref<100000x32xf32, #tpu.memory_space<hbm>>) dst(%dma_wait3A_921 : memref<1000x32xf32, #tpu.memory_space<vmem>>)
    %add3A_927 = arith.constant 39000 : i32
    %add3A_928 = arith.addi %mul3A_2, %add3A_927 : i32
    %run_scoped3A_929 = arith.constant 1 : i32
    "tpu.region"() ({
      %run_scoped3A_1150 = tpu.sem_alloc : memref<!tpu.dma_semaphore, #tpu.memory_space<semaphore_mem>>
      %dma_start3A_1151 = arith.constant 0 : i32
      %dma_start3A_1152 = arith.constant 0 : i32
      %dma_start3A_1153 = tpu.memref_slice %arg6[%run_scoped3A_929, %dma_start3A_1151, %dma_start3A_1152] : memref<2x1000x32xf32, #tpu.memory_space<vmem>> -> memref<1x1000x32xf32, #tpu.memory_space<vmem>>
      %dma_start3A_1154 = tpu.memref_squeeze %dma_start3A_1153 : memref<1x1000x32xf32, #tpu.memory_space<vmem>> -> memref<1000x32xf32, #tpu.memory_space<vmem>>
      %dma_start3A_1155 = arith.constant 0 : i32
      %dma_start3A_1156 = tpu.memref_slice %arg4[%add3A_928, %dma_start3A_1155] : memref<1600000x32xf32, #tpu.memory_space<hbm>> -> memref<1000x32xf32, #tpu.memory_space<hbm>>
      %dma_start3A_1157 = arith.constant 0 : i32
      %dma_start3A_1158 = tpu.memref_slice %arg4[%add3A_928, %dma_start3A_1157] : memref<1600000x32xf32, #tpu.memory_space<hbm>> -> memref<1000x32xf32, #tpu.memory_space<hbm>>
      %dma_start3A_1159 = arith.constant 0 : i32
      %dma_start3A_1160 = arith.constant 0 : i32
      %dma_start3A_1161 = tpu.memref_slice %arg6[%run_scoped3A_929, %dma_start3A_1159, %dma_start3A_1160] : memref<2x1000x32xf32, #tpu.memory_space<vmem>> -> memref<1x1000x32xf32, #tpu.memory_space<vmem>>
      %dma_start3A_1162 = tpu.memref_squeeze %dma_start3A_1161 : memref<1x1000x32xf32, #tpu.memory_space<vmem>> -> memref<1000x32xf32, #tpu.memory_space<vmem>>
      tpu.enqueue_dma source(%dma_start3A_1162 : memref<1000x32xf32, #tpu.memory_space<vmem>>) target(%dma_start3A_1158 : memref<1000x32xf32, #tpu.memory_space<hbm>>) target_semaphore(%run_scoped3A_1150 : memref<!tpu.dma_semaphore, #tpu.memory_space<semaphore_mem>>)
      %dma_wait3A_1163 = arith.constant 0 : i32
      %dma_wait3A_1164 = arith.constant 0 : i32
      %dma_wait3A_1165 = tpu.memref_slice %arg6[%run_scoped3A_929, %dma_wait3A_1163, %dma_wait3A_1164] : memref<2x1000x32xf32, #tpu.memory_space<vmem>> -> memref<1x1000x32xf32, #tpu.memory_space<vmem>>
      %dma_wait3A_1166 = tpu.memref_squeeze %dma_wait3A_1165 : memref<1x1000x32xf32, #tpu.memory_space<vmem>> -> memref<1000x32xf32, #tpu.memory_space<vmem>>
      %dma_wait3A_1167 = arith.constant 0 : i32
      %dma_wait3A_1168 = tpu.memref_slice %arg4[%add3A_928, %dma_wait3A_1167] : memref<1600000x32xf32, #tpu.memory_space<hbm>> -> memref<1000x32xf32, #tpu.memory_space<hbm>>
      %dma_wait3A_1169 = arith.constant 0 : i32
      %dma_wait3A_1170 = tpu.memref_slice %arg4[%add3A_928, %dma_wait3A_1169] : memref<1600000x32xf32, #tpu.memory_space<hbm>> -> memref<1000x32xf32, #tpu.memory_space<hbm>>
      %dma_wait3A_1171 = arith.constant 0 : i32
      %dma_wait3A_1172 = arith.constant 0 : i32
      %dma_wait3A_1173 = tpu.memref_slice %arg6[%run_scoped3A_929, %dma_wait3A_1171, %dma_wait3A_1172] : memref<2x1000x32xf32, #tpu.memory_space<vmem>> -> memref<1x1000x32xf32, #tpu.memory_space<vmem>>
      %dma_wait3A_1174 = tpu.memref_squeeze %dma_wait3A_1173 : memref<1x1000x32xf32, #tpu.memory_space<vmem>> -> memref<1000x32xf32, #tpu.memory_space<vmem>>
      tpu.wait_dma2 semaphore(%run_scoped3A_1150 : memref<!tpu.dma_semaphore, #tpu.memory_space<semaphore_mem>>) src(%dma_wait3A_1174 : memref<1000x32xf32, #tpu.memory_space<vmem>>) dst(%dma_wait3A_1170 : memref<1000x32xf32, #tpu.memory_space<hbm>>)
      tpu.yield
    }) : () -> ()
    %dma_start3A_930 = arith.constant 1 : i32
    %dma_start3A_931 = arith.constant 0 : i32
    %dma_start3A_932 = arith.constant 0 : i32
    %dma_start3A_933 = tpu.memref_slice %arg6[%dma_start3A_930, %dma_start3A_931, %dma_start3A_932] : memref<2x1000x32xf32, #tpu.memory_space<vmem>> -> memref<1x1000x32xf32, #tpu.memory_space<vmem>>
    %dma_start3A_934 = tpu.memref_squeeze %dma_start3A_933 : memref<1x1000x32xf32, #tpu.memory_space<vmem>> -> memref<1000x32xf32, #tpu.memory_space<vmem>>
    %dma_start3A_935 = arith.constant 41000 : i32
    %dma_start3A_936 = tpu.memref_slice %arg5[%dma_start3A_935] : memref<50000xi32, #tpu.memory_space<vmem>> -> memref<1000xi32, #tpu.memory_space<vmem>>
    %dma_start3A_937 = arith.constant 0 : i32
    %dma_start3A_938 = arith.constant 0 : i32
    %dma_start3A_939 = tpu.memref_slice %arg2[%dma_start3A_937, %dma_start3A_938] : memref<100000x32xf32, #tpu.memory_space<hbm>> -> memref<100000x32xf32, #tpu.memory_space<hbm>>
    tpu.enqueue_indirect_dma source(%dma_start3A_939 : memref<100000x32xf32, #tpu.memory_space<hbm>>) target(%dma_start3A_934 : memref<1000x32xf32, #tpu.memory_space<vmem>>) offsets(%dma_start3A_936 : memref<1000xi32, #tpu.memory_space<vmem>>) semaphore(%arg8 : memref<!tpu.dma_semaphore, #tpu.memory_space<semaphore_mem>>)
    %dma_wait3A_940 = arith.constant 0 : i32
    %dma_wait3A_941 = arith.constant 0 : i32
    %dma_wait3A_942 = arith.constant 0 : i32
    %dma_wait3A_943 = tpu.memref_slice %arg6[%dma_wait3A_940, %dma_wait3A_941, %dma_wait3A_942] : memref<2x1000x32xf32, #tpu.memory_space<vmem>> -> memref<1x1000x32xf32, #tpu.memory_space<vmem>>
    %dma_wait3A_944 = tpu.memref_squeeze %dma_wait3A_943 : memref<1x1000x32xf32, #tpu.memory_space<vmem>> -> memref<1000x32xf32, #tpu.memory_space<vmem>>
    %dma_wait3A_945 = arith.constant 40000 : i32
    %dma_wait3A_946 = tpu.memref_slice %arg5[%dma_wait3A_945] : memref<50000xi32, #tpu.memory_space<vmem>> -> memref<1000xi32, #tpu.memory_space<vmem>>
    %dma_wait3A_947 = arith.constant 0 : i32
    %dma_wait3A_948 = arith.constant 0 : i32
    %dma_wait3A_949 = tpu.memref_slice %arg2[%dma_wait3A_947, %dma_wait3A_948] : memref<100000x32xf32, #tpu.memory_space<hbm>> -> memref<100000x32xf32, #tpu.memory_space<hbm>>
    tpu.wait_indirect_dma semaphore(%arg7 : memref<!tpu.dma_semaphore, #tpu.memory_space<semaphore_mem>>) src(%dma_wait3A_949 : memref<100000x32xf32, #tpu.memory_space<hbm>>) dst(%dma_wait3A_944 : memref<1000x32xf32, #tpu.memory_space<vmem>>)
    %add3A_950 = arith.constant 40000 : i32
    %add3A_951 = arith.addi %mul3A_2, %add3A_950 : i32
    %run_scoped3A_952 = arith.constant 0 : i32
    "tpu.region"() ({
      %run_scoped3A_1150 = tpu.sem_alloc : memref<!tpu.dma_semaphore, #tpu.memory_space<semaphore_mem>>
      %dma_start3A_1151 = arith.constant 0 : i32
      %dma_start3A_1152 = arith.constant 0 : i32
      %dma_start3A_1153 = tpu.memref_slice %arg6[%run_scoped3A_952, %dma_start3A_1151, %dma_start3A_1152] : memref<2x1000x32xf32, #tpu.memory_space<vmem>> -> memref<1x1000x32xf32, #tpu.memory_space<vmem>>
      %dma_start3A_1154 = tpu.memref_squeeze %dma_start3A_1153 : memref<1x1000x32xf32, #tpu.memory_space<vmem>> -> memref<1000x32xf32, #tpu.memory_space<vmem>>
      %dma_start3A_1155 = arith.constant 0 : i32
      %dma_start3A_1156 = tpu.memref_slice %arg4[%add3A_951, %dma_start3A_1155] : memref<1600000x32xf32, #tpu.memory_space<hbm>> -> memref<1000x32xf32, #tpu.memory_space<hbm>>
      %dma_start3A_1157 = arith.constant 0 : i32
      %dma_start3A_1158 = tpu.memref_slice %arg4[%add3A_951, %dma_start3A_1157] : memref<1600000x32xf32, #tpu.memory_space<hbm>> -> memref<1000x32xf32, #tpu.memory_space<hbm>>
      %dma_start3A_1159 = arith.constant 0 : i32
      %dma_start3A_1160 = arith.constant 0 : i32
      %dma_start3A_1161 = tpu.memref_slice %arg6[%run_scoped3A_952, %dma_start3A_1159, %dma_start3A_1160] : memref<2x1000x32xf32, #tpu.memory_space<vmem>> -> memref<1x1000x32xf32, #tpu.memory_space<vmem>>
      %dma_start3A_1162 = tpu.memref_squeeze %dma_start3A_1161 : memref<1x1000x32xf32, #tpu.memory_space<vmem>> -> memref<1000x32xf32, #tpu.memory_space<vmem>>
      tpu.enqueue_dma source(%dma_start3A_1162 : memref<1000x32xf32, #tpu.memory_space<vmem>>) target(%dma_start3A_1158 : memref<1000x32xf32, #tpu.memory_space<hbm>>) target_semaphore(%run_scoped3A_1150 : memref<!tpu.dma_semaphore, #tpu.memory_space<semaphore_mem>>)
      %dma_wait3A_1163 = arith.constant 0 : i32
      %dma_wait3A_1164 = arith.constant 0 : i32
      %dma_wait3A_1165 = tpu.memref_slice %arg6[%run_scoped3A_952, %dma_wait3A_1163, %dma_wait3A_1164] : memref<2x1000x32xf32, #tpu.memory_space<vmem>> -> memref<1x1000x32xf32, #tpu.memory_space<vmem>>
      %dma_wait3A_1166 = tpu.memref_squeeze %dma_wait3A_1165 : memref<1x1000x32xf32, #tpu.memory_space<vmem>> -> memref<1000x32xf32, #tpu.memory_space<vmem>>
      %dma_wait3A_1167 = arith.constant 0 : i32
      %dma_wait3A_1168 = tpu.memref_slice %arg4[%add3A_951, %dma_wait3A_1167] : memref<1600000x32xf32, #tpu.memory_space<hbm>> -> memref<1000x32xf32, #tpu.memory_space<hbm>>
      %dma_wait3A_1169 = arith.constant 0 : i32
      %dma_wait3A_1170 = tpu.memref_slice %arg4[%add3A_951, %dma_wait3A_1169] : memref<1600000x32xf32, #tpu.memory_space<hbm>> -> memref<1000x32xf32, #tpu.memory_space<hbm>>
      %dma_wait3A_1171 = arith.constant 0 : i32
      %dma_wait3A_1172 = arith.constant 0 : i32
      %dma_wait3A_1173 = tpu.memref_slice %arg6[%run_scoped3A_952, %dma_wait3A_1171, %dma_wait3A_1172] : memref<2x1000x32xf32, #tpu.memory_space<vmem>> -> memref<1x1000x32xf32, #tpu.memory_space<vmem>>
      %dma_wait3A_1174 = tpu.memref_squeeze %dma_wait3A_1173 : memref<1x1000x32xf32, #tpu.memory_space<vmem>> -> memref<1000x32xf32, #tpu.memory_space<vmem>>
      tpu.wait_dma2 semaphore(%run_scoped3A_1150 : memref<!tpu.dma_semaphore, #tpu.memory_space<semaphore_mem>>) src(%dma_wait3A_1174 : memref<1000x32xf32, #tpu.memory_space<vmem>>) dst(%dma_wait3A_1170 : memref<1000x32xf32, #tpu.memory_space<hbm>>)
      tpu.yield
    }) : () -> ()
    %dma_start3A_953 = arith.constant 0 : i32
    %dma_start3A_954 = arith.constant 0 : i32
    %dma_start3A_955 = arith.constant 0 : i32
    %dma_start3A_956 = tpu.memref_slice %arg6[%dma_start3A_953, %dma_start3A_954, %dma_start3A_955] : memref<2x1000x32xf32, #tpu.memory_space<vmem>> -> memref<1x1000x32xf32, #tpu.memory_space<vmem>>
    %dma_start3A_957 = tpu.memref_squeeze %dma_start3A_956 : memref<1x1000x32xf32, #tpu.memory_space<vmem>> -> memref<1000x32xf32, #tpu.memory_space<vmem>>
    %dma_start3A_958 = arith.constant 42000 : i32
    %dma_start3A_959 = tpu.memref_slice %arg5[%dma_start3A_958] : memref<50000xi32, #tpu.memory_space<vmem>> -> memref<1000xi32, #tpu.memory_space<vmem>>
    %dma_start3A_960 = arith.constant 0 : i32
    %dma_start3A_961 = arith.constant 0 : i32
    %dma_start3A_962 = tpu.memref_slice %arg2[%dma_start3A_960, %dma_start3A_961] : memref<100000x32xf32, #tpu.memory_space<hbm>> -> memref<100000x32xf32, #tpu.memory_space<hbm>>
    tpu.enqueue_indirect_dma source(%dma_start3A_962 : memref<100000x32xf32, #tpu.memory_space<hbm>>) target(%dma_start3A_957 : memref<1000x32xf32, #tpu.memory_space<vmem>>) offsets(%dma_start3A_959 : memref<1000xi32, #tpu.memory_space<vmem>>) semaphore(%arg7 : memref<!tpu.dma_semaphore, #tpu.memory_space<semaphore_mem>>)
    %dma_wait3A_963 = arith.constant 1 : i32
    %dma_wait3A_964 = arith.constant 0 : i32
    %dma_wait3A_965 = arith.constant 0 : i32
    %dma_wait3A_966 = tpu.memref_slice %arg6[%dma_wait3A_963, %dma_wait3A_964, %dma_wait3A_965] : memref<2x1000x32xf32, #tpu.memory_space<vmem>> -> memref<1x1000x32xf32, #tpu.memory_space<vmem>>
    %dma_wait3A_967 = tpu.memref_squeeze %dma_wait3A_966 : memref<1x1000x32xf32, #tpu.memory_space<vmem>> -> memref<1000x32xf32, #tpu.memory_space<vmem>>
    %dma_wait3A_968 = arith.constant 41000 : i32
    %dma_wait3A_969 = tpu.memref_slice %arg5[%dma_wait3A_968] : memref<50000xi32, #tpu.memory_space<vmem>> -> memref<1000xi32, #tpu.memory_space<vmem>>
    %dma_wait3A_970 = arith.constant 0 : i32
    %dma_wait3A_971 = arith.constant 0 : i32
    %dma_wait3A_972 = tpu.memref_slice %arg2[%dma_wait3A_970, %dma_wait3A_971] : memref<100000x32xf32, #tpu.memory_space<hbm>> -> memref<100000x32xf32, #tpu.memory_space<hbm>>
    tpu.wait_indirect_dma semaphore(%arg8 : memref<!tpu.dma_semaphore, #tpu.memory_space<semaphore_mem>>) src(%dma_wait3A_972 : memref<100000x32xf32, #tpu.memory_space<hbm>>) dst(%dma_wait3A_967 : memref<1000x32xf32, #tpu.memory_space<vmem>>)
    %add3A_973 = arith.constant 41000 : i32
    %add3A_974 = arith.addi %mul3A_2, %add3A_973 : i32
    %run_scoped3A_975 = arith.constant 1 : i32
    "tpu.region"() ({
      %run_scoped3A_1150 = tpu.sem_alloc : memref<!tpu.dma_semaphore, #tpu.memory_space<semaphore_mem>>
      %dma_start3A_1151 = arith.constant 0 : i32
      %dma_start3A_1152 = arith.constant 0 : i32
      %dma_start3A_1153 = tpu.memref_slice %arg6[%run_scoped3A_975, %dma_start3A_1151, %dma_start3A_1152] : memref<2x1000x32xf32, #tpu.memory_space<vmem>> -> memref<1x1000x32xf32, #tpu.memory_space<vmem>>
      %dma_start3A_1154 = tpu.memref_squeeze %dma_start3A_1153 : memref<1x1000x32xf32, #tpu.memory_space<vmem>> -> memref<1000x32xf32, #tpu.memory_space<vmem>>
      %dma_start3A_1155 = arith.constant 0 : i32
      %dma_start3A_1156 = tpu.memref_slice %arg4[%add3A_974, %dma_start3A_1155] : memref<1600000x32xf32, #tpu.memory_space<hbm>> -> memref<1000x32xf32, #tpu.memory_space<hbm>>
      %dma_start3A_1157 = arith.constant 0 : i32
      %dma_start3A_1158 = tpu.memref_slice %arg4[%add3A_974, %dma_start3A_1157] : memref<1600000x32xf32, #tpu.memory_space<hbm>> -> memref<1000x32xf32, #tpu.memory_space<hbm>>
      %dma_start3A_1159 = arith.constant 0 : i32
      %dma_start3A_1160 = arith.constant 0 : i32
      %dma_start3A_1161 = tpu.memref_slice %arg6[%run_scoped3A_975, %dma_start3A_1159, %dma_start3A_1160] : memref<2x1000x32xf32, #tpu.memory_space<vmem>> -> memref<1x1000x32xf32, #tpu.memory_space<vmem>>
      %dma_start3A_1162 = tpu.memref_squeeze %dma_start3A_1161 : memref<1x1000x32xf32, #tpu.memory_space<vmem>> -> memref<1000x32xf32, #tpu.memory_space<vmem>>
      tpu.enqueue_dma source(%dma_start3A_1162 : memref<1000x32xf32, #tpu.memory_space<vmem>>) target(%dma_start3A_1158 : memref<1000x32xf32, #tpu.memory_space<hbm>>) target_semaphore(%run_scoped3A_1150 : memref<!tpu.dma_semaphore, #tpu.memory_space<semaphore_mem>>)
      %dma_wait3A_1163 = arith.constant 0 : i32
      %dma_wait3A_1164 = arith.constant 0 : i32
      %dma_wait3A_1165 = tpu.memref_slice %arg6[%run_scoped3A_975, %dma_wait3A_1163, %dma_wait3A_1164] : memref<2x1000x32xf32, #tpu.memory_space<vmem>> -> memref<1x1000x32xf32, #tpu.memory_space<vmem>>
      %dma_wait3A_1166 = tpu.memref_squeeze %dma_wait3A_1165 : memref<1x1000x32xf32, #tpu.memory_space<vmem>> -> memref<1000x32xf32, #tpu.memory_space<vmem>>
      %dma_wait3A_1167 = arith.constant 0 : i32
      %dma_wait3A_1168 = tpu.memref_slice %arg4[%add3A_974, %dma_wait3A_1167] : memref<1600000x32xf32, #tpu.memory_space<hbm>> -> memref<1000x32xf32, #tpu.memory_space<hbm>>
      %dma_wait3A_1169 = arith.constant 0 : i32
      %dma_wait3A_1170 = tpu.memref_slice %arg4[%add3A_974, %dma_wait3A_1169] : memref<1600000x32xf32, #tpu.memory_space<hbm>> -> memref<1000x32xf32, #tpu.memory_space<hbm>>
      %dma_wait3A_1171 = arith.constant 0 : i32
      %dma_wait3A_1172 = arith.constant 0 : i32
      %dma_wait3A_1173 = tpu.memref_slice %arg6[%run_scoped3A_975, %dma_wait3A_1171, %dma_wait3A_1172] : memref<2x1000x32xf32, #tpu.memory_space<vmem>> -> memref<1x1000x32xf32, #tpu.memory_space<vmem>>
      %dma_wait3A_1174 = tpu.memref_squeeze %dma_wait3A_1173 : memref<1x1000x32xf32, #tpu.memory_space<vmem>> -> memref<1000x32xf32, #tpu.memory_space<vmem>>
      tpu.wait_dma2 semaphore(%run_scoped3A_1150 : memref<!tpu.dma_semaphore, #tpu.memory_space<semaphore_mem>>) src(%dma_wait3A_1174 : memref<1000x32xf32, #tpu.memory_space<vmem>>) dst(%dma_wait3A_1170 : memref<1000x32xf32, #tpu.memory_space<hbm>>)
      tpu.yield
    }) : () -> ()
    %dma_start3A_976 = arith.constant 1 : i32
    %dma_start3A_977 = arith.constant 0 : i32
    %dma_start3A_978 = arith.constant 0 : i32
    %dma_start3A_979 = tpu.memref_slice %arg6[%dma_start3A_976, %dma_start3A_977, %dma_start3A_978] : memref<2x1000x32xf32, #tpu.memory_space<vmem>> -> memref<1x1000x32xf32, #tpu.memory_space<vmem>>
    %dma_start3A_980 = tpu.memref_squeeze %dma_start3A_979 : memref<1x1000x32xf32, #tpu.memory_space<vmem>> -> memref<1000x32xf32, #tpu.memory_space<vmem>>
    %dma_start3A_981 = arith.constant 43000 : i32
    %dma_start3A_982 = tpu.memref_slice %arg5[%dma_start3A_981] : memref<50000xi32, #tpu.memory_space<vmem>> -> memref<1000xi32, #tpu.memory_space<vmem>>
    %dma_start3A_983 = arith.constant 0 : i32
    %dma_start3A_984 = arith.constant 0 : i32
    %dma_start3A_985 = tpu.memref_slice %arg2[%dma_start3A_983, %dma_start3A_984] : memref<100000x32xf32, #tpu.memory_space<hbm>> -> memref<100000x32xf32, #tpu.memory_space<hbm>>
    tpu.enqueue_indirect_dma source(%dma_start3A_985 : memref<100000x32xf32, #tpu.memory_space<hbm>>) target(%dma_start3A_980 : memref<1000x32xf32, #tpu.memory_space<vmem>>) offsets(%dma_start3A_982 : memref<1000xi32, #tpu.memory_space<vmem>>) semaphore(%arg8 : memref<!tpu.dma_semaphore, #tpu.memory_space<semaphore_mem>>)
    %dma_wait3A_986 = arith.constant 0 : i32
    %dma_wait3A_987 = arith.constant 0 : i32
    %dma_wait3A_988 = arith.constant 0 : i32
    %dma_wait3A_989 = tpu.memref_slice %arg6[%dma_wait3A_986, %dma_wait3A_987, %dma_wait3A_988] : memref<2x1000x32xf32, #tpu.memory_space<vmem>> -> memref<1x1000x32xf32, #tpu.memory_space<vmem>>
    %dma_wait3A_990 = tpu.memref_squeeze %dma_wait3A_989 : memref<1x1000x32xf32, #tpu.memory_space<vmem>> -> memref<1000x32xf32, #tpu.memory_space<vmem>>
    %dma_wait3A_991 = arith.constant 42000 : i32
    %dma_wait3A_992 = tpu.memref_slice %arg5[%dma_wait3A_991] : memref<50000xi32, #tpu.memory_space<vmem>> -> memref<1000xi32, #tpu.memory_space<vmem>>
    %dma_wait3A_993 = arith.constant 0 : i32
    %dma_wait3A_994 = arith.constant 0 : i32
    %dma_wait3A_995 = tpu.memref_slice %arg2[%dma_wait3A_993, %dma_wait3A_994] : memref<100000x32xf32, #tpu.memory_space<hbm>> -> memref<100000x32xf32, #tpu.memory_space<hbm>>
    tpu.wait_indirect_dma semaphore(%arg7 : memref<!tpu.dma_semaphore, #tpu.memory_space<semaphore_mem>>) src(%dma_wait3A_995 : memref<100000x32xf32, #tpu.memory_space<hbm>>) dst(%dma_wait3A_990 : memref<1000x32xf32, #tpu.memory_space<vmem>>)
    %add3A_996 = arith.constant 42000 : i32
    %add3A_997 = arith.addi %mul3A_2, %add3A_996 : i32
    %run_scoped3A_998 = arith.constant 0 : i32
    "tpu.region"() ({
      %run_scoped3A_1150 = tpu.sem_alloc : memref<!tpu.dma_semaphore, #tpu.memory_space<semaphore_mem>>
      %dma_start3A_1151 = arith.constant 0 : i32
      %dma_start3A_1152 = arith.constant 0 : i32
      %dma_start3A_1153 = tpu.memref_slice %arg6[%run_scoped3A_998, %dma_start3A_1151, %dma_start3A_1152] : memref<2x1000x32xf32, #tpu.memory_space<vmem>> -> memref<1x1000x32xf32, #tpu.memory_space<vmem>>
      %dma_start3A_1154 = tpu.memref_squeeze %dma_start3A_1153 : memref<1x1000x32xf32, #tpu.memory_space<vmem>> -> memref<1000x32xf32, #tpu.memory_space<vmem>>
      %dma_start3A_1155 = arith.constant 0 : i32
      %dma_start3A_1156 = tpu.memref_slice %arg4[%add3A_997, %dma_start3A_1155] : memref<1600000x32xf32, #tpu.memory_space<hbm>> -> memref<1000x32xf32, #tpu.memory_space<hbm>>
      %dma_start3A_1157 = arith.constant 0 : i32
      %dma_start3A_1158 = tpu.memref_slice %arg4[%add3A_997, %dma_start3A_1157] : memref<1600000x32xf32, #tpu.memory_space<hbm>> -> memref<1000x32xf32, #tpu.memory_space<hbm>>
      %dma_start3A_1159 = arith.constant 0 : i32
      %dma_start3A_1160 = arith.constant 0 : i32
      %dma_start3A_1161 = tpu.memref_slice %arg6[%run_scoped3A_998, %dma_start3A_1159, %dma_start3A_1160] : memref<2x1000x32xf32, #tpu.memory_space<vmem>> -> memref<1x1000x32xf32, #tpu.memory_space<vmem>>
      %dma_start3A_1162 = tpu.memref_squeeze %dma_start3A_1161 : memref<1x1000x32xf32, #tpu.memory_space<vmem>> -> memref<1000x32xf32, #tpu.memory_space<vmem>>
      tpu.enqueue_dma source(%dma_start3A_1162 : memref<1000x32xf32, #tpu.memory_space<vmem>>) target(%dma_start3A_1158 : memref<1000x32xf32, #tpu.memory_space<hbm>>) target_semaphore(%run_scoped3A_1150 : memref<!tpu.dma_semaphore, #tpu.memory_space<semaphore_mem>>)
      %dma_wait3A_1163 = arith.constant 0 : i32
      %dma_wait3A_1164 = arith.constant 0 : i32
      %dma_wait3A_1165 = tpu.memref_slice %arg6[%run_scoped3A_998, %dma_wait3A_1163, %dma_wait3A_1164] : memref<2x1000x32xf32, #tpu.memory_space<vmem>> -> memref<1x1000x32xf32, #tpu.memory_space<vmem>>
      %dma_wait3A_1166 = tpu.memref_squeeze %dma_wait3A_1165 : memref<1x1000x32xf32, #tpu.memory_space<vmem>> -> memref<1000x32xf32, #tpu.memory_space<vmem>>
      %dma_wait3A_1167 = arith.constant 0 : i32
      %dma_wait3A_1168 = tpu.memref_slice %arg4[%add3A_997, %dma_wait3A_1167] : memref<1600000x32xf32, #tpu.memory_space<hbm>> -> memref<1000x32xf32, #tpu.memory_space<hbm>>
      %dma_wait3A_1169 = arith.constant 0 : i32
      %dma_wait3A_1170 = tpu.memref_slice %arg4[%add3A_997, %dma_wait3A_1169] : memref<1600000x32xf32, #tpu.memory_space<hbm>> -> memref<1000x32xf32, #tpu.memory_space<hbm>>
      %dma_wait3A_1171 = arith.constant 0 : i32
      %dma_wait3A_1172 = arith.constant 0 : i32
      %dma_wait3A_1173 = tpu.memref_slice %arg6[%run_scoped3A_998, %dma_wait3A_1171, %dma_wait3A_1172] : memref<2x1000x32xf32, #tpu.memory_space<vmem>> -> memref<1x1000x32xf32, #tpu.memory_space<vmem>>
      %dma_wait3A_1174 = tpu.memref_squeeze %dma_wait3A_1173 : memref<1x1000x32xf32, #tpu.memory_space<vmem>> -> memref<1000x32xf32, #tpu.memory_space<vmem>>
      tpu.wait_dma2 semaphore(%run_scoped3A_1150 : memref<!tpu.dma_semaphore, #tpu.memory_space<semaphore_mem>>) src(%dma_wait3A_1174 : memref<1000x32xf32, #tpu.memory_space<vmem>>) dst(%dma_wait3A_1170 : memref<1000x32xf32, #tpu.memory_space<hbm>>)
      tpu.yield
    }) : () -> ()
    %dma_start3A_999 = arith.constant 0 : i32
    %dma_start3A_1000 = arith.constant 0 : i32
    %dma_start3A_1001 = arith.constant 0 : i32
    %dma_start3A_1002 = tpu.memref_slice %arg6[%dma_start3A_999, %dma_start3A_1000, %dma_start3A_1001] : memref<2x1000x32xf32, #tpu.memory_space<vmem>> -> memref<1x1000x32xf32, #tpu.memory_space<vmem>>
    %dma_start3A_1003 = tpu.memref_squeeze %dma_start3A_1002 : memref<1x1000x32xf32, #tpu.memory_space<vmem>> -> memref<1000x32xf32, #tpu.memory_space<vmem>>
    %dma_start3A_1004 = arith.constant 44000 : i32
    %dma_start3A_1005 = tpu.memref_slice %arg5[%dma_start3A_1004] : memref<50000xi32, #tpu.memory_space<vmem>> -> memref<1000xi32, #tpu.memory_space<vmem>>
    %dma_start3A_1006 = arith.constant 0 : i32
    %dma_start3A_1007 = arith.constant 0 : i32
    %dma_start3A_1008 = tpu.memref_slice %arg2[%dma_start3A_1006, %dma_start3A_1007] : memref<100000x32xf32, #tpu.memory_space<hbm>> -> memref<100000x32xf32, #tpu.memory_space<hbm>>
    tpu.enqueue_indirect_dma source(%dma_start3A_1008 : memref<100000x32xf32, #tpu.memory_space<hbm>>) target(%dma_start3A_1003 : memref<1000x32xf32, #tpu.memory_space<vmem>>) offsets(%dma_start3A_1005 : memref<1000xi32, #tpu.memory_space<vmem>>) semaphore(%arg7 : memref<!tpu.dma_semaphore, #tpu.memory_space<semaphore_mem>>)
    %dma_wait3A_1009 = arith.constant 1 : i32
    %dma_wait3A_1010 = arith.constant 0 : i32
    %dma_wait3A_1011 = arith.constant 0 : i32
    %dma_wait3A_1012 = tpu.memref_slice %arg6[%dma_wait3A_1009, %dma_wait3A_1010, %dma_wait3A_1011] : memref<2x1000x32xf32, #tpu.memory_space<vmem>> -> memref<1x1000x32xf32, #tpu.memory_space<vmem>>
    %dma_wait3A_1013 = tpu.memref_squeeze %dma_wait3A_1012 : memref<1x1000x32xf32, #tpu.memory_space<vmem>> -> memref<1000x32xf32, #tpu.memory_space<vmem>>
    %dma_wait3A_1014 = arith.constant 43000 : i32
    %dma_wait3A_1015 = tpu.memref_slice %arg5[%dma_wait3A_1014] : memref<50000xi32, #tpu.memory_space<vmem>> -> memref<1000xi32, #tpu.memory_space<vmem>>
    %dma_wait3A_1016 = arith.constant 0 : i32
    %dma_wait3A_1017 = arith.constant 0 : i32
    %dma_wait3A_1018 = tpu.memref_slice %arg2[%dma_wait3A_1016, %dma_wait3A_1017] : memref<100000x32xf32, #tpu.memory_space<hbm>> -> memref<100000x32xf32, #tpu.memory_space<hbm>>
    tpu.wait_indirect_dma semaphore(%arg8 : memref<!tpu.dma_semaphore, #tpu.memory_space<semaphore_mem>>) src(%dma_wait3A_1018 : memref<100000x32xf32, #tpu.memory_space<hbm>>) dst(%dma_wait3A_1013 : memref<1000x32xf32, #tpu.memory_space<vmem>>)
    %add3A_1019 = arith.constant 43000 : i32
    %add3A_1020 = arith.addi %mul3A_2, %add3A_1019 : i32
    %run_scoped3A_1021 = arith.constant 1 : i32
    "tpu.region"() ({
      %run_scoped3A_1150 = tpu.sem_alloc : memref<!tpu.dma_semaphore, #tpu.memory_space<semaphore_mem>>
      %dma_start3A_1151 = arith.constant 0 : i32
      %dma_start3A_1152 = arith.constant 0 : i32
      %dma_start3A_1153 = tpu.memref_slice %arg6[%run_scoped3A_1021, %dma_start3A_1151, %dma_start3A_1152] : memref<2x1000x32xf32, #tpu.memory_space<vmem>> -> memref<1x1000x32xf32, #tpu.memory_space<vmem>>
      %dma_start3A_1154 = tpu.memref_squeeze %dma_start3A_1153 : memref<1x1000x32xf32, #tpu.memory_space<vmem>> -> memref<1000x32xf32, #tpu.memory_space<vmem>>
      %dma_start3A_1155 = arith.constant 0 : i32
      %dma_start3A_1156 = tpu.memref_slice %arg4[%add3A_1020, %dma_start3A_1155] : memref<1600000x32xf32, #tpu.memory_space<hbm>> -> memref<1000x32xf32, #tpu.memory_space<hbm>>
      %dma_start3A_1157 = arith.constant 0 : i32
      %dma_start3A_1158 = tpu.memref_slice %arg4[%add3A_1020, %dma_start3A_1157] : memref<1600000x32xf32, #tpu.memory_space<hbm>> -> memref<1000x32xf32, #tpu.memory_space<hbm>>
      %dma_start3A_1159 = arith.constant 0 : i32
      %dma_start3A_1160 = arith.constant 0 : i32
      %dma_start3A_1161 = tpu.memref_slice %arg6[%run_scoped3A_1021, %dma_start3A_1159, %dma_start3A_1160] : memref<2x1000x32xf32, #tpu.memory_space<vmem>> -> memref<1x1000x32xf32, #tpu.memory_space<vmem>>
      %dma_start3A_1162 = tpu.memref_squeeze %dma_start3A_1161 : memref<1x1000x32xf32, #tpu.memory_space<vmem>> -> memref<1000x32xf32, #tpu.memory_space<vmem>>
      tpu.enqueue_dma source(%dma_start3A_1162 : memref<1000x32xf32, #tpu.memory_space<vmem>>) target(%dma_start3A_1158 : memref<1000x32xf32, #tpu.memory_space<hbm>>) target_semaphore(%run_scoped3A_1150 : memref<!tpu.dma_semaphore, #tpu.memory_space<semaphore_mem>>)
      %dma_wait3A_1163 = arith.constant 0 : i32
      %dma_wait3A_1164 = arith.constant 0 : i32
      %dma_wait3A_1165 = tpu.memref_slice %arg6[%run_scoped3A_1021, %dma_wait3A_1163, %dma_wait3A_1164] : memref<2x1000x32xf32, #tpu.memory_space<vmem>> -> memref<1x1000x32xf32, #tpu.memory_space<vmem>>
      %dma_wait3A_1166 = tpu.memref_squeeze %dma_wait3A_1165 : memref<1x1000x32xf32, #tpu.memory_space<vmem>> -> memref<1000x32xf32, #tpu.memory_space<vmem>>
      %dma_wait3A_1167 = arith.constant 0 : i32
      %dma_wait3A_1168 = tpu.memref_slice %arg4[%add3A_1020, %dma_wait3A_1167] : memref<1600000x32xf32, #tpu.memory_space<hbm>> -> memref<1000x32xf32, #tpu.memory_space<hbm>>
      %dma_wait3A_1169 = arith.constant 0 : i32
      %dma_wait3A_1170 = tpu.memref_slice %arg4[%add3A_1020, %dma_wait3A_1169] : memref<1600000x32xf32, #tpu.memory_space<hbm>> -> memref<1000x32xf32, #tpu.memory_space<hbm>>
      %dma_wait3A_1171 = arith.constant 0 : i32
      %dma_wait3A_1172 = arith.constant 0 : i32
      %dma_wait3A_1173 = tpu.memref_slice %arg6[%run_scoped3A_1021, %dma_wait3A_1171, %dma_wait3A_1172] : memref<2x1000x32xf32, #tpu.memory_space<vmem>> -> memref<1x1000x32xf32, #tpu.memory_space<vmem>>
      %dma_wait3A_1174 = tpu.memref_squeeze %dma_wait3A_1173 : memref<1x1000x32xf32, #tpu.memory_space<vmem>> -> memref<1000x32xf32, #tpu.memory_space<vmem>>
      tpu.wait_dma2 semaphore(%run_scoped3A_1150 : memref<!tpu.dma_semaphore, #tpu.memory_space<semaphore_mem>>) src(%dma_wait3A_1174 : memref<1000x32xf32, #tpu.memory_space<vmem>>) dst(%dma_wait3A_1170 : memref<1000x32xf32, #tpu.memory_space<hbm>>)
      tpu.yield
    }) : () -> ()
    %dma_start3A_1022 = arith.constant 1 : i32
    %dma_start3A_1023 = arith.constant 0 : i32
    %dma_start3A_1024 = arith.constant 0 : i32
    %dma_start3A_1025 = tpu.memref_slice %arg6[%dma_start3A_1022, %dma_start3A_1023, %dma_start3A_1024] : memref<2x1000x32xf32, #tpu.memory_space<vmem>> -> memref<1x1000x32xf32, #tpu.memory_space<vmem>>
    %dma_start3A_1026 = tpu.memref_squeeze %dma_start3A_1025 : memref<1x1000x32xf32, #tpu.memory_space<vmem>> -> memref<1000x32xf32, #tpu.memory_space<vmem>>
    %dma_start3A_1027 = arith.constant 45000 : i32
    %dma_start3A_1028 = tpu.memref_slice %arg5[%dma_start3A_1027] : memref<50000xi32, #tpu.memory_space<vmem>> -> memref<1000xi32, #tpu.memory_space<vmem>>
    %dma_start3A_1029 = arith.constant 0 : i32
    %dma_start3A_1030 = arith.constant 0 : i32
    %dma_start3A_1031 = tpu.memref_slice %arg2[%dma_start3A_1029, %dma_start3A_1030] : memref<100000x32xf32, #tpu.memory_space<hbm>> -> memref<100000x32xf32, #tpu.memory_space<hbm>>
    tpu.enqueue_indirect_dma source(%dma_start3A_1031 : memref<100000x32xf32, #tpu.memory_space<hbm>>) target(%dma_start3A_1026 : memref<1000x32xf32, #tpu.memory_space<vmem>>) offsets(%dma_start3A_1028 : memref<1000xi32, #tpu.memory_space<vmem>>) semaphore(%arg8 : memref<!tpu.dma_semaphore, #tpu.memory_space<semaphore_mem>>)
    %dma_wait3A_1032 = arith.constant 0 : i32
    %dma_wait3A_1033 = arith.constant 0 : i32
    %dma_wait3A_1034 = arith.constant 0 : i32
    %dma_wait3A_1035 = tpu.memref_slice %arg6[%dma_wait3A_1032, %dma_wait3A_1033, %dma_wait3A_1034] : memref<2x1000x32xf32, #tpu.memory_space<vmem>> -> memref<1x1000x32xf32, #tpu.memory_space<vmem>>
    %dma_wait3A_1036 = tpu.memref_squeeze %dma_wait3A_1035 : memref<1x1000x32xf32, #tpu.memory_space<vmem>> -> memref<1000x32xf32, #tpu.memory_space<vmem>>
    %dma_wait3A_1037 = arith.constant 44000 : i32
    %dma_wait3A_1038 = tpu.memref_slice %arg5[%dma_wait3A_1037] : memref<50000xi32, #tpu.memory_space<vmem>> -> memref<1000xi32, #tpu.memory_space<vmem>>
    %dma_wait3A_1039 = arith.constant 0 : i32
    %dma_wait3A_1040 = arith.constant 0 : i32
    %dma_wait3A_1041 = tpu.memref_slice %arg2[%dma_wait3A_1039, %dma_wait3A_1040] : memref<100000x32xf32, #tpu.memory_space<hbm>> -> memref<100000x32xf32, #tpu.memory_space<hbm>>
    tpu.wait_indirect_dma semaphore(%arg7 : memref<!tpu.dma_semaphore, #tpu.memory_space<semaphore_mem>>) src(%dma_wait3A_1041 : memref<100000x32xf32, #tpu.memory_space<hbm>>) dst(%dma_wait3A_1036 : memref<1000x32xf32, #tpu.memory_space<vmem>>)
    %add3A_1042 = arith.constant 44000 : i32
    %add3A_1043 = arith.addi %mul3A_2, %add3A_1042 : i32
    %run_scoped3A_1044 = arith.constant 0 : i32
    "tpu.region"() ({
      %run_scoped3A_1150 = tpu.sem_alloc : memref<!tpu.dma_semaphore, #tpu.memory_space<semaphore_mem>>
      %dma_start3A_1151 = arith.constant 0 : i32
      %dma_start3A_1152 = arith.constant 0 : i32
      %dma_start3A_1153 = tpu.memref_slice %arg6[%run_scoped3A_1044, %dma_start3A_1151, %dma_start3A_1152] : memref<2x1000x32xf32, #tpu.memory_space<vmem>> -> memref<1x1000x32xf32, #tpu.memory_space<vmem>>
      %dma_start3A_1154 = tpu.memref_squeeze %dma_start3A_1153 : memref<1x1000x32xf32, #tpu.memory_space<vmem>> -> memref<1000x32xf32, #tpu.memory_space<vmem>>
      %dma_start3A_1155 = arith.constant 0 : i32
      %dma_start3A_1156 = tpu.memref_slice %arg4[%add3A_1043, %dma_start3A_1155] : memref<1600000x32xf32, #tpu.memory_space<hbm>> -> memref<1000x32xf32, #tpu.memory_space<hbm>>
      %dma_start3A_1157 = arith.constant 0 : i32
      %dma_start3A_1158 = tpu.memref_slice %arg4[%add3A_1043, %dma_start3A_1157] : memref<1600000x32xf32, #tpu.memory_space<hbm>> -> memref<1000x32xf32, #tpu.memory_space<hbm>>
      %dma_start3A_1159 = arith.constant 0 : i32
      %dma_start3A_1160 = arith.constant 0 : i32
      %dma_start3A_1161 = tpu.memref_slice %arg6[%run_scoped3A_1044, %dma_start3A_1159, %dma_start3A_1160] : memref<2x1000x32xf32, #tpu.memory_space<vmem>> -> memref<1x1000x32xf32, #tpu.memory_space<vmem>>
      %dma_start3A_1162 = tpu.memref_squeeze %dma_start3A_1161 : memref<1x1000x32xf32, #tpu.memory_space<vmem>> -> memref<1000x32xf32, #tpu.memory_space<vmem>>
      tpu.enqueue_dma source(%dma_start3A_1162 : memref<1000x32xf32, #tpu.memory_space<vmem>>) target(%dma_start3A_1158 : memref<1000x32xf32, #tpu.memory_space<hbm>>) target_semaphore(%run_scoped3A_1150 : memref<!tpu.dma_semaphore, #tpu.memory_space<semaphore_mem>>)
      %dma_wait3A_1163 = arith.constant 0 : i32
      %dma_wait3A_1164 = arith.constant 0 : i32
      %dma_wait3A_1165 = tpu.memref_slice %arg6[%run_scoped3A_1044, %dma_wait3A_1163, %dma_wait3A_1164] : memref<2x1000x32xf32, #tpu.memory_space<vmem>> -> memref<1x1000x32xf32, #tpu.memory_space<vmem>>
      %dma_wait3A_1166 = tpu.memref_squeeze %dma_wait3A_1165 : memref<1x1000x32xf32, #tpu.memory_space<vmem>> -> memref<1000x32xf32, #tpu.memory_space<vmem>>
      %dma_wait3A_1167 = arith.constant 0 : i32
      %dma_wait3A_1168 = tpu.memref_slice %arg4[%add3A_1043, %dma_wait3A_1167] : memref<1600000x32xf32, #tpu.memory_space<hbm>> -> memref<1000x32xf32, #tpu.memory_space<hbm>>
      %dma_wait3A_1169 = arith.constant 0 : i32
      %dma_wait3A_1170 = tpu.memref_slice %arg4[%add3A_1043, %dma_wait3A_1169] : memref<1600000x32xf32, #tpu.memory_space<hbm>> -> memref<1000x32xf32, #tpu.memory_space<hbm>>
      %dma_wait3A_1171 = arith.constant 0 : i32
      %dma_wait3A_1172 = arith.constant 0 : i32
      %dma_wait3A_1173 = tpu.memref_slice %arg6[%run_scoped3A_1044, %dma_wait3A_1171, %dma_wait3A_1172] : memref<2x1000x32xf32, #tpu.memory_space<vmem>> -> memref<1x1000x32xf32, #tpu.memory_space<vmem>>
      %dma_wait3A_1174 = tpu.memref_squeeze %dma_wait3A_1173 : memref<1x1000x32xf32, #tpu.memory_space<vmem>> -> memref<1000x32xf32, #tpu.memory_space<vmem>>
      tpu.wait_dma2 semaphore(%run_scoped3A_1150 : memref<!tpu.dma_semaphore, #tpu.memory_space<semaphore_mem>>) src(%dma_wait3A_1174 : memref<1000x32xf32, #tpu.memory_space<vmem>>) dst(%dma_wait3A_1170 : memref<1000x32xf32, #tpu.memory_space<hbm>>)
      tpu.yield
    }) : () -> ()
    %dma_start3A_1045 = arith.constant 0 : i32
    %dma_start3A_1046 = arith.constant 0 : i32
    %dma_start3A_1047 = arith.constant 0 : i32
    %dma_start3A_1048 = tpu.memref_slice %arg6[%dma_start3A_1045, %dma_start3A_1046, %dma_start3A_1047] : memref<2x1000x32xf32, #tpu.memory_space<vmem>> -> memref<1x1000x32xf32, #tpu.memory_space<vmem>>
    %dma_start3A_1049 = tpu.memref_squeeze %dma_start3A_1048 : memref<1x1000x32xf32, #tpu.memory_space<vmem>> -> memref<1000x32xf32, #tpu.memory_space<vmem>>
    %dma_start3A_1050 = arith.constant 46000 : i32
    %dma_start3A_1051 = tpu.memref_slice %arg5[%dma_start3A_1050] : memref<50000xi32, #tpu.memory_space<vmem>> -> memref<1000xi32, #tpu.memory_space<vmem>>
    %dma_start3A_1052 = arith.constant 0 : i32
    %dma_start3A_1053 = arith.constant 0 : i32
    %dma_start3A_1054 = tpu.memref_slice %arg2[%dma_start3A_1052, %dma_start3A_1053] : memref<100000x32xf32, #tpu.memory_space<hbm>> -> memref<100000x32xf32, #tpu.memory_space<hbm>>
    tpu.enqueue_indirect_dma source(%dma_start3A_1054 : memref<100000x32xf32, #tpu.memory_space<hbm>>) target(%dma_start3A_1049 : memref<1000x32xf32, #tpu.memory_space<vmem>>) offsets(%dma_start3A_1051 : memref<1000xi32, #tpu.memory_space<vmem>>) semaphore(%arg7 : memref<!tpu.dma_semaphore, #tpu.memory_space<semaphore_mem>>)
    %dma_wait3A_1055 = arith.constant 1 : i32
    %dma_wait3A_1056 = arith.constant 0 : i32
    %dma_wait3A_1057 = arith.constant 0 : i32
    %dma_wait3A_1058 = tpu.memref_slice %arg6[%dma_wait3A_1055, %dma_wait3A_1056, %dma_wait3A_1057] : memref<2x1000x32xf32, #tpu.memory_space<vmem>> -> memref<1x1000x32xf32, #tpu.memory_space<vmem>>
    %dma_wait3A_1059 = tpu.memref_squeeze %dma_wait3A_1058 : memref<1x1000x32xf32, #tpu.memory_space<vmem>> -> memref<1000x32xf32, #tpu.memory_space<vmem>>
    %dma_wait3A_1060 = arith.constant 45000 : i32
    %dma_wait3A_1061 = tpu.memref_slice %arg5[%dma_wait3A_1060] : memref<50000xi32, #tpu.memory_space<vmem>> -> memref<1000xi32, #tpu.memory_space<vmem>>
    %dma_wait3A_1062 = arith.constant 0 : i32
    %dma_wait3A_1063 = arith.constant 0 : i32
    %dma_wait3A_1064 = tpu.memref_slice %arg2[%dma_wait3A_1062, %dma_wait3A_1063] : memref<100000x32xf32, #tpu.memory_space<hbm>> -> memref<100000x32xf32, #tpu.memory_space<hbm>>
    tpu.wait_indirect_dma semaphore(%arg8 : memref<!tpu.dma_semaphore, #tpu.memory_space<semaphore_mem>>) src(%dma_wait3A_1064 : memref<100000x32xf32, #tpu.memory_space<hbm>>) dst(%dma_wait3A_1059 : memref<1000x32xf32, #tpu.memory_space<vmem>>)
    %add3A_1065 = arith.constant 45000 : i32
    %add3A_1066 = arith.addi %mul3A_2, %add3A_1065 : i32
    %run_scoped3A_1067 = arith.constant 1 : i32
    "tpu.region"() ({
      %run_scoped3A_1150 = tpu.sem_alloc : memref<!tpu.dma_semaphore, #tpu.memory_space<semaphore_mem>>
      %dma_start3A_1151 = arith.constant 0 : i32
      %dma_start3A_1152 = arith.constant 0 : i32
      %dma_start3A_1153 = tpu.memref_slice %arg6[%run_scoped3A_1067, %dma_start3A_1151, %dma_start3A_1152] : memref<2x1000x32xf32, #tpu.memory_space<vmem>> -> memref<1x1000x32xf32, #tpu.memory_space<vmem>>
      %dma_start3A_1154 = tpu.memref_squeeze %dma_start3A_1153 : memref<1x1000x32xf32, #tpu.memory_space<vmem>> -> memref<1000x32xf32, #tpu.memory_space<vmem>>
      %dma_start3A_1155 = arith.constant 0 : i32
      %dma_start3A_1156 = tpu.memref_slice %arg4[%add3A_1066, %dma_start3A_1155] : memref<1600000x32xf32, #tpu.memory_space<hbm>> -> memref<1000x32xf32, #tpu.memory_space<hbm>>
      %dma_start3A_1157 = arith.constant 0 : i32
      %dma_start3A_1158 = tpu.memref_slice %arg4[%add3A_1066, %dma_start3A_1157] : memref<1600000x32xf32, #tpu.memory_space<hbm>> -> memref<1000x32xf32, #tpu.memory_space<hbm>>
      %dma_start3A_1159 = arith.constant 0 : i32
      %dma_start3A_1160 = arith.constant 0 : i32
      %dma_start3A_1161 = tpu.memref_slice %arg6[%run_scoped3A_1067, %dma_start3A_1159, %dma_start3A_1160] : memref<2x1000x32xf32, #tpu.memory_space<vmem>> -> memref<1x1000x32xf32, #tpu.memory_space<vmem>>
      %dma_start3A_1162 = tpu.memref_squeeze %dma_start3A_1161 : memref<1x1000x32xf32, #tpu.memory_space<vmem>> -> memref<1000x32xf32, #tpu.memory_space<vmem>>
      tpu.enqueue_dma source(%dma_start3A_1162 : memref<1000x32xf32, #tpu.memory_space<vmem>>) target(%dma_start3A_1158 : memref<1000x32xf32, #tpu.memory_space<hbm>>) target_semaphore(%run_scoped3A_1150 : memref<!tpu.dma_semaphore, #tpu.memory_space<semaphore_mem>>)
      %dma_wait3A_1163 = arith.constant 0 : i32
      %dma_wait3A_1164 = arith.constant 0 : i32
      %dma_wait3A_1165 = tpu.memref_slice %arg6[%run_scoped3A_1067, %dma_wait3A_1163, %dma_wait3A_1164] : memref<2x1000x32xf32, #tpu.memory_space<vmem>> -> memref<1x1000x32xf32, #tpu.memory_space<vmem>>
      %dma_wait3A_1166 = tpu.memref_squeeze %dma_wait3A_1165 : memref<1x1000x32xf32, #tpu.memory_space<vmem>> -> memref<1000x32xf32, #tpu.memory_space<vmem>>
      %dma_wait3A_1167 = arith.constant 0 : i32
      %dma_wait3A_1168 = tpu.memref_slice %arg4[%add3A_1066, %dma_wait3A_1167] : memref<1600000x32xf32, #tpu.memory_space<hbm>> -> memref<1000x32xf32, #tpu.memory_space<hbm>>
      %dma_wait3A_1169 = arith.constant 0 : i32
      %dma_wait3A_1170 = tpu.memref_slice %arg4[%add3A_1066, %dma_wait3A_1169] : memref<1600000x32xf32, #tpu.memory_space<hbm>> -> memref<1000x32xf32, #tpu.memory_space<hbm>>
      %dma_wait3A_1171 = arith.constant 0 : i32
      %dma_wait3A_1172 = arith.constant 0 : i32
      %dma_wait3A_1173 = tpu.memref_slice %arg6[%run_scoped3A_1067, %dma_wait3A_1171, %dma_wait3A_1172] : memref<2x1000x32xf32, #tpu.memory_space<vmem>> -> memref<1x1000x32xf32, #tpu.memory_space<vmem>>
      %dma_wait3A_1174 = tpu.memref_squeeze %dma_wait3A_1173 : memref<1x1000x32xf32, #tpu.memory_space<vmem>> -> memref<1000x32xf32, #tpu.memory_space<vmem>>
      tpu.wait_dma2 semaphore(%run_scoped3A_1150 : memref<!tpu.dma_semaphore, #tpu.memory_space<semaphore_mem>>) src(%dma_wait3A_1174 : memref<1000x32xf32, #tpu.memory_space<vmem>>) dst(%dma_wait3A_1170 : memref<1000x32xf32, #tpu.memory_space<hbm>>)
      tpu.yield
    }) : () -> ()
    %dma_start3A_1068 = arith.constant 1 : i32
    %dma_start3A_1069 = arith.constant 0 : i32
    %dma_start3A_1070 = arith.constant 0 : i32
    %dma_start3A_1071 = tpu.memref_slice %arg6[%dma_start3A_1068, %dma_start3A_1069, %dma_start3A_1070] : memref<2x1000x32xf32, #tpu.memory_space<vmem>> -> memref<1x1000x32xf32, #tpu.memory_space<vmem>>
    %dma_start3A_1072 = tpu.memref_squeeze %dma_start3A_1071 : memref<1x1000x32xf32, #tpu.memory_space<vmem>> -> memref<1000x32xf32, #tpu.memory_space<vmem>>
    %dma_start3A_1073 = arith.constant 47000 : i32
    %dma_start3A_1074 = tpu.memref_slice %arg5[%dma_start3A_1073] : memref<50000xi32, #tpu.memory_space<vmem>> -> memref<1000xi32, #tpu.memory_space<vmem>>
    %dma_start3A_1075 = arith.constant 0 : i32
    %dma_start3A_1076 = arith.constant 0 : i32
    %dma_start3A_1077 = tpu.memref_slice %arg2[%dma_start3A_1075, %dma_start3A_1076] : memref<100000x32xf32, #tpu.memory_space<hbm>> -> memref<100000x32xf32, #tpu.memory_space<hbm>>
    tpu.enqueue_indirect_dma source(%dma_start3A_1077 : memref<100000x32xf32, #tpu.memory_space<hbm>>) target(%dma_start3A_1072 : memref<1000x32xf32, #tpu.memory_space<vmem>>) offsets(%dma_start3A_1074 : memref<1000xi32, #tpu.memory_space<vmem>>) semaphore(%arg8 : memref<!tpu.dma_semaphore, #tpu.memory_space<semaphore_mem>>)
    %dma_wait3A_1078 = arith.constant 0 : i32
    %dma_wait3A_1079 = arith.constant 0 : i32
    %dma_wait3A_1080 = arith.constant 0 : i32
    %dma_wait3A_1081 = tpu.memref_slice %arg6[%dma_wait3A_1078, %dma_wait3A_1079, %dma_wait3A_1080] : memref<2x1000x32xf32, #tpu.memory_space<vmem>> -> memref<1x1000x32xf32, #tpu.memory_space<vmem>>
    %dma_wait3A_1082 = tpu.memref_squeeze %dma_wait3A_1081 : memref<1x1000x32xf32, #tpu.memory_space<vmem>> -> memref<1000x32xf32, #tpu.memory_space<vmem>>
    %dma_wait3A_1083 = arith.constant 46000 : i32
    %dma_wait3A_1084 = tpu.memref_slice %arg5[%dma_wait3A_1083] : memref<50000xi32, #tpu.memory_space<vmem>> -> memref<1000xi32, #tpu.memory_space<vmem>>
    %dma_wait3A_1085 = arith.constant 0 : i32
    %dma_wait3A_1086 = arith.constant 0 : i32
    %dma_wait3A_1087 = tpu.memref_slice %arg2[%dma_wait3A_1085, %dma_wait3A_1086] : memref<100000x32xf32, #tpu.memory_space<hbm>> -> memref<100000x32xf32, #tpu.memory_space<hbm>>
    tpu.wait_indirect_dma semaphore(%arg7 : memref<!tpu.dma_semaphore, #tpu.memory_space<semaphore_mem>>) src(%dma_wait3A_1087 : memref<100000x32xf32, #tpu.memory_space<hbm>>) dst(%dma_wait3A_1082 : memref<1000x32xf32, #tpu.memory_space<vmem>>)
    %add3A_1088 = arith.constant 46000 : i32
    %add3A_1089 = arith.addi %mul3A_2, %add3A_1088 : i32
    %run_scoped3A_1090 = arith.constant 0 : i32
    "tpu.region"() ({
      %run_scoped3A_1150 = tpu.sem_alloc : memref<!tpu.dma_semaphore, #tpu.memory_space<semaphore_mem>>
      %dma_start3A_1151 = arith.constant 0 : i32
      %dma_start3A_1152 = arith.constant 0 : i32
      %dma_start3A_1153 = tpu.memref_slice %arg6[%run_scoped3A_1090, %dma_start3A_1151, %dma_start3A_1152] : memref<2x1000x32xf32, #tpu.memory_space<vmem>> -> memref<1x1000x32xf32, #tpu.memory_space<vmem>>
      %dma_start3A_1154 = tpu.memref_squeeze %dma_start3A_1153 : memref<1x1000x32xf32, #tpu.memory_space<vmem>> -> memref<1000x32xf32, #tpu.memory_space<vmem>>
      %dma_start3A_1155 = arith.constant 0 : i32
      %dma_start3A_1156 = tpu.memref_slice %arg4[%add3A_1089, %dma_start3A_1155] : memref<1600000x32xf32, #tpu.memory_space<hbm>> -> memref<1000x32xf32, #tpu.memory_space<hbm>>
      %dma_start3A_1157 = arith.constant 0 : i32
      %dma_start3A_1158 = tpu.memref_slice %arg4[%add3A_1089, %dma_start3A_1157] : memref<1600000x32xf32, #tpu.memory_space<hbm>> -> memref<1000x32xf32, #tpu.memory_space<hbm>>
      %dma_start3A_1159 = arith.constant 0 : i32
      %dma_start3A_1160 = arith.constant 0 : i32
      %dma_start3A_1161 = tpu.memref_slice %arg6[%run_scoped3A_1090, %dma_start3A_1159, %dma_start3A_1160] : memref<2x1000x32xf32, #tpu.memory_space<vmem>> -> memref<1x1000x32xf32, #tpu.memory_space<vmem>>
      %dma_start3A_1162 = tpu.memref_squeeze %dma_start3A_1161 : memref<1x1000x32xf32, #tpu.memory_space<vmem>> -> memref<1000x32xf32, #tpu.memory_space<vmem>>
      tpu.enqueue_dma source(%dma_start3A_1162 : memref<1000x32xf32, #tpu.memory_space<vmem>>) target(%dma_start3A_1158 : memref<1000x32xf32, #tpu.memory_space<hbm>>) target_semaphore(%run_scoped3A_1150 : memref<!tpu.dma_semaphore, #tpu.memory_space<semaphore_mem>>)
      %dma_wait3A_1163 = arith.constant 0 : i32
      %dma_wait3A_1164 = arith.constant 0 : i32
      %dma_wait3A_1165 = tpu.memref_slice %arg6[%run_scoped3A_1090, %dma_wait3A_1163, %dma_wait3A_1164] : memref<2x1000x32xf32, #tpu.memory_space<vmem>> -> memref<1x1000x32xf32, #tpu.memory_space<vmem>>
      %dma_wait3A_1166 = tpu.memref_squeeze %dma_wait3A_1165 : memref<1x1000x32xf32, #tpu.memory_space<vmem>> -> memref<1000x32xf32, #tpu.memory_space<vmem>>
      %dma_wait3A_1167 = arith.constant 0 : i32
      %dma_wait3A_1168 = tpu.memref_slice %arg4[%add3A_1089, %dma_wait3A_1167] : memref<1600000x32xf32, #tpu.memory_space<hbm>> -> memref<1000x32xf32, #tpu.memory_space<hbm>>
      %dma_wait3A_1169 = arith.constant 0 : i32
      %dma_wait3A_1170 = tpu.memref_slice %arg4[%add3A_1089, %dma_wait3A_1169] : memref<1600000x32xf32, #tpu.memory_space<hbm>> -> memref<1000x32xf32, #tpu.memory_space<hbm>>
      %dma_wait3A_1171 = arith.constant 0 : i32
      %dma_wait3A_1172 = arith.constant 0 : i32
      %dma_wait3A_1173 = tpu.memref_slice %arg6[%run_scoped3A_1090, %dma_wait3A_1171, %dma_wait3A_1172] : memref<2x1000x32xf32, #tpu.memory_space<vmem>> -> memref<1x1000x32xf32, #tpu.memory_space<vmem>>
      %dma_wait3A_1174 = tpu.memref_squeeze %dma_wait3A_1173 : memref<1x1000x32xf32, #tpu.memory_space<vmem>> -> memref<1000x32xf32, #tpu.memory_space<vmem>>
      tpu.wait_dma2 semaphore(%run_scoped3A_1150 : memref<!tpu.dma_semaphore, #tpu.memory_space<semaphore_mem>>) src(%dma_wait3A_1174 : memref<1000x32xf32, #tpu.memory_space<vmem>>) dst(%dma_wait3A_1170 : memref<1000x32xf32, #tpu.memory_space<hbm>>)
      tpu.yield
    }) : () -> ()
    %dma_start3A_1091 = arith.constant 0 : i32
    %dma_start3A_1092 = arith.constant 0 : i32
    %dma_start3A_1093 = arith.constant 0 : i32
    %dma_start3A_1094 = tpu.memref_slice %arg6[%dma_start3A_1091, %dma_start3A_1092, %dma_start3A_1093] : memref<2x1000x32xf32, #tpu.memory_space<vmem>> -> memref<1x1000x32xf32, #tpu.memory_space<vmem>>
    %dma_start3A_1095 = tpu.memref_squeeze %dma_start3A_1094 : memref<1x1000x32xf32, #tpu.memory_space<vmem>> -> memref<1000x32xf32, #tpu.memory_space<vmem>>
    %dma_start3A_1096 = arith.constant 48000 : i32
    %dma_start3A_1097 = tpu.memref_slice %arg5[%dma_start3A_1096] : memref<50000xi32, #tpu.memory_space<vmem>> -> memref<1000xi32, #tpu.memory_space<vmem>>
    %dma_start3A_1098 = arith.constant 0 : i32
    %dma_start3A_1099 = arith.constant 0 : i32
    %dma_start3A_1100 = tpu.memref_slice %arg2[%dma_start3A_1098, %dma_start3A_1099] : memref<100000x32xf32, #tpu.memory_space<hbm>> -> memref<100000x32xf32, #tpu.memory_space<hbm>>
    tpu.enqueue_indirect_dma source(%dma_start3A_1100 : memref<100000x32xf32, #tpu.memory_space<hbm>>) target(%dma_start3A_1095 : memref<1000x32xf32, #tpu.memory_space<vmem>>) offsets(%dma_start3A_1097 : memref<1000xi32, #tpu.memory_space<vmem>>) semaphore(%arg7 : memref<!tpu.dma_semaphore, #tpu.memory_space<semaphore_mem>>)
    %dma_wait3A_1101 = arith.constant 1 : i32
    %dma_wait3A_1102 = arith.constant 0 : i32
    %dma_wait3A_1103 = arith.constant 0 : i32
    %dma_wait3A_1104 = tpu.memref_slice %arg6[%dma_wait3A_1101, %dma_wait3A_1102, %dma_wait3A_1103] : memref<2x1000x32xf32, #tpu.memory_space<vmem>> -> memref<1x1000x32xf32, #tpu.memory_space<vmem>>
    %dma_wait3A_1105 = tpu.memref_squeeze %dma_wait3A_1104 : memref<1x1000x32xf32, #tpu.memory_space<vmem>> -> memref<1000x32xf32, #tpu.memory_space<vmem>>
    %dma_wait3A_1106 = arith.constant 47000 : i32
    %dma_wait3A_1107 = tpu.memref_slice %arg5[%dma_wait3A_1106] : memref<50000xi32, #tpu.memory_space<vmem>> -> memref<1000xi32, #tpu.memory_space<vmem>>
    %dma_wait3A_1108 = arith.constant 0 : i32
    %dma_wait3A_1109 = arith.constant 0 : i32
    %dma_wait3A_1110 = tpu.memref_slice %arg2[%dma_wait3A_1108, %dma_wait3A_1109] : memref<100000x32xf32, #tpu.memory_space<hbm>> -> memref<100000x32xf32, #tpu.memory_space<hbm>>
    tpu.wait_indirect_dma semaphore(%arg8 : memref<!tpu.dma_semaphore, #tpu.memory_space<semaphore_mem>>) src(%dma_wait3A_1110 : memref<100000x32xf32, #tpu.memory_space<hbm>>) dst(%dma_wait3A_1105 : memref<1000x32xf32, #tpu.memory_space<vmem>>)
    %add3A_1111 = arith.constant 47000 : i32
    %add3A_1112 = arith.addi %mul3A_2, %add3A_1111 : i32
    %run_scoped3A_1113 = arith.constant 1 : i32
    "tpu.region"() ({
      %run_scoped3A_1150 = tpu.sem_alloc : memref<!tpu.dma_semaphore, #tpu.memory_space<semaphore_mem>>
      %dma_start3A_1151 = arith.constant 0 : i32
      %dma_start3A_1152 = arith.constant 0 : i32
      %dma_start3A_1153 = tpu.memref_slice %arg6[%run_scoped3A_1113, %dma_start3A_1151, %dma_start3A_1152] : memref<2x1000x32xf32, #tpu.memory_space<vmem>> -> memref<1x1000x32xf32, #tpu.memory_space<vmem>>
      %dma_start3A_1154 = tpu.memref_squeeze %dma_start3A_1153 : memref<1x1000x32xf32, #tpu.memory_space<vmem>> -> memref<1000x32xf32, #tpu.memory_space<vmem>>
      %dma_start3A_1155 = arith.constant 0 : i32
      %dma_start3A_1156 = tpu.memref_slice %arg4[%add3A_1112, %dma_start3A_1155] : memref<1600000x32xf32, #tpu.memory_space<hbm>> -> memref<1000x32xf32, #tpu.memory_space<hbm>>
      %dma_start3A_1157 = arith.constant 0 : i32
      %dma_start3A_1158 = tpu.memref_slice %arg4[%add3A_1112, %dma_start3A_1157] : memref<1600000x32xf32, #tpu.memory_space<hbm>> -> memref<1000x32xf32, #tpu.memory_space<hbm>>
      %dma_start3A_1159 = arith.constant 0 : i32
      %dma_start3A_1160 = arith.constant 0 : i32
      %dma_start3A_1161 = tpu.memref_slice %arg6[%run_scoped3A_1113, %dma_start3A_1159, %dma_start3A_1160] : memref<2x1000x32xf32, #tpu.memory_space<vmem>> -> memref<1x1000x32xf32, #tpu.memory_space<vmem>>
      %dma_start3A_1162 = tpu.memref_squeeze %dma_start3A_1161 : memref<1x1000x32xf32, #tpu.memory_space<vmem>> -> memref<1000x32xf32, #tpu.memory_space<vmem>>
      tpu.enqueue_dma source(%dma_start3A_1162 : memref<1000x32xf32, #tpu.memory_space<vmem>>) target(%dma_start3A_1158 : memref<1000x32xf32, #tpu.memory_space<hbm>>) target_semaphore(%run_scoped3A_1150 : memref<!tpu.dma_semaphore, #tpu.memory_space<semaphore_mem>>)
      %dma_wait3A_1163 = arith.constant 0 : i32
      %dma_wait3A_1164 = arith.constant 0 : i32
      %dma_wait3A_1165 = tpu.memref_slice %arg6[%run_scoped3A_1113, %dma_wait3A_1163, %dma_wait3A_1164] : memref<2x1000x32xf32, #tpu.memory_space<vmem>> -> memref<1x1000x32xf32, #tpu.memory_space<vmem>>
      %dma_wait3A_1166 = tpu.memref_squeeze %dma_wait3A_1165 : memref<1x1000x32xf32, #tpu.memory_space<vmem>> -> memref<1000x32xf32, #tpu.memory_space<vmem>>
      %dma_wait3A_1167 = arith.constant 0 : i32
      %dma_wait3A_1168 = tpu.memref_slice %arg4[%add3A_1112, %dma_wait3A_1167] : memref<1600000x32xf32, #tpu.memory_space<hbm>> -> memref<1000x32xf32, #tpu.memory_space<hbm>>
      %dma_wait3A_1169 = arith.constant 0 : i32
      %dma_wait3A_1170 = tpu.memref_slice %arg4[%add3A_1112, %dma_wait3A_1169] : memref<1600000x32xf32, #tpu.memory_space<hbm>> -> memref<1000x32xf32, #tpu.memory_space<hbm>>
      %dma_wait3A_1171 = arith.constant 0 : i32
      %dma_wait3A_1172 = arith.constant 0 : i32
      %dma_wait3A_1173 = tpu.memref_slice %arg6[%run_scoped3A_1113, %dma_wait3A_1171, %dma_wait3A_1172] : memref<2x1000x32xf32, #tpu.memory_space<vmem>> -> memref<1x1000x32xf32, #tpu.memory_space<vmem>>
      %dma_wait3A_1174 = tpu.memref_squeeze %dma_wait3A_1173 : memref<1x1000x32xf32, #tpu.memory_space<vmem>> -> memref<1000x32xf32, #tpu.memory_space<vmem>>
      tpu.wait_dma2 semaphore(%run_scoped3A_1150 : memref<!tpu.dma_semaphore, #tpu.memory_space<semaphore_mem>>) src(%dma_wait3A_1174 : memref<1000x32xf32, #tpu.memory_space<vmem>>) dst(%dma_wait3A_1170 : memref<1000x32xf32, #tpu.memory_space<hbm>>)
      tpu.yield
    }) : () -> ()
    %dma_start3A_1114 = arith.constant 1 : i32
    %dma_start3A_1115 = arith.constant 0 : i32
    %dma_start3A_1116 = arith.constant 0 : i32
    %dma_start3A_1117 = tpu.memref_slice %arg6[%dma_start3A_1114, %dma_start3A_1115, %dma_start3A_1116] : memref<2x1000x32xf32, #tpu.memory_space<vmem>> -> memref<1x1000x32xf32, #tpu.memory_space<vmem>>
    %dma_start3A_1118 = tpu.memref_squeeze %dma_start3A_1117 : memref<1x1000x32xf32, #tpu.memory_space<vmem>> -> memref<1000x32xf32, #tpu.memory_space<vmem>>
    %dma_start3A_1119 = arith.constant 49000 : i32
    %dma_start3A_1120 = tpu.memref_slice %arg5[%dma_start3A_1119] : memref<50000xi32, #tpu.memory_space<vmem>> -> memref<1000xi32, #tpu.memory_space<vmem>>
    %dma_start3A_1121 = arith.constant 0 : i32
    %dma_start3A_1122 = arith.constant 0 : i32
    %dma_start3A_1123 = tpu.memref_slice %arg2[%dma_start3A_1121, %dma_start3A_1122] : memref<100000x32xf32, #tpu.memory_space<hbm>> -> memref<100000x32xf32, #tpu.memory_space<hbm>>
    tpu.enqueue_indirect_dma source(%dma_start3A_1123 : memref<100000x32xf32, #tpu.memory_space<hbm>>) target(%dma_start3A_1118 : memref<1000x32xf32, #tpu.memory_space<vmem>>) offsets(%dma_start3A_1120 : memref<1000xi32, #tpu.memory_space<vmem>>) semaphore(%arg8 : memref<!tpu.dma_semaphore, #tpu.memory_space<semaphore_mem>>)
    %dma_wait3A_1124 = arith.constant 0 : i32
    %dma_wait3A_1125 = arith.constant 0 : i32
    %dma_wait3A_1126 = arith.constant 0 : i32
    %dma_wait3A_1127 = tpu.memref_slice %arg6[%dma_wait3A_1124, %dma_wait3A_1125, %dma_wait3A_1126] : memref<2x1000x32xf32, #tpu.memory_space<vmem>> -> memref<1x1000x32xf32, #tpu.memory_space<vmem>>
    %dma_wait3A_1128 = tpu.memref_squeeze %dma_wait3A_1127 : memref<1x1000x32xf32, #tpu.memory_space<vmem>> -> memref<1000x32xf32, #tpu.memory_space<vmem>>
    %dma_wait3A_1129 = arith.constant 48000 : i32
    %dma_wait3A_1130 = tpu.memref_slice %arg5[%dma_wait3A_1129] : memref<50000xi32, #tpu.memory_space<vmem>> -> memref<1000xi32, #tpu.memory_space<vmem>>
    %dma_wait3A_1131 = arith.constant 0 : i32
    %dma_wait3A_1132 = arith.constant 0 : i32
    %dma_wait3A_1133 = tpu.memref_slice %arg2[%dma_wait3A_1131, %dma_wait3A_1132] : memref<100000x32xf32, #tpu.memory_space<hbm>> -> memref<100000x32xf32, #tpu.memory_space<hbm>>
    tpu.wait_indirect_dma semaphore(%arg7 : memref<!tpu.dma_semaphore, #tpu.memory_space<semaphore_mem>>) src(%dma_wait3A_1133 : memref<100000x32xf32, #tpu.memory_space<hbm>>) dst(%dma_wait3A_1128 : memref<1000x32xf32, #tpu.memory_space<vmem>>)
    %add3A_1134 = arith.constant 48000 : i32
    %add3A_1135 = arith.addi %mul3A_2, %add3A_1134 : i32
    %run_scoped3A_1136 = arith.constant 0 : i32
    "tpu.region"() ({
      %run_scoped3A_1150 = tpu.sem_alloc : memref<!tpu.dma_semaphore, #tpu.memory_space<semaphore_mem>>
      %dma_start3A_1151 = arith.constant 0 : i32
      %dma_start3A_1152 = arith.constant 0 : i32
      %dma_start3A_1153 = tpu.memref_slice %arg6[%run_scoped3A_1136, %dma_start3A_1151, %dma_start3A_1152] : memref<2x1000x32xf32, #tpu.memory_space<vmem>> -> memref<1x1000x32xf32, #tpu.memory_space<vmem>>
      %dma_start3A_1154 = tpu.memref_squeeze %dma_start3A_1153 : memref<1x1000x32xf32, #tpu.memory_space<vmem>> -> memref<1000x32xf32, #tpu.memory_space<vmem>>
      %dma_start3A_1155 = arith.constant 0 : i32
      %dma_start3A_1156 = tpu.memref_slice %arg4[%add3A_1135, %dma_start3A_1155] : memref<1600000x32xf32, #tpu.memory_space<hbm>> -> memref<1000x32xf32, #tpu.memory_space<hbm>>
      %dma_start3A_1157 = arith.constant 0 : i32
      %dma_start3A_1158 = tpu.memref_slice %arg4[%add3A_1135, %dma_start3A_1157] : memref<1600000x32xf32, #tpu.memory_space<hbm>> -> memref<1000x32xf32, #tpu.memory_space<hbm>>
      %dma_start3A_1159 = arith.constant 0 : i32
      %dma_start3A_1160 = arith.constant 0 : i32
      %dma_start3A_1161 = tpu.memref_slice %arg6[%run_scoped3A_1136, %dma_start3A_1159, %dma_start3A_1160] : memref<2x1000x32xf32, #tpu.memory_space<vmem>> -> memref<1x1000x32xf32, #tpu.memory_space<vmem>>
      %dma_start3A_1162 = tpu.memref_squeeze %dma_start3A_1161 : memref<1x1000x32xf32, #tpu.memory_space<vmem>> -> memref<1000x32xf32, #tpu.memory_space<vmem>>
      tpu.enqueue_dma source(%dma_start3A_1162 : memref<1000x32xf32, #tpu.memory_space<vmem>>) target(%dma_start3A_1158 : memref<1000x32xf32, #tpu.memory_space<hbm>>) target_semaphore(%run_scoped3A_1150 : memref<!tpu.dma_semaphore, #tpu.memory_space<semaphore_mem>>)
      %dma_wait3A_1163 = arith.constant 0 : i32
      %dma_wait3A_1164 = arith.constant 0 : i32
      %dma_wait3A_1165 = tpu.memref_slice %arg6[%run_scoped3A_1136, %dma_wait3A_1163, %dma_wait3A_1164] : memref<2x1000x32xf32, #tpu.memory_space<vmem>> -> memref<1x1000x32xf32, #tpu.memory_space<vmem>>
      %dma_wait3A_1166 = tpu.memref_squeeze %dma_wait3A_1165 : memref<1x1000x32xf32, #tpu.memory_space<vmem>> -> memref<1000x32xf32, #tpu.memory_space<vmem>>
      %dma_wait3A_1167 = arith.constant 0 : i32
      %dma_wait3A_1168 = tpu.memref_slice %arg4[%add3A_1135, %dma_wait3A_1167] : memref<1600000x32xf32, #tpu.memory_space<hbm>> -> memref<1000x32xf32, #tpu.memory_space<hbm>>
      %dma_wait3A_1169 = arith.constant 0 : i32
      %dma_wait3A_1170 = tpu.memref_slice %arg4[%add3A_1135, %dma_wait3A_1169] : memref<1600000x32xf32, #tpu.memory_space<hbm>> -> memref<1000x32xf32, #tpu.memory_space<hbm>>
      %dma_wait3A_1171 = arith.constant 0 : i32
      %dma_wait3A_1172 = arith.constant 0 : i32
      %dma_wait3A_1173 = tpu.memref_slice %arg6[%run_scoped3A_1136, %dma_wait3A_1171, %dma_wait3A_1172] : memref<2x1000x32xf32, #tpu.memory_space<vmem>> -> memref<1x1000x32xf32, #tpu.memory_space<vmem>>
      %dma_wait3A_1174 = tpu.memref_squeeze %dma_wait3A_1173 : memref<1x1000x32xf32, #tpu.memory_space<vmem>> -> memref<1000x32xf32, #tpu.memory_space<vmem>>
      tpu.wait_dma2 semaphore(%run_scoped3A_1150 : memref<!tpu.dma_semaphore, #tpu.memory_space<semaphore_mem>>) src(%dma_wait3A_1174 : memref<1000x32xf32, #tpu.memory_space<vmem>>) dst(%dma_wait3A_1170 : memref<1000x32xf32, #tpu.memory_space<hbm>>)
      tpu.yield
    }) : () -> ()
    %dma_wait3A_1137 = arith.constant 1 : i32
    %dma_wait3A_1138 = arith.constant 0 : i32
    %dma_wait3A_1139 = arith.constant 0 : i32
    %dma_wait3A_1140 = tpu.memref_slice %arg6[%dma_wait3A_1137, %dma_wait3A_1138, %dma_wait3A_1139] : memref<2x1000x32xf32, #tpu.memory_space<vmem>> -> memref<1x1000x32xf32, #tpu.memory_space<vmem>>
    %dma_wait3A_1141 = tpu.memref_squeeze %dma_wait3A_1140 : memref<1x1000x32xf32, #tpu.memory_space<vmem>> -> memref<1000x32xf32, #tpu.memory_space<vmem>>
    %dma_wait3A_1142 = arith.constant 49000 : i32
    %dma_wait3A_1143 = tpu.memref_slice %arg5[%dma_wait3A_1142] : memref<50000xi32, #tpu.memory_space<vmem>> -> memref<1000xi32, #tpu.memory_space<vmem>>
    %dma_wait3A_1144 = arith.constant 0 : i32
    %dma_wait3A_1145 = arith.constant 0 : i32
    %dma_wait3A_1146 = tpu.memref_slice %arg2[%dma_wait3A_1144, %dma_wait3A_1145] : memref<100000x32xf32, #tpu.memory_space<hbm>> -> memref<100000x32xf32, #tpu.memory_space<hbm>>
    tpu.wait_indirect_dma semaphore(%arg8 : memref<!tpu.dma_semaphore, #tpu.memory_space<semaphore_mem>>) src(%dma_wait3A_1146 : memref<100000x32xf32, #tpu.memory_space<hbm>>) dst(%dma_wait3A_1141 : memref<1000x32xf32, #tpu.memory_space<vmem>>)
    %add3A_1147 = arith.constant 49000 : i32
    %add3A_1148 = arith.addi %mul3A_2, %add3A_1147 : i32
    %run_scoped3A_1149 = arith.constant 1 : i32
    "tpu.region"() ({
      %run_scoped3A_1150 = tpu.sem_alloc : memref<!tpu.dma_semaphore, #tpu.memory_space<semaphore_mem>>
      %dma_start3A_1151 = arith.constant 0 : i32
      %dma_start3A_1152 = arith.constant 0 : i32
      %dma_start3A_1153 = tpu.memref_slice %arg6[%run_scoped3A_1149, %dma_start3A_1151, %dma_start3A_1152] : memref<2x1000x32xf32, #tpu.memory_space<vmem>> -> memref<1x1000x32xf32, #tpu.memory_space<vmem>>
      %dma_start3A_1154 = tpu.memref_squeeze %dma_start3A_1153 : memref<1x1000x32xf32, #tpu.memory_space<vmem>> -> memref<1000x32xf32, #tpu.memory_space<vmem>>
      %dma_start3A_1155 = arith.constant 0 : i32
      %dma_start3A_1156 = tpu.memref_slice %arg4[%add3A_1148, %dma_start3A_1155] : memref<1600000x32xf32, #tpu.memory_space<hbm>> -> memref<1000x32xf32, #tpu.memory_space<hbm>>
      %dma_start3A_1157 = arith.constant 0 : i32
      %dma_start3A_1158 = tpu.memref_slice %arg4[%add3A_1148, %dma_start3A_1157] : memref<1600000x32xf32, #tpu.memory_space<hbm>> -> memref<1000x32xf32, #tpu.memory_space<hbm>>
      %dma_start3A_1159 = arith.constant 0 : i32
      %dma_start3A_1160 = arith.constant 0 : i32
      %dma_start3A_1161 = tpu.memref_slice %arg6[%run_scoped3A_1149, %dma_start3A_1159, %dma_start3A_1160] : memref<2x1000x32xf32, #tpu.memory_space<vmem>> -> memref<1x1000x32xf32, #tpu.memory_space<vmem>>
      %dma_start3A_1162 = tpu.memref_squeeze %dma_start3A_1161 : memref<1x1000x32xf32, #tpu.memory_space<vmem>> -> memref<1000x32xf32, #tpu.memory_space<vmem>>
      tpu.enqueue_dma source(%dma_start3A_1162 : memref<1000x32xf32, #tpu.memory_space<vmem>>) target(%dma_start3A_1158 : memref<1000x32xf32, #tpu.memory_space<hbm>>) target_semaphore(%run_scoped3A_1150 : memref<!tpu.dma_semaphore, #tpu.memory_space<semaphore_mem>>)
      %dma_wait3A_1163 = arith.constant 0 : i32
      %dma_wait3A_1164 = arith.constant 0 : i32
      %dma_wait3A_1165 = tpu.memref_slice %arg6[%run_scoped3A_1149, %dma_wait3A_1163, %dma_wait3A_1164] : memref<2x1000x32xf32, #tpu.memory_space<vmem>> -> memref<1x1000x32xf32, #tpu.memory_space<vmem>>
      %dma_wait3A_1166 = tpu.memref_squeeze %dma_wait3A_1165 : memref<1x1000x32xf32, #tpu.memory_space<vmem>> -> memref<1000x32xf32, #tpu.memory_space<vmem>>
      %dma_wait3A_1167 = arith.constant 0 : i32
      %dma_wait3A_1168 = tpu.memref_slice %arg4[%add3A_1148, %dma_wait3A_1167] : memref<1600000x32xf32, #tpu.memory_space<hbm>> -> memref<1000x32xf32, #tpu.memory_space<hbm>>
      %dma_wait3A_1169 = arith.constant 0 : i32
      %dma_wait3A_1170 = tpu.memref_slice %arg4[%add3A_1148, %dma_wait3A_1169] : memref<1600000x32xf32, #tpu.memory_space<hbm>> -> memref<1000x32xf32, #tpu.memory_space<hbm>>
      %dma_wait3A_1171 = arith.constant 0 : i32
      %dma_wait3A_1172 = arith.constant 0 : i32
      %dma_wait3A_1173 = tpu.memref_slice %arg6[%run_scoped3A_1149, %dma_wait3A_1171, %dma_wait3A_1172] : memref<2x1000x32xf32, #tpu.memory_space<vmem>> -> memref<1x1000x32xf32, #tpu.memory_space<vmem>>
      %dma_wait3A_1174 = tpu.memref_squeeze %dma_wait3A_1173 : memref<1x1000x32xf32, #tpu.memory_space<vmem>> -> memref<1000x32xf32, #tpu.memory_space<vmem>>
      tpu.wait_dma2 semaphore(%run_scoped3A_1150 : memref<!tpu.dma_semaphore, #tpu.memory_space<semaphore_mem>>) src(%dma_wait3A_1174 : memref<1000x32xf32, #tpu.memory_space<vmem>>) dst(%dma_wait3A_1170 : memref<1000x32xf32, #tpu.memory_space<hbm>>)
      tpu.yield
    }) : () -> ()
    return
  }
}

module attributes {stable_mosaic.version = 14 : i64} {
  func.func @body(%arg0: i32, %arg1: memref<1000x512xf32, #tpu.memory_space<vmem>>, %arg2: memref<1000x128xf32, #tpu.memory_space<vmem>>, %arg3: memref<1000x256xf32, #tpu.memory_space<vmem>>, %arg4: memref<1000x512xf32, #tpu.memory_space<vmem>>) attributes {dimension_semantics = [#tpu.dimension_semantics<arbitrary>], iteration_bounds = array<i64: 100>, scalar_prefetch = 0 : i64, scratch_operands = 0 : i64, tpu.core_type = #tpu.core_type<tc>, window_params = [{transform_indices = @transform_0, window_bounds = array<i64: 1000, 512>}, {transform_indices = @transform_1, window_bounds = array<i64: 1000, 128>}, {transform_indices = @transform_2, window_bounds = array<i64: 1000, 256>}, {transform_indices = @transform_3, window_bounds = array<i64: 1000, 512>}]} {
    %iota3A = tpu.iota {dimensions = array<i32: 0>} : vector<128x512xi32>
    %iota3A_0 = tpu.iota {dimensions = array<i32: 1>} : vector<128x512xi32>
    %jit3A = arith.constant 8 : i32
    %div3A = vector.broadcast %jit3A : i32 to vector<128x512xi32>
    %div3A_1 = arith.divsi %iota3A, %div3A : vector<128x512xi32>
    %sign3A = arith.constant 0 : i32
    %sign3A_2 = vector.broadcast %sign3A : i32 to vector<128x512xi32>
    %sign3A_3 = arith.cmpi sgt, %iota3A, %sign3A_2 : vector<128x512xi32>
    %sign3A_4 = arith.extui %sign3A_3 : vector<128x512xi1> to vector<128x512xi32>
    %sign3A_5 = arith.constant 0 : i32
    %sign3A_6 = vector.broadcast %sign3A_5 : i32 to vector<128x512xi32>
    %sign3A_7 = arith.cmpi slt, %iota3A, %sign3A_6 : vector<128x512xi32>
    %sign3A_8 = arith.extui %sign3A_7 : vector<128x512xi1> to vector<128x512xi32>
    %sign3A_9 = arith.subi %sign3A_4, %sign3A_8 : vector<128x512xi32>
    %sign3A_10 = arith.constant 0 : i32
    %sign3A_11 = arith.cmpi sgt, %jit3A, %sign3A_10 : i32
    %sign3A_12 = arith.extui %sign3A_11 : i1 to i32
    %sign3A_13 = arith.constant 0 : i32
    %sign3A_14 = arith.cmpi slt, %jit3A, %sign3A_13 : i32
    %sign3A_15 = arith.extui %sign3A_14 : i1 to i32
    %sign3A_16 = arith.subi %sign3A_12, %sign3A_15 : i32
    %ne3A = vector.broadcast %sign3A_16 : i32 to vector<128x512xi32>
    %ne3A_17 = arith.cmpi ne, %sign3A_9, %ne3A : vector<128x512xi32>
    %rem3A = vector.broadcast %jit3A : i32 to vector<128x512xi32>
    %rem3A_18 = arith.remsi %iota3A, %rem3A : vector<128x512xi32>
    %ne3A_19 = arith.constant 0 : i32
    %ne3A_20 = vector.broadcast %ne3A_19 : i32 to vector<128x512xi32>
    %ne3A_21 = arith.cmpi ne, %rem3A_18, %ne3A_20 : vector<128x512xi32>
    %and3A = arith.andi %ne3A_17, %ne3A_21 : vector<128x512xi1>
    %sub3A = arith.constant 1 : i32
    %sub3A_22 = vector.broadcast %sub3A : i32 to vector<128x512xi32>
    %sub3A_23 = arith.subi %div3A_1, %sub3A_22 : vector<128x512xi32>
    %select_n3A = arith.select %and3A, %sub3A_23, %div3A_1 : vector<128x512xi1>, vector<128x512xi32>
    %jit3A_24 = arith.constant 32 : i32
    %div3A_25 = vector.broadcast %jit3A_24 : i32 to vector<128x512xi32>
    %div3A_26 = arith.divsi %iota3A_0, %div3A_25 : vector<128x512xi32>
    %sign3A_27 = arith.constant 0 : i32
    %sign3A_28 = vector.broadcast %sign3A_27 : i32 to vector<128x512xi32>
    %sign3A_29 = arith.cmpi sgt, %iota3A_0, %sign3A_28 : vector<128x512xi32>
    %sign3A_30 = arith.extui %sign3A_29 : vector<128x512xi1> to vector<128x512xi32>
    %sign3A_31 = arith.constant 0 : i32
    %sign3A_32 = vector.broadcast %sign3A_31 : i32 to vector<128x512xi32>
    %sign3A_33 = arith.cmpi slt, %iota3A_0, %sign3A_32 : vector<128x512xi32>
    %sign3A_34 = arith.extui %sign3A_33 : vector<128x512xi1> to vector<128x512xi32>
    %sign3A_35 = arith.subi %sign3A_30, %sign3A_34 : vector<128x512xi32>
    %sign3A_36 = arith.constant 0 : i32
    %sign3A_37 = arith.cmpi sgt, %jit3A_24, %sign3A_36 : i32
    %sign3A_38 = arith.extui %sign3A_37 : i1 to i32
    %sign3A_39 = arith.constant 0 : i32
    %sign3A_40 = arith.cmpi slt, %jit3A_24, %sign3A_39 : i32
    %sign3A_41 = arith.extui %sign3A_40 : i1 to i32
    %sign3A_42 = arith.subi %sign3A_38, %sign3A_41 : i32
    %ne3A_43 = vector.broadcast %sign3A_42 : i32 to vector<128x512xi32>
    %ne3A_44 = arith.cmpi ne, %sign3A_35, %ne3A_43 : vector<128x512xi32>
    %rem3A_45 = vector.broadcast %jit3A_24 : i32 to vector<128x512xi32>
    %rem3A_46 = arith.remsi %iota3A_0, %rem3A_45 : vector<128x512xi32>
    %ne3A_47 = arith.constant 0 : i32
    %ne3A_48 = vector.broadcast %ne3A_47 : i32 to vector<128x512xi32>
    %ne3A_49 = arith.cmpi ne, %rem3A_46, %ne3A_48 : vector<128x512xi32>
    %and3A_50 = arith.andi %ne3A_44, %ne3A_49 : vector<128x512xi1>
    %sub3A_51 = arith.constant 1 : i32
    %sub3A_52 = vector.broadcast %sub3A_51 : i32 to vector<128x512xi32>
    %sub3A_53 = arith.subi %div3A_26, %sub3A_52 : vector<128x512xi32>
    %select_n3A_54 = arith.select %and3A_50, %sub3A_53, %div3A_26 : vector<128x512xi1>, vector<128x512xi32>
    %eq3A = arith.cmpi eq, %select_n3A, %select_n3A_54 : vector<128x512xi32>
    %jit3A_55 = arith.constant 8 : i32
    %eq3A_56 = arith.constant 0 : i32
    %eq3A_57 = arith.cmpi eq, %jit3A_55, %eq3A_56 : i32
    %jit3A_58 = arith.constant 1 : i32
    %select_n3A_59 = arith.select %eq3A_57, %jit3A_58, %jit3A_55 : i32
    %rem3A_60 = vector.broadcast %select_n3A_59 : i32 to vector<128x512xi32>
    %rem3A_61 = arith.remsi %iota3A, %rem3A_60 : vector<128x512xi32>
    %ne3A_62 = arith.constant 0 : i32
    %ne3A_63 = vector.broadcast %ne3A_62 : i32 to vector<128x512xi32>
    %ne3A_64 = arith.cmpi ne, %rem3A_61, %ne3A_63 : vector<128x512xi32>
    %lt3A = arith.constant 0 : i32
    %lt3A_65 = vector.broadcast %lt3A : i32 to vector<128x512xi32>
    %lt3A_66 = arith.cmpi slt, %rem3A_61, %lt3A_65 : vector<128x512xi32>
    %lt3A_67 = arith.constant 0 : i32
    %lt3A_68 = arith.cmpi slt, %select_n3A_59, %lt3A_67 : i32
    %ne3A_69 = vector.broadcast %lt3A_68 : i1 to vector<128x512xi1>
    %ne3A_70 = vector.broadcast %ne3A_69 : vector<128x512xi1> to vector<128x512xi1>
    %ne3A_71 = arith.xori %lt3A_66, %ne3A_70 : vector<128x512xi1>
    %and3A_72 = arith.andi %ne3A_71, %ne3A_64 : vector<128x512xi1>
    %add3A = vector.broadcast %select_n3A_59 : i32 to vector<128x512xi32>
    %add3A_73 = arith.addi %rem3A_61, %add3A : vector<128x512xi32>
    %select_n3A_74 = arith.select %and3A_72, %add3A_73, %rem3A_61 : vector<128x512xi1>, vector<128x512xi32>
    %jit3A_75 = arith.constant 32 : i32
    %eq3A_76 = arith.constant 0 : i32
    %eq3A_77 = arith.cmpi eq, %jit3A_75, %eq3A_76 : i32
    %jit3A_78 = arith.constant 1 : i32
    %select_n3A_79 = arith.select %eq3A_77, %jit3A_78, %jit3A_75 : i32
    %rem3A_80 = vector.broadcast %select_n3A_79 : i32 to vector<128x512xi32>
    %rem3A_81 = arith.remsi %iota3A_0, %rem3A_80 : vector<128x512xi32>
    %ne3A_82 = arith.constant 0 : i32
    %ne3A_83 = vector.broadcast %ne3A_82 : i32 to vector<128x512xi32>
    %ne3A_84 = arith.cmpi ne, %rem3A_81, %ne3A_83 : vector<128x512xi32>
    %lt3A_85 = arith.constant 0 : i32
    %lt3A_86 = vector.broadcast %lt3A_85 : i32 to vector<128x512xi32>
    %lt3A_87 = arith.cmpi slt, %rem3A_81, %lt3A_86 : vector<128x512xi32>
    %lt3A_88 = arith.constant 0 : i32
    %lt3A_89 = arith.cmpi slt, %select_n3A_79, %lt3A_88 : i32
    %ne3A_90 = vector.broadcast %lt3A_89 : i1 to vector<128x512xi1>
    %ne3A_91 = vector.broadcast %ne3A_90 : vector<128x512xi1> to vector<128x512xi1>
    %ne3A_92 = arith.xori %lt3A_87, %ne3A_91 : vector<128x512xi1>
    %and3A_93 = arith.andi %ne3A_92, %ne3A_84 : vector<128x512xi1>
    %add3A_94 = vector.broadcast %select_n3A_79 : i32 to vector<128x512xi32>
    %add3A_95 = arith.addi %rem3A_81, %add3A_94 : vector<128x512xi32>
    %select_n3A_96 = arith.select %and3A_93, %add3A_95, %rem3A_81 : vector<128x512xi1>, vector<128x512xi32>
    %jit3A_97 = arith.constant 4 : i32
    %div3A_98 = vector.broadcast %jit3A_97 : i32 to vector<128x512xi32>
    %div3A_99 = arith.divsi %select_n3A_96, %div3A_98 : vector<128x512xi32>
    %sign3A_100 = arith.constant 0 : i32
    %sign3A_101 = vector.broadcast %sign3A_100 : i32 to vector<128x512xi32>
    %sign3A_102 = arith.cmpi sgt, %select_n3A_96, %sign3A_101 : vector<128x512xi32>
    %sign3A_103 = arith.extui %sign3A_102 : vector<128x512xi1> to vector<128x512xi32>
    %sign3A_104 = arith.constant 0 : i32
    %sign3A_105 = vector.broadcast %sign3A_104 : i32 to vector<128x512xi32>
    %sign3A_106 = arith.cmpi slt, %select_n3A_96, %sign3A_105 : vector<128x512xi32>
    %sign3A_107 = arith.extui %sign3A_106 : vector<128x512xi1> to vector<128x512xi32>
    %sign3A_108 = arith.subi %sign3A_103, %sign3A_107 : vector<128x512xi32>
    %sign3A_109 = arith.constant 0 : i32
    %sign3A_110 = arith.cmpi sgt, %jit3A_97, %sign3A_109 : i32
    %sign3A_111 = arith.extui %sign3A_110 : i1 to i32
    %sign3A_112 = arith.constant 0 : i32
    %sign3A_113 = arith.cmpi slt, %jit3A_97, %sign3A_112 : i32
    %sign3A_114 = arith.extui %sign3A_113 : i1 to i32
    %sign3A_115 = arith.subi %sign3A_111, %sign3A_114 : i32
    %ne3A_116 = vector.broadcast %sign3A_115 : i32 to vector<128x512xi32>
    %ne3A_117 = arith.cmpi ne, %sign3A_108, %ne3A_116 : vector<128x512xi32>
    %rem3A_118 = vector.broadcast %jit3A_97 : i32 to vector<128x512xi32>
    %rem3A_119 = arith.remsi %select_n3A_96, %rem3A_118 : vector<128x512xi32>
    %ne3A_120 = arith.constant 0 : i32
    %ne3A_121 = vector.broadcast %ne3A_120 : i32 to vector<128x512xi32>
    %ne3A_122 = arith.cmpi ne, %rem3A_119, %ne3A_121 : vector<128x512xi32>
    %and3A_123 = arith.andi %ne3A_117, %ne3A_122 : vector<128x512xi1>
    %sub3A_124 = arith.constant 1 : i32
    %sub3A_125 = vector.broadcast %sub3A_124 : i32 to vector<128x512xi32>
    %sub3A_126 = arith.subi %div3A_99, %sub3A_125 : vector<128x512xi32>
    %select_n3A_127 = arith.select %and3A_123, %sub3A_126, %div3A_99 : vector<128x512xi1>, vector<128x512xi32>
    %eq3A_128 = arith.cmpi eq, %select_n3A_74, %select_n3A_127 : vector<128x512xi32>
    %and3A_129 = arith.andi %eq3A, %eq3A_128 : vector<128x512xi1>
    %convert_element_type3A = arith.extui %and3A_129 : vector<128x512xi1> to vector<128x512xi32>
    %convert_element_type3A_130 = arith.sitofp %convert_element_type3A : vector<128x512xi32> to vector<128x512xf32>
    %iota3A_131 = tpu.iota {dimensions = array<i32: 1>} : vector<32x512xi32>
    %iota3A_132 = tpu.iota {dimensions = array<i32: 0>} : vector<32x512xi32>
    %jit3A_133 = arith.constant 16 : i32
    %div3A_134 = vector.broadcast %jit3A_133 : i32 to vector<32x512xi32>
    %div3A_135 = arith.divsi %iota3A_131, %div3A_134 : vector<32x512xi32>
    %sign3A_136 = arith.constant 0 : i32
    %sign3A_137 = vector.broadcast %sign3A_136 : i32 to vector<32x512xi32>
    %sign3A_138 = arith.cmpi sgt, %iota3A_131, %sign3A_137 : vector<32x512xi32>
    %sign3A_139 = arith.extui %sign3A_138 : vector<32x512xi1> to vector<32x512xi32>
    %sign3A_140 = arith.constant 0 : i32
    %sign3A_141 = vector.broadcast %sign3A_140 : i32 to vector<32x512xi32>
    %sign3A_142 = arith.cmpi slt, %iota3A_131, %sign3A_141 : vector<32x512xi32>
    %sign3A_143 = arith.extui %sign3A_142 : vector<32x512xi1> to vector<32x512xi32>
    %sign3A_144 = arith.subi %sign3A_139, %sign3A_143 : vector<32x512xi32>
    %sign3A_145 = arith.constant 0 : i32
    %sign3A_146 = arith.cmpi sgt, %jit3A_133, %sign3A_145 : i32
    %sign3A_147 = arith.extui %sign3A_146 : i1 to i32
    %sign3A_148 = arith.constant 0 : i32
    %sign3A_149 = arith.cmpi slt, %jit3A_133, %sign3A_148 : i32
    %sign3A_150 = arith.extui %sign3A_149 : i1 to i32
    %sign3A_151 = arith.subi %sign3A_147, %sign3A_150 : i32
    %ne3A_152 = vector.broadcast %sign3A_151 : i32 to vector<32x512xi32>
    %ne3A_153 = arith.cmpi ne, %sign3A_144, %ne3A_152 : vector<32x512xi32>
    %rem3A_154 = vector.broadcast %jit3A_133 : i32 to vector<32x512xi32>
    %rem3A_155 = arith.remsi %iota3A_131, %rem3A_154 : vector<32x512xi32>
    %ne3A_156 = arith.constant 0 : i32
    %ne3A_157 = vector.broadcast %ne3A_156 : i32 to vector<32x512xi32>
    %ne3A_158 = arith.cmpi ne, %rem3A_155, %ne3A_157 : vector<32x512xi32>
    %and3A_159 = arith.andi %ne3A_153, %ne3A_158 : vector<32x512xi1>
    %sub3A_160 = arith.constant 1 : i32
    %sub3A_161 = vector.broadcast %sub3A_160 : i32 to vector<32x512xi32>
    %sub3A_162 = arith.subi %div3A_135, %sub3A_161 : vector<32x512xi32>
    %select_n3A_163 = arith.select %and3A_159, %sub3A_162, %div3A_135 : vector<32x512xi1>, vector<32x512xi32>
    %eq3A_164 = arith.cmpi eq, %select_n3A_163, %iota3A_132 : vector<32x512xi32>
    %convert_element_type3A_165 = arith.extui %eq3A_164 : vector<32x512xi1> to vector<32x512xi32>
    %convert_element_type3A_166 = arith.sitofp %convert_element_type3A_165 : vector<32x512xi32> to vector<32x512xf32>
    %get3A = arith.constant 0 : index
    %get3A_167 = arith.constant 0 : index
    %get3A_168 = vector.load %arg1[%get3A, %get3A_167] : memref<1000x512xf32, #tpu.memory_space<vmem>>, vector<1000x512xf32>
    %get3A_169 = arith.constant 0 : index
    %get3A_170 = arith.constant 0 : index
    %get3A_171 = vector.load %arg2[%get3A_169, %get3A_170] : memref<1000x128xf32, #tpu.memory_space<vmem>>, vector<1000x128xf32>
    %get3A_172 = arith.constant 0 : index
    %get3A_173 = arith.constant 0 : index
    %get3A_174 = vector.load %arg3[%get3A_172, %get3A_173] : memref<1000x256xf32, #tpu.memory_space<vmem>>, vector<1000x256xf32>
    %dot_general3A = arith.constant dense<0.000000e+00> : vector<1000x512xf32>
    %dot_general3A_175 = tpu.matmul %get3A_171, %convert_element_type3A_130, %dot_general3A {dimension_numbers = #tpu.dot_dimension_numbers<[1], [0], [0], [1], [0, 0, 1, 1], [], []>, transpose_lhs_hint = false} : vector<1000x128xf32>, vector<128x512xf32>, vector<1000x512xf32> -> vector<1000x512xf32>
    %mul3A = arith.mulf %get3A_168, %dot_general3A_175 : vector<1000x512xf32>
    %slice3A = vector.extract_strided_slice %mul3A {offsets = [0, 0], sizes = [1000, 32], strides = [1, 1]} : vector<1000x512xf32> to vector<1000x32xf32>
    %slice3A_176 = vector.extract_strided_slice %get3A_174 {offsets = [0, 0], sizes = [1000, 16], strides = [1, 1]} : vector<1000x256xf32> to vector<1000x16xf32>
    %dot_general3A_177 = arith.constant dense<0.000000e+00> : vector<1000x512xf32>
    %dot_general3A_178 = tpu.matmul %slice3A, %convert_element_type3A_166, %dot_general3A_177 {dimension_numbers = #tpu.dot_dimension_numbers<[1], [0], [0], [1], [0, 0, 1, 1], [], []>, transpose_lhs_hint = false} : vector<1000x32xf32>, vector<32x512xf32>, vector<1000x512xf32> -> vector<1000x512xf32>
    %tile3A = tpu.concatenate %slice3A_176, %slice3A_176, %slice3A_176, %slice3A_176, %slice3A_176, %slice3A_176, %slice3A_176, %slice3A_176, %slice3A_176, %slice3A_176, %slice3A_176, %slice3A_176, %slice3A_176, %slice3A_176, %slice3A_176, %slice3A_176, %slice3A_176, %slice3A_176, %slice3A_176, %slice3A_176, %slice3A_176, %slice3A_176, %slice3A_176, %slice3A_176, %slice3A_176, %slice3A_176, %slice3A_176, %slice3A_176, %slice3A_176, %slice3A_176, %slice3A_176, %slice3A_176 in 1 : vector<1000x16xf32>, vector<1000x16xf32>, vector<1000x16xf32>, vector<1000x16xf32>, vector<1000x16xf32>, vector<1000x16xf32>, vector<1000x16xf32>, vector<1000x16xf32>, vector<1000x16xf32>, vector<1000x16xf32>, vector<1000x16xf32>, vector<1000x16xf32>, vector<1000x16xf32>, vector<1000x16xf32>, vector<1000x16xf32>, vector<1000x16xf32>, vector<1000x16xf32>, vector<1000x16xf32>, vector<1000x16xf32>, vector<1000x16xf32>, vector<1000x16xf32>, vector<1000x16xf32>, vector<1000x16xf32>, vector<1000x16xf32>, vector<1000x16xf32>, vector<1000x16xf32>, vector<1000x16xf32>, vector<1000x16xf32>, vector<1000x16xf32>, vector<1000x16xf32>, vector<1000x16xf32>, vector<1000x16xf32> -> vector<1000x512xf32>
    %mul3A_179 = arith.mulf %dot_general3A_178, %tile3A : vector<1000x512xf32>
    %slice3A_180 = vector.extract_strided_slice %mul3A {offsets = [0, 32], sizes = [1000, 32], strides = [1, 1]} : vector<1000x512xf32> to vector<1000x32xf32>
    %slice3A_181 = vector.extract_strided_slice %get3A_174 {offsets = [0, 16], sizes = [1000, 16], strides = [1, 1]} : vector<1000x256xf32> to vector<1000x16xf32>
    %dot_general3A_182 = arith.constant dense<0.000000e+00> : vector<1000x512xf32>
    %dot_general3A_183 = tpu.matmul %slice3A_180, %convert_element_type3A_166, %dot_general3A_182 {dimension_numbers = #tpu.dot_dimension_numbers<[1], [0], [0], [1], [0, 0, 1, 1], [], []>, transpose_lhs_hint = false} : vector<1000x32xf32>, vector<32x512xf32>, vector<1000x512xf32> -> vector<1000x512xf32>
    %tile3A_184 = tpu.concatenate %slice3A_181, %slice3A_181, %slice3A_181, %slice3A_181, %slice3A_181, %slice3A_181, %slice3A_181, %slice3A_181, %slice3A_181, %slice3A_181, %slice3A_181, %slice3A_181, %slice3A_181, %slice3A_181, %slice3A_181, %slice3A_181, %slice3A_181, %slice3A_181, %slice3A_181, %slice3A_181, %slice3A_181, %slice3A_181, %slice3A_181, %slice3A_181, %slice3A_181, %slice3A_181, %slice3A_181, %slice3A_181, %slice3A_181, %slice3A_181, %slice3A_181, %slice3A_181 in 1 : vector<1000x16xf32>, vector<1000x16xf32>, vector<1000x16xf32>, vector<1000x16xf32>, vector<1000x16xf32>, vector<1000x16xf32>, vector<1000x16xf32>, vector<1000x16xf32>, vector<1000x16xf32>, vector<1000x16xf32>, vector<1000x16xf32>, vector<1000x16xf32>, vector<1000x16xf32>, vector<1000x16xf32>, vector<1000x16xf32>, vector<1000x16xf32>, vector<1000x16xf32>, vector<1000x16xf32>, vector<1000x16xf32>, vector<1000x16xf32>, vector<1000x16xf32>, vector<1000x16xf32>, vector<1000x16xf32>, vector<1000x16xf32>, vector<1000x16xf32>, vector<1000x16xf32>, vector<1000x16xf32>, vector<1000x16xf32>, vector<1000x16xf32>, vector<1000x16xf32>, vector<1000x16xf32>, vector<1000x16xf32> -> vector<1000x512xf32>
    %mul3A_185 = arith.mulf %dot_general3A_183, %tile3A_184 : vector<1000x512xf32>
    %slice3A_186 = vector.extract_strided_slice %mul3A {offsets = [0, 64], sizes = [1000, 32], strides = [1, 1]} : vector<1000x512xf32> to vector<1000x32xf32>
    %slice3A_187 = vector.extract_strided_slice %get3A_174 {offsets = [0, 32], sizes = [1000, 16], strides = [1, 1]} : vector<1000x256xf32> to vector<1000x16xf32>
    %dot_general3A_188 = arith.constant dense<0.000000e+00> : vector<1000x512xf32>
    %dot_general3A_189 = tpu.matmul %slice3A_186, %convert_element_type3A_166, %dot_general3A_188 {dimension_numbers = #tpu.dot_dimension_numbers<[1], [0], [0], [1], [0, 0, 1, 1], [], []>, transpose_lhs_hint = false} : vector<1000x32xf32>, vector<32x512xf32>, vector<1000x512xf32> -> vector<1000x512xf32>
    %tile3A_190 = tpu.concatenate %slice3A_187, %slice3A_187, %slice3A_187, %slice3A_187, %slice3A_187, %slice3A_187, %slice3A_187, %slice3A_187, %slice3A_187, %slice3A_187, %slice3A_187, %slice3A_187, %slice3A_187, %slice3A_187, %slice3A_187, %slice3A_187, %slice3A_187, %slice3A_187, %slice3A_187, %slice3A_187, %slice3A_187, %slice3A_187, %slice3A_187, %slice3A_187, %slice3A_187, %slice3A_187, %slice3A_187, %slice3A_187, %slice3A_187, %slice3A_187, %slice3A_187, %slice3A_187 in 1 : vector<1000x16xf32>, vector<1000x16xf32>, vector<1000x16xf32>, vector<1000x16xf32>, vector<1000x16xf32>, vector<1000x16xf32>, vector<1000x16xf32>, vector<1000x16xf32>, vector<1000x16xf32>, vector<1000x16xf32>, vector<1000x16xf32>, vector<1000x16xf32>, vector<1000x16xf32>, vector<1000x16xf32>, vector<1000x16xf32>, vector<1000x16xf32>, vector<1000x16xf32>, vector<1000x16xf32>, vector<1000x16xf32>, vector<1000x16xf32>, vector<1000x16xf32>, vector<1000x16xf32>, vector<1000x16xf32>, vector<1000x16xf32>, vector<1000x16xf32>, vector<1000x16xf32>, vector<1000x16xf32>, vector<1000x16xf32>, vector<1000x16xf32>, vector<1000x16xf32>, vector<1000x16xf32>, vector<1000x16xf32> -> vector<1000x512xf32>
    %mul3A_191 = arith.mulf %dot_general3A_189, %tile3A_190 : vector<1000x512xf32>
    %slice3A_192 = vector.extract_strided_slice %mul3A {offsets = [0, 96], sizes = [1000, 32], strides = [1, 1]} : vector<1000x512xf32> to vector<1000x32xf32>
    %slice3A_193 = vector.extract_strided_slice %get3A_174 {offsets = [0, 48], sizes = [1000, 16], strides = [1, 1]} : vector<1000x256xf32> to vector<1000x16xf32>
    %dot_general3A_194 = arith.constant dense<0.000000e+00> : vector<1000x512xf32>
    %dot_general3A_195 = tpu.matmul %slice3A_192, %convert_element_type3A_166, %dot_general3A_194 {dimension_numbers = #tpu.dot_dimension_numbers<[1], [0], [0], [1], [0, 0, 1, 1], [], []>, transpose_lhs_hint = false} : vector<1000x32xf32>, vector<32x512xf32>, vector<1000x512xf32> -> vector<1000x512xf32>
    %tile3A_196 = tpu.concatenate %slice3A_193, %slice3A_193, %slice3A_193, %slice3A_193, %slice3A_193, %slice3A_193, %slice3A_193, %slice3A_193, %slice3A_193, %slice3A_193, %slice3A_193, %slice3A_193, %slice3A_193, %slice3A_193, %slice3A_193, %slice3A_193, %slice3A_193, %slice3A_193, %slice3A_193, %slice3A_193, %slice3A_193, %slice3A_193, %slice3A_193, %slice3A_193, %slice3A_193, %slice3A_193, %slice3A_193, %slice3A_193, %slice3A_193, %slice3A_193, %slice3A_193, %slice3A_193 in 1 : vector<1000x16xf32>, vector<1000x16xf32>, vector<1000x16xf32>, vector<1000x16xf32>, vector<1000x16xf32>, vector<1000x16xf32>, vector<1000x16xf32>, vector<1000x16xf32>, vector<1000x16xf32>, vector<1000x16xf32>, vector<1000x16xf32>, vector<1000x16xf32>, vector<1000x16xf32>, vector<1000x16xf32>, vector<1000x16xf32>, vector<1000x16xf32>, vector<1000x16xf32>, vector<1000x16xf32>, vector<1000x16xf32>, vector<1000x16xf32>, vector<1000x16xf32>, vector<1000x16xf32>, vector<1000x16xf32>, vector<1000x16xf32>, vector<1000x16xf32>, vector<1000x16xf32>, vector<1000x16xf32>, vector<1000x16xf32>, vector<1000x16xf32>, vector<1000x16xf32>, vector<1000x16xf32>, vector<1000x16xf32> -> vector<1000x512xf32>
    %mul3A_197 = arith.mulf %dot_general3A_195, %tile3A_196 : vector<1000x512xf32>
    %add3A_198 = arith.addf %mul3A_179, %mul3A_185 : vector<1000x512xf32>
    %add3A_199 = arith.addf %mul3A_191, %mul3A_197 : vector<1000x512xf32>
    %add3A_200 = arith.addf %add3A_198, %add3A_199 : vector<1000x512xf32>
    %slice3A_201 = vector.extract_strided_slice %mul3A {offsets = [0, 128], sizes = [1000, 32], strides = [1, 1]} : vector<1000x512xf32> to vector<1000x32xf32>
    %slice3A_202 = vector.extract_strided_slice %get3A_174 {offsets = [0, 64], sizes = [1000, 16], strides = [1, 1]} : vector<1000x256xf32> to vector<1000x16xf32>
    %dot_general3A_203 = arith.constant dense<0.000000e+00> : vector<1000x512xf32>
    %dot_general3A_204 = tpu.matmul %slice3A_201, %convert_element_type3A_166, %dot_general3A_203 {dimension_numbers = #tpu.dot_dimension_numbers<[1], [0], [0], [1], [0, 0, 1, 1], [], []>, transpose_lhs_hint = false} : vector<1000x32xf32>, vector<32x512xf32>, vector<1000x512xf32> -> vector<1000x512xf32>
    %tile3A_205 = tpu.concatenate %slice3A_202, %slice3A_202, %slice3A_202, %slice3A_202, %slice3A_202, %slice3A_202, %slice3A_202, %slice3A_202, %slice3A_202, %slice3A_202, %slice3A_202, %slice3A_202, %slice3A_202, %slice3A_202, %slice3A_202, %slice3A_202, %slice3A_202, %slice3A_202, %slice3A_202, %slice3A_202, %slice3A_202, %slice3A_202, %slice3A_202, %slice3A_202, %slice3A_202, %slice3A_202, %slice3A_202, %slice3A_202, %slice3A_202, %slice3A_202, %slice3A_202, %slice3A_202 in 1 : vector<1000x16xf32>, vector<1000x16xf32>, vector<1000x16xf32>, vector<1000x16xf32>, vector<1000x16xf32>, vector<1000x16xf32>, vector<1000x16xf32>, vector<1000x16xf32>, vector<1000x16xf32>, vector<1000x16xf32>, vector<1000x16xf32>, vector<1000x16xf32>, vector<1000x16xf32>, vector<1000x16xf32>, vector<1000x16xf32>, vector<1000x16xf32>, vector<1000x16xf32>, vector<1000x16xf32>, vector<1000x16xf32>, vector<1000x16xf32>, vector<1000x16xf32>, vector<1000x16xf32>, vector<1000x16xf32>, vector<1000x16xf32>, vector<1000x16xf32>, vector<1000x16xf32>, vector<1000x16xf32>, vector<1000x16xf32>, vector<1000x16xf32>, vector<1000x16xf32>, vector<1000x16xf32>, vector<1000x16xf32> -> vector<1000x512xf32>
    %mul3A_206 = arith.mulf %dot_general3A_204, %tile3A_205 : vector<1000x512xf32>
    %slice3A_207 = vector.extract_strided_slice %mul3A {offsets = [0, 160], sizes = [1000, 32], strides = [1, 1]} : vector<1000x512xf32> to vector<1000x32xf32>
    %slice3A_208 = vector.extract_strided_slice %get3A_174 {offsets = [0, 80], sizes = [1000, 16], strides = [1, 1]} : vector<1000x256xf32> to vector<1000x16xf32>
    %dot_general3A_209 = arith.constant dense<0.000000e+00> : vector<1000x512xf32>
    %dot_general3A_210 = tpu.matmul %slice3A_207, %convert_element_type3A_166, %dot_general3A_209 {dimension_numbers = #tpu.dot_dimension_numbers<[1], [0], [0], [1], [0, 0, 1, 1], [], []>, transpose_lhs_hint = false} : vector<1000x32xf32>, vector<32x512xf32>, vector<1000x512xf32> -> vector<1000x512xf32>
    %tile3A_211 = tpu.concatenate %slice3A_208, %slice3A_208, %slice3A_208, %slice3A_208, %slice3A_208, %slice3A_208, %slice3A_208, %slice3A_208, %slice3A_208, %slice3A_208, %slice3A_208, %slice3A_208, %slice3A_208, %slice3A_208, %slice3A_208, %slice3A_208, %slice3A_208, %slice3A_208, %slice3A_208, %slice3A_208, %slice3A_208, %slice3A_208, %slice3A_208, %slice3A_208, %slice3A_208, %slice3A_208, %slice3A_208, %slice3A_208, %slice3A_208, %slice3A_208, %slice3A_208, %slice3A_208 in 1 : vector<1000x16xf32>, vector<1000x16xf32>, vector<1000x16xf32>, vector<1000x16xf32>, vector<1000x16xf32>, vector<1000x16xf32>, vector<1000x16xf32>, vector<1000x16xf32>, vector<1000x16xf32>, vector<1000x16xf32>, vector<1000x16xf32>, vector<1000x16xf32>, vector<1000x16xf32>, vector<1000x16xf32>, vector<1000x16xf32>, vector<1000x16xf32>, vector<1000x16xf32>, vector<1000x16xf32>, vector<1000x16xf32>, vector<1000x16xf32>, vector<1000x16xf32>, vector<1000x16xf32>, vector<1000x16xf32>, vector<1000x16xf32>, vector<1000x16xf32>, vector<1000x16xf32>, vector<1000x16xf32>, vector<1000x16xf32>, vector<1000x16xf32>, vector<1000x16xf32>, vector<1000x16xf32>, vector<1000x16xf32> -> vector<1000x512xf32>
    %mul3A_212 = arith.mulf %dot_general3A_210, %tile3A_211 : vector<1000x512xf32>
    %slice3A_213 = vector.extract_strided_slice %mul3A {offsets = [0, 192], sizes = [1000, 32], strides = [1, 1]} : vector<1000x512xf32> to vector<1000x32xf32>
    %slice3A_214 = vector.extract_strided_slice %get3A_174 {offsets = [0, 96], sizes = [1000, 16], strides = [1, 1]} : vector<1000x256xf32> to vector<1000x16xf32>
    %dot_general3A_215 = arith.constant dense<0.000000e+00> : vector<1000x512xf32>
    %dot_general3A_216 = tpu.matmul %slice3A_213, %convert_element_type3A_166, %dot_general3A_215 {dimension_numbers = #tpu.dot_dimension_numbers<[1], [0], [0], [1], [0, 0, 1, 1], [], []>, transpose_lhs_hint = false} : vector<1000x32xf32>, vector<32x512xf32>, vector<1000x512xf32> -> vector<1000x512xf32>
    %tile3A_217 = tpu.concatenate %slice3A_214, %slice3A_214, %slice3A_214, %slice3A_214, %slice3A_214, %slice3A_214, %slice3A_214, %slice3A_214, %slice3A_214, %slice3A_214, %slice3A_214, %slice3A_214, %slice3A_214, %slice3A_214, %slice3A_214, %slice3A_214, %slice3A_214, %slice3A_214, %slice3A_214, %slice3A_214, %slice3A_214, %slice3A_214, %slice3A_214, %slice3A_214, %slice3A_214, %slice3A_214, %slice3A_214, %slice3A_214, %slice3A_214, %slice3A_214, %slice3A_214, %slice3A_214 in 1 : vector<1000x16xf32>, vector<1000x16xf32>, vector<1000x16xf32>, vector<1000x16xf32>, vector<1000x16xf32>, vector<1000x16xf32>, vector<1000x16xf32>, vector<1000x16xf32>, vector<1000x16xf32>, vector<1000x16xf32>, vector<1000x16xf32>, vector<1000x16xf32>, vector<1000x16xf32>, vector<1000x16xf32>, vector<1000x16xf32>, vector<1000x16xf32>, vector<1000x16xf32>, vector<1000x16xf32>, vector<1000x16xf32>, vector<1000x16xf32>, vector<1000x16xf32>, vector<1000x16xf32>, vector<1000x16xf32>, vector<1000x16xf32>, vector<1000x16xf32>, vector<1000x16xf32>, vector<1000x16xf32>, vector<1000x16xf32>, vector<1000x16xf32>, vector<1000x16xf32>, vector<1000x16xf32>, vector<1000x16xf32> -> vector<1000x512xf32>
    %mul3A_218 = arith.mulf %dot_general3A_216, %tile3A_217 : vector<1000x512xf32>
    %slice3A_219 = vector.extract_strided_slice %mul3A {offsets = [0, 224], sizes = [1000, 32], strides = [1, 1]} : vector<1000x512xf32> to vector<1000x32xf32>
    %slice3A_220 = vector.extract_strided_slice %get3A_174 {offsets = [0, 112], sizes = [1000, 16], strides = [1, 1]} : vector<1000x256xf32> to vector<1000x16xf32>
    %dot_general3A_221 = arith.constant dense<0.000000e+00> : vector<1000x512xf32>
    %dot_general3A_222 = tpu.matmul %slice3A_219, %convert_element_type3A_166, %dot_general3A_221 {dimension_numbers = #tpu.dot_dimension_numbers<[1], [0], [0], [1], [0, 0, 1, 1], [], []>, transpose_lhs_hint = false} : vector<1000x32xf32>, vector<32x512xf32>, vector<1000x512xf32> -> vector<1000x512xf32>
    %tile3A_223 = tpu.concatenate %slice3A_220, %slice3A_220, %slice3A_220, %slice3A_220, %slice3A_220, %slice3A_220, %slice3A_220, %slice3A_220, %slice3A_220, %slice3A_220, %slice3A_220, %slice3A_220, %slice3A_220, %slice3A_220, %slice3A_220, %slice3A_220, %slice3A_220, %slice3A_220, %slice3A_220, %slice3A_220, %slice3A_220, %slice3A_220, %slice3A_220, %slice3A_220, %slice3A_220, %slice3A_220, %slice3A_220, %slice3A_220, %slice3A_220, %slice3A_220, %slice3A_220, %slice3A_220 in 1 : vector<1000x16xf32>, vector<1000x16xf32>, vector<1000x16xf32>, vector<1000x16xf32>, vector<1000x16xf32>, vector<1000x16xf32>, vector<1000x16xf32>, vector<1000x16xf32>, vector<1000x16xf32>, vector<1000x16xf32>, vector<1000x16xf32>, vector<1000x16xf32>, vector<1000x16xf32>, vector<1000x16xf32>, vector<1000x16xf32>, vector<1000x16xf32>, vector<1000x16xf32>, vector<1000x16xf32>, vector<1000x16xf32>, vector<1000x16xf32>, vector<1000x16xf32>, vector<1000x16xf32>, vector<1000x16xf32>, vector<1000x16xf32>, vector<1000x16xf32>, vector<1000x16xf32>, vector<1000x16xf32>, vector<1000x16xf32>, vector<1000x16xf32>, vector<1000x16xf32>, vector<1000x16xf32>, vector<1000x16xf32> -> vector<1000x512xf32>
    %mul3A_224 = arith.mulf %dot_general3A_222, %tile3A_223 : vector<1000x512xf32>
    %add3A_225 = arith.addf %mul3A_206, %mul3A_212 : vector<1000x512xf32>
    %add3A_226 = arith.addf %mul3A_218, %mul3A_224 : vector<1000x512xf32>
    %add3A_227 = arith.addf %add3A_225, %add3A_226 : vector<1000x512xf32>
    %add3A_228 = arith.addf %add3A_200, %add3A_227 : vector<1000x512xf32>
    %slice3A_229 = vector.extract_strided_slice %mul3A {offsets = [0, 256], sizes = [1000, 32], strides = [1, 1]} : vector<1000x512xf32> to vector<1000x32xf32>
    %slice3A_230 = vector.extract_strided_slice %get3A_174 {offsets = [0, 128], sizes = [1000, 16], strides = [1, 1]} : vector<1000x256xf32> to vector<1000x16xf32>
    %dot_general3A_231 = arith.constant dense<0.000000e+00> : vector<1000x512xf32>
    %dot_general3A_232 = tpu.matmul %slice3A_229, %convert_element_type3A_166, %dot_general3A_231 {dimension_numbers = #tpu.dot_dimension_numbers<[1], [0], [0], [1], [0, 0, 1, 1], [], []>, transpose_lhs_hint = false} : vector<1000x32xf32>, vector<32x512xf32>, vector<1000x512xf32> -> vector<1000x512xf32>
    %tile3A_233 = tpu.concatenate %slice3A_230, %slice3A_230, %slice3A_230, %slice3A_230, %slice3A_230, %slice3A_230, %slice3A_230, %slice3A_230, %slice3A_230, %slice3A_230, %slice3A_230, %slice3A_230, %slice3A_230, %slice3A_230, %slice3A_230, %slice3A_230, %slice3A_230, %slice3A_230, %slice3A_230, %slice3A_230, %slice3A_230, %slice3A_230, %slice3A_230, %slice3A_230, %slice3A_230, %slice3A_230, %slice3A_230, %slice3A_230, %slice3A_230, %slice3A_230, %slice3A_230, %slice3A_230 in 1 : vector<1000x16xf32>, vector<1000x16xf32>, vector<1000x16xf32>, vector<1000x16xf32>, vector<1000x16xf32>, vector<1000x16xf32>, vector<1000x16xf32>, vector<1000x16xf32>, vector<1000x16xf32>, vector<1000x16xf32>, vector<1000x16xf32>, vector<1000x16xf32>, vector<1000x16xf32>, vector<1000x16xf32>, vector<1000x16xf32>, vector<1000x16xf32>, vector<1000x16xf32>, vector<1000x16xf32>, vector<1000x16xf32>, vector<1000x16xf32>, vector<1000x16xf32>, vector<1000x16xf32>, vector<1000x16xf32>, vector<1000x16xf32>, vector<1000x16xf32>, vector<1000x16xf32>, vector<1000x16xf32>, vector<1000x16xf32>, vector<1000x16xf32>, vector<1000x16xf32>, vector<1000x16xf32>, vector<1000x16xf32> -> vector<1000x512xf32>
    %mul3A_234 = arith.mulf %dot_general3A_232, %tile3A_233 : vector<1000x512xf32>
    %slice3A_235 = vector.extract_strided_slice %mul3A {offsets = [0, 288], sizes = [1000, 32], strides = [1, 1]} : vector<1000x512xf32> to vector<1000x32xf32>
    %slice3A_236 = vector.extract_strided_slice %get3A_174 {offsets = [0, 144], sizes = [1000, 16], strides = [1, 1]} : vector<1000x256xf32> to vector<1000x16xf32>
    %dot_general3A_237 = arith.constant dense<0.000000e+00> : vector<1000x512xf32>
    %dot_general3A_238 = tpu.matmul %slice3A_235, %convert_element_type3A_166, %dot_general3A_237 {dimension_numbers = #tpu.dot_dimension_numbers<[1], [0], [0], [1], [0, 0, 1, 1], [], []>, transpose_lhs_hint = false} : vector<1000x32xf32>, vector<32x512xf32>, vector<1000x512xf32> -> vector<1000x512xf32>
    %tile3A_239 = tpu.concatenate %slice3A_236, %slice3A_236, %slice3A_236, %slice3A_236, %slice3A_236, %slice3A_236, %slice3A_236, %slice3A_236, %slice3A_236, %slice3A_236, %slice3A_236, %slice3A_236, %slice3A_236, %slice3A_236, %slice3A_236, %slice3A_236, %slice3A_236, %slice3A_236, %slice3A_236, %slice3A_236, %slice3A_236, %slice3A_236, %slice3A_236, %slice3A_236, %slice3A_236, %slice3A_236, %slice3A_236, %slice3A_236, %slice3A_236, %slice3A_236, %slice3A_236, %slice3A_236 in 1 : vector<1000x16xf32>, vector<1000x16xf32>, vector<1000x16xf32>, vector<1000x16xf32>, vector<1000x16xf32>, vector<1000x16xf32>, vector<1000x16xf32>, vector<1000x16xf32>, vector<1000x16xf32>, vector<1000x16xf32>, vector<1000x16xf32>, vector<1000x16xf32>, vector<1000x16xf32>, vector<1000x16xf32>, vector<1000x16xf32>, vector<1000x16xf32>, vector<1000x16xf32>, vector<1000x16xf32>, vector<1000x16xf32>, vector<1000x16xf32>, vector<1000x16xf32>, vector<1000x16xf32>, vector<1000x16xf32>, vector<1000x16xf32>, vector<1000x16xf32>, vector<1000x16xf32>, vector<1000x16xf32>, vector<1000x16xf32>, vector<1000x16xf32>, vector<1000x16xf32>, vector<1000x16xf32>, vector<1000x16xf32> -> vector<1000x512xf32>
    %mul3A_240 = arith.mulf %dot_general3A_238, %tile3A_239 : vector<1000x512xf32>
    %slice3A_241 = vector.extract_strided_slice %mul3A {offsets = [0, 320], sizes = [1000, 32], strides = [1, 1]} : vector<1000x512xf32> to vector<1000x32xf32>
    %slice3A_242 = vector.extract_strided_slice %get3A_174 {offsets = [0, 160], sizes = [1000, 16], strides = [1, 1]} : vector<1000x256xf32> to vector<1000x16xf32>
    %dot_general3A_243 = arith.constant dense<0.000000e+00> : vector<1000x512xf32>
    %dot_general3A_244 = tpu.matmul %slice3A_241, %convert_element_type3A_166, %dot_general3A_243 {dimension_numbers = #tpu.dot_dimension_numbers<[1], [0], [0], [1], [0, 0, 1, 1], [], []>, transpose_lhs_hint = false} : vector<1000x32xf32>, vector<32x512xf32>, vector<1000x512xf32> -> vector<1000x512xf32>
    %tile3A_245 = tpu.concatenate %slice3A_242, %slice3A_242, %slice3A_242, %slice3A_242, %slice3A_242, %slice3A_242, %slice3A_242, %slice3A_242, %slice3A_242, %slice3A_242, %slice3A_242, %slice3A_242, %slice3A_242, %slice3A_242, %slice3A_242, %slice3A_242, %slice3A_242, %slice3A_242, %slice3A_242, %slice3A_242, %slice3A_242, %slice3A_242, %slice3A_242, %slice3A_242, %slice3A_242, %slice3A_242, %slice3A_242, %slice3A_242, %slice3A_242, %slice3A_242, %slice3A_242, %slice3A_242 in 1 : vector<1000x16xf32>, vector<1000x16xf32>, vector<1000x16xf32>, vector<1000x16xf32>, vector<1000x16xf32>, vector<1000x16xf32>, vector<1000x16xf32>, vector<1000x16xf32>, vector<1000x16xf32>, vector<1000x16xf32>, vector<1000x16xf32>, vector<1000x16xf32>, vector<1000x16xf32>, vector<1000x16xf32>, vector<1000x16xf32>, vector<1000x16xf32>, vector<1000x16xf32>, vector<1000x16xf32>, vector<1000x16xf32>, vector<1000x16xf32>, vector<1000x16xf32>, vector<1000x16xf32>, vector<1000x16xf32>, vector<1000x16xf32>, vector<1000x16xf32>, vector<1000x16xf32>, vector<1000x16xf32>, vector<1000x16xf32>, vector<1000x16xf32>, vector<1000x16xf32>, vector<1000x16xf32>, vector<1000x16xf32> -> vector<1000x512xf32>
    %mul3A_246 = arith.mulf %dot_general3A_244, %tile3A_245 : vector<1000x512xf32>
    %slice3A_247 = vector.extract_strided_slice %mul3A {offsets = [0, 352], sizes = [1000, 32], strides = [1, 1]} : vector<1000x512xf32> to vector<1000x32xf32>
    %slice3A_248 = vector.extract_strided_slice %get3A_174 {offsets = [0, 176], sizes = [1000, 16], strides = [1, 1]} : vector<1000x256xf32> to vector<1000x16xf32>
    %dot_general3A_249 = arith.constant dense<0.000000e+00> : vector<1000x512xf32>
    %dot_general3A_250 = tpu.matmul %slice3A_247, %convert_element_type3A_166, %dot_general3A_249 {dimension_numbers = #tpu.dot_dimension_numbers<[1], [0], [0], [1], [0, 0, 1, 1], [], []>, transpose_lhs_hint = false} : vector<1000x32xf32>, vector<32x512xf32>, vector<1000x512xf32> -> vector<1000x512xf32>
    %tile3A_251 = tpu.concatenate %slice3A_248, %slice3A_248, %slice3A_248, %slice3A_248, %slice3A_248, %slice3A_248, %slice3A_248, %slice3A_248, %slice3A_248, %slice3A_248, %slice3A_248, %slice3A_248, %slice3A_248, %slice3A_248, %slice3A_248, %slice3A_248, %slice3A_248, %slice3A_248, %slice3A_248, %slice3A_248, %slice3A_248, %slice3A_248, %slice3A_248, %slice3A_248, %slice3A_248, %slice3A_248, %slice3A_248, %slice3A_248, %slice3A_248, %slice3A_248, %slice3A_248, %slice3A_248 in 1 : vector<1000x16xf32>, vector<1000x16xf32>, vector<1000x16xf32>, vector<1000x16xf32>, vector<1000x16xf32>, vector<1000x16xf32>, vector<1000x16xf32>, vector<1000x16xf32>, vector<1000x16xf32>, vector<1000x16xf32>, vector<1000x16xf32>, vector<1000x16xf32>, vector<1000x16xf32>, vector<1000x16xf32>, vector<1000x16xf32>, vector<1000x16xf32>, vector<1000x16xf32>, vector<1000x16xf32>, vector<1000x16xf32>, vector<1000x16xf32>, vector<1000x16xf32>, vector<1000x16xf32>, vector<1000x16xf32>, vector<1000x16xf32>, vector<1000x16xf32>, vector<1000x16xf32>, vector<1000x16xf32>, vector<1000x16xf32>, vector<1000x16xf32>, vector<1000x16xf32>, vector<1000x16xf32>, vector<1000x16xf32> -> vector<1000x512xf32>
    %mul3A_252 = arith.mulf %dot_general3A_250, %tile3A_251 : vector<1000x512xf32>
    %add3A_253 = arith.addf %mul3A_234, %mul3A_240 : vector<1000x512xf32>
    %add3A_254 = arith.addf %mul3A_246, %mul3A_252 : vector<1000x512xf32>
    %add3A_255 = arith.addf %add3A_253, %add3A_254 : vector<1000x512xf32>
    %add3A_256 = arith.addf %add3A_228, %add3A_255 : vector<1000x512xf32>
    %slice3A_257 = vector.extract_strided_slice %mul3A {offsets = [0, 384], sizes = [1000, 32], strides = [1, 1]} : vector<1000x512xf32> to vector<1000x32xf32>
    %slice3A_258 = vector.extract_strided_slice %get3A_174 {offsets = [0, 192], sizes = [1000, 16], strides = [1, 1]} : vector<1000x256xf32> to vector<1000x16xf32>
    %dot_general3A_259 = arith.constant dense<0.000000e+00> : vector<1000x512xf32>
    %dot_general3A_260 = tpu.matmul %slice3A_257, %convert_element_type3A_166, %dot_general3A_259 {dimension_numbers = #tpu.dot_dimension_numbers<[1], [0], [0], [1], [0, 0, 1, 1], [], []>, transpose_lhs_hint = false} : vector<1000x32xf32>, vector<32x512xf32>, vector<1000x512xf32> -> vector<1000x512xf32>
    %tile3A_261 = tpu.concatenate %slice3A_258, %slice3A_258, %slice3A_258, %slice3A_258, %slice3A_258, %slice3A_258, %slice3A_258, %slice3A_258, %slice3A_258, %slice3A_258, %slice3A_258, %slice3A_258, %slice3A_258, %slice3A_258, %slice3A_258, %slice3A_258, %slice3A_258, %slice3A_258, %slice3A_258, %slice3A_258, %slice3A_258, %slice3A_258, %slice3A_258, %slice3A_258, %slice3A_258, %slice3A_258, %slice3A_258, %slice3A_258, %slice3A_258, %slice3A_258, %slice3A_258, %slice3A_258 in 1 : vector<1000x16xf32>, vector<1000x16xf32>, vector<1000x16xf32>, vector<1000x16xf32>, vector<1000x16xf32>, vector<1000x16xf32>, vector<1000x16xf32>, vector<1000x16xf32>, vector<1000x16xf32>, vector<1000x16xf32>, vector<1000x16xf32>, vector<1000x16xf32>, vector<1000x16xf32>, vector<1000x16xf32>, vector<1000x16xf32>, vector<1000x16xf32>, vector<1000x16xf32>, vector<1000x16xf32>, vector<1000x16xf32>, vector<1000x16xf32>, vector<1000x16xf32>, vector<1000x16xf32>, vector<1000x16xf32>, vector<1000x16xf32>, vector<1000x16xf32>, vector<1000x16xf32>, vector<1000x16xf32>, vector<1000x16xf32>, vector<1000x16xf32>, vector<1000x16xf32>, vector<1000x16xf32>, vector<1000x16xf32> -> vector<1000x512xf32>
    %mul3A_262 = arith.mulf %dot_general3A_260, %tile3A_261 : vector<1000x512xf32>
    %slice3A_263 = vector.extract_strided_slice %mul3A {offsets = [0, 416], sizes = [1000, 32], strides = [1, 1]} : vector<1000x512xf32> to vector<1000x32xf32>
    %slice3A_264 = vector.extract_strided_slice %get3A_174 {offsets = [0, 208], sizes = [1000, 16], strides = [1, 1]} : vector<1000x256xf32> to vector<1000x16xf32>
    %dot_general3A_265 = arith.constant dense<0.000000e+00> : vector<1000x512xf32>
    %dot_general3A_266 = tpu.matmul %slice3A_263, %convert_element_type3A_166, %dot_general3A_265 {dimension_numbers = #tpu.dot_dimension_numbers<[1], [0], [0], [1], [0, 0, 1, 1], [], []>, transpose_lhs_hint = false} : vector<1000x32xf32>, vector<32x512xf32>, vector<1000x512xf32> -> vector<1000x512xf32>
    %tile3A_267 = tpu.concatenate %slice3A_264, %slice3A_264, %slice3A_264, %slice3A_264, %slice3A_264, %slice3A_264, %slice3A_264, %slice3A_264, %slice3A_264, %slice3A_264, %slice3A_264, %slice3A_264, %slice3A_264, %slice3A_264, %slice3A_264, %slice3A_264, %slice3A_264, %slice3A_264, %slice3A_264, %slice3A_264, %slice3A_264, %slice3A_264, %slice3A_264, %slice3A_264, %slice3A_264, %slice3A_264, %slice3A_264, %slice3A_264, %slice3A_264, %slice3A_264, %slice3A_264, %slice3A_264 in 1 : vector<1000x16xf32>, vector<1000x16xf32>, vector<1000x16xf32>, vector<1000x16xf32>, vector<1000x16xf32>, vector<1000x16xf32>, vector<1000x16xf32>, vector<1000x16xf32>, vector<1000x16xf32>, vector<1000x16xf32>, vector<1000x16xf32>, vector<1000x16xf32>, vector<1000x16xf32>, vector<1000x16xf32>, vector<1000x16xf32>, vector<1000x16xf32>, vector<1000x16xf32>, vector<1000x16xf32>, vector<1000x16xf32>, vector<1000x16xf32>, vector<1000x16xf32>, vector<1000x16xf32>, vector<1000x16xf32>, vector<1000x16xf32>, vector<1000x16xf32>, vector<1000x16xf32>, vector<1000x16xf32>, vector<1000x16xf32>, vector<1000x16xf32>, vector<1000x16xf32>, vector<1000x16xf32>, vector<1000x16xf32> -> vector<1000x512xf32>
    %mul3A_268 = arith.mulf %dot_general3A_266, %tile3A_267 : vector<1000x512xf32>
    %slice3A_269 = vector.extract_strided_slice %mul3A {offsets = [0, 448], sizes = [1000, 32], strides = [1, 1]} : vector<1000x512xf32> to vector<1000x32xf32>
    %slice3A_270 = vector.extract_strided_slice %get3A_174 {offsets = [0, 224], sizes = [1000, 16], strides = [1, 1]} : vector<1000x256xf32> to vector<1000x16xf32>
    %dot_general3A_271 = arith.constant dense<0.000000e+00> : vector<1000x512xf32>
    %dot_general3A_272 = tpu.matmul %slice3A_269, %convert_element_type3A_166, %dot_general3A_271 {dimension_numbers = #tpu.dot_dimension_numbers<[1], [0], [0], [1], [0, 0, 1, 1], [], []>, transpose_lhs_hint = false} : vector<1000x32xf32>, vector<32x512xf32>, vector<1000x512xf32> -> vector<1000x512xf32>
    %tile3A_273 = tpu.concatenate %slice3A_270, %slice3A_270, %slice3A_270, %slice3A_270, %slice3A_270, %slice3A_270, %slice3A_270, %slice3A_270, %slice3A_270, %slice3A_270, %slice3A_270, %slice3A_270, %slice3A_270, %slice3A_270, %slice3A_270, %slice3A_270, %slice3A_270, %slice3A_270, %slice3A_270, %slice3A_270, %slice3A_270, %slice3A_270, %slice3A_270, %slice3A_270, %slice3A_270, %slice3A_270, %slice3A_270, %slice3A_270, %slice3A_270, %slice3A_270, %slice3A_270, %slice3A_270 in 1 : vector<1000x16xf32>, vector<1000x16xf32>, vector<1000x16xf32>, vector<1000x16xf32>, vector<1000x16xf32>, vector<1000x16xf32>, vector<1000x16xf32>, vector<1000x16xf32>, vector<1000x16xf32>, vector<1000x16xf32>, vector<1000x16xf32>, vector<1000x16xf32>, vector<1000x16xf32>, vector<1000x16xf32>, vector<1000x16xf32>, vector<1000x16xf32>, vector<1000x16xf32>, vector<1000x16xf32>, vector<1000x16xf32>, vector<1000x16xf32>, vector<1000x16xf32>, vector<1000x16xf32>, vector<1000x16xf32>, vector<1000x16xf32>, vector<1000x16xf32>, vector<1000x16xf32>, vector<1000x16xf32>, vector<1000x16xf32>, vector<1000x16xf32>, vector<1000x16xf32>, vector<1000x16xf32>, vector<1000x16xf32> -> vector<1000x512xf32>
    %mul3A_274 = arith.mulf %dot_general3A_272, %tile3A_273 : vector<1000x512xf32>
    %slice3A_275 = vector.extract_strided_slice %mul3A {offsets = [0, 480], sizes = [1000, 32], strides = [1, 1]} : vector<1000x512xf32> to vector<1000x32xf32>
    %slice3A_276 = vector.extract_strided_slice %get3A_174 {offsets = [0, 240], sizes = [1000, 16], strides = [1, 1]} : vector<1000x256xf32> to vector<1000x16xf32>
    %dot_general3A_277 = arith.constant dense<0.000000e+00> : vector<1000x512xf32>
    %dot_general3A_278 = tpu.matmul %slice3A_275, %convert_element_type3A_166, %dot_general3A_277 {dimension_numbers = #tpu.dot_dimension_numbers<[1], [0], [0], [1], [0, 0, 1, 1], [], []>, transpose_lhs_hint = false} : vector<1000x32xf32>, vector<32x512xf32>, vector<1000x512xf32> -> vector<1000x512xf32>
    %tile3A_279 = tpu.concatenate %slice3A_276, %slice3A_276, %slice3A_276, %slice3A_276, %slice3A_276, %slice3A_276, %slice3A_276, %slice3A_276, %slice3A_276, %slice3A_276, %slice3A_276, %slice3A_276, %slice3A_276, %slice3A_276, %slice3A_276, %slice3A_276, %slice3A_276, %slice3A_276, %slice3A_276, %slice3A_276, %slice3A_276, %slice3A_276, %slice3A_276, %slice3A_276, %slice3A_276, %slice3A_276, %slice3A_276, %slice3A_276, %slice3A_276, %slice3A_276, %slice3A_276, %slice3A_276 in 1 : vector<1000x16xf32>, vector<1000x16xf32>, vector<1000x16xf32>, vector<1000x16xf32>, vector<1000x16xf32>, vector<1000x16xf32>, vector<1000x16xf32>, vector<1000x16xf32>, vector<1000x16xf32>, vector<1000x16xf32>, vector<1000x16xf32>, vector<1000x16xf32>, vector<1000x16xf32>, vector<1000x16xf32>, vector<1000x16xf32>, vector<1000x16xf32>, vector<1000x16xf32>, vector<1000x16xf32>, vector<1000x16xf32>, vector<1000x16xf32>, vector<1000x16xf32>, vector<1000x16xf32>, vector<1000x16xf32>, vector<1000x16xf32>, vector<1000x16xf32>, vector<1000x16xf32>, vector<1000x16xf32>, vector<1000x16xf32>, vector<1000x16xf32>, vector<1000x16xf32>, vector<1000x16xf32>, vector<1000x16xf32> -> vector<1000x512xf32>
    %mul3A_280 = arith.mulf %dot_general3A_278, %tile3A_279 : vector<1000x512xf32>
    %add3A_281 = arith.addf %mul3A_262, %mul3A_268 : vector<1000x512xf32>
    %add3A_282 = arith.addf %mul3A_274, %mul3A_280 : vector<1000x512xf32>
    %add3A_283 = arith.addf %add3A_281, %add3A_282 : vector<1000x512xf32>
    %add3A_284 = arith.addf %add3A_256, %add3A_283 : vector<1000x512xf32>
    %swap3A = arith.constant 0 : index
    %swap3A_285 = arith.constant 0 : index
    %swap3A_286 = vector.load %arg4[%swap3A, %swap3A_285] : memref<1000x512xf32, #tpu.memory_space<vmem>>, vector<1000x512xf32>
    tpu.vector_store %arg4[%swap3A, %swap3A_285], %add3A_284 {strides = array<i32>} : memref<1000x512xf32, #tpu.memory_space<vmem>>, vector<1000x512xf32>,
    return
  }
  func.func @transform_0(%arg0: i32) -> (i32, i32) {
    %c0_i32 = arith.constant 0 : i32
    %c0_i32_0 = arith.constant 0 : i32
    return %arg0, %c0_i32 : i32, i32
  }
  func.func @transform_1(%arg0: i32) -> (i32, i32) {
    %c0_i32 = arith.constant 0 : i32
    %c0_i32_0 = arith.constant 0 : i32
    return %arg0, %c0_i32 : i32, i32
  }
  func.func @transform_2(%arg0: i32) -> (i32, i32) {
    %c0_i32 = arith.constant 0 : i32
    %c0_i32_0 = arith.constant 0 : i32
    return %arg0, %c0_i32 : i32, i32
  }
  func.func @transform_3(%arg0: i32) -> (i32, i32) {
    %c0_i32 = arith.constant 0 : i32
    %c0_i32_0 = arith.constant 0 : i32
    return %arg0, %c0_i32 : i32, i32
  }
}

</mosaic_0001>

<sc_bundles>
// kernel: kernel.4.cloned.1.call-start
scs
__scs_entry_jumppad:
0x0: {  	(pc) =	sbr.rel $0x88, $3  }
0x1: {  	(tag) =	ssettag $0x0;
	lr =	simm.s32 $0x1  }
0x2: {  	[smem:$0x3F9D] =	sst lr;
	_ =	strace $0xD0000000  }
0x3: {  	_ = 	snop  }
0x4: {  	_ = 	snop  }
0x5: {  	_ = 	snop  }
0x6: {  	_ = 	snop  }
0x7: {  	_ = 	snop  }
__scs_overlays_trampoline_lowered:
0x8: {  	[smem:$0x3FAC] =	sst s0  }
0x9: {  	[smem:$0x3FAD] =	sst s1  }
0xa: {  	[smem:$0x3FAE] =	sst s2  }
0xb: {  	[smem:$0x3FAF] =	sst s3  }
0xc: {  	[smem:$0x3FB0] =	sst s4  }
0xd: {  	[smem:$0x3FB1] =	sst s5  }
0xe: {  	[smem:$0x3FB2] =	sst s6  }
0xf: {  	[smem:$0x3FB3] =	sst s7  }
0x10: {  	[smem:$0x3FB4] =	sst s8  }
0x11: {  	[smem:$0x3FB5] =	sst s9;
	s0 =	simm.s32 @!p0 $0x0  }
0x12: {  	s1 =	sld [smem:$0x3F9B];
	s0 =	simm.s32 @p0 $0x1  }
0x13: {  	[smem:$0x3FB6] =	sst s0;
	s0 =	simm.s32 @!p1 $0x0  }
0x14: {  	s2 =	sld [smem:$0x3F9A];
	s0 =	simm.s32 @p1 $0x1  }
0x15: {  	[smem:$0x3FB7] =	sst s0;
	s0 =	simm.s32 @!p2 $0x0  }
0x16: {  	s3 =	sld [smem:$0x3FDB];
	s0 =	simm.s32 @p2 $0x1  }
0x17: {  	s4 =	simm.s32 $0x1BF5;
	[smem:$0x3FB9] =	sst s0  }
0x18: {  	s0 =	sld [smem:$0x3F9C];
	_ =	swait.ge [sflag:s4], $0x0  }
0x19: {  	s7 =	sld [smem:$0x3F9D]  }
0x1a: {  	s8 =	sadd.s32 $0xFFFFE003, lr  }
0x1b: {  	s9 =	sadd.s32 $0xFFFFFEF7, lr;
	s5 =	simm.s32 $0xFFFFFFFF;
	p2 =	slt.u32 s8, $0xFFFFF086  }
0x1c: {  	p1 =	slt.u32 s9, $0xF7A;
	s5 =	simm.s32 @!p2 $0x0  }
0x1d: {  	s5 =	simm.s32 @p1 $0x1;
	p0 =	seq.s32 s7, s2  }
0x1e: {  	s7 =	smul.u32 @!p0 $0xF7A, s2;
	p2 =	seq.s32 @!p0 s5, $0x0  }
0x1f: {  	s9 =	smul.u32 $0xF7A, s1;
	s8 =	simm.s32 @!p0 $0x1BF5;
	p2 =	por !p2, p0  }
0x20: {  	[sflag:s8] =	ssyncset.s32 @!p0 $0xFFFFF086;
	s6 =	sadd.s32 @!p0 s3, s7;
	s7 =	simm.s32 @!p0 $0x108  }
0x21: {  	s3 =	sadd.s32 s3, s9;
	s6 =	sadd.s32 @!p0 $0x88, s6;
	s7 =	simm.s32 @p2 $0x1082  }
0x22: {  	[simem:s7], [sflag:s8] =	dma.local @!p0 [hbm:s6], $0xF7A  }
0x23: {  	s9 =	sor.u32 $0xD0000000, s2;
	s6 =	simm.s32 $0x108;
	_ =	swait.ge @!p0 [sflag:s8], $0x0  }
0x24: {  	s3 =	sadd.s32 $0x88, s3;
	s6 =	simm.s32 @!p1 $0x1082;
	[sflag:s4] =	ssyncset.s32 $0xFFFFF086  }
0x25: {  	[simem:s6], [sflag:s4] =	dma.local [hbm:s3], $0xF7A  }
0x26: {  	[smem:$0x3F9D] =	sst s1;
	(tag) =	ssettag s2;
	_ =	strace s9  }
0x27: {  	s1 =	sld [smem:$0x3FAD]  }
0x28: {  	s2 =	sld [smem:$0x3FAE]  }
0x29: {  	s4 =	sld [smem:$0x3FB0]  }
0x2a: {  	p0 =	seq.s32 s5, $0x0;
	s5 =	sld [smem:$0x3FB1]  }
0x2b: {  	s6 =	sld [smem:$0x3FB2]  }
0x2c: {  	s7 =	sld [smem:$0x3FB3]  }
0x2d: {  	s3 =	simm.s32 $0x108;
	s8 =	sld [smem:$0x3FB4]  }
0x2e: {  	s3 =	simm.s32 @!p0 $0x1082;
	s9 =	sld [smem:$0x3FB5]  }
0x2f: {  	lr =	sadd.s32 s0, s3;
	s0 =	sld [smem:$0x3FAC]  }
0x30: {  	s3 =	sld [smem:$0x3FAF]  }
0x31: {  	[smem:$0x3FB8] =	sst s10  }
0x32: {  	s10 =	sld [smem:$0x3FB6];
	_ =	sdelay $0x3  }
0x33: {  	p0 =	seq.s32 s10, $0x1;
	s10 =	sld [smem:$0x3FB8];
	_ =	sdelay $0x3  }
0x34: {  	[smem:$0x3FB8] =	sst s10  }
0x35: {  	s10 =	sld [smem:$0x3FB7];
	_ =	sdelay $0x3  }
0x36: {  	p1 =	seq.s32 s10, $0x1;
	s10 =	sld [smem:$0x3FB8];
	_ =	sdelay $0x3  }
0x37: {  	[smem:$0x3FB8] =	sst s10  }
0x38: {  	s10 =	sld [smem:$0x3FB9]  }
0x39: {  	_ = 	snop;
	(pc) =	sbr.ind lr, $3  }
0x3a: {  	_ = 	snop  }
0x3b: {  	_ = 	snop  }
0x3c: {  	p2 =	seq.s32 s10, $0x1;
	s10 =	sld [smem:$0x3FB8]  }
0x3d: {  	_ =	shalt  }
0x3e: {  	_ =	shalt  }
0x3f: {  	_ =	shalt  }
0x40: {  	_ =	shalt  }
0x41: {  	_ =	shalt  }
0x42: {  	_ =	shalt  }
0x43: {  	_ =	shalt  }
0x44: {  	_ =	shalt  }
0x45: {  	_ =	shalt  }
0x46: {  	_ =	shalt  }
0x47: {  	_ =	shalt  }
0x48: {  	_ =	shalt  }
0x49: {  	_ =	shalt  }
0x4a: {  	_ =	shalt  }
0x4b: {  	_ =	shalt  }
0x4c: {  	_ =	shalt  }
0x4d: {  	_ =	shalt  }
0x4e: {  	_ =	shalt  }
0x4f: {  	_ =	shalt  }
0x50: {  	_ =	shalt  }
0x51: {  	_ =	shalt  }
0x52: {  	_ =	shalt  }
0x53: {  	_ =	shalt  }
0x54: {  	_ =	shalt  }
0x55: {  	_ =	shalt  }
0x56: {  	_ =	shalt  }
0x57: {  	_ =	shalt  }
0x58: {  	_ =	shalt  }
0x59: {  	_ =	shalt  }
0x5a: {  	_ =	shalt  }
0x5b: {  	_ =	shalt  }
0x5c: {  	_ =	shalt  }
0x5d: {  	_ =	shalt  }
0x5e: {  	_ =	shalt  }
0x5f: {  	_ =	shalt  }
0x60: {  	_ =	shalt  }
0x61: {  	_ =	shalt  }
0x62: {  	_ =	shalt  }
0x63: {  	_ =	shalt  }
0x64: {  	_ =	shalt  }
0x65: {  	_ =	shalt  }
0x66: {  	_ =	shalt  }
0x67: {  	_ =	shalt  }
0x68: {  	_ =	shalt  }
0x69: {  	_ =	shalt  }
0x6a: {  	_ =	shalt  }
0x6b: {  	_ =	shalt  }
0x6c: {  	_ =	shalt  }
0x6d: {  	_ =	shalt  }
0x6e: {  	_ =	shalt  }
0x6f: {  	_ =	shalt  }
0x70: {  	_ =	shalt  }
0x71: {  	_ =	shalt  }
0x72: {  	_ =	shalt  }
0x73: {  	_ =	shalt  }
0x74: {  	_ =	shalt  }
0x75: {  	_ =	shalt  }
0x76: {  	_ =	shalt  }
0x77: {  	_ =	shalt  }
0x78: {  	_ =	shalt  }
0x79: {  	_ =	shalt  }
0x7a: {  	_ =	shalt  }
0x7b: {  	_ =	shalt  }
0x7c: {  	_ =	shalt  }
0x7d: {  	_ =	shalt  }
0x7e: {  	_ =	shalt  }
0x7f: {  	_ =	shalt  }
0x80: {  	_ =	shalt  }
0x81: {  	_ =	shalt  }
0x82: {  	_ =	shalt  }
0x83: {  	_ =	shalt  }
0x84: {  	_ =	shalt  }
0x85: {  	_ =	shalt  }
0x86: {  	_ =	shalt  }
0x87: {  	_ =	shalt  }
.Lfunc_end0:
.L_simem_size_0:
called_computation_lowered:
.L_overlay_start_0:
0x88: {  	s2 =	sld [smem:$0x3FD9]  }
0x89: {  	s3 =	sld [smem:$0x3FFE];
	_ =	sdelay $0x1  }
0x8a: {  	s1 =	srdreg.scid  }
0x8b: {  	s0 =	sand.u32 $0x1, s1  }
0x8c: {  	s17 =	sshll.u32 s0, $0xA;
	s2 =	sadd.s32 s3, s2  }
0x8d: {  	s2 =	sadd.s32 s2, s17  }
0x8e: {  	[smem:$0x3FC4] =	sst s2  }
0x8f: {  	_ = 	snop  }
0x90: {  	s2 =	sld [smem:$0x3FD0];
	(tm) =	ssettm $0x1  }
0x91: {  	s18 =	sld [smem:$0x3FFB];
	_ =	sdelay $0x3  }
0x92: {  	_ =	strace s18  }
0x93: {  	s3 =	sld [smem:$0x3FFC];
	_ =	sdelay $0x3  }
0x94: {  	_ =	strace s3  }
0x95: {  	s3 =	sld [smem:$0x3FFD];
	_ =	sdelay $0x3  }
0x96: {  	_ =	strace s3  }
0x97: {  	_ =	strace $0x8FFFFFFF  }
0x98: {  	s19 =	sld [smem:$0x3FDB];
	_ =	sdelay $0x1  }
0x99: {  	s4 =	simm.s32 $_scs_section_size  }
0x9a: {  	s5 =	simm.s32 $_size__tile_overlayer_lowered;
	s6 =	simm.s32 $_tile_overlayer_lowered  }
0x9b: {  	s22 =	simm.s32 $0x1BFF;
	s21 =	sshll.u32 s6, $0x1;
	s3 =	sadd.s32 s4, s19  }
0x9c: {  	s7 =	simm.s32 $0x0;
	s20 =	sshll.u32 s5, $0x1;
	s5 =	sadd.s32 s21, s3  }
0x9d: {  	[timem:s7], [sflag:s22] =	dma.local [hbm:s5], s20  }
0x9e: {  	_ =	swait.ge [sflag:s22], s20  }
0x9f: {  	s4 =	ssub.s32 $0x0, s20;
	[sflag:s22] =	ssyncset.done $0x0  }
0xa0: {  	[sflag:s22] =	ssyncadd.s32 s4;
	_ =	sdelay $0x1  }
0xa1: {  	s23 =	simm.s32 $0x1B8B  }
0xa2: {  	_ =	swait.ge [sflag:s23], $0x1  }
0xa3: {  	[sflag:s23] =	ssyncset.done $0x0  }
0xa4: {  	s25 =	simm.s32 $0x1B8E;
	s24 =	sld [smem:$0x3FFE];
	[sflag:s23] =	ssyncadd.s32 $0xFFFFFFFF  }
0xa5: {  	s26 =	simm.s32 $execute0_lowered;
	[smem:$0x3FD2] =	sst s25  }
0xa6: {  	s5 =	sshll.u32 s26, $0x1;
	_ =	strace $0x80000046;
	[dreg:$0x1] =	wrdreg $0xFFFFFFFF  }
0xa7: {  	s28 =	simm.s32 $_size_execute0_lowered;
	s3 =	sadd.s32 s3, s5;
	[dreg:$0x0] =	wrdreg $0x0  }
0xa8: {  	s5 =	sshll.u32 s28, $0x1;
	[dreg:$0x2] =	wrdreg s3  }
0xa9: {  	[dreg:$0x3] =	wrdreg s5  }
0xaa: {  	[dreg:$0x4] =	wrdreg $0xC0  }
0xab: {  	_ =	task [dreg:s7], $0x5FFFF  }
0xac: {  	[dreg:$0x1] =	wrdreg $0xFFFFFFFF  }
0xad: {  	[dreg:$0x0] =	wrdreg $0x60  }
0xae: {  	[dreg:$0x2] =	wrdreg s24  }
0xaf: {  	[dreg:$0x3] =	wrdreg s2  }
0xb0: {  	[dreg:$0x4] =	wrdreg $0x9  }
0xb1: {  	_ =	task.clear_ibuf [dreg:s7], $0x5FFFF;
	_ =	strace $0x90000046  }
0xb2: {  	s29 =	simm.s32 $0x9;
	_ =	strace $0x80000048  }
0xb3: {  	_ =	swait.ge [sflag:s29], $0x1  }
0xb4: {  	[sflag:s29] =	ssyncadd.s32 $0xFFFFFFFF  }
0xb5: {  	_ =	strace $0x90000048  }
0xb6: {  	_ =	sfence  }
0xb7: {  	s30 =	sld [smem:$0x0];
	_ =	sdelay $0x2  }
0xb8: {  	s31 =	sshll.u32 s1, $0xD;
	s1 =	sshrl.u32 s1, $0x2  }
0xb9: {  	s3 =	sand.u32 $0x4000, s31;
	s1 =	sadd.s32 s1, s30  }
0xba: {  	s0 =	sor.u32 s3, s0;
	s1 =	sshll.u32 s1, $0x11  }
0xbb: {  	s0 =	sor.u32 s1, s0  }
0xbc: {  	s0 =	sadd.s32 $0x8F2B, s0  }
0xbd: {  	[sflag:s0] =	ssyncadd.remote.s32 $0x1  }
0xbe: {  	_ =	sfence.sel $0xFFFF  }
0xbf: {  	[dreg:$0x0] =	wrdreg $0xFFFFFFFF;
	(pc) =	sbr.abs _section_cstart, $3  }
0xc0: {  	[dreg:$0x1] =	wrdreg $0xFFFFFFFF  }
0xc1: {  	_ =	task.clear_ibuf [dreg:s7], $0x2FFFF;
	_ =	strace $0x9FFFFFFF  }
0xc2: {  	(tm) =	ssettm $0x7FFFFFFF  }
0xc3: {  	_ =	shalt  }
tec
execute0_lowered:
.L_overlay_start_1:
0x0: {  	(tag) =	ssettag $0x1  }
0x1: {  	s0 =	srdreg.scid;
	s2 =	stileid.u32  }
0x2: {  	s1 =	sand.u32 $0x1, s0;
	s16 =	sshll.u32 s2, $0x1  }
0x3: {  	s0 =	sor.u32 s1, s16  }
0x4: {  	s5 =	smul.u32 $0x186A, s0  }
0x5: {  	s3 =	rddreg [dreg:$0x0];
	s2 =	simm.s32 $0x0;
	s6 =	smul.u32 $0x186A00, s0  }
0x6: {  	[smem:$0x7FF] =	sst s2;
	s0 =	smul.u32 $0x30D40, s0  }
0x7: {  	s4 =	rddreg [dreg:$0x1];
	_ =	strace $0x80000047  }
0x8: {  	s5 =	sadd.s32 s5, s3;
	s6 =	sshrl.u32 s6, $0x3;
	s0 =	sadd.s32 s4, s0  }
0x9: {  	s5 =	sadd.s32 $0x62800, s5;
	s4 =	sadd.s32 s4, s6;
	[dreg:$0x4] =	wrdreg s0  }
0xa: {  	[dreg:$0x3] =	wrdreg s5;
	s17 =	sadd.s32 $0xFA0, s4  }
0xb: {  	s18 =	sadd.s32 $0x1F40, s4;
	[dreg:$0x5] =	wrdreg s17  }
0xc: {  	s19 =	sadd.s32 $0x2EE0, s4;
	[dreg:$0x6] =	wrdreg s18  }
0xd: {  	s20 =	sadd.s32 $0x3E80, s4;
	[dreg:$0x7] =	wrdreg s19  }
0xe: {  	s21 =	sadd.s32 $0x4E20, s4;
	[dreg:$0x8] =	wrdreg s20  }
0xf: {  	s22 =	sadd.s32 $0x5DC0, s4;
	[dreg:$0x9] =	wrdreg s21  }
0x10: {  	s23 =	sadd.s32 $0x6D60, s4;
	[dreg:$0xa] =	wrdreg s22  }
0x11: {  	s24 =	sadd.s32 $0x7D00, s4;
	[dreg:$0xb] =	wrdreg s23  }
0x12: {  	s25 =	sadd.s32 $0x8CA0, s4;
	[dreg:$0xc] =	wrdreg s24  }
0x13: {  	s26 =	sadd.s32 $0x9C40, s4;
	[dreg:$0xd] =	wrdreg s25  }
0x14: {  	s5 =	sadd.s32 $0xABE0, s4;
	[dreg:$0xe] =	wrdreg s26  }
0x15: {  	s6 =	sadd.s32 $0xBB80, s4;
	[dreg:$0xf] =	wrdreg s5  }
0x16: {  	s7 =	sadd.s32 $0xCB20, s4;
	[dreg:$0x10] =	wrdreg s6  }
0x17: {  	s8 =	sadd.s32 $0xDAC0, s4;
	[dreg:$0x11] =	wrdreg s7  }
0x18: {  	s9 =	sadd.s32 $0xEA60, s4;
	[dreg:$0x12] =	wrdreg s8  }
0x19: {  	s10 =	sadd.s32 $0xFA00, s4;
	[dreg:$0x13] =	wrdreg s9  }
0x1a: {  	s11 =	sadd.s32 $0x109A0, s4;
	[dreg:$0x14] =	wrdreg s10  }
0x1b: {  	s12 =	sadd.s32 $0x11940, s4;
	[dreg:$0x15] =	wrdreg s11  }
0x1c: {  	s13 =	sadd.s32 $0x128E0, s4;
	[dreg:$0x16] =	wrdreg s12  }
0x1d: {  	s14 =	sadd.s32 $0x13880, s4;
	[dreg:$0x17] =	wrdreg s13  }
0x1e: {  	s15 =	sadd.s32 $0x14820, s4;
	[dreg:$0x18] =	wrdreg s14  }
0x1f: {  	s16 =	sadd.s32 $0x157C0, s4;
	[dreg:$0x19] =	wrdreg s15  }
0x20: {  	[dreg:$0x1a] =	wrdreg s16  }
0x21: {  	s17 =	sadd.s32 $0x16760, s4;
	s0 =	rddreg [dreg:$0x3]  }
0x22: {  	s18 =	sadd.s32 $0x17700, s4;
	[dreg:$0x1b] =	wrdreg s17  }
0x23: {  	s19 =	sadd.s32 $0x186A0, s4;
	[dreg:$0x1c] =	wrdreg s18  }
0x24: {  	s20 =	sadd.s32 $0x19640, s4;
	[dreg:$0x1d] =	wrdreg s19  }
0x25: {  	s21 =	sadd.s32 $0x1A5E0, s4;
	[dreg:$0x1e] =	wrdreg s20  }
0x26: {  	s22 =	sadd.s32 $0x1B580, s4;
	[dreg:$0x1f] =	wrdreg s21  }
0x27: {  	s23 =	sadd.s32 $0x1C520, s4;
	[smem:$0x7CD] =	sst s22  }
0x28: {  	s24 =	sadd.s32 $0x1D4C0, s4;
	[smem:$0x7CE] =	sst s23  }
0x29: {  	s25 =	sadd.s32 $0x1E460, s4;
	[smem:$0x7CF] =	sst s24  }
0x2a: {  	s26 =	sadd.s32 $0x1F400, s4;
	[smem:$0x7D0] =	sst s25  }
0x2b: {  	s5 =	sadd.s32 $0x203A0, s4;
	[smem:$0x7D1] =	sst s26  }
0x2c: {  	s6 =	sadd.s32 $0x21340, s4;
	[smem:$0x7D2] =	sst s5  }
0x2d: {  	s7 =	sadd.s32 $0x222E0, s4;
	[smem:$0x7D3] =	sst s6  }
0x2e: {  	s8 =	sadd.s32 $0x23280, s4;
	[smem:$0x7D4] =	sst s7  }
0x2f: {  	s9 =	sadd.s32 $0x24220, s4;
	[smem:$0x7D5] =	sst s8  }
0x30: {  	s10 =	sadd.s32 $0x251C0, s4;
	[smem:$0x7D6] =	sst s9  }
0x31: {  	s11 =	sadd.s32 $0x26160, s4;
	[smem:$0x7D7] =	sst s10  }
0x32: {  	s12 =	sadd.s32 $0x27100, s4;
	[smem:$0x7D8] =	sst s11  }
0x33: {  	s13 =	sadd.s32 $0x280A0, s4;
	[smem:$0x7D9] =	sst s12  }
0x34: {  	s14 =	sadd.s32 $0x29040, s4;
	[smem:$0x7DA] =	sst s13  }
0x35: {  	s15 =	sadd.s32 $0x29FE0, s4;
	[smem:$0x7DB] =	sst s14  }
0x36: {  	s16 =	sadd.s32 $0x2AF80, s4;
	[smem:$0x7DC] =	sst s15  }
0x37: {  	[smem:$0x7DD] =	sst s16;
	s17 =	sadd.s32 $0x2BF20, s4  }
0x38: {  	s18 =	sadd.s32 $0x2CEC0, s4;
	[smem:$0x7DE] =	sst s17  }
0x39: {  	s19 =	sadd.s32 $0x2DE60, s4;
	[smem:$0x7DF] =	sst s18  }
0x3a: {  	s20 =	sadd.s32 $0x2EE00, s4;
	[smem:$0x7E0] =	sst s19  }
0x3b: {  	s21 =	sadd.s32 $0x2FDA0, s4;
	[smem:$0x7E1] =	sst s20  }
0x3c: {  	s22 =	simm.s32 $0x7D0;
	[smem:$0x7E2] =	sst s21  }
0x3d: {  	s23 =	simm.s32 $0xBB8;
	[smem:$0x7E3] =	sst s22  }
0x3e: {  	s24 =	simm.s32 $0xFA0;
	[smem:$0x7E4] =	sst s23  }
0x3f: {  	s25 =	simm.s32 $0x1388;
	[smem:$0x7E5] =	sst s24  }
0x40: {  	s26 =	simm.s32 $0x1770;
	[smem:$0x7E6] =	sst s25  }
0x41: {  	s4 =	simm.s32 $0x1B58;
	[smem:$0x7E7] =	sst s26  }
0x42: {  	s5 =	simm.s32 $0x1F40;
	[smem:$0x7E8] =	sst s4  }
0x43: {  	s6 =	simm.s32 $0x2328;
	[smem:$0x7E9] =	sst s5  }
0x44: {  	s7 =	simm.s32 $0x2710;
	[smem:$0x7EA] =	sst s6  }
0x45: {  	s8 =	simm.s32 $0x2AF8;
	[smem:$0x7EB] =	sst s7  }
0x46: {  	s9 =	simm.s32 $0x2EE0;
	[smem:$0x7EC] =	sst s8  }
0x47: {  	s31 =	simm.s32 $0x7148;
	s10 =	simm.s32 $0x32C8;
	[smem:$0x7ED] =	sst s9  }
0x48: {  	s30 =	simm.s32 $0x7530;
	s11 =	simm.s32 $0x36B0;
	[smem:$0x7EE] =	sst s10  }
0x49: {  	s29 =	simm.s32 $0x7918;
	s12 =	simm.s32 $0x3A98;
	[smem:$0x7EF] =	sst s11  }
0x4a: {  	s28 =	simm.s32 $0x7D00;
	s13 =	simm.s32 $0x3E80;
	[smem:$0x7F0] =	sst s12  }
0x4b: {  	p0 =	por $0x0, $0x0;
	s14 =	simm.s32 $0x4268;
	[smem:$0x7F1] =	sst s13  }
0x4c: {  	s1 =	ssub.s32 $0x2, s1;
	s15 =	simm.s32 $0x4650;
	[smem:$0x7F2] =	sst s14  }
0x4d: {  	s16 =	simm.s32 $0x4A38;
	s4 =	sadd.s32 $0xC00, s3;
	[smem:$0x7F3] =	sst s15  }
0x4e: {  	[smem:$0x7F4] =	sst s16;
	s17 =	simm.s32 $0x4E20;
	s18 =	sshrl.u32 s1, $0x1  }
0x4f: {  	s19 =	simm.s32 $0x5208;
	s20 =	simm.s32 $0x55F0;
	s21 =	simm.s32 $0x59D8  }
0x50: {  	s3 =	simm.s32 $0x3;
	s22 =	simm.s32 $0x5DC0;
	s7 =	simm.s32 $0x3E8  }
0x51: {  	s23 =	simm.s32 $0x61A8;
	s6 =	simm.s32 $0xC350;
	s24 =	simm.s32 $0x6590  }
0x52: {  	s5 =	simm.s32 $0x14050;
	s25 =	simm.s32 $0x6978;
	[smem:$0x7F5] =	sst s17  }
0x53: {  	s9 =	simm.s32 $0x1;
	s26 =	simm.s32 $0x6D60;
	[smem:$0x7F6] =	sst s19  }
0x54: {  	s8 =	simm.s32 $0x2;
	s16 =	simm.s32 $0xA7F8;
	[smem:$0x7F7] =	sst s20  }
0x55: {  	s15 =	simm.s32 $0xABE0;
	s14 =	simm.s32 $0xAFC8;
	[smem:$0x7F8] =	sst s21  }
0x56: {  	s13 =	simm.s32 $0xB3B0;
	s1 =	ssub.s32 s1, s18;
	[smem:$0x7F9] =	sst s22  }
0x57: {  	s12 =	simm.s32 $0xB798;
	[smem:$0x7FA] =	sst s23;
	s1 =	smax.u32 s1, $0x1  }
0x58: {  	s11 =	simm.s32 $0xBB80;
	[smem:$0x7FB] =	sst s24;
	p1 =	sne.s32 s1, $0x1  }
.Ltmp0:
0x59: {  	s10 =	simm.s32 $0xBF68;
	[smem:$0x7FC] =	sst s25;
	(pc) =	sbr.rel @!p1 .LBB2_3-.Ltmp0, $4  }
0x5a: {  	[smem:$0x7FD] =	sst s26;
	s26 =	simm.s32 $0x80E8;
	s25 =	simm.s32 $0x84D0  }
0x5b: {  	s24 =	simm.s32 $0x88B8;
	s23 =	simm.s32 $0x8CA0;
	s22 =	simm.s32 $0x9088  }
0x5c: {  	s21 =	simm.s32 $0x9470;
	s20 =	simm.s32 $0x9858;
	s19 =	simm.s32 $0x9C40  }
0x5d: {  	s18 =	simm.s32 $0xA028;
	s17 =	simm.s32 $0xA410;
	s1 =	sadd.s32 $0xFFFFFFFF, s1  }
0x5e: {  	[tilespmem:s2], [sflag:$0x3] =	stream.linear.gather [hbm4b:s0+s2], $0xC350, $0x38;
	[tilespmem:$0x1BD50] =	vst v63  }
0x5f: {  	_ =	swait.ge [sflag:s3], $0xC350  }
0x60: {  	[sflag:s3] =	ssyncset.done $0x0  }
0x61: {  	[sflag:s3] =	ssyncadd.s32 $0xFFFF3CB0  }
0x62: {  	[tilespmem:s6], [sflag:$0x1] =	stream.indirect.gather [hbm4b:s4+s7], $0x20, s2, s7, $0xb8;
	[tilespmem:$0x1BD50] =	vst v63  }
0x63: {  	_ = 	snop  }
0x64: {  	[tilespmem:s5], [sflag:$0x2] =	stream.indirect.gather [hbm4b:s4+s7], $0x20, s7, s7, $0xb8;
	[tilespmem:$0x1BD50] =	vst v63  }
0x65: {  	_ =	swait.ge [sflag:s9], $0x7D00  }
0x66: {  	[sflag:s9] =	ssyncset.done $0x0  }
0x67: {  	s0 =	rddreg [dreg:$0x4];
	[sflag:s9] =	ssyncadd.s32 $0xFFFF8300  }
0x68: {  	[hbm4b:s0+s2] =	stream.linear.scatter [tilespmem:s6], [sflag:$0x3], $0x7D00, $0x38;
	[tilespmem:$0x1BD50] =	vst v63  }
0x69: {  	_ =	swait.ge [sflag:s3], $0x7D00  }
0x6a: {  	s0 =	sld [smem:$0x7E3]  }
0x6b: {  	[sflag:s3] =	ssyncset.done $0x0  }
0x6c: {  	[sflag:s3] =	ssyncadd.s32 $0xFFFF8300  }
0x6d: {  	[tilespmem:s6], [sflag:$0x1] =	stream.indirect.gather [hbm4b:s4+s7], $0x20, s0, s7, $0xb8;
	[tilespmem:$0x1BD50] =	vst v63  }
0x6e: {  	_ =	swait.ge [sflag:s8], $0x7D00  }
0x6f: {  	[sflag:s8] =	ssyncset.done $0x0  }
0x70: {  	s0 =	rddreg [dreg:$0x5];
	[sflag:s8] =	ssyncadd.s32 $0xFFFF8300  }
0x71: {  	[hbm4b:s0+s2] =	stream.linear.scatter [tilespmem:s5], [sflag:$0x3], $0x7D00, $0x38;
	[tilespmem:$0x1BD50] =	vst v63  }
0x72: {  	_ =	swait.ge [sflag:s3], $0x7D00  }
0x73: {  	s0 =	sld [smem:$0x7E4]  }
0x74: {  	[sflag:s3] =	ssyncset.done $0x0  }
0x75: {  	[sflag:s3] =	ssyncadd.s32 $0xFFFF8300  }
0x76: {  	[tilespmem:s5], [sflag:$0x2] =	stream.indirect.gather [hbm4b:s4+s7], $0x20, s0, s7, $0xb8;
	[tilespmem:$0x1BD50] =	vst v63  }
0x77: {  	_ =	swait.ge [sflag:s9], $0x7D00  }
0x78: {  	[sflag:s9] =	ssyncset.done $0x0  }
0x79: {  	s0 =	rddreg [dreg:$0x6];
	[sflag:s9] =	ssyncadd.s32 $0xFFFF8300  }
0x7a: {  	[hbm4b:s0+s2] =	stream.linear.scatter [tilespmem:s6], [sflag:$0x3], $0x7D00, $0x38;
	[tilespmem:$0x1BD50] =	vst v63  }
0x7b: {  	_ =	swait.ge [sflag:s3], $0x7D00  }
0x7c: {  	s0 =	sld [smem:$0x7E5]  }
0x7d: {  	[sflag:s3] =	ssyncset.done $0x0  }
0x7e: {  	[sflag:s3] =	ssyncadd.s32 $0xFFFF8300  }
0x7f: {  	[tilespmem:s6], [sflag:$0x1] =	stream.indirect.gather [hbm4b:s4+s7], $0x20, s0, s7, $0xb8;
	[tilespmem:$0x1BD50] =	vst v63  }
0x80: {  	_ =	swait.ge [sflag:s8], $0x7D00  }
0x81: {  	[sflag:s8] =	ssyncset.done $0x0  }
0x82: {  	s0 =	rddreg [dreg:$0x7];
	[sflag:s8] =	ssyncadd.s32 $0xFFFF8300  }
0x83: {  	[hbm4b:s0+s2] =	stream.linear.scatter [tilespmem:s5], [sflag:$0x3], $0x7D00, $0x38;
	[tilespmem:$0x1BD50] =	vst v63  }
0x84: {  	_ =	swait.ge [sflag:s3], $0x7D00  }
0x85: {  	s0 =	sld [smem:$0x7E6]  }
0x86: {  	[sflag:s3] =	ssyncset.done $0x0  }
0x87: {  	[sflag:s3] =	ssyncadd.s32 $0xFFFF8300  }
0x88: {  	[tilespmem:s5], [sflag:$0x2] =	stream.indirect.gather [hbm4b:s4+s7], $0x20, s0, s7, $0xb8;
	[tilespmem:$0x1BD50] =	vst v63  }
0x89: {  	_ =	swait.ge [sflag:s9], $0x7D00  }
0x8a: {  	[sflag:s9] =	ssyncset.done $0x0  }
0x8b: {  	s0 =	rddreg [dreg:$0x8];
	[sflag:s9] =	ssyncadd.s32 $0xFFFF8300  }
0x8c: {  	[hbm4b:s0+s2] =	stream.linear.scatter [tilespmem:s6], [sflag:$0x3], $0x7D00, $0x38;
	[tilespmem:$0x1BD50] =	vst v63  }
0x8d: {  	_ =	swait.ge [sflag:s3], $0x7D00  }
0x8e: {  	s0 =	sld [smem:$0x7E7]  }
0x8f: {  	[sflag:s3] =	ssyncset.done $0x0  }
0x90: {  	[sflag:s3] =	ssyncadd.s32 $0xFFFF8300  }
0x91: {  	[tilespmem:s6], [sflag:$0x1] =	stream.indirect.gather [hbm4b:s4+s7], $0x20, s0, s7, $0xb8;
	[tilespmem:$0x1BD50] =	vst v63  }
0x92: {  	_ =	swait.ge [sflag:s8], $0x7D00  }
0x93: {  	[sflag:s8] =	ssyncset.done $0x0  }
0x94: {  	s0 =	rddreg [dreg:$0x9];
	[sflag:s8] =	ssyncadd.s32 $0xFFFF8300  }
0x95: {  	[hbm4b:s0+s2] =	stream.linear.scatter [tilespmem:s5], [sflag:$0x3], $0x7D00, $0x38;
	[tilespmem:$0x1BD50] =	vst v63  }
0x96: {  	_ =	swait.ge [sflag:s3], $0x7D00  }
0x97: {  	s0 =	sld [smem:$0x7E8]  }
0x98: {  	[sflag:s3] =	ssyncset.done $0x0  }
0x99: {  	[sflag:s3] =	ssyncadd.s32 $0xFFFF8300  }
0x9a: {  	[tilespmem:s5], [sflag:$0x2] =	stream.indirect.gather [hbm4b:s4+s7], $0x20, s0, s7, $0xb8;
	[tilespmem:$0x1BD50] =	vst v63  }
0x9b: {  	_ =	swait.ge [sflag:s9], $0x7D00  }
0x9c: {  	[sflag:s9] =	ssyncset.done $0x0  }
0x9d: {  	s0 =	rddreg [dreg:$0xa];
	[sflag:s9] =	ssyncadd.s32 $0xFFFF8300  }
0x9e: {  	[hbm4b:s0+s2] =	stream.linear.scatter [tilespmem:s6], [sflag:$0x3], $0x7D00, $0x38;
	[tilespmem:$0x1BD50] =	vst v63  }
0x9f: {  	_ =	swait.ge [sflag:s3], $0x7D00  }
0xa0: {  	s0 =	sld [smem:$0x7E9]  }
0xa1: {  	[sflag:s3] =	ssyncset.done $0x0  }
0xa2: {  	[sflag:s3] =	ssyncadd.s32 $0xFFFF8300  }
0xa3: {  	[tilespmem:s6], [sflag:$0x1] =	stream.indirect.gather [hbm4b:s4+s7], $0x20, s0, s7, $0xb8;
	[tilespmem:$0x1BD50] =	vst v63  }
0xa4: {  	_ =	swait.ge [sflag:s8], $0x7D00  }
0xa5: {  	[sflag:s8] =	ssyncset.done $0x0  }
0xa6: {  	s0 =	rddreg [dreg:$0xb];
	[sflag:s8] =	ssyncadd.s32 $0xFFFF8300  }
0xa7: {  	[hbm4b:s0+s2] =	stream.linear.scatter [tilespmem:s5], [sflag:$0x3], $0x7D00, $0x38;
	[tilespmem:$0x1BD50] =	vst v63  }
0xa8: {  	_ =	swait.ge [sflag:s3], $0x7D00  }
0xa9: {  	s0 =	sld [smem:$0x7EA]  }
0xaa: {  	[sflag:s3] =	ssyncset.done $0x0  }
0xab: {  	[sflag:s3] =	ssyncadd.s32 $0xFFFF8300  }
0xac: {  	[tilespmem:s5], [sflag:$0x2] =	stream.indirect.gather [hbm4b:s4+s7], $0x20, s0, s7, $0xb8;
	[tilespmem:$0x1BD50] =	vst v63  }
0xad: {  	_ =	swait.ge [sflag:s9], $0x7D00  }
0xae: {  	[sflag:s9] =	ssyncset.done $0x0  }
0xaf: {  	s0 =	rddreg [dreg:$0xc];
	[sflag:s9] =	ssyncadd.s32 $0xFFFF8300  }
0xb0: {  	[hbm4b:s0+s2] =	stream.linear.scatter [tilespmem:s6], [sflag:$0x3], $0x7D00, $0x38;
	[tilespmem:$0x1BD50] =	vst v63  }
0xb1: {  	_ =	swait.ge [sflag:s3], $0x7D00  }
0xb2: {  	s0 =	sld [smem:$0x7EB]  }
0xb3: {  	[sflag:s3] =	ssyncset.done $0x0  }
0xb4: {  	[sflag:s3] =	ssyncadd.s32 $0xFFFF8300  }
0xb5: {  	[tilespmem:s6], [sflag:$0x1] =	stream.indirect.gather [hbm4b:s4+s7], $0x20, s0, s7, $0xb8;
	[tilespmem:$0x1BD50] =	vst v63  }
0xb6: {  	_ =	swait.ge [sflag:s8], $0x7D00  }
0xb7: {  	[sflag:s8] =	ssyncset.done $0x0  }
0xb8: {  	s0 =	rddreg [dreg:$0xd];
	[sflag:s8] =	ssyncadd.s32 $0xFFFF8300  }
0xb9: {  	[hbm4b:s0+s2] =	stream.linear.scatter [tilespmem:s5], [sflag:$0x3], $0x7D00, $0x38;
	[tilespmem:$0x1BD50] =	vst v63  }
0xba: {  	_ =	swait.ge [sflag:s3], $0x7D00  }
0xbb: {  	s0 =	sld [smem:$0x7EC]  }
0xbc: {  	[sflag:s3] =	ssyncset.done $0x0  }
0xbd: {  	[sflag:s3] =	ssyncadd.s32 $0xFFFF8300  }
0xbe: {  	[tilespmem:s5], [sflag:$0x2] =	stream.indirect.gather [hbm4b:s4+s7], $0x20, s0, s7, $0xb8;
	[tilespmem:$0x1BD50] =	vst v63  }
0xbf: {  	_ =	swait.ge [sflag:s9], $0x7D00  }
0xc0: {  	[sflag:s9] =	ssyncset.done $0x0  }
0xc1: {  	s0 =	rddreg [dreg:$0xe];
	[sflag:s9] =	ssyncadd.s32 $0xFFFF8300  }
0xc2: {  	[hbm4b:s0+s2] =	stream.linear.scatter [tilespmem:s6], [sflag:$0x3], $0x7D00, $0x38;
	[tilespmem:$0x1BD50] =	vst v63  }
0xc3: {  	_ =	swait.ge [sflag:s3], $0x7D00  }
0xc4: {  	s0 =	sld [smem:$0x7ED]  }
0xc5: {  	[sflag:s3] =	ssyncset.done $0x0  }
0xc6: {  	[sflag:s3] =	ssyncadd.s32 $0xFFFF8300  }
0xc7: {  	[tilespmem:s6], [sflag:$0x1] =	stream.indirect.gather [hbm4b:s4+s7], $0x20, s0, s7, $0xb8;
	[tilespmem:$0x1BD50] =	vst v63  }
0xc8: {  	_ =	swait.ge [sflag:s8], $0x7D00  }
0xc9: {  	[sflag:s8] =	ssyncset.done $0x0  }
0xca: {  	s0 =	rddreg [dreg:$0xf];
	[sflag:s8] =	ssyncadd.s32 $0xFFFF8300  }
0xcb: {  	[hbm4b:s0+s2] =	stream.linear.scatter [tilespmem:s5], [sflag:$0x3], $0x7D00, $0x38;
	[tilespmem:$0x1BD50] =	vst v63  }
0xcc: {  	_ =	swait.ge [sflag:s3], $0x7D00  }
0xcd: {  	s0 =	sld [smem:$0x7EE]  }
0xce: {  	[sflag:s3] =	ssyncset.done $0x0  }
0xcf: {  	[sflag:s3] =	ssyncadd.s32 $0xFFFF8300  }
0xd0: {  	[tilespmem:s5], [sflag:$0x2] =	stream.indirect.gather [hbm4b:s4+s7], $0x20, s0, s7, $0xb8;
	[tilespmem:$0x1BD50] =	vst v63  }
0xd1: {  	_ =	swait.ge [sflag:s9], $0x7D00  }
0xd2: {  	[sflag:s9] =	ssyncset.done $0x0  }
0xd3: {  	s0 =	rddreg [dreg:$0x10];
	[sflag:s9] =	ssyncadd.s32 $0xFFFF8300  }
0xd4: {  	[hbm4b:s0+s2] =	stream.linear.scatter [tilespmem:s6], [sflag:$0x3], $0x7D00, $0x38;
	[tilespmem:$0x1BD50] =	vst v63  }
0xd5: {  	_ =	swait.ge [sflag:s3], $0x7D00  }
0xd6: {  	s0 =	sld [smem:$0x7EF]  }
0xd7: {  	[sflag:s3] =	ssyncset.done $0x0  }
0xd8: {  	[sflag:s3] =	ssyncadd.s32 $0xFFFF8300  }
0xd9: {  	[tilespmem:s6], [sflag:$0x1] =	stream.indirect.gather [hbm4b:s4+s7], $0x20, s0, s7, $0xb8;
	[tilespmem:$0x1BD50] =	vst v63  }
0xda: {  	_ =	swait.ge [sflag:s8], $0x7D00  }
0xdb: {  	[sflag:s8] =	ssyncset.done $0x0  }
0xdc: {  	s0 =	rddreg [dreg:$0x11];
	[sflag:s8] =	ssyncadd.s32 $0xFFFF8300  }
0xdd: {  	[hbm4b:s0+s2] =	stream.linear.scatter [tilespmem:s5], [sflag:$0x3], $0x7D00, $0x38;
	[tilespmem:$0x1BD50] =	vst v63  }
0xde: {  	_ =	swait.ge [sflag:s3], $0x7D00  }
0xdf: {  	s0 =	sld [smem:$0x7F0]  }
0xe0: {  	[sflag:s3] =	ssyncset.done $0x0  }
0xe1: {  	[sflag:s3] =	ssyncadd.s32 $0xFFFF8300  }
0xe2: {  	[tilespmem:s5], [sflag:$0x2] =	stream.indirect.gather [hbm4b:s4+s7], $0x20, s0, s7, $0xb8;
	[tilespmem:$0x1BD50] =	vst v63  }
0xe3: {  	_ =	swait.ge [sflag:s9], $0x7D00  }
0xe4: {  	[sflag:s9] =	ssyncset.done $0x0  }
0xe5: {  	s0 =	rddreg [dreg:$0x12];
	[sflag:s9] =	ssyncadd.s32 $0xFFFF8300  }
0xe6: {  	[hbm4b:s0+s2] =	stream.linear.scatter [tilespmem:s6], [sflag:$0x3], $0x7D00, $0x38;
	[tilespmem:$0x1BD50] =	vst v63  }
0xe7: {  	_ =	swait.ge [sflag:s3], $0x7D00  }
0xe8: {  	s0 =	sld [smem:$0x7F1]  }
0xe9: {  	[sflag:s3] =	ssyncset.done $0x0  }
0xea: {  	[sflag:s3] =	ssyncadd.s32 $0xFFFF8300  }
0xeb: {  	[tilespmem:s6], [sflag:$0x1] =	stream.indirect.gather [hbm4b:s4+s7], $0x20, s0, s7, $0xb8;
	[tilespmem:$0x1BD50] =	vst v63  }
0xec: {  	_ =	swait.ge [sflag:s8], $0x7D00  }
0xed: {  	[sflag:s8] =	ssyncset.done $0x0  }
0xee: {  	s0 =	rddreg [dreg:$0x13];
	[sflag:s8] =	ssyncadd.s32 $0xFFFF8300  }
0xef: {  	[hbm4b:s0+s2] =	stream.linear.scatter [tilespmem:s5], [sflag:$0x3], $0x7D00, $0x38;
	[tilespmem:$0x1BD50] =	vst v63  }
0xf0: {  	_ =	swait.ge [sflag:s3], $0x7D00  }
0xf1: {  	s0 =	sld [smem:$0x7F2]  }
0xf2: {  	[sflag:s3] =	ssyncset.done $0x0  }
0xf3: {  	[sflag:s3] =	ssyncadd.s32 $0xFFFF8300  }
0xf4: {  	[tilespmem:s5], [sflag:$0x2] =	stream.indirect.gather [hbm4b:s4+s7], $0x20, s0, s7, $0xb8;
	[tilespmem:$0x1BD50] =	vst v63  }
0xf5: {  	_ =	swait.ge [sflag:s9], $0x7D00  }
0xf6: {  	[sflag:s9] =	ssyncset.done $0x0  }
0xf7: {  	s0 =	rddreg [dreg:$0x14];
	[sflag:s9] =	ssyncadd.s32 $0xFFFF8300  }
0xf8: {  	[hbm4b:s0+s2] =	stream.linear.scatter [tilespmem:s6], [sflag:$0x3], $0x7D00, $0x38;
	[tilespmem:$0x1BD50] =	vst v63  }
0xf9: {  	_ =	swait.ge [sflag:s3], $0x7D00  }
0xfa: {  	s0 =	sld [smem:$0x7F3]  }
0xfb: {  	[sflag:s3] =	ssyncset.done $0x0  }
0xfc: {  	[sflag:s3] =	ssyncadd.s32 $0xFFFF8300  }
0xfd: {  	[tilespmem:s6], [sflag:$0x1] =	stream.indirect.gather [hbm4b:s4+s7], $0x20, s0, s7, $0xb8;
	[tilespmem:$0x1BD50] =	vst v63  }
0xfe: {  	_ =	swait.ge [sflag:s8], $0x7D00  }
0xff: {  	[sflag:s8] =	ssyncset.done $0x0  }
0x100: {  	s0 =	rddreg [dreg:$0x15];
	[sflag:s8] =	ssyncadd.s32 $0xFFFF8300  }
0x101: {  	[hbm4b:s0+s2] =	stream.linear.scatter [tilespmem:s5], [sflag:$0x3], $0x7D00, $0x38;
	[tilespmem:$0x1BD50] =	vst v63  }
0x102: {  	_ =	swait.ge [sflag:s3], $0x7D00  }
0x103: {  	s0 =	sld [smem:$0x7F4]  }
0x104: {  	[sflag:s3] =	ssyncset.done $0x0  }
0x105: {  	[sflag:s3] =	ssyncadd.s32 $0xFFFF8300  }
0x106: {  	[tilespmem:s5], [sflag:$0x2] =	stream.indirect.gather [hbm4b:s4+s7], $0x20, s0, s7, $0xb8;
	[tilespmem:$0x1BD50] =	vst v63  }
0x107: {  	_ =	swait.ge [sflag:s9], $0x7D00  }
0x108: {  	[sflag:s9] =	ssyncset.done $0x0  }
0x109: {  	s0 =	rddreg [dreg:$0x16];
	[sflag:s9] =	ssyncadd.s32 $0xFFFF8300  }
0x10a: {  	[hbm4b:s0+s2] =	stream.linear.scatter [tilespmem:s6], [sflag:$0x3], $0x7D00, $0x38;
	[tilespmem:$0x1BD50] =	vst v63  }
0x10b: {  	_ =	swait.ge [sflag:s3], $0x7D00  }
0x10c: {  	s0 =	sld [smem:$0x7F5]  }
0x10d: {  	[sflag:s3] =	ssyncset.done $0x0  }
0x10e: {  	[sflag:s3] =	ssyncadd.s32 $0xFFFF8300  }
0x10f: {  	[tilespmem:s6], [sflag:$0x1] =	stream.indirect.gather [hbm4b:s4+s7], $0x20, s0, s7, $0xb8;
	[tilespmem:$0x1BD50] =	vst v63  }
0x110: {  	_ =	swait.ge [sflag:s8], $0x7D00  }
0x111: {  	[sflag:s8] =	ssyncset.done $0x0  }
0x112: {  	s0 =	rddreg [dreg:$0x17];
	[sflag:s8] =	ssyncadd.s32 $0xFFFF8300  }
0x113: {  	[hbm4b:s0+s2] =	stream.linear.scatter [tilespmem:s5], [sflag:$0x3], $0x7D00, $0x38;
	[tilespmem:$0x1BD50] =	vst v63  }
0x114: {  	_ =	swait.ge [sflag:s3], $0x7D00  }
0x115: {  	s0 =	sld [smem:$0x7F6]  }
0x116: {  	[sflag:s3] =	ssyncset.done $0x0  }
0x117: {  	[sflag:s3] =	ssyncadd.s32 $0xFFFF8300  }
0x118: {  	[tilespmem:s5], [sflag:$0x2] =	stream.indirect.gather [hbm4b:s4+s7], $0x20, s0, s7, $0xb8;
	[tilespmem:$0x1BD50] =	vst v63  }
0x119: {  	_ =	swait.ge [sflag:s9], $0x7D00  }
0x11a: {  	[sflag:s9] =	ssyncset.done $0x0  }
0x11b: {  	s0 =	rddreg [dreg:$0x18];
	[sflag:s9] =	ssyncadd.s32 $0xFFFF8300  }
0x11c: {  	[hbm4b:s0+s2] =	stream.linear.scatter [tilespmem:s6], [sflag:$0x3], $0x7D00, $0x38;
	[tilespmem:$0x1BD50] =	vst v63  }
0x11d: {  	_ =	swait.ge [sflag:s3], $0x7D00  }
0x11e: {  	s0 =	sld [smem:$0x7F7]  }
0x11f: {  	[sflag:s3] =	ssyncset.done $0x0  }
0x120: {  	[sflag:s3] =	ssyncadd.s32 $0xFFFF8300  }
0x121: {  	[tilespmem:s6], [sflag:$0x1] =	stream.indirect.gather [hbm4b:s4+s7], $0x20, s0, s7, $0xb8;
	[tilespmem:$0x1BD50] =	vst v63  }
0x122: {  	_ =	swait.ge [sflag:s8], $0x7D00  }
0x123: {  	[sflag:s8] =	ssyncset.done $0x0  }
0x124: {  	s0 =	rddreg [dreg:$0x19];
	[sflag:s8] =	ssyncadd.s32 $0xFFFF8300  }
0x125: {  	[hbm4b:s0+s2] =	stream.linear.scatter [tilespmem:s5], [sflag:$0x3], $0x7D00, $0x38;
	[tilespmem:$0x1BD50] =	vst v63  }
0x126: {  	_ =	swait.ge [sflag:s3], $0x7D00  }
0x127: {  	s0 =	sld [smem:$0x7F8]  }
0x128: {  	[sflag:s3] =	ssyncset.done $0x0  }
0x129: {  	[sflag:s3] =	ssyncadd.s32 $0xFFFF8300  }
0x12a: {  	[tilespmem:s5], [sflag:$0x2] =	stream.indirect.gather [hbm4b:s4+s7], $0x20, s0, s7, $0xb8;
	[tilespmem:$0x1BD50] =	vst v63  }
0x12b: {  	_ =	swait.ge [sflag:s9], $0x7D00  }
0x12c: {  	[sflag:s9] =	ssyncset.done $0x0  }
0x12d: {  	s0 =	rddreg [dreg:$0x1a];
	[sflag:s9] =	ssyncadd.s32 $0xFFFF8300  }
0x12e: {  	[hbm4b:s0+s2] =	stream.linear.scatter [tilespmem:s6], [sflag:$0x3], $0x7D00, $0x38;
	[tilespmem:$0x1BD50] =	vst v63  }
0x12f: {  	_ =	swait.ge [sflag:s3], $0x7D00  }
0x130: {  	s0 =	sld [smem:$0x7F9]  }
0x131: {  	[sflag:s3] =	ssyncset.done $0x0  }
0x132: {  	[sflag:s3] =	ssyncadd.s32 $0xFFFF8300  }
0x133: {  	[tilespmem:s6], [sflag:$0x1] =	stream.indirect.gather [hbm4b:s4+s7], $0x20, s0, s7, $0xb8;
	[tilespmem:$0x1BD50] =	vst v63  }
0x134: {  	_ =	swait.ge [sflag:s8], $0x7D00  }
0x135: {  	[sflag:s8] =	ssyncset.done $0x0  }
0x136: {  	s0 =	rddreg [dreg:$0x1b];
	[sflag:s8] =	ssyncadd.s32 $0xFFFF8300  }
0x137: {  	[hbm4b:s0+s2] =	stream.linear.scatter [tilespmem:s5], [sflag:$0x3], $0x7D00, $0x38;
	[tilespmem:$0x1BD50] =	vst v63  }
0x138: {  	_ =	swait.ge [sflag:s3], $0x7D00  }
0x139: {  	s0 =	sld [smem:$0x7FA]  }
0x13a: {  	[sflag:s3] =	ssyncset.done $0x0  }
0x13b: {  	[sflag:s3] =	ssyncadd.s32 $0xFFFF8300  }
0x13c: {  	[tilespmem:s5], [sflag:$0x2] =	stream.indirect.gather [hbm4b:s4+s7], $0x20, s0, s7, $0xb8;
	[tilespmem:$0x1BD50] =	vst v63  }
0x13d: {  	_ =	swait.ge [sflag:s9], $0x7D00  }
0x13e: {  	[sflag:s9] =	ssyncset.done $0x0  }
0x13f: {  	s0 =	rddreg [dreg:$0x1c];
	[sflag:s9] =	ssyncadd.s32 $0xFFFF8300  }
0x140: {  	[hbm4b:s0+s2] =	stream.linear.scatter [tilespmem:s6], [sflag:$0x3], $0x7D00, $0x38;
	[tilespmem:$0x1BD50] =	vst v63  }
0x141: {  	_ =	swait.ge [sflag:s3], $0x7D00  }
0x142: {  	s0 =	sld [smem:$0x7FB]  }
0x143: {  	[sflag:s3] =	ssyncset.done $0x0  }
0x144: {  	[sflag:s3] =	ssyncadd.s32 $0xFFFF8300  }
0x145: {  	[tilespmem:s6], [sflag:$0x1] =	stream.indirect.gather [hbm4b:s4+s7], $0x20, s0, s7, $0xb8;
	[tilespmem:$0x1BD50] =	vst v63  }
0x146: {  	_ =	swait.ge [sflag:s8], $0x7D00  }
0x147: {  	[sflag:s8] =	ssyncset.done $0x0  }
0x148: {  	s0 =	rddreg [dreg:$0x1d];
	[sflag:s8] =	ssyncadd.s32 $0xFFFF8300  }
0x149: {  	[hbm4b:s0+s2] =	stream.linear.scatter [tilespmem:s5], [sflag:$0x3], $0x7D00, $0x38;
	[tilespmem:$0x1BD50] =	vst v63  }
0x14a: {  	_ =	swait.ge [sflag:s3], $0x7D00  }
0x14b: {  	s0 =	sld [smem:$0x7FC]  }
0x14c: {  	[sflag:s3] =	ssyncset.done $0x0  }
0x14d: {  	[sflag:s3] =	ssyncadd.s32 $0xFFFF8300  }
0x14e: {  	[tilespmem:s5], [sflag:$0x2] =	stream.indirect.gather [hbm4b:s4+s7], $0x20, s0, s7, $0xb8;
	[tilespmem:$0x1BD50] =	vst v63  }
0x14f: {  	_ =	swait.ge [sflag:s9], $0x7D00  }
0x150: {  	[sflag:s9] =	ssyncset.done $0x0  }
0x151: {  	s0 =	rddreg [dreg:$0x1e];
	[sflag:s9] =	ssyncadd.s32 $0xFFFF8300  }
0x152: {  	[hbm4b:s0+s2] =	stream.linear.scatter [tilespmem:s6], [sflag:$0x3], $0x7D00, $0x38;
	[tilespmem:$0x1BD50] =	vst v63  }
0x153: {  	_ =	swait.ge [sflag:s3], $0x7D00  }
0x154: {  	s0 =	sld [smem:$0x7FD]  }
0x155: {  	[sflag:s3] =	ssyncset.done $0x0  }
0x156: {  	[sflag:s3] =	ssyncadd.s32 $0xFFFF8300  }
0x157: {  	[tilespmem:s6], [sflag:$0x1] =	stream.indirect.gather [hbm4b:s4+s7], $0x20, s0, s7, $0xb8;
	[tilespmem:$0x1BD50] =	vst v63  }
0x158: {  	_ =	swait.ge [sflag:s8], $0x7D00  }
0x159: {  	[sflag:s8] =	ssyncset.done $0x0  }
0x15a: {  	s0 =	rddreg [dreg:$0x1f];
	[sflag:s8] =	ssyncadd.s32 $0xFFFF8300  }
0x15b: {  	[hbm4b:s0+s2] =	stream.linear.scatter [tilespmem:s5], [sflag:$0x3], $0x7D00, $0x38;
	[tilespmem:$0x1BD50] =	vst v63  }
0x15c: {  	_ =	swait.ge [sflag:s3], $0x7D00  }
0x15d: {  	[sflag:s3] =	ssyncset.done $0x0  }
0x15e: {  	[sflag:s3] =	ssyncadd.s32 $0xFFFF8300  }
0x15f: {  	[tilespmem:s5], [sflag:$0x2] =	stream.indirect.gather [hbm4b:s4+s7], $0x20, s31, s7, $0xb8;
	[tilespmem:$0x1BD50] =	vst v63  }
0x160: {  	_ =	swait.ge [sflag:s9], $0x7D00  }
0x161: {  	s0 =	sld [smem:$0x7CD]  }
0x162: {  	[sflag:s9] =	ssyncset.done $0x0  }
0x163: {  	[sflag:s9] =	ssyncadd.s32 $0xFFFF8300  }
0x164: {  	[hbm4b:s0+s2] =	stream.linear.scatter [tilespmem:s6], [sflag:$0x3], $0x7D00, $0x38;
	[tilespmem:$0x1BD50] =	vst v63  }
0x165: {  	_ =	swait.ge [sflag:s3], $0x7D00  }
0x166: {  	[sflag:s3] =	ssyncset.done $0x0  }
0x167: {  	[sflag:s3] =	ssyncadd.s32 $0xFFFF8300  }
0x168: {  	[tilespmem:s6], [sflag:$0x1] =	stream.indirect.gather [hbm4b:s4+s7], $0x20, s30, s7, $0xb8;
	[tilespmem:$0x1BD50] =	vst v63  }
0x169: {  	_ =	swait.ge [sflag:s8], $0x7D00  }
0x16a: {  	s0 =	sld [smem:$0x7CE]  }
0x16b: {  	[sflag:s8] =	ssyncset.done $0x0  }
0x16c: {  	[sflag:s8] =	ssyncadd.s32 $0xFFFF8300  }
0x16d: {  	[hbm4b:s0+s2] =	stream.linear.scatter [tilespmem:s5], [sflag:$0x3], $0x7D00, $0x38;
	[tilespmem:$0x1BD50] =	vst v63  }
0x16e: {  	_ =	swait.ge [sflag:s3], $0x7D00  }
0x16f: {  	[sflag:s3] =	ssyncset.done $0x0  }
0x170: {  	[sflag:s3] =	ssyncadd.s32 $0xFFFF8300  }
0x171: {  	[tilespmem:s5], [sflag:$0x2] =	stream.indirect.gather [hbm4b:s4+s7], $0x20, s29, s7, $0xb8;
	[tilespmem:$0x1BD50] =	vst v63  }
0x172: {  	_ =	swait.ge [sflag:s9], $0x7D00  }
0x173: {  	s0 =	sld [smem:$0x7CF]  }
0x174: {  	[sflag:s9] =	ssyncset.done $0x0  }
0x175: {  	[sflag:s9] =	ssyncadd.s32 $0xFFFF8300  }
0x176: {  	[hbm4b:s0+s2] =	stream.linear.scatter [tilespmem:s6], [sflag:$0x3], $0x7D00, $0x38;
	[tilespmem:$0x1BD50] =	vst v63  }
0x177: {  	_ =	swait.ge [sflag:s3], $0x7D00  }
0x178: {  	[sflag:s3] =	ssyncset.done $0x0  }
0x179: {  	[sflag:s3] =	ssyncadd.s32 $0xFFFF8300  }
0x17a: {  	[tilespmem:s6], [sflag:$0x1] =	stream.indirect.gather [hbm4b:s4+s7], $0x20, s28, s7, $0xb8;
	[tilespmem:$0x1BD50] =	vst v63  }
0x17b: {  	_ =	swait.ge [sflag:s8], $0x7D00  }
0x17c: {  	s0 =	sld [smem:$0x7D0]  }
0x17d: {  	[sflag:s8] =	ssyncset.done $0x0  }
0x17e: {  	[sflag:s8] =	ssyncadd.s32 $0xFFFF8300  }
0x17f: {  	[hbm4b:s0+s2] =	stream.linear.scatter [tilespmem:s5], [sflag:$0x3], $0x7D00, $0x38;
	[tilespmem:$0x1BD50] =	vst v63  }
0x180: {  	_ =	swait.ge [sflag:s3], $0x7D00  }
0x181: {  	[sflag:s3] =	ssyncset.done $0x0  }
0x182: {  	[sflag:s3] =	ssyncadd.s32 $0xFFFF8300  }
0x183: {  	[tilespmem:s5], [sflag:$0x2] =	stream.indirect.gather [hbm4b:s4+s7], $0x20, s26, s7, $0xb8;
	[tilespmem:$0x1BD50] =	vst v63  }
0x184: {  	_ =	swait.ge [sflag:s9], $0x7D00  }
0x185: {  	s0 =	sld [smem:$0x7D1]  }
0x186: {  	[sflag:s9] =	ssyncset.done $0x0  }
0x187: {  	[sflag:s9] =	ssyncadd.s32 $0xFFFF8300  }
0x188: {  	[hbm4b:s0+s2] =	stream.linear.scatter [tilespmem:s6], [sflag:$0x3], $0x7D00, $0x38;
	[tilespmem:$0x1BD50] =	vst v63  }
0x189: {  	_ =	swait.ge [sflag:s3], $0x7D00  }
0x18a: {  	[sflag:s3] =	ssyncset.done $0x0  }
0x18b: {  	[sflag:s3] =	ssyncadd.s32 $0xFFFF8300  }
0x18c: {  	[tilespmem:s6], [sflag:$0x1] =	stream.indirect.gather [hbm4b:s4+s7], $0x20, s25, s7, $0xb8;
	[tilespmem:$0x1BD50] =	vst v63  }
0x18d: {  	_ =	swait.ge [sflag:s8], $0x7D00  }
0x18e: {  	s0 =	sld [smem:$0x7D2]  }
0x18f: {  	[sflag:s8] =	ssyncset.done $0x0  }
0x190: {  	[sflag:s8] =	ssyncadd.s32 $0xFFFF8300  }
0x191: {  	[hbm4b:s0+s2] =	stream.linear.scatter [tilespmem:s5], [sflag:$0x3], $0x7D00, $0x38;
	[tilespmem:$0x1BD50] =	vst v63  }
0x192: {  	_ =	swait.ge [sflag:s3], $0x7D00  }
0x193: {  	[sflag:s3] =	ssyncset.done $0x0  }
0x194: {  	[sflag:s3] =	ssyncadd.s32 $0xFFFF8300  }
0x195: {  	[tilespmem:s5], [sflag:$0x2] =	stream.indirect.gather [hbm4b:s4+s7], $0x20, s24, s7, $0xb8;
	[tilespmem:$0x1BD50] =	vst v63  }
0x196: {  	_ =	swait.ge [sflag:s9], $0x7D00  }
0x197: {  	s0 =	sld [smem:$0x7D3]  }
0x198: {  	[sflag:s9] =	ssyncset.done $0x0  }
0x199: {  	[sflag:s9] =	ssyncadd.s32 $0xFFFF8300  }
0x19a: {  	[hbm4b:s0+s2] =	stream.linear.scatter [tilespmem:s6], [sflag:$0x3], $0x7D00, $0x38;
	[tilespmem:$0x1BD50] =	vst v63  }
0x19b: {  	_ =	swait.ge [sflag:s3], $0x7D00  }
0x19c: {  	[sflag:s3] =	ssyncset.done $0x0  }
0x19d: {  	[sflag:s3] =	ssyncadd.s32 $0xFFFF8300  }
0x19e: {  	[tilespmem:s6], [sflag:$0x1] =	stream.indirect.gather [hbm4b:s4+s7], $0x20, s23, s7, $0xb8;
	[tilespmem:$0x1BD50] =	vst v63  }
0x19f: {  	_ =	swait.ge [sflag:s8], $0x7D00  }
0x1a0: {  	s0 =	sld [smem:$0x7D4]  }
0x1a1: {  	[sflag:s8] =	ssyncset.done $0x0  }
0x1a2: {  	[sflag:s8] =	ssyncadd.s32 $0xFFFF8300  }
0x1a3: {  	[hbm4b:s0+s2] =	stream.linear.scatter [tilespmem:s5], [sflag:$0x3], $0x7D00, $0x38;
	[tilespmem:$0x1BD50] =	vst v63  }
0x1a4: {  	_ =	swait.ge [sflag:s3], $0x7D00  }
0x1a5: {  	[sflag:s3] =	ssyncset.done $0x0  }
0x1a6: {  	[sflag:s3] =	ssyncadd.s32 $0xFFFF8300  }
0x1a7: {  	[tilespmem:s5], [sflag:$0x2] =	stream.indirect.gather [hbm4b:s4+s7], $0x20, s22, s7, $0xb8;
	[tilespmem:$0x1BD50] =	vst v63  }
0x1a8: {  	_ =	swait.ge [sflag:s9], $0x7D00  }
0x1a9: {  	s0 =	sld [smem:$0x7D5]  }
0x1aa: {  	[sflag:s9] =	ssyncset.done $0x0  }
0x1ab: {  	[sflag:s9] =	ssyncadd.s32 $0xFFFF8300  }
0x1ac: {  	[hbm4b:s0+s2] =	stream.linear.scatter [tilespmem:s6], [sflag:$0x3], $0x7D00, $0x38;
	[tilespmem:$0x1BD50] =	vst v63  }
0x1ad: {  	_ =	swait.ge [sflag:s3], $0x7D00  }
0x1ae: {  	[sflag:s3] =	ssyncset.done $0x0  }
0x1af: {  	[sflag:s3] =	ssyncadd.s32 $0xFFFF8300  }
0x1b0: {  	[tilespmem:s6], [sflag:$0x1] =	stream.indirect.gather [hbm4b:s4+s7], $0x20, s21, s7, $0xb8;
	[tilespmem:$0x1BD50] =	vst v63  }
0x1b1: {  	_ =	swait.ge [sflag:s8], $0x7D00  }
0x1b2: {  	s0 =	sld [smem:$0x7D6]  }
0x1b3: {  	[sflag:s8] =	ssyncset.done $0x0  }
0x1b4: {  	[sflag:s8] =	ssyncadd.s32 $0xFFFF8300  }
0x1b5: {  	[hbm4b:s0+s2] =	stream.linear.scatter [tilespmem:s5], [sflag:$0x3], $0x7D00, $0x38;
	[tilespmem:$0x1BD50] =	vst v63  }
0x1b6: {  	_ =	swait.ge [sflag:s3], $0x7D00  }
0x1b7: {  	[sflag:s3] =	ssyncset.done $0x0  }
0x1b8: {  	[sflag:s3] =	ssyncadd.s32 $0xFFFF8300  }
0x1b9: {  	[tilespmem:s5], [sflag:$0x2] =	stream.indirect.gather [hbm4b:s4+s7], $0x20, s20, s7, $0xb8;
	[tilespmem:$0x1BD50] =	vst v63  }
0x1ba: {  	_ =	swait.ge [sflag:s9], $0x7D00  }
0x1bb: {  	s0 =	sld [smem:$0x7D7]  }
0x1bc: {  	[sflag:s9] =	ssyncset.done $0x0  }
0x1bd: {  	[sflag:s9] =	ssyncadd.s32 $0xFFFF8300  }
0x1be: {  	[hbm4b:s0+s2] =	stream.linear.scatter [tilespmem:s6], [sflag:$0x3], $0x7D00, $0x38;
	[tilespmem:$0x1BD50] =	vst v63  }
0x1bf: {  	_ =	swait.ge [sflag:s3], $0x7D00  }
0x1c0: {  	[sflag:s3] =	ssyncset.done $0x0  }
0x1c1: {  	[sflag:s3] =	ssyncadd.s32 $0xFFFF8300  }
0x1c2: {  	[tilespmem:s6], [sflag:$0x1] =	stream.indirect.gather [hbm4b:s4+s7], $0x20, s19, s7, $0xb8;
	[tilespmem:$0x1BD50] =	vst v63  }
0x1c3: {  	_ =	swait.ge [sflag:s8], $0x7D00  }
0x1c4: {  	s0 =	sld [smem:$0x7D8]  }
0x1c5: {  	[sflag:s8] =	ssyncset.done $0x0  }
0x1c6: {  	[sflag:s8] =	ssyncadd.s32 $0xFFFF8300  }
0x1c7: {  	[hbm4b:s0+s2] =	stream.linear.scatter [tilespmem:s5], [sflag:$0x3], $0x7D00, $0x38;
	[tilespmem:$0x1BD50] =	vst v63  }
0x1c8: {  	_ =	swait.ge [sflag:s3], $0x7D00  }
0x1c9: {  	[sflag:s3] =	ssyncset.done $0x0  }
0x1ca: {  	[sflag:s3] =	ssyncadd.s32 $0xFFFF8300  }
0x1cb: {  	[tilespmem:s5], [sflag:$0x2] =	stream.indirect.gather [hbm4b:s4+s7], $0x20, s18, s7, $0xb8;
	[tilespmem:$0x1BD50] =	vst v63  }
0x1cc: {  	_ =	swait.ge [sflag:s9], $0x7D00  }
0x1cd: {  	s0 =	sld [smem:$0x7D9]  }
0x1ce: {  	[sflag:s9] =	ssyncset.done $0x0  }
0x1cf: {  	[sflag:s9] =	ssyncadd.s32 $0xFFFF8300  }
0x1d0: {  	[hbm4b:s0+s2] =	stream.linear.scatter [tilespmem:s6], [sflag:$0x3], $0x7D00, $0x38;
	[tilespmem:$0x1BD50] =	vst v63  }
0x1d1: {  	_ =	swait.ge [sflag:s3], $0x7D00  }
0x1d2: {  	[sflag:s3] =	ssyncset.done $0x0  }
0x1d3: {  	[sflag:s3] =	ssyncadd.s32 $0xFFFF8300  }
0x1d4: {  	[tilespmem:s6], [sflag:$0x1] =	stream.indirect.gather [hbm4b:s4+s7], $0x20, s17, s7, $0xb8;
	[tilespmem:$0x1BD50] =	vst v63  }
0x1d5: {  	_ =	swait.ge [sflag:s8], $0x7D00  }
0x1d6: {  	s0 =	sld [smem:$0x7DA]  }
0x1d7: {  	[sflag:s8] =	ssyncset.done $0x0  }
0x1d8: {  	[sflag:s8] =	ssyncadd.s32 $0xFFFF8300  }
0x1d9: {  	[hbm4b:s0+s2] =	stream.linear.scatter [tilespmem:s5], [sflag:$0x3], $0x7D00, $0x38;
	[tilespmem:$0x1BD50] =	vst v63  }
0x1da: {  	_ =	swait.ge [sflag:s3], $0x7D00  }
0x1db: {  	[sflag:s3] =	ssyncset.done $0x0  }
0x1dc: {  	[sflag:s3] =	ssyncadd.s32 $0xFFFF8300  }
0x1dd: {  	[tilespmem:s5], [sflag:$0x2] =	stream.indirect.gather [hbm4b:s4+s7], $0x20, s16, s7, $0xb8;
	[tilespmem:$0x1BD50] =	vst v63  }
0x1de: {  	_ =	swait.ge [sflag:s9], $0x7D00  }
0x1df: {  	s0 =	sld [smem:$0x7DB]  }
0x1e0: {  	[sflag:s9] =	ssyncset.done $0x0  }
0x1e1: {  	[sflag:s9] =	ssyncadd.s32 $0xFFFF8300  }
0x1e2: {  	[hbm4b:s0+s2] =	stream.linear.scatter [tilespmem:s6], [sflag:$0x3], $0x7D00, $0x38;
	[tilespmem:$0x1BD50] =	vst v63  }
0x1e3: {  	_ =	swait.ge [sflag:s3], $0x7D00  }
0x1e4: {  	[sflag:s3] =	ssyncset.done $0x0  }
0x1e5: {  	[sflag:s3] =	ssyncadd.s32 $0xFFFF8300  }
0x1e6: {  	[tilespmem:s6], [sflag:$0x1] =	stream.indirect.gather [hbm4b:s4+s7], $0x20, s15, s7, $0xb8;
	[tilespmem:$0x1BD50] =	vst v63  }
0x1e7: {  	_ =	swait.ge [sflag:s8], $0x7D00  }
0x1e8: {  	s0 =	sld [smem:$0x7DC]  }
0x1e9: {  	[sflag:s8] =	ssyncset.done $0x0  }
0x1ea: {  	[sflag:s8] =	ssyncadd.s32 $0xFFFF8300  }
0x1eb: {  	[hbm4b:s0+s2] =	stream.linear.scatter [tilespmem:s5], [sflag:$0x3], $0x7D00, $0x38;
	[tilespmem:$0x1BD50] =	vst v63  }
0x1ec: {  	_ =	swait.ge [sflag:s3], $0x7D00  }
0x1ed: {  	[sflag:s3] =	ssyncset.done $0x0  }
0x1ee: {  	[sflag:s3] =	ssyncadd.s32 $0xFFFF8300  }
0x1ef: {  	[tilespmem:s5], [sflag:$0x2] =	stream.indirect.gather [hbm4b:s4+s7], $0x20, s14, s7, $0xb8;
	[tilespmem:$0x1BD50] =	vst v63  }
0x1f0: {  	_ =	swait.ge [sflag:s9], $0x7D00  }
0x1f1: {  	s0 =	sld [smem:$0x7DD]  }
0x1f2: {  	[sflag:s9] =	ssyncset.done $0x0  }
0x1f3: {  	[sflag:s9] =	ssyncadd.s32 $0xFFFF8300  }
0x1f4: {  	[hbm4b:s0+s2] =	stream.linear.scatter [tilespmem:s6], [sflag:$0x3], $0x7D00, $0x38;
	[tilespmem:$0x1BD50] =	vst v63  }
0x1f5: {  	_ =	swait.ge [sflag:s3], $0x7D00  }
0x1f6: {  	[sflag:s3] =	ssyncset.done $0x0  }
0x1f7: {  	[sflag:s3] =	ssyncadd.s32 $0xFFFF8300  }
0x1f8: {  	[tilespmem:s6], [sflag:$0x1] =	stream.indirect.gather [hbm4b:s4+s7], $0x20, s13, s7, $0xb8;
	[tilespmem:$0x1BD50] =	vst v63  }
0x1f9: {  	_ =	swait.ge [sflag:s8], $0x7D00  }
0x1fa: {  	s0 =	sld [smem:$0x7DE]  }
0x1fb: {  	[sflag:s8] =	ssyncset.done $0x0  }
0x1fc: {  	[sflag:s8] =	ssyncadd.s32 $0xFFFF8300  }
0x1fd: {  	[hbm4b:s0+s2] =	stream.linear.scatter [tilespmem:s5], [sflag:$0x3], $0x7D00, $0x38;
	[tilespmem:$0x1BD50] =	vst v63  }
0x1fe: {  	_ =	swait.ge [sflag:s3], $0x7D00  }
0x1ff: {  	[sflag:s3] =	ssyncset.done $0x0  }
0x200: {  	[sflag:s3] =	ssyncadd.s32 $0xFFFF8300  }
0x201: {  	[tilespmem:s5], [sflag:$0x2] =	stream.indirect.gather [hbm4b:s4+s7], $0x20, s12, s7, $0xb8;
	[tilespmem:$0x1BD50] =	vst v63  }
0x202: {  	_ =	swait.ge [sflag:s9], $0x7D00  }
0x203: {  	s0 =	sld [smem:$0x7DF]  }
0x204: {  	[sflag:s9] =	ssyncset.done $0x0  }
0x205: {  	[sflag:s9] =	ssyncadd.s32 $0xFFFF8300  }
0x206: {  	[hbm4b:s0+s2] =	stream.linear.scatter [tilespmem:s6], [sflag:$0x3], $0x7D00, $0x38;
	[tilespmem:$0x1BD50] =	vst v63  }
0x207: {  	_ =	swait.ge [sflag:s3], $0x7D00  }
0x208: {  	[sflag:s3] =	ssyncset.done $0x0  }
0x209: {  	[sflag:s3] =	ssyncadd.s32 $0xFFFF8300  }
0x20a: {  	[tilespmem:s6], [sflag:$0x1] =	stream.indirect.gather [hbm4b:s4+s7], $0x20, s11, s7, $0xb8;
	[tilespmem:$0x1BD50] =	vst v63  }
0x20b: {  	_ =	swait.ge [sflag:s8], $0x7D00  }
0x20c: {  	s0 =	sld [smem:$0x7E0]  }
0x20d: {  	[sflag:s8] =	ssyncset.done $0x0  }
0x20e: {  	[sflag:s8] =	ssyncadd.s32 $0xFFFF8300  }
0x20f: {  	[hbm4b:s0+s2] =	stream.linear.scatter [tilespmem:s5], [sflag:$0x3], $0x7D00, $0x38;
	[tilespmem:$0x1BD50] =	vst v63  }
0x210: {  	_ =	swait.ge [sflag:s3], $0x7D00  }
0x211: {  	[sflag:s3] =	ssyncset.done $0x0  }
0x212: {  	[sflag:s3] =	ssyncadd.s32 $0xFFFF8300  }
0x213: {  	[tilespmem:s5], [sflag:$0x2] =	stream.indirect.gather [hbm4b:s4+s7], $0x20, s10, s7, $0xb8;
	[tilespmem:$0x1BD50] =	vst v63  }
0x214: {  	_ =	swait.ge [sflag:s9], $0x7D00  }
0x215: {  	s0 =	sld [smem:$0x7E1]  }
0x216: {  	[sflag:s9] =	ssyncset.done $0x0  }
0x217: {  	[sflag:s9] =	ssyncadd.s32 $0xFFFF8300  }
0x218: {  	[hbm4b:s0+s2] =	stream.linear.scatter [tilespmem:s6], [sflag:$0x3], $0x7D00, $0x38;
	[tilespmem:$0x1BD50] =	vst v63  }
0x219: {  	_ =	swait.ge [sflag:s3], $0x7D00  }
0x21a: {  	[sflag:s3] =	ssyncset.done $0x0  }
0x21b: {  	[sflag:s3] =	ssyncadd.s32 $0xFFFF8300  }
0x21c: {  	_ =	swait.ge [sflag:s8], $0x7D00  }
0x21d: {  	p1 =	sne.s32 s1, $0x1;
	s0 =	sld [smem:$0x7E2]  }
.Ltmp1:
0x21e: {  	[sflag:s8] =	ssyncset.done $0x0;
	(pc) =	sbr.rel @!p1 .LBB2_3-.Ltmp1, $4  }
0x21f: {  	[sflag:s8] =	ssyncadd.s32 $0xFFFF8300  }
0x220: {  	[hbm4b:s0+s2] =	stream.linear.scatter [tilespmem:s5], [sflag:$0x3], $0x7D00, $0x38;
	[tilespmem:$0x1BD50] =	vst v63  }
0x221: {  	s1 =	sadd.s32 $0xFFFFFFFF, s1;
	_ =	swait.ge [sflag:s3], $0x7D00  }
0x222: {  	p0 =	por $0x1, $0x1;
	s0 =	rddreg [dreg:$0x3];
	[sflag:s3] =	ssyncset.done $0x0  }
.LBB2_2:
0x223: {  	[sflag:s3] =	ssyncadd.s32 $0xFFFF8300  }
0x224: {  	[tilespmem:s2], [sflag:$0x3] =	stream.linear.gather [hbm4b:s0+s2], $0xC350, $0x38;
	[tilespmem:$0x1BD50] =	vst v63  }
0x225: {  	_ =	swait.ge [sflag:s3], $0xC350  }
0x226: {  	[sflag:s3] =	ssyncset.done $0x0  }
0x227: {  	[sflag:s3] =	ssyncadd.s32 $0xFFFF3CB0  }
0x228: {  	[tilespmem:s6], [sflag:$0x1] =	stream.indirect.gather [hbm4b:s4+s7], $0x20, s2, s7, $0xb8;
	[tilespmem:$0x1BD50] =	vst v63  }
0x229: {  	_ = 	snop  }
0x22a: {  	[tilespmem:s5], [sflag:$0x2] =	stream.indirect.gather [hbm4b:s4+s7], $0x20, s7, s7, $0xb8;
	[tilespmem:$0x1BD50] =	vst v63  }
0x22b: {  	_ =	swait.ge [sflag:s9], $0x7D00  }
0x22c: {  	[sflag:s9] =	ssyncset.done $0x0  }
0x22d: {  	s0 =	rddreg [dreg:$0x4];
	[sflag:s9] =	ssyncadd.s32 $0xFFFF8300  }
0x22e: {  	[hbm4b:s0+s2] =	stream.linear.scatter [tilespmem:s6], [sflag:$0x3], $0x7D00, $0x38;
	[tilespmem:$0x1BD50] =	vst v63  }
0x22f: {  	_ =	swait.ge [sflag:s3], $0x7D00  }
0x230: {  	s0 =	sld [smem:$0x7E3]  }
0x231: {  	[sflag:s3] =	ssyncset.done $0x0  }
0x232: {  	[sflag:s3] =	ssyncadd.s32 $0xFFFF8300  }
0x233: {  	[tilespmem:s6], [sflag:$0x1] =	stream.indirect.gather [hbm4b:s4+s7], $0x20, s0, s7, $0xb8;
	[tilespmem:$0x1BD50] =	vst v63  }
0x234: {  	_ =	swait.ge [sflag:s8], $0x7D00  }
0x235: {  	[sflag:s8] =	ssyncset.done $0x0  }
0x236: {  	s0 =	rddreg [dreg:$0x5];
	[sflag:s8] =	ssyncadd.s32 $0xFFFF8300  }
0x237: {  	[hbm4b:s0+s2] =	stream.linear.scatter [tilespmem:s5], [sflag:$0x3], $0x7D00, $0x38;
	[tilespmem:$0x1BD50] =	vst v63  }
0x238: {  	_ =	swait.ge [sflag:s3], $0x7D00  }
0x239: {  	s0 =	sld [smem:$0x7E4]  }
0x23a: {  	[sflag:s3] =	ssyncset.done $0x0  }
0x23b: {  	[sflag:s3] =	ssyncadd.s32 $0xFFFF8300  }
0x23c: {  	[tilespmem:s5], [sflag:$0x2] =	stream.indirect.gather [hbm4b:s4+s7], $0x20, s0, s7, $0xb8;
	[tilespmem:$0x1BD50] =	vst v63  }
0x23d: {  	_ =	swait.ge [sflag:s9], $0x7D00  }
0x23e: {  	[sflag:s9] =	ssyncset.done $0x0  }
0x23f: {  	s0 =	rddreg [dreg:$0x6];
	[sflag:s9] =	ssyncadd.s32 $0xFFFF8300  }
0x240: {  	[hbm4b:s0+s2] =	stream.linear.scatter [tilespmem:s6], [sflag:$0x3], $0x7D00, $0x38;
	[tilespmem:$0x1BD50] =	vst v63  }
0x241: {  	_ =	swait.ge [sflag:s3], $0x7D00  }
0x242: {  	s0 =	sld [smem:$0x7E5]  }
0x243: {  	[sflag:s3] =	ssyncset.done $0x0  }
0x244: {  	[sflag:s3] =	ssyncadd.s32 $0xFFFF8300  }
0x245: {  	[tilespmem:s6], [sflag:$0x1] =	stream.indirect.gather [hbm4b:s4+s7], $0x20, s0, s7, $0xb8;
	[tilespmem:$0x1BD50] =	vst v63  }
0x246: {  	_ =	swait.ge [sflag:s8], $0x7D00  }
0x247: {  	[sflag:s8] =	ssyncset.done $0x0  }
0x248: {  	s0 =	rddreg [dreg:$0x7];
	[sflag:s8] =	ssyncadd.s32 $0xFFFF8300  }
0x249: {  	[hbm4b:s0+s2] =	stream.linear.scatter [tilespmem:s5], [sflag:$0x3], $0x7D00, $0x38;
	[tilespmem:$0x1BD50] =	vst v63  }
0x24a: {  	_ =	swait.ge [sflag:s3], $0x7D00  }
0x24b: {  	s0 =	sld [smem:$0x7E6]  }
0x24c: {  	[sflag:s3] =	ssyncset.done $0x0  }
0x24d: {  	[sflag:s3] =	ssyncadd.s32 $0xFFFF8300  }
0x24e: {  	[tilespmem:s5], [sflag:$0x2] =	stream.indirect.gather [hbm4b:s4+s7], $0x20, s0, s7, $0xb8;
	[tilespmem:$0x1BD50] =	vst v63  }
0x24f: {  	_ =	swait.ge [sflag:s9], $0x7D00  }
0x250: {  	[sflag:s9] =	ssyncset.done $0x0  }
0x251: {  	s0 =	rddreg [dreg:$0x8];
	[sflag:s9] =	ssyncadd.s32 $0xFFFF8300  }
0x252: {  	[hbm4b:s0+s2] =	stream.linear.scatter [tilespmem:s6], [sflag:$0x3], $0x7D00, $0x38;
	[tilespmem:$0x1BD50] =	vst v63  }
0x253: {  	_ =	swait.ge [sflag:s3], $0x7D00  }
0x254: {  	s0 =	sld [smem:$0x7E7]  }
0x255: {  	[sflag:s3] =	ssyncset.done $0x0  }
0x256: {  	[sflag:s3] =	ssyncadd.s32 $0xFFFF8300  }
0x257: {  	[tilespmem:s6], [sflag:$0x1] =	stream.indirect.gather [hbm4b:s4+s7], $0x20, s0, s7, $0xb8;
	[tilespmem:$0x1BD50] =	vst v63  }
0x258: {  	_ =	swait.ge [sflag:s8], $0x7D00  }
0x259: {  	[sflag:s8] =	ssyncset.done $0x0  }
0x25a: {  	s0 =	rddreg [dreg:$0x9];
	[sflag:s8] =	ssyncadd.s32 $0xFFFF8300  }
0x25b: {  	[hbm4b:s0+s2] =	stream.linear.scatter [tilespmem:s5], [sflag:$0x3], $0x7D00, $0x38;
	[tilespmem:$0x1BD50] =	vst v63  }
0x25c: {  	_ =	swait.ge [sflag:s3], $0x7D00  }
0x25d: {  	s0 =	sld [smem:$0x7E8]  }
0x25e: {  	[sflag:s3] =	ssyncset.done $0x0  }
0x25f: {  	[sflag:s3] =	ssyncadd.s32 $0xFFFF8300  }
0x260: {  	[tilespmem:s5], [sflag:$0x2] =	stream.indirect.gather [hbm4b:s4+s7], $0x20, s0, s7, $0xb8;
	[tilespmem:$0x1BD50] =	vst v63  }
0x261: {  	_ =	swait.ge [sflag:s9], $0x7D00  }
0x262: {  	[sflag:s9] =	ssyncset.done $0x0  }
0x263: {  	s0 =	rddreg [dreg:$0xa];
	[sflag:s9] =	ssyncadd.s32 $0xFFFF8300  }
0x264: {  	[hbm4b:s0+s2] =	stream.linear.scatter [tilespmem:s6], [sflag:$0x3], $0x7D00, $0x38;
	[tilespmem:$0x1BD50] =	vst v63  }
0x265: {  	_ =	swait.ge [sflag:s3], $0x7D00  }
0x266: {  	s0 =	sld [smem:$0x7E9]  }
0x267: {  	[sflag:s3] =	ssyncset.done $0x0  }
0x268: {  	[sflag:s3] =	ssyncadd.s32 $0xFFFF8300  }
0x269: {  	[tilespmem:s6], [sflag:$0x1] =	stream.indirect.gather [hbm4b:s4+s7], $0x20, s0, s7, $0xb8;
	[tilespmem:$0x1BD50] =	vst v63  }
0x26a: {  	_ =	swait.ge [sflag:s8], $0x7D00  }
0x26b: {  	[sflag:s8] =	ssyncset.done $0x0  }
0x26c: {  	s0 =	rddreg [dreg:$0xb];
	[sflag:s8] =	ssyncadd.s32 $0xFFFF8300  }
0x26d: {  	[hbm4b:s0+s2] =	stream.linear.scatter [tilespmem:s5], [sflag:$0x3], $0x7D00, $0x38;
	[tilespmem:$0x1BD50] =	vst v63  }
0x26e: {  	_ =	swait.ge [sflag:s3], $0x7D00  }
0x26f: {  	s0 =	sld [smem:$0x7EA]  }
0x270: {  	[sflag:s3] =	ssyncset.done $0x0  }
0x271: {  	[sflag:s3] =	ssyncadd.s32 $0xFFFF8300  }
0x272: {  	[tilespmem:s5], [sflag:$0x2] =	stream.indirect.gather [hbm4b:s4+s7], $0x20, s0, s7, $0xb8;
	[tilespmem:$0x1BD50] =	vst v63  }
0x273: {  	_ =	swait.ge [sflag:s9], $0x7D00  }
0x274: {  	[sflag:s9] =	ssyncset.done $0x0  }
0x275: {  	s0 =	rddreg [dreg:$0xc];
	[sflag:s9] =	ssyncadd.s32 $0xFFFF8300  }
0x276: {  	[hbm4b:s0+s2] =	stream.linear.scatter [tilespmem:s6], [sflag:$0x3], $0x7D00, $0x38;
	[tilespmem:$0x1BD50] =	vst v63  }
0x277: {  	_ =	swait.ge [sflag:s3], $0x7D00  }
0x278: {  	s0 =	sld [smem:$0x7EB]  }
0x279: {  	[sflag:s3] =	ssyncset.done $0x0  }
0x27a: {  	[sflag:s3] =	ssyncadd.s32 $0xFFFF8300  }
0x27b: {  	[tilespmem:s6], [sflag:$0x1] =	stream.indirect.gather [hbm4b:s4+s7], $0x20, s0, s7, $0xb8;
	[tilespmem:$0x1BD50] =	vst v63  }
0x27c: {  	_ =	swait.ge [sflag:s8], $0x7D00  }
0x27d: {  	[sflag:s8] =	ssyncset.done $0x0  }
0x27e: {  	s0 =	rddreg [dreg:$0xd];
	[sflag:s8] =	ssyncadd.s32 $0xFFFF8300  }
0x27f: {  	[hbm4b:s0+s2] =	stream.linear.scatter [tilespmem:s5], [sflag:$0x3], $0x7D00, $0x38;
	[tilespmem:$0x1BD50] =	vst v63  }
0x280: {  	_ =	swait.ge [sflag:s3], $0x7D00  }
0x281: {  	s0 =	sld [smem:$0x7EC]  }
0x282: {  	[sflag:s3] =	ssyncset.done $0x0  }
0x283: {  	[sflag:s3] =	ssyncadd.s32 $0xFFFF8300  }
0x284: {  	[tilespmem:s5], [sflag:$0x2] =	stream.indirect.gather [hbm4b:s4+s7], $0x20, s0, s7, $0xb8;
	[tilespmem:$0x1BD50] =	vst v63  }
0x285: {  	_ =	swait.ge [sflag:s9], $0x7D00  }
0x286: {  	[sflag:s9] =	ssyncset.done $0x0  }
0x287: {  	s0 =	rddreg [dreg:$0xe];
	[sflag:s9] =	ssyncadd.s32 $0xFFFF8300  }
0x288: {  	[hbm4b:s0+s2] =	stream.linear.scatter [tilespmem:s6], [sflag:$0x3], $0x7D00, $0x38;
	[tilespmem:$0x1BD50] =	vst v63  }
0x289: {  	_ =	swait.ge [sflag:s3], $0x7D00  }
0x28a: {  	s0 =	sld [smem:$0x7ED]  }
0x28b: {  	[sflag:s3] =	ssyncset.done $0x0  }
0x28c: {  	[sflag:s3] =	ssyncadd.s32 $0xFFFF8300  }
0x28d: {  	[tilespmem:s6], [sflag:$0x1] =	stream.indirect.gather [hbm4b:s4+s7], $0x20, s0, s7, $0xb8;
	[tilespmem:$0x1BD50] =	vst v63  }
0x28e: {  	_ =	swait.ge [sflag:s8], $0x7D00  }
0x28f: {  	[sflag:s8] =	ssyncset.done $0x0  }
0x290: {  	s0 =	rddreg [dreg:$0xf];
	[sflag:s8] =	ssyncadd.s32 $0xFFFF8300  }
0x291: {  	[hbm4b:s0+s2] =	stream.linear.scatter [tilespmem:s5], [sflag:$0x3], $0x7D00, $0x38;
	[tilespmem:$0x1BD50] =	vst v63  }
0x292: {  	_ =	swait.ge [sflag:s3], $0x7D00  }
0x293: {  	s0 =	sld [smem:$0x7EE]  }
0x294: {  	[sflag:s3] =	ssyncset.done $0x0  }
0x295: {  	[sflag:s3] =	ssyncadd.s32 $0xFFFF8300  }
0x296: {  	[tilespmem:s5], [sflag:$0x2] =	stream.indirect.gather [hbm4b:s4+s7], $0x20, s0, s7, $0xb8;
	[tilespmem:$0x1BD50] =	vst v63  }
0x297: {  	_ =	swait.ge [sflag:s9], $0x7D00  }
0x298: {  	[sflag:s9] =	ssyncset.done $0x0  }
0x299: {  	s0 =	rddreg [dreg:$0x10];
	[sflag:s9] =	ssyncadd.s32 $0xFFFF8300  }
0x29a: {  	[hbm4b:s0+s2] =	stream.linear.scatter [tilespmem:s6], [sflag:$0x3], $0x7D00, $0x38;
	[tilespmem:$0x1BD50] =	vst v63  }
0x29b: {  	_ =	swait.ge [sflag:s3], $0x7D00  }
0x29c: {  	s0 =	sld [smem:$0x7EF]  }
0x29d: {  	[sflag:s3] =	ssyncset.done $0x0  }
0x29e: {  	[sflag:s3] =	ssyncadd.s32 $0xFFFF8300  }
0x29f: {  	[tilespmem:s6], [sflag:$0x1] =	stream.indirect.gather [hbm4b:s4+s7], $0x20, s0, s7, $0xb8;
	[tilespmem:$0x1BD50] =	vst v63  }
0x2a0: {  	_ =	swait.ge [sflag:s8], $0x7D00  }
0x2a1: {  	[sflag:s8] =	ssyncset.done $0x0  }
0x2a2: {  	s0 =	rddreg [dreg:$0x11];
	[sflag:s8] =	ssyncadd.s32 $0xFFFF8300  }
0x2a3: {  	[hbm4b:s0+s2] =	stream.linear.scatter [tilespmem:s5], [sflag:$0x3], $0x7D00, $0x38;
	[tilespmem:$0x1BD50] =	vst v63  }
0x2a4: {  	_ =	swait.ge [sflag:s3], $0x7D00  }
0x2a5: {  	s0 =	sld [smem:$0x7F0]  }
0x2a6: {  	[sflag:s3] =	ssyncset.done $0x0  }
0x2a7: {  	[sflag:s3] =	ssyncadd.s32 $0xFFFF8300  }
0x2a8: {  	[tilespmem:s5], [sflag:$0x2] =	stream.indirect.gather [hbm4b:s4+s7], $0x20, s0, s7, $0xb8;
	[tilespmem:$0x1BD50] =	vst v63  }
0x2a9: {  	_ =	swait.ge [sflag:s9], $0x7D00  }
0x2aa: {  	[sflag:s9] =	ssyncset.done $0x0  }
0x2ab: {  	s0 =	rddreg [dreg:$0x12];
	[sflag:s9] =	ssyncadd.s32 $0xFFFF8300  }
0x2ac: {  	[hbm4b:s0+s2] =	stream.linear.scatter [tilespmem:s6], [sflag:$0x3], $0x7D00, $0x38;
	[tilespmem:$0x1BD50] =	vst v63  }
0x2ad: {  	_ =	swait.ge [sflag:s3], $0x7D00  }
0x2ae: {  	s0 =	sld [smem:$0x7F1]  }
0x2af: {  	[sflag:s3] =	ssyncset.done $0x0  }
0x2b0: {  	[sflag:s3] =	ssyncadd.s32 $0xFFFF8300  }
0x2b1: {  	[tilespmem:s6], [sflag:$0x1] =	stream.indirect.gather [hbm4b:s4+s7], $0x20, s0, s7, $0xb8;
	[tilespmem:$0x1BD50] =	vst v63  }
0x2b2: {  	_ =	swait.ge [sflag:s8], $0x7D00  }
0x2b3: {  	[sflag:s8] =	ssyncset.done $0x0  }
0x2b4: {  	s0 =	rddreg [dreg:$0x13];
	[sflag:s8] =	ssyncadd.s32 $0xFFFF8300  }
0x2b5: {  	[hbm4b:s0+s2] =	stream.linear.scatter [tilespmem:s5], [sflag:$0x3], $0x7D00, $0x38;
	[tilespmem:$0x1BD50] =	vst v63  }
0x2b6: {  	_ =	swait.ge [sflag:s3], $0x7D00  }
0x2b7: {  	s0 =	sld [smem:$0x7F2]  }
0x2b8: {  	[sflag:s3] =	ssyncset.done $0x0  }
0x2b9: {  	[sflag:s3] =	ssyncadd.s32 $0xFFFF8300  }
0x2ba: {  	[tilespmem:s5], [sflag:$0x2] =	stream.indirect.gather [hbm4b:s4+s7], $0x20, s0, s7, $0xb8;
	[tilespmem:$0x1BD50] =	vst v63  }
0x2bb: {  	_ =	swait.ge [sflag:s9], $0x7D00  }
0x2bc: {  	[sflag:s9] =	ssyncset.done $0x0  }
0x2bd: {  	s0 =	rddreg [dreg:$0x14];
	[sflag:s9] =	ssyncadd.s32 $0xFFFF8300  }
0x2be: {  	[hbm4b:s0+s2] =	stream.linear.scatter [tilespmem:s6], [sflag:$0x3], $0x7D00, $0x38;
	[tilespmem:$0x1BD50] =	vst v63  }
0x2bf: {  	_ =	swait.ge [sflag:s3], $0x7D00  }
0x2c0: {  	s0 =	sld [smem:$0x7F3]  }
0x2c1: {  	[sflag:s3] =	ssyncset.done $0x0  }
0x2c2: {  	[sflag:s3] =	ssyncadd.s32 $0xFFFF8300  }
0x2c3: {  	[tilespmem:s6], [sflag:$0x1] =	stream.indirect.gather [hbm4b:s4+s7], $0x20, s0, s7, $0xb8;
	[tilespmem:$0x1BD50] =	vst v63  }
0x2c4: {  	_ =	swait.ge [sflag:s8], $0x7D00  }
0x2c5: {  	[sflag:s8] =	ssyncset.done $0x0  }
0x2c6: {  	s0 =	rddreg [dreg:$0x15];
	[sflag:s8] =	ssyncadd.s32 $0xFFFF8300  }
0x2c7: {  	[hbm4b:s0+s2] =	stream.linear.scatter [tilespmem:s5], [sflag:$0x3], $0x7D00, $0x38;
	[tilespmem:$0x1BD50] =	vst v63  }
0x2c8: {  	_ =	swait.ge [sflag:s3], $0x7D00  }
0x2c9: {  	s0 =	sld [smem:$0x7F4]  }
0x2ca: {  	[sflag:s3] =	ssyncset.done $0x0  }
0x2cb: {  	[sflag:s3] =	ssyncadd.s32 $0xFFFF8300  }
0x2cc: {  	[tilespmem:s5], [sflag:$0x2] =	stream.indirect.gather [hbm4b:s4+s7], $0x20, s0, s7, $0xb8;
	[tilespmem:$0x1BD50] =	vst v63  }
0x2cd: {  	_ =	swait.ge [sflag:s9], $0x7D00  }
0x2ce: {  	[sflag:s9] =	ssyncset.done $0x0  }
0x2cf: {  	s0 =	rddreg [dreg:$0x16];
	[sflag:s9] =	ssyncadd.s32 $0xFFFF8300  }
0x2d0: {  	[hbm4b:s0+s2] =	stream.linear.scatter [tilespmem:s6], [sflag:$0x3], $0x7D00, $0x38;
	[tilespmem:$0x1BD50] =	vst v63  }
0x2d1: {  	_ =	swait.ge [sflag:s3], $0x7D00  }
0x2d2: {  	s0 =	sld [smem:$0x7F5]  }
0x2d3: {  	[sflag:s3] =	ssyncset.done $0x0  }
0x2d4: {  	[sflag:s3] =	ssyncadd.s32 $0xFFFF8300  }
0x2d5: {  	[tilespmem:s6], [sflag:$0x1] =	stream.indirect.gather [hbm4b:s4+s7], $0x20, s0, s7, $0xb8;
	[tilespmem:$0x1BD50] =	vst v63  }
0x2d6: {  	_ =	swait.ge [sflag:s8], $0x7D00  }
0x2d7: {  	[sflag:s8] =	ssyncset.done $0x0  }
0x2d8: {  	s0 =	rddreg [dreg:$0x17];
	[sflag:s8] =	ssyncadd.s32 $0xFFFF8300  }
0x2d9: {  	[hbm4b:s0+s2] =	stream.linear.scatter [tilespmem:s5], [sflag:$0x3], $0x7D00, $0x38;
	[tilespmem:$0x1BD50] =	vst v63  }
0x2da: {  	_ =	swait.ge [sflag:s3], $0x7D00  }
0x2db: {  	s0 =	sld [smem:$0x7F6]  }
0x2dc: {  	[sflag:s3] =	ssyncset.done $0x0  }
0x2dd: {  	[sflag:s3] =	ssyncadd.s32 $0xFFFF8300  }
0x2de: {  	[tilespmem:s5], [sflag:$0x2] =	stream.indirect.gather [hbm4b:s4+s7], $0x20, s0, s7, $0xb8;
	[tilespmem:$0x1BD50] =	vst v63  }
0x2df: {  	_ =	swait.ge [sflag:s9], $0x7D00  }
0x2e0: {  	[sflag:s9] =	ssyncset.done $0x0  }
0x2e1: {  	s0 =	rddreg [dreg:$0x18];
	[sflag:s9] =	ssyncadd.s32 $0xFFFF8300  }
0x2e2: {  	[hbm4b:s0+s2] =	stream.linear.scatter [tilespmem:s6], [sflag:$0x3], $0x7D00, $0x38;
	[tilespmem:$0x1BD50] =	vst v63  }
0x2e3: {  	_ =	swait.ge [sflag:s3], $0x7D00  }
0x2e4: {  	s0 =	sld [smem:$0x7F7]  }
0x2e5: {  	[sflag:s3] =	ssyncset.done $0x0  }
0x2e6: {  	[sflag:s3] =	ssyncadd.s32 $0xFFFF8300  }
0x2e7: {  	[tilespmem:s6], [sflag:$0x1] =	stream.indirect.gather [hbm4b:s4+s7], $0x20, s0, s7, $0xb8;
	[tilespmem:$0x1BD50] =	vst v63  }
0x2e8: {  	_ =	swait.ge [sflag:s8], $0x7D00  }
0x2e9: {  	[sflag:s8] =	ssyncset.done $0x0  }
0x2ea: {  	s0 =	rddreg [dreg:$0x19];
	[sflag:s8] =	ssyncadd.s32 $0xFFFF8300  }
0x2eb: {  	[hbm4b:s0+s2] =	stream.linear.scatter [tilespmem:s5], [sflag:$0x3], $0x7D00, $0x38;
	[tilespmem:$0x1BD50] =	vst v63  }
0x2ec: {  	_ =	swait.ge [sflag:s3], $0x7D00  }
0x2ed: {  	s0 =	sld [smem:$0x7F8]  }
0x2ee: {  	[sflag:s3] =	ssyncset.done $0x0  }
0x2ef: {  	[sflag:s3] =	ssyncadd.s32 $0xFFFF8300  }
0x2f0: {  	[tilespmem:s5], [sflag:$0x2] =	stream.indirect.gather [hbm4b:s4+s7], $0x20, s0, s7, $0xb8;
	[tilespmem:$0x1BD50] =	vst v63  }
0x2f1: {  	_ =	swait.ge [sflag:s9], $0x7D00  }
0x2f2: {  	[sflag:s9] =	ssyncset.done $0x0  }
0x2f3: {  	s0 =	rddreg [dreg:$0x1a];
	[sflag:s9] =	ssyncadd.s32 $0xFFFF8300  }
0x2f4: {  	[hbm4b:s0+s2] =	stream.linear.scatter [tilespmem:s6], [sflag:$0x3], $0x7D00, $0x38;
	[tilespmem:$0x1BD50] =	vst v63  }
0x2f5: {  	_ =	swait.ge [sflag:s3], $0x7D00  }
0x2f6: {  	s0 =	sld [smem:$0x7F9]  }
0x2f7: {  	[sflag:s3] =	ssyncset.done $0x0  }
0x2f8: {  	[sflag:s3] =	ssyncadd.s32 $0xFFFF8300  }
0x2f9: {  	[tilespmem:s6], [sflag:$0x1] =	stream.indirect.gather [hbm4b:s4+s7], $0x20, s0, s7, $0xb8;
	[tilespmem:$0x1BD50] =	vst v63  }
0x2fa: {  	_ =	swait.ge [sflag:s8], $0x7D00  }
0x2fb: {  	[sflag:s8] =	ssyncset.done $0x0  }
0x2fc: {  	s0 =	rddreg [dreg:$0x1b];
	[sflag:s8] =	ssyncadd.s32 $0xFFFF8300  }
0x2fd: {  	[hbm4b:s0+s2] =	stream.linear.scatter [tilespmem:s5], [sflag:$0x3], $0x7D00, $0x38;
	[tilespmem:$0x1BD50] =	vst v63  }
0x2fe: {  	_ =	swait.ge [sflag:s3], $0x7D00  }
0x2ff: {  	s0 =	sld [smem:$0x7FA]  }
0x300: {  	[sflag:s3] =	ssyncset.done $0x0  }
0x301: {  	[sflag:s3] =	ssyncadd.s32 $0xFFFF8300  }
0x302: {  	[tilespmem:s5], [sflag:$0x2] =	stream.indirect.gather [hbm4b:s4+s7], $0x20, s0, s7, $0xb8;
	[tilespmem:$0x1BD50] =	vst v63  }
0x303: {  	_ =	swait.ge [sflag:s9], $0x7D00  }
0x304: {  	[sflag:s9] =	ssyncset.done $0x0  }
0x305: {  	s0 =	rddreg [dreg:$0x1c];
	[sflag:s9] =	ssyncadd.s32 $0xFFFF8300  }
0x306: {  	[hbm4b:s0+s2] =	stream.linear.scatter [tilespmem:s6], [sflag:$0x3], $0x7D00, $0x38;
	[tilespmem:$0x1BD50] =	vst v63  }
0x307: {  	_ =	swait.ge [sflag:s3], $0x7D00  }
0x308: {  	s0 =	sld [smem:$0x7FB]  }
0x309: {  	[sflag:s3] =	ssyncset.done $0x0  }
0x30a: {  	[sflag:s3] =	ssyncadd.s32 $0xFFFF8300  }
0x30b: {  	[tilespmem:s6], [sflag:$0x1] =	stream.indirect.gather [hbm4b:s4+s7], $0x20, s0, s7, $0xb8;
	[tilespmem:$0x1BD50] =	vst v63  }
0x30c: {  	_ =	swait.ge [sflag:s8], $0x7D00  }
0x30d: {  	[sflag:s8] =	ssyncset.done $0x0  }
0x30e: {  	s0 =	rddreg [dreg:$0x1d];
	[sflag:s8] =	ssyncadd.s32 $0xFFFF8300  }
0x30f: {  	[hbm4b:s0+s2] =	stream.linear.scatter [tilespmem:s5], [sflag:$0x3], $0x7D00, $0x38;
	[tilespmem:$0x1BD50] =	vst v63  }
0x310: {  	_ =	swait.ge [sflag:s3], $0x7D00  }
0x311: {  	s0 =	sld [smem:$0x7FC]  }
0x312: {  	[sflag:s3] =	ssyncset.done $0x0  }
0x313: {  	[sflag:s3] =	ssyncadd.s32 $0xFFFF8300  }
0x314: {  	[tilespmem:s5], [sflag:$0x2] =	stream.indirect.gather [hbm4b:s4+s7], $0x20, s0, s7, $0xb8;
	[tilespmem:$0x1BD50] =	vst v63  }
0x315: {  	_ =	swait.ge [sflag:s9], $0x7D00  }
0x316: {  	[sflag:s9] =	ssyncset.done $0x0  }
0x317: {  	s0 =	rddreg [dreg:$0x1e];
	[sflag:s9] =	ssyncadd.s32 $0xFFFF8300  }
0x318: {  	[hbm4b:s0+s2] =	stream.linear.scatter [tilespmem:s6], [sflag:$0x3], $0x7D00, $0x38;
	[tilespmem:$0x1BD50] =	vst v63  }
0x319: {  	_ =	swait.ge [sflag:s3], $0x7D00  }
0x31a: {  	s0 =	sld [smem:$0x7FD]  }
0x31b: {  	[sflag:s3] =	ssyncset.done $0x0  }
0x31c: {  	[sflag:s3] =	ssyncadd.s32 $0xFFFF8300  }
0x31d: {  	[tilespmem:s6], [sflag:$0x1] =	stream.indirect.gather [hbm4b:s4+s7], $0x20, s0, s7, $0xb8;
	[tilespmem:$0x1BD50] =	vst v63  }
0x31e: {  	_ =	swait.ge [sflag:s8], $0x7D00  }
0x31f: {  	[sflag:s8] =	ssyncset.done $0x0  }
0x320: {  	s0 =	rddreg [dreg:$0x1f];
	[sflag:s8] =	ssyncadd.s32 $0xFFFF8300  }
0x321: {  	[hbm4b:s0+s2] =	stream.linear.scatter [tilespmem:s5], [sflag:$0x3], $0x7D00, $0x38;
	[tilespmem:$0x1BD50] =	vst v63  }
0x322: {  	_ =	swait.ge [sflag:s3], $0x7D00  }
0x323: {  	[sflag:s3] =	ssyncset.done $0x0  }
0x324: {  	[sflag:s3] =	ssyncadd.s32 $0xFFFF8300  }
0x325: {  	[tilespmem:s5], [sflag:$0x2] =	stream.indirect.gather [hbm4b:s4+s7], $0x20, s31, s7, $0xb8;
	[tilespmem:$0x1BD50] =	vst v63  }
0x326: {  	_ =	swait.ge [sflag:s9], $0x7D00  }
0x327: {  	s0 =	sld [smem:$0x7CD]  }
0x328: {  	[sflag:s9] =	ssyncset.done $0x0  }
0x329: {  	[sflag:s9] =	ssyncadd.s32 $0xFFFF8300  }
0x32a: {  	[hbm4b:s0+s2] =	stream.linear.scatter [tilespmem:s6], [sflag:$0x3], $0x7D00, $0x38;
	[tilespmem:$0x1BD50] =	vst v63  }
0x32b: {  	_ =	swait.ge [sflag:s3], $0x7D00  }
0x32c: {  	[sflag:s3] =	ssyncset.done $0x0  }
0x32d: {  	[sflag:s3] =	ssyncadd.s32 $0xFFFF8300  }
0x32e: {  	[tilespmem:s6], [sflag:$0x1] =	stream.indirect.gather [hbm4b:s4+s7], $0x20, s30, s7, $0xb8;
	[tilespmem:$0x1BD50] =	vst v63  }
0x32f: {  	_ =	swait.ge [sflag:s8], $0x7D00  }
0x330: {  	s0 =	sld [smem:$0x7CE]  }
0x331: {  	[sflag:s8] =	ssyncset.done $0x0  }
0x332: {  	[sflag:s8] =	ssyncadd.s32 $0xFFFF8300  }
0x333: {  	[hbm4b:s0+s2] =	stream.linear.scatter [tilespmem:s5], [sflag:$0x3], $0x7D00, $0x38;
	[tilespmem:$0x1BD50] =	vst v63  }
0x334: {  	_ =	swait.ge [sflag:s3], $0x7D00  }
0x335: {  	[sflag:s3] =	ssyncset.done $0x0  }
0x336: {  	[sflag:s3] =	ssyncadd.s32 $0xFFFF8300  }
0x337: {  	[tilespmem:s5], [sflag:$0x2] =	stream.indirect.gather [hbm4b:s4+s7], $0x20, s29, s7, $0xb8;
	[tilespmem:$0x1BD50] =	vst v63  }
0x338: {  	_ =	swait.ge [sflag:s9], $0x7D00  }
0x339: {  	s0 =	sld [smem:$0x7CF]  }
0x33a: {  	[sflag:s9] =	ssyncset.done $0x0  }
0x33b: {  	[sflag:s9] =	ssyncadd.s32 $0xFFFF8300  }
0x33c: {  	[hbm4b:s0+s2] =	stream.linear.scatter [tilespmem:s6], [sflag:$0x3], $0x7D00, $0x38;
	[tilespmem:$0x1BD50] =	vst v63  }
0x33d: {  	_ =	swait.ge [sflag:s3], $0x7D00  }
0x33e: {  	[sflag:s3] =	ssyncset.done $0x0  }
0x33f: {  	[sflag:s3] =	ssyncadd.s32 $0xFFFF8300  }
0x340: {  	[tilespmem:s6], [sflag:$0x1] =	stream.indirect.gather [hbm4b:s4+s7], $0x20, s28, s7, $0xb8;
	[tilespmem:$0x1BD50] =	vst v63  }
0x341: {  	_ =	swait.ge [sflag:s8], $0x7D00  }
0x342: {  	s0 =	sld [smem:$0x7D0]  }
0x343: {  	[sflag:s8] =	ssyncset.done $0x0  }
0x344: {  	[sflag:s8] =	ssyncadd.s32 $0xFFFF8300  }
0x345: {  	[hbm4b:s0+s2] =	stream.linear.scatter [tilespmem:s5], [sflag:$0x3], $0x7D00, $0x38;
	[tilespmem:$0x1BD50] =	vst v63  }
0x346: {  	_ =	swait.ge [sflag:s3], $0x7D00  }
0x347: {  	[sflag:s3] =	ssyncset.done $0x0  }
0x348: {  	[sflag:s3] =	ssyncadd.s32 $0xFFFF8300  }
0x349: {  	[tilespmem:s5], [sflag:$0x2] =	stream.indirect.gather [hbm4b:s4+s7], $0x20, s26, s7, $0xb8;
	[tilespmem:$0x1BD50] =	vst v63  }
0x34a: {  	_ =	swait.ge [sflag:s9], $0x7D00  }
0x34b: {  	s0 =	sld [smem:$0x7D1]  }
0x34c: {  	[sflag:s9] =	ssyncset.done $0x0  }
0x34d: {  	[sflag:s9] =	ssyncadd.s32 $0xFFFF8300  }
0x34e: {  	[hbm4b:s0+s2] =	stream.linear.scatter [tilespmem:s6], [sflag:$0x3], $0x7D00, $0x38;
	[tilespmem:$0x1BD50] =	vst v63  }
0x34f: {  	_ =	swait.ge [sflag:s3], $0x7D00  }
0x350: {  	[sflag:s3] =	ssyncset.done $0x0  }
0x351: {  	[sflag:s3] =	ssyncadd.s32 $0xFFFF8300  }
0x352: {  	[tilespmem:s6], [sflag:$0x1] =	stream.indirect.gather [hbm4b:s4+s7], $0x20, s25, s7, $0xb8;
	[tilespmem:$0x1BD50] =	vst v63  }
0x353: {  	_ =	swait.ge [sflag:s8], $0x7D00  }
0x354: {  	s0 =	sld [smem:$0x7D2]  }
0x355: {  	[sflag:s8] =	ssyncset.done $0x0  }
0x356: {  	[sflag:s8] =	ssyncadd.s32 $0xFFFF8300  }
0x357: {  	[hbm4b:s0+s2] =	stream.linear.scatter [tilespmem:s5], [sflag:$0x3], $0x7D00, $0x38;
	[tilespmem:$0x1BD50] =	vst v63  }
0x358: {  	_ =	swait.ge [sflag:s3], $0x7D00  }
0x359: {  	[sflag:s3] =	ssyncset.done $0x0  }
0x35a: {  	[sflag:s3] =	ssyncadd.s32 $0xFFFF8300  }
0x35b: {  	[tilespmem:s5], [sflag:$0x2] =	stream.indirect.gather [hbm4b:s4+s7], $0x20, s24, s7, $0xb8;
	[tilespmem:$0x1BD50] =	vst v63  }
0x35c: {  	_ =	swait.ge [sflag:s9], $0x7D00  }
0x35d: {  	s0 =	sld [smem:$0x7D3]  }
0x35e: {  	[sflag:s9] =	ssyncset.done $0x0  }
0x35f: {  	[sflag:s9] =	ssyncadd.s32 $0xFFFF8300  }
0x360: {  	[hbm4b:s0+s2] =	stream.linear.scatter [tilespmem:s6], [sflag:$0x3], $0x7D00, $0x38;
	[tilespmem:$0x1BD50] =	vst v63  }
0x361: {  	_ =	swait.ge [sflag:s3], $0x7D00  }
0x362: {  	[sflag:s3] =	ssyncset.done $0x0  }
0x363: {  	[sflag:s3] =	ssyncadd.s32 $0xFFFF8300  }
0x364: {  	[tilespmem:s6], [sflag:$0x1] =	stream.indirect.gather [hbm4b:s4+s7], $0x20, s23, s7, $0xb8;
	[tilespmem:$0x1BD50] =	vst v63  }
0x365: {  	_ =	swait.ge [sflag:s8], $0x7D00  }
0x366: {  	s0 =	sld [smem:$0x7D4]  }
0x367: {  	[sflag:s8] =	ssyncset.done $0x0  }
0x368: {  	[sflag:s8] =	ssyncadd.s32 $0xFFFF8300  }
0x369: {  	[hbm4b:s0+s2] =	stream.linear.scatter [tilespmem:s5], [sflag:$0x3], $0x7D00, $0x38;
	[tilespmem:$0x1BD50] =	vst v63  }
0x36a: {  	_ =	swait.ge [sflag:s3], $0x7D00  }
0x36b: {  	[sflag:s3] =	ssyncset.done $0x0  }
0x36c: {  	[sflag:s3] =	ssyncadd.s32 $0xFFFF8300  }
0x36d: {  	[tilespmem:s5], [sflag:$0x2] =	stream.indirect.gather [hbm4b:s4+s7], $0x20, s22, s7, $0xb8;
	[tilespmem:$0x1BD50] =	vst v63  }
0x36e: {  	_ =	swait.ge [sflag:s9], $0x7D00  }
0x36f: {  	s0 =	sld [smem:$0x7D5]  }
0x370: {  	[sflag:s9] =	ssyncset.done $0x0  }
0x371: {  	[sflag:s9] =	ssyncadd.s32 $0xFFFF8300  }
0x372: {  	[hbm4b:s0+s2] =	stream.linear.scatter [tilespmem:s6], [sflag:$0x3], $0x7D00, $0x38;
	[tilespmem:$0x1BD50] =	vst v63  }
0x373: {  	_ =	swait.ge [sflag:s3], $0x7D00  }
0x374: {  	[sflag:s3] =	ssyncset.done $0x0  }
0x375: {  	[sflag:s3] =	ssyncadd.s32 $0xFFFF8300  }
0x376: {  	[tilespmem:s6], [sflag:$0x1] =	stream.indirect.gather [hbm4b:s4+s7], $0x20, s21, s7, $0xb8;
	[tilespmem:$0x1BD50] =	vst v63  }
0x377: {  	_ =	swait.ge [sflag:s8], $0x7D00  }
0x378: {  	s0 =	sld [smem:$0x7D6]  }
0x379: {  	[sflag:s8] =	ssyncset.done $0x0  }
0x37a: {  	[sflag:s8] =	ssyncadd.s32 $0xFFFF8300  }
0x37b: {  	[hbm4b:s0+s2] =	stream.linear.scatter [tilespmem:s5], [sflag:$0x3], $0x7D00, $0x38;
	[tilespmem:$0x1BD50] =	vst v63  }
0x37c: {  	_ =	swait.ge [sflag:s3], $0x7D00  }
0x37d: {  	[sflag:s3] =	ssyncset.done $0x0  }
0x37e: {  	[sflag:s3] =	ssyncadd.s32 $0xFFFF8300  }
0x37f: {  	[tilespmem:s5], [sflag:$0x2] =	stream.indirect.gather [hbm4b:s4+s7], $0x20, s20, s7, $0xb8;
	[tilespmem:$0x1BD50] =	vst v63  }
0x380: {  	_ =	swait.ge [sflag:s9], $0x7D00  }
0x381: {  	s0 =	sld [smem:$0x7D7]  }
0x382: {  	[sflag:s9] =	ssyncset.done $0x0  }
0x383: {  	[sflag:s9] =	ssyncadd.s32 $0xFFFF8300  }
0x384: {  	[hbm4b:s0+s2] =	stream.linear.scatter [tilespmem:s6], [sflag:$0x3], $0x7D00, $0x38;
	[tilespmem:$0x1BD50] =	vst v63  }
0x385: {  	_ =	swait.ge [sflag:s3], $0x7D00  }
0x386: {  	[sflag:s3] =	ssyncset.done $0x0  }
0x387: {  	[sflag:s3] =	ssyncadd.s32 $0xFFFF8300  }
0x388: {  	[tilespmem:s6], [sflag:$0x1] =	stream.indirect.gather [hbm4b:s4+s7], $0x20, s19, s7, $0xb8;
	[tilespmem:$0x1BD50] =	vst v63  }
0x389: {  	_ =	swait.ge [sflag:s8], $0x7D00  }
0x38a: {  	s0 =	sld [smem:$0x7D8]  }
0x38b: {  	[sflag:s8] =	ssyncset.done $0x0  }
0x38c: {  	[sflag:s8] =	ssyncadd.s32 $0xFFFF8300  }
0x38d: {  	[hbm4b:s0+s2] =	stream.linear.scatter [tilespmem:s5], [sflag:$0x3], $0x7D00, $0x38;
	[tilespmem:$0x1BD50] =	vst v63  }
0x38e: {  	_ =	swait.ge [sflag:s3], $0x7D00  }
0x38f: {  	[sflag:s3] =	ssyncset.done $0x0  }
0x390: {  	[sflag:s3] =	ssyncadd.s32 $0xFFFF8300  }
0x391: {  	[tilespmem:s5], [sflag:$0x2] =	stream.indirect.gather [hbm4b:s4+s7], $0x20, s18, s7, $0xb8;
	[tilespmem:$0x1BD50] =	vst v63  }
0x392: {  	_ =	swait.ge [sflag:s9], $0x7D00  }
0x393: {  	s0 =	sld [smem:$0x7D9]  }
0x394: {  	[sflag:s9] =	ssyncset.done $0x0  }
0x395: {  	[sflag:s9] =	ssyncadd.s32 $0xFFFF8300  }
0x396: {  	[hbm4b:s0+s2] =	stream.linear.scatter [tilespmem:s6], [sflag:$0x3], $0x7D00, $0x38;
	[tilespmem:$0x1BD50] =	vst v63  }
0x397: {  	_ =	swait.ge [sflag:s3], $0x7D00  }
0x398: {  	[sflag:s3] =	ssyncset.done $0x0  }
0x399: {  	[sflag:s3] =	ssyncadd.s32 $0xFFFF8300  }
0x39a: {  	[tilespmem:s6], [sflag:$0x1] =	stream.indirect.gather [hbm4b:s4+s7], $0x20, s17, s7, $0xb8;
	[tilespmem:$0x1BD50] =	vst v63  }
0x39b: {  	_ =	swait.ge [sflag:s8], $0x7D00  }
0x39c: {  	s0 =	sld [smem:$0x7DA]  }
0x39d: {  	[sflag:s8] =	ssyncset.done $0x0  }
0x39e: {  	[sflag:s8] =	ssyncadd.s32 $0xFFFF8300  }
0x39f: {  	[hbm4b:s0+s2] =	stream.linear.scatter [tilespmem:s5], [sflag:$0x3], $0x7D00, $0x38;
	[tilespmem:$0x1BD50] =	vst v63  }
0x3a0: {  	_ =	swait.ge [sflag:s3], $0x7D00  }
0x3a1: {  	[sflag:s3] =	ssyncset.done $0x0  }
0x3a2: {  	[sflag:s3] =	ssyncadd.s32 $0xFFFF8300  }
0x3a3: {  	[tilespmem:s5], [sflag:$0x2] =	stream.indirect.gather [hbm4b:s4+s7], $0x20, s16, s7, $0xb8;
	[tilespmem:$0x1BD50] =	vst v63  }
0x3a4: {  	_ =	swait.ge [sflag:s9], $0x7D00  }
0x3a5: {  	s0 =	sld [smem:$0x7DB]  }
0x3a6: {  	[sflag:s9] =	ssyncset.done $0x0  }
0x3a7: {  	[sflag:s9] =	ssyncadd.s32 $0xFFFF8300  }
0x3a8: {  	[hbm4b:s0+s2] =	stream.linear.scatter [tilespmem:s6], [sflag:$0x3], $0x7D00, $0x38;
	[tilespmem:$0x1BD50] =	vst v63  }
0x3a9: {  	_ =	swait.ge [sflag:s3], $0x7D00  }
0x3aa: {  	[sflag:s3] =	ssyncset.done $0x0  }
0x3ab: {  	[sflag:s3] =	ssyncadd.s32 $0xFFFF8300  }
0x3ac: {  	[tilespmem:s6], [sflag:$0x1] =	stream.indirect.gather [hbm4b:s4+s7], $0x20, s15, s7, $0xb8;
	[tilespmem:$0x1BD50] =	vst v63  }
0x3ad: {  	_ =	swait.ge [sflag:s8], $0x7D00  }
0x3ae: {  	s0 =	sld [smem:$0x7DC]  }
0x3af: {  	[sflag:s8] =	ssyncset.done $0x0  }
0x3b0: {  	[sflag:s8] =	ssyncadd.s32 $0xFFFF8300  }
0x3b1: {  	[hbm4b:s0+s2] =	stream.linear.scatter [tilespmem:s5], [sflag:$0x3], $0x7D00, $0x38;
	[tilespmem:$0x1BD50] =	vst v63  }
0x3b2: {  	_ =	swait.ge [sflag:s3], $0x7D00  }
0x3b3: {  	[sflag:s3] =	ssyncset.done $0x0  }
0x3b4: {  	[sflag:s3] =	ssyncadd.s32 $0xFFFF8300  }
0x3b5: {  	[tilespmem:s5], [sflag:$0x2] =	stream.indirect.gather [hbm4b:s4+s7], $0x20, s14, s7, $0xb8;
	[tilespmem:$0x1BD50] =	vst v63  }
0x3b6: {  	_ =	swait.ge [sflag:s9], $0x7D00  }
0x3b7: {  	s0 =	sld [smem:$0x7DD]  }
0x3b8: {  	[sflag:s9] =	ssyncset.done $0x0  }
0x3b9: {  	[sflag:s9] =	ssyncadd.s32 $0xFFFF8300  }
0x3ba: {  	[hbm4b:s0+s2] =	stream.linear.scatter [tilespmem:s6], [sflag:$0x3], $0x7D00, $0x38;
	[tilespmem:$0x1BD50] =	vst v63  }
0x3bb: {  	_ =	swait.ge [sflag:s3], $0x7D00  }
0x3bc: {  	[sflag:s3] =	ssyncset.done $0x0  }
0x3bd: {  	[sflag:s3] =	ssyncadd.s32 $0xFFFF8300  }
0x3be: {  	[tilespmem:s6], [sflag:$0x1] =	stream.indirect.gather [hbm4b:s4+s7], $0x20, s13, s7, $0xb8;
	[tilespmem:$0x1BD50] =	vst v63  }
0x3bf: {  	_ =	swait.ge [sflag:s8], $0x7D00  }
0x3c0: {  	s0 =	sld [smem:$0x7DE]  }
0x3c1: {  	[sflag:s8] =	ssyncset.done $0x0  }
0x3c2: {  	[sflag:s8] =	ssyncadd.s32 $0xFFFF8300  }
0x3c3: {  	[hbm4b:s0+s2] =	stream.linear.scatter [tilespmem:s5], [sflag:$0x3], $0x7D00, $0x38;
	[tilespmem:$0x1BD50] =	vst v63  }
0x3c4: {  	_ =	swait.ge [sflag:s3], $0x7D00  }
0x3c5: {  	[sflag:s3] =	ssyncset.done $0x0  }
0x3c6: {  	[sflag:s3] =	ssyncadd.s32 $0xFFFF8300  }
0x3c7: {  	[tilespmem:s5], [sflag:$0x2] =	stream.indirect.gather [hbm4b:s4+s7], $0x20, s12, s7, $0xb8;
	[tilespmem:$0x1BD50] =	vst v63  }
0x3c8: {  	_ =	swait.ge [sflag:s9], $0x7D00  }
0x3c9: {  	s0 =	sld [smem:$0x7DF]  }
0x3ca: {  	[sflag:s9] =	ssyncset.done $0x0  }
0x3cb: {  	[sflag:s9] =	ssyncadd.s32 $0xFFFF8300  }
0x3cc: {  	[hbm4b:s0+s2] =	stream.linear.scatter [tilespmem:s6], [sflag:$0x3], $0x7D00, $0x38;
	[tilespmem:$0x1BD50] =	vst v63  }
0x3cd: {  	_ =	swait.ge [sflag:s3], $0x7D00  }
0x3ce: {  	[sflag:s3] =	ssyncset.done $0x0  }
0x3cf: {  	[sflag:s3] =	ssyncadd.s32 $0xFFFF8300  }
0x3d0: {  	[tilespmem:s6], [sflag:$0x1] =	stream.indirect.gather [hbm4b:s4+s7], $0x20, s11, s7, $0xb8;
	[tilespmem:$0x1BD50] =	vst v63  }
0x3d1: {  	_ =	swait.ge [sflag:s8], $0x7D00  }
0x3d2: {  	s0 =	sld [smem:$0x7E0]  }
0x3d3: {  	[sflag:s8] =	ssyncset.done $0x0  }
0x3d4: {  	[sflag:s8] =	ssyncadd.s32 $0xFFFF8300  }
0x3d5: {  	[hbm4b:s0+s2] =	stream.linear.scatter [tilespmem:s5], [sflag:$0x3], $0x7D00, $0x38;
	[tilespmem:$0x1BD50] =	vst v63  }
0x3d6: {  	_ =	swait.ge [sflag:s3], $0x7D00  }
0x3d7: {  	[sflag:s3] =	ssyncset.done $0x0  }
0x3d8: {  	[sflag:s3] =	ssyncadd.s32 $0xFFFF8300  }
0x3d9: {  	[tilespmem:s5], [sflag:$0x2] =	stream.indirect.gather [hbm4b:s4+s7], $0x20, s10, s7, $0xb8;
	[tilespmem:$0x1BD50] =	vst v63  }
0x3da: {  	_ =	swait.ge [sflag:s9], $0x7D00  }
0x3db: {  	s0 =	sld [smem:$0x7E1]  }
0x3dc: {  	[sflag:s9] =	ssyncset.done $0x0  }
0x3dd: {  	[sflag:s9] =	ssyncadd.s32 $0xFFFF8300  }
0x3de: {  	[hbm4b:s0+s2] =	stream.linear.scatter [tilespmem:s6], [sflag:$0x3], $0x7D00, $0x38;
	[tilespmem:$0x1BD50] =	vst v63  }
0x3df: {  	_ =	swait.ge [sflag:s3], $0x7D00  }
0x3e0: {  	[sflag:s3] =	ssyncset.done $0x0  }
0x3e1: {  	[sflag:s3] =	ssyncadd.s32 $0xFFFF8300  }
0x3e2: {  	_ =	swait.ge [sflag:s8], $0x7D00  }
0x3e3: {  	p1 =	sne.s32 s1, $0x1;
	s0 =	sld [smem:$0x7E2]  }
.Ltmp2:
0x3e4: {  	[sflag:s8] =	ssyncset.done $0x0;
	(pc) =	sbr.rel @p1 .LBB2_2-.Ltmp2, $4  }
0x3e5: {  	[sflag:s8] =	ssyncadd.s32 $0xFFFF8300  }
0x3e6: {  	[hbm4b:s0+s2] =	stream.linear.scatter [tilespmem:s5], [sflag:$0x3], $0x7D00, $0x38;
	[tilespmem:$0x1BD50] =	vst v63  }
0x3e7: {  	_ =	swait.ge [sflag:s3], $0x7D00  }
0x3e8: {  	s1 =	sadd.s32 $0xFFFFFFFF, s1;
	s0 =	rddreg [dreg:$0x3];
	[sflag:s3] =	ssyncset.done $0x0  }
.LBB2_3:
0x3e9: {  	[sflag:s3] =	ssyncadd.s32 @p0 $0xFFFF8300  }
0x3ea: {  	[tilespmem:s2], [sflag:$0x3] =	stream.linear.gather [hbm4b:s0+s2], $0xC350, $0x38;
	[tilespmem:$0x1BD50] =	vst v63  }
0x3eb: {  	_ =	swait.ge [sflag:s3], $0xC350  }
0x3ec: {  	[sflag:s3] =	ssyncset.done $0x0  }
0x3ed: {  	[sflag:s3] =	ssyncadd.s32 $0xFFFF3CB0  }
0x3ee: {  	[tilespmem:s6], [sflag:$0x1] =	stream.indirect.gather [hbm4b:s4+s7], $0x20, s2, s7, $0xb8;
	[tilespmem:$0x1BD50] =	vst v63  }
0x3ef: {  	_ = 	snop  }
0x3f0: {  	[tilespmem:s5], [sflag:$0x2] =	stream.indirect.gather [hbm4b:s4+s7], $0x20, s7, s7, $0xb8;
	[tilespmem:$0x1BD50] =	vst v63  }
0x3f1: {  	_ =	swait.ge [sflag:s9], $0x7D00  }
0x3f2: {  	[sflag:s9] =	ssyncset.done $0x0  }
0x3f3: {  	s1 =	rddreg [dreg:$0x4];
	[sflag:s9] =	ssyncadd.s32 $0xFFFF8300  }
0x3f4: {  	[hbm4b:s1+s2] =	stream.linear.scatter [tilespmem:s6], [sflag:$0x3], $0x7D00, $0x38;
	[tilespmem:$0x1BD50] =	vst v63  }
0x3f5: {  	_ =	swait.ge [sflag:s3], $0x7D00  }
0x3f6: {  	s1 =	sld [smem:$0x7E3]  }
0x3f7: {  	[sflag:s3] =	ssyncset.done $0x0  }
0x3f8: {  	[sflag:s3] =	ssyncadd.s32 $0xFFFF8300  }
0x3f9: {  	[tilespmem:s6], [sflag:$0x1] =	stream.indirect.gather [hbm4b:s4+s7], $0x20, s1, s7, $0xb8;
	[tilespmem:$0x1BD50] =	vst v63  }
0x3fa: {  	_ =	swait.ge [sflag:s8], $0x7D00  }
0x3fb: {  	[sflag:s8] =	ssyncset.done $0x0  }
0x3fc: {  	s1 =	rddreg [dreg:$0x5];
	[sflag:s8] =	ssyncadd.s32 $0xFFFF8300  }
0x3fd: {  	[hbm4b:s1+s2] =	stream.linear.scatter [tilespmem:s5], [sflag:$0x3], $0x7D00, $0x38;
	[tilespmem:$0x1BD50] =	vst v63  }
0x3fe: {  	_ =	swait.ge [sflag:s3], $0x7D00  }
0x3ff: {  	s1 =	sld [smem:$0x7E4]  }
0x400: {  	[sflag:s3] =	ssyncset.done $0x0  }
0x401: {  	[sflag:s3] =	ssyncadd.s32 $0xFFFF8300  }
0x402: {  	[tilespmem:s5], [sflag:$0x2] =	stream.indirect.gather [hbm4b:s4+s7], $0x20, s1, s7, $0xb8;
	[tilespmem:$0x1BD50] =	vst v63  }
0x403: {  	_ =	swait.ge [sflag:s9], $0x7D00  }
0x404: {  	[sflag:s9] =	ssyncset.done $0x0  }
0x405: {  	s1 =	rddreg [dreg:$0x6];
	[sflag:s9] =	ssyncadd.s32 $0xFFFF8300  }
0x406: {  	[hbm4b:s1+s2] =	stream.linear.scatter [tilespmem:s6], [sflag:$0x3], $0x7D00, $0x38;
	[tilespmem:$0x1BD50] =	vst v63  }
0x407: {  	_ =	swait.ge [sflag:s3], $0x7D00  }
0x408: {  	s1 =	sld [smem:$0x7E5]  }
0x409: {  	[sflag:s3] =	ssyncset.done $0x0  }
0x40a: {  	[sflag:s3] =	ssyncadd.s32 $0xFFFF8300  }
0x40b: {  	[tilespmem:s6], [sflag:$0x1] =	stream.indirect.gather [hbm4b:s4+s7], $0x20, s1, s7, $0xb8;
	[tilespmem:$0x1BD50] =	vst v63  }
0x40c: {  	_ =	swait.ge [sflag:s8], $0x7D00  }
0x40d: {  	[sflag:s8] =	ssyncset.done $0x0  }
0x40e: {  	s1 =	rddreg [dreg:$0x7];
	[sflag:s8] =	ssyncadd.s32 $0xFFFF8300  }
0x40f: {  	[hbm4b:s1+s2] =	stream.linear.scatter [tilespmem:s5], [sflag:$0x3], $0x7D00, $0x38;
	[tilespmem:$0x1BD50] =	vst v63  }
0x410: {  	_ =	swait.ge [sflag:s3], $0x7D00  }
0x411: {  	s1 =	sld [smem:$0x7E6]  }
0x412: {  	[sflag:s3] =	ssyncset.done $0x0  }
0x413: {  	[sflag:s3] =	ssyncadd.s32 $0xFFFF8300  }
0x414: {  	[tilespmem:s5], [sflag:$0x2] =	stream.indirect.gather [hbm4b:s4+s7], $0x20, s1, s7, $0xb8;
	[tilespmem:$0x1BD50] =	vst v63  }
0x415: {  	_ =	swait.ge [sflag:s9], $0x7D00  }
0x416: {  	[sflag:s9] =	ssyncset.done $0x0  }
0x417: {  	s1 =	rddreg [dreg:$0x8];
	[sflag:s9] =	ssyncadd.s32 $0xFFFF8300  }
0x418: {  	[hbm4b:s1+s2] =	stream.linear.scatter [tilespmem:s6], [sflag:$0x3], $0x7D00, $0x38;
	[tilespmem:$0x1BD50] =	vst v63  }
0x419: {  	_ =	swait.ge [sflag:s3], $0x7D00  }
0x41a: {  	s1 =	sld [smem:$0x7E7]  }
0x41b: {  	[sflag:s3] =	ssyncset.done $0x0  }
0x41c: {  	[sflag:s3] =	ssyncadd.s32 $0xFFFF8300  }
0x41d: {  	[tilespmem:s6], [sflag:$0x1] =	stream.indirect.gather [hbm4b:s4+s7], $0x20, s1, s7, $0xb8;
	[tilespmem:$0x1BD50] =	vst v63  }
0x41e: {  	_ =	swait.ge [sflag:s8], $0x7D00  }
0x41f: {  	[sflag:s8] =	ssyncset.done $0x0  }
0x420: {  	s1 =	rddreg [dreg:$0x9];
	[sflag:s8] =	ssyncadd.s32 $0xFFFF8300  }
0x421: {  	[hbm4b:s1+s2] =	stream.linear.scatter [tilespmem:s5], [sflag:$0x3], $0x7D00, $0x38;
	[tilespmem:$0x1BD50] =	vst v63  }
0x422: {  	_ =	swait.ge [sflag:s3], $0x7D00  }
0x423: {  	s1 =	sld [smem:$0x7E8]  }
0x424: {  	[sflag:s3] =	ssyncset.done $0x0  }
0x425: {  	[sflag:s3] =	ssyncadd.s32 $0xFFFF8300  }
0x426: {  	[tilespmem:s5], [sflag:$0x2] =	stream.indirect.gather [hbm4b:s4+s7], $0x20, s1, s7, $0xb8;
	[tilespmem:$0x1BD50] =	vst v63  }
0x427: {  	_ =	swait.ge [sflag:s9], $0x7D00  }
0x428: {  	[sflag:s9] =	ssyncset.done $0x0  }
0x429: {  	s1 =	rddreg [dreg:$0xa];
	[sflag:s9] =	ssyncadd.s32 $0xFFFF8300  }
0x42a: {  	[hbm4b:s1+s2] =	stream.linear.scatter [tilespmem:s6], [sflag:$0x3], $0x7D00, $0x38;
	[tilespmem:$0x1BD50] =	vst v63  }
0x42b: {  	_ =	swait.ge [sflag:s3], $0x7D00  }
0x42c: {  	s1 =	sld [smem:$0x7E9]  }
0x42d: {  	[sflag:s3] =	ssyncset.done $0x0  }
0x42e: {  	[sflag:s3] =	ssyncadd.s32 $0xFFFF8300  }
0x42f: {  	[tilespmem:s6], [sflag:$0x1] =	stream.indirect.gather [hbm4b:s4+s7], $0x20, s1, s7, $0xb8;
	[tilespmem:$0x1BD50] =	vst v63  }
0x430: {  	_ =	swait.ge [sflag:s8], $0x7D00  }
0x431: {  	[sflag:s8] =	ssyncset.done $0x0  }
0x432: {  	s1 =	rddreg [dreg:$0xb];
	[sflag:s8] =	ssyncadd.s32 $0xFFFF8300  }
0x433: {  	[hbm4b:s1+s2] =	stream.linear.scatter [tilespmem:s5], [sflag:$0x3], $0x7D00, $0x38;
	[tilespmem:$0x1BD50] =	vst v63  }
0x434: {  	_ =	swait.ge [sflag:s3], $0x7D00  }
0x435: {  	s1 =	sld [smem:$0x7EA]  }
0x436: {  	[sflag:s3] =	ssyncset.done $0x0  }
0x437: {  	[sflag:s3] =	ssyncadd.s32 $0xFFFF8300  }
0x438: {  	[tilespmem:s5], [sflag:$0x2] =	stream.indirect.gather [hbm4b:s4+s7], $0x20, s1, s7, $0xb8;
	[tilespmem:$0x1BD50] =	vst v63  }
0x439: {  	_ =	swait.ge [sflag:s9], $0x7D00  }
0x43a: {  	[sflag:s9] =	ssyncset.done $0x0  }
0x43b: {  	s1 =	rddreg [dreg:$0xc];
	[sflag:s9] =	ssyncadd.s32 $0xFFFF8300  }
0x43c: {  	[hbm4b:s1+s2] =	stream.linear.scatter [tilespmem:s6], [sflag:$0x3], $0x7D00, $0x38;
	[tilespmem:$0x1BD50] =	vst v63  }
0x43d: {  	_ =	swait.ge [sflag:s3], $0x7D00  }
0x43e: {  	s1 =	sld [smem:$0x7EB]  }
0x43f: {  	[sflag:s3] =	ssyncset.done $0x0  }
0x440: {  	[sflag:s3] =	ssyncadd.s32 $0xFFFF8300  }
0x441: {  	[tilespmem:s6], [sflag:$0x1] =	stream.indirect.gather [hbm4b:s4+s7], $0x20, s1, s7, $0xb8;
	[tilespmem:$0x1BD50] =	vst v63  }
0x442: {  	_ =	swait.ge [sflag:s8], $0x7D00  }
0x443: {  	[sflag:s8] =	ssyncset.done $0x0  }
0x444: {  	s1 =	rddreg [dreg:$0xd];
	[sflag:s8] =	ssyncadd.s32 $0xFFFF8300  }
0x445: {  	[hbm4b:s1+s2] =	stream.linear.scatter [tilespmem:s5], [sflag:$0x3], $0x7D00, $0x38;
	[tilespmem:$0x1BD50] =	vst v63  }
0x446: {  	_ =	swait.ge [sflag:s3], $0x7D00  }
0x447: {  	s1 =	sld [smem:$0x7EC]  }
0x448: {  	[sflag:s3] =	ssyncset.done $0x0  }
0x449: {  	[sflag:s3] =	ssyncadd.s32 $0xFFFF8300  }
0x44a: {  	[tilespmem:s5], [sflag:$0x2] =	stream.indirect.gather [hbm4b:s4+s7], $0x20, s1, s7, $0xb8;
	[tilespmem:$0x1BD50] =	vst v63  }
0x44b: {  	_ =	swait.ge [sflag:s9], $0x7D00  }
0x44c: {  	[sflag:s9] =	ssyncset.done $0x0  }
0x44d: {  	s1 =	rddreg [dreg:$0xe];
	[sflag:s9] =	ssyncadd.s32 $0xFFFF8300  }
0x44e: {  	[hbm4b:s1+s2] =	stream.linear.scatter [tilespmem:s6], [sflag:$0x3], $0x7D00, $0x38;
	[tilespmem:$0x1BD50] =	vst v63  }
0x44f: {  	_ =	swait.ge [sflag:s3], $0x7D00  }
0x450: {  	s1 =	sld [smem:$0x7ED]  }
0x451: {  	[sflag:s3] =	ssyncset.done $0x0  }
0x452: {  	[sflag:s3] =	ssyncadd.s32 $0xFFFF8300  }
0x453: {  	[tilespmem:s6], [sflag:$0x1] =	stream.indirect.gather [hbm4b:s4+s7], $0x20, s1, s7, $0xb8;
	[tilespmem:$0x1BD50] =	vst v63  }
0x454: {  	_ =	swait.ge [sflag:s8], $0x7D00  }
0x455: {  	[sflag:s8] =	ssyncset.done $0x0  }
0x456: {  	s1 =	rddreg [dreg:$0xf];
	[sflag:s8] =	ssyncadd.s32 $0xFFFF8300  }
0x457: {  	[hbm4b:s1+s2] =	stream.linear.scatter [tilespmem:s5], [sflag:$0x3], $0x7D00, $0x38;
	[tilespmem:$0x1BD50] =	vst v63  }
0x458: {  	_ =	swait.ge [sflag:s3], $0x7D00  }
0x459: {  	s1 =	sld [smem:$0x7EE]  }
0x45a: {  	[sflag:s3] =	ssyncset.done $0x0  }
0x45b: {  	[sflag:s3] =	ssyncadd.s32 $0xFFFF8300  }
0x45c: {  	[tilespmem:s5], [sflag:$0x2] =	stream.indirect.gather [hbm4b:s4+s7], $0x20, s1, s7, $0xb8;
	[tilespmem:$0x1BD50] =	vst v63  }
0x45d: {  	_ =	swait.ge [sflag:s9], $0x7D00  }
0x45e: {  	[sflag:s9] =	ssyncset.done $0x0  }
0x45f: {  	s1 =	rddreg [dreg:$0x10];
	[sflag:s9] =	ssyncadd.s32 $0xFFFF8300  }
0x460: {  	[hbm4b:s1+s2] =	stream.linear.scatter [tilespmem:s6], [sflag:$0x3], $0x7D00, $0x38;
	[tilespmem:$0x1BD50] =	vst v63  }
0x461: {  	_ =	swait.ge [sflag:s3], $0x7D00  }
0x462: {  	s1 =	sld [smem:$0x7EF]  }
0x463: {  	[sflag:s3] =	ssyncset.done $0x0  }
0x464: {  	[sflag:s3] =	ssyncadd.s32 $0xFFFF8300  }
0x465: {  	[tilespmem:s6], [sflag:$0x1] =	stream.indirect.gather [hbm4b:s4+s7], $0x20, s1, s7, $0xb8;
	[tilespmem:$0x1BD50] =	vst v63  }
0x466: {  	_ =	swait.ge [sflag:s8], $0x7D00  }
0x467: {  	[sflag:s8] =	ssyncset.done $0x0  }
0x468: {  	s1 =	rddreg [dreg:$0x11];
	[sflag:s8] =	ssyncadd.s32 $0xFFFF8300  }
0x469: {  	[hbm4b:s1+s2] =	stream.linear.scatter [tilespmem:s5], [sflag:$0x3], $0x7D00, $0x38;
	[tilespmem:$0x1BD50] =	vst v63  }
0x46a: {  	_ =	swait.ge [sflag:s3], $0x7D00  }
0x46b: {  	s1 =	sld [smem:$0x7F0]  }
0x46c: {  	[sflag:s3] =	ssyncset.done $0x0  }
0x46d: {  	[sflag:s3] =	ssyncadd.s32 $0xFFFF8300  }
0x46e: {  	[tilespmem:s5], [sflag:$0x2] =	stream.indirect.gather [hbm4b:s4+s7], $0x20, s1, s7, $0xb8;
	[tilespmem:$0x1BD50] =	vst v63  }
0x46f: {  	_ =	swait.ge [sflag:s9], $0x7D00  }
0x470: {  	[sflag:s9] =	ssyncset.done $0x0  }
0x471: {  	s1 =	rddreg [dreg:$0x12];
	[sflag:s9] =	ssyncadd.s32 $0xFFFF8300  }
0x472: {  	[hbm4b:s1+s2] =	stream.linear.scatter [tilespmem:s6], [sflag:$0x3], $0x7D00, $0x38;
	[tilespmem:$0x1BD50] =	vst v63  }
0x473: {  	_ =	swait.ge [sflag:s3], $0x7D00  }
0x474: {  	s1 =	sld [smem:$0x7F1]  }
0x475: {  	[sflag:s3] =	ssyncset.done $0x0  }
0x476: {  	[sflag:s3] =	ssyncadd.s32 $0xFFFF8300  }
0x477: {  	[tilespmem:s6], [sflag:$0x1] =	stream.indirect.gather [hbm4b:s4+s7], $0x20, s1, s7, $0xb8;
	[tilespmem:$0x1BD50] =	vst v63  }
0x478: {  	_ =	swait.ge [sflag:s8], $0x7D00  }
0x479: {  	[sflag:s8] =	ssyncset.done $0x0  }
0x47a: {  	s1 =	rddreg [dreg:$0x13];
	[sflag:s8] =	ssyncadd.s32 $0xFFFF8300  }
0x47b: {  	[hbm4b:s1+s2] =	stream.linear.scatter [tilespmem:s5], [sflag:$0x3], $0x7D00, $0x38;
	[tilespmem:$0x1BD50] =	vst v63  }
0x47c: {  	_ =	swait.ge [sflag:s3], $0x7D00  }
0x47d: {  	s1 =	sld [smem:$0x7F2]  }
0x47e: {  	[sflag:s3] =	ssyncset.done $0x0  }
0x47f: {  	[sflag:s3] =	ssyncadd.s32 $0xFFFF8300  }
0x480: {  	[tilespmem:s5], [sflag:$0x2] =	stream.indirect.gather [hbm4b:s4+s7], $0x20, s1, s7, $0xb8;
	[tilespmem:$0x1BD50] =	vst v63  }
0x481: {  	_ =	swait.ge [sflag:s9], $0x7D00  }
0x482: {  	[sflag:s9] =	ssyncset.done $0x0  }
0x483: {  	s1 =	rddreg [dreg:$0x14];
	[sflag:s9] =	ssyncadd.s32 $0xFFFF8300  }
0x484: {  	[hbm4b:s1+s2] =	stream.linear.scatter [tilespmem:s6], [sflag:$0x3], $0x7D00, $0x38;
	[tilespmem:$0x1BD50] =	vst v63  }
0x485: {  	_ =	swait.ge [sflag:s3], $0x7D00  }
0x486: {  	s1 =	sld [smem:$0x7F3]  }
0x487: {  	[sflag:s3] =	ssyncset.done $0x0  }
0x488: {  	[sflag:s3] =	ssyncadd.s32 $0xFFFF8300  }
0x489: {  	[tilespmem:s6], [sflag:$0x1] =	stream.indirect.gather [hbm4b:s4+s7], $0x20, s1, s7, $0xb8;
	[tilespmem:$0x1BD50] =	vst v63  }
0x48a: {  	_ =	swait.ge [sflag:s8], $0x7D00  }
0x48b: {  	[sflag:s8] =	ssyncset.done $0x0  }
0x48c: {  	s1 =	rddreg [dreg:$0x15];
	[sflag:s8] =	ssyncadd.s32 $0xFFFF8300  }
0x48d: {  	[hbm4b:s1+s2] =	stream.linear.scatter [tilespmem:s5], [sflag:$0x3], $0x7D00, $0x38;
	[tilespmem:$0x1BD50] =	vst v63  }
0x48e: {  	_ =	swait.ge [sflag:s3], $0x7D00  }
0x48f: {  	s1 =	sld [smem:$0x7F4]  }
0x490: {  	[sflag:s3] =	ssyncset.done $0x0  }
0x491: {  	[sflag:s3] =	ssyncadd.s32 $0xFFFF8300  }
0x492: {  	[tilespmem:s5], [sflag:$0x2] =	stream.indirect.gather [hbm4b:s4+s7], $0x20, s1, s7, $0xb8;
	[tilespmem:$0x1BD50] =	vst v63  }
0x493: {  	_ =	swait.ge [sflag:s9], $0x7D00  }
0x494: {  	[sflag:s9] =	ssyncset.done $0x0  }
0x495: {  	s1 =	rddreg [dreg:$0x16];
	[sflag:s9] =	ssyncadd.s32 $0xFFFF8300  }
0x496: {  	[hbm4b:s1+s2] =	stream.linear.scatter [tilespmem:s6], [sflag:$0x3], $0x7D00, $0x38;
	[tilespmem:$0x1BD50] =	vst v63  }
0x497: {  	_ =	swait.ge [sflag:s3], $0x7D00  }
0x498: {  	s1 =	sld [smem:$0x7F5]  }
0x499: {  	[sflag:s3] =	ssyncset.done $0x0  }
0x49a: {  	[sflag:s3] =	ssyncadd.s32 $0xFFFF8300  }
0x49b: {  	[tilespmem:s6], [sflag:$0x1] =	stream.indirect.gather [hbm4b:s4+s7], $0x20, s1, s7, $0xb8;
	[tilespmem:$0x1BD50] =	vst v63  }
0x49c: {  	_ =	swait.ge [sflag:s8], $0x7D00  }
0x49d: {  	[sflag:s8] =	ssyncset.done $0x0  }
0x49e: {  	s1 =	rddreg [dreg:$0x17];
	[sflag:s8] =	ssyncadd.s32 $0xFFFF8300  }
0x49f: {  	[hbm4b:s1+s2] =	stream.linear.scatter [tilespmem:s5], [sflag:$0x3], $0x7D00, $0x38;
	[tilespmem:$0x1BD50] =	vst v63  }
0x4a0: {  	_ =	swait.ge [sflag:s3], $0x7D00  }
0x4a1: {  	s1 =	sld [smem:$0x7F6]  }
0x4a2: {  	[sflag:s3] =	ssyncset.done $0x0  }
0x4a3: {  	[sflag:s3] =	ssyncadd.s32 $0xFFFF8300  }
0x4a4: {  	[tilespmem:s5], [sflag:$0x2] =	stream.indirect.gather [hbm4b:s4+s7], $0x20, s1, s7, $0xb8;
	[tilespmem:$0x1BD50] =	vst v63  }
0x4a5: {  	_ =	swait.ge [sflag:s9], $0x7D00  }
0x4a6: {  	[sflag:s9] =	ssyncset.done $0x0  }
0x4a7: {  	s1 =	rddreg [dreg:$0x18];
	[sflag:s9] =	ssyncadd.s32 $0xFFFF8300  }
0x4a8: {  	[hbm4b:s1+s2] =	stream.linear.scatter [tilespmem:s6], [sflag:$0x3], $0x7D00, $0x38;
	[tilespmem:$0x1BD50] =	vst v63  }
0x4a9: {  	_ =	swait.ge [sflag:s3], $0x7D00  }
0x4aa: {  	s1 =	sld [smem:$0x7F7]  }
0x4ab: {  	[sflag:s3] =	ssyncset.done $0x0  }
0x4ac: {  	[sflag:s3] =	ssyncadd.s32 $0xFFFF8300  }
0x4ad: {  	[tilespmem:s6], [sflag:$0x1] =	stream.indirect.gather [hbm4b:s4+s7], $0x20, s1, s7, $0xb8;
	[tilespmem:$0x1BD50] =	vst v63  }
0x4ae: {  	_ =	swait.ge [sflag:s8], $0x7D00  }
0x4af: {  	[sflag:s8] =	ssyncset.done $0x0  }
0x4b0: {  	s1 =	rddreg [dreg:$0x19];
	[sflag:s8] =	ssyncadd.s32 $0xFFFF8300  }
0x4b1: {  	[hbm4b:s1+s2] =	stream.linear.scatter [tilespmem:s5], [sflag:$0x3], $0x7D00, $0x38;
	[tilespmem:$0x1BD50] =	vst v63  }
0x4b2: {  	_ =	swait.ge [sflag:s3], $0x7D00  }
0x4b3: {  	s1 =	sld [smem:$0x7F8]  }
0x4b4: {  	[sflag:s3] =	ssyncset.done $0x0  }
0x4b5: {  	[sflag:s3] =	ssyncadd.s32 $0xFFFF8300  }
0x4b6: {  	[tilespmem:s5], [sflag:$0x2] =	stream.indirect.gather [hbm4b:s4+s7], $0x20, s1, s7, $0xb8;
	[tilespmem:$0x1BD50] =	vst v63  }
0x4b7: {  	_ =	swait.ge [sflag:s9], $0x7D00  }
0x4b8: {  	[sflag:s9] =	ssyncset.done $0x0  }
0x4b9: {  	s1 =	rddreg [dreg:$0x1a];
	[sflag:s9] =	ssyncadd.s32 $0xFFFF8300  }
0x4ba: {  	[hbm4b:s1+s2] =	stream.linear.scatter [tilespmem:s6], [sflag:$0x3], $0x7D00, $0x38;
	[tilespmem:$0x1BD50] =	vst v63  }
0x4bb: {  	_ =	swait.ge [sflag:s3], $0x7D00  }
0x4bc: {  	s1 =	sld [smem:$0x7F9]  }
0x4bd: {  	[sflag:s3] =	ssyncset.done $0x0  }
0x4be: {  	[sflag:s3] =	ssyncadd.s32 $0xFFFF8300  }
0x4bf: {  	[tilespmem:s6], [sflag:$0x1] =	stream.indirect.gather [hbm4b:s4+s7], $0x20, s1, s7, $0xb8;
	[tilespmem:$0x1BD50] =	vst v63  }
0x4c0: {  	_ =	swait.ge [sflag:s8], $0x7D00  }
0x4c1: {  	[sflag:s8] =	ssyncset.done $0x0  }
0x4c2: {  	s1 =	rddreg [dreg:$0x1b];
	[sflag:s8] =	ssyncadd.s32 $0xFFFF8300  }
0x4c3: {  	[hbm4b:s1+s2] =	stream.linear.scatter [tilespmem:s5], [sflag:$0x3], $0x7D00, $0x38;
	[tilespmem:$0x1BD50] =	vst v63  }
0x4c4: {  	_ =	swait.ge [sflag:s3], $0x7D00  }
0x4c5: {  	s1 =	sld [smem:$0x7FA]  }
0x4c6: {  	[sflag:s3] =	ssyncset.done $0x0  }
0x4c7: {  	[sflag:s3] =	ssyncadd.s32 $0xFFFF8300  }
0x4c8: {  	[tilespmem:s5], [sflag:$0x2] =	stream.indirect.gather [hbm4b:s4+s7], $0x20, s1, s7, $0xb8;
	[tilespmem:$0x1BD50] =	vst v63  }
0x4c9: {  	_ =	swait.ge [sflag:s9], $0x7D00  }
0x4ca: {  	[sflag:s9] =	ssyncset.done $0x0  }
0x4cb: {  	s1 =	rddreg [dreg:$0x1c];
	[sflag:s9] =	ssyncadd.s32 $0xFFFF8300  }
0x4cc: {  	[hbm4b:s1+s2] =	stream.linear.scatter [tilespmem:s6], [sflag:$0x3], $0x7D00, $0x38;
	[tilespmem:$0x1BD50] =	vst v63  }
0x4cd: {  	_ =	swait.ge [sflag:s3], $0x7D00  }
0x4ce: {  	s1 =	sld [smem:$0x7FB]  }
0x4cf: {  	[sflag:s3] =	ssyncset.done $0x0  }
0x4d0: {  	[sflag:s3] =	ssyncadd.s32 $0xFFFF8300  }
0x4d1: {  	[tilespmem:s6], [sflag:$0x1] =	stream.indirect.gather [hbm4b:s4+s7], $0x20, s1, s7, $0xb8;
	[tilespmem:$0x1BD50] =	vst v63  }
0x4d2: {  	_ =	swait.ge [sflag:s8], $0x7D00  }
0x4d3: {  	[sflag:s8] =	ssyncset.done $0x0  }
0x4d4: {  	s1 =	rddreg [dreg:$0x1d];
	[sflag:s8] =	ssyncadd.s32 $0xFFFF8300  }
0x4d5: {  	[hbm4b:s1+s2] =	stream.linear.scatter [tilespmem:s5], [sflag:$0x3], $0x7D00, $0x38;
	[tilespmem:$0x1BD50] =	vst v63  }
0x4d6: {  	_ =	swait.ge [sflag:s3], $0x7D00  }
0x4d7: {  	s1 =	sld [smem:$0x7FC]  }
0x4d8: {  	[sflag:s3] =	ssyncset.done $0x0  }
0x4d9: {  	[sflag:s3] =	ssyncadd.s32 $0xFFFF8300  }
0x4da: {  	[tilespmem:s5], [sflag:$0x2] =	stream.indirect.gather [hbm4b:s4+s7], $0x20, s1, s7, $0xb8;
	[tilespmem:$0x1BD50] =	vst v63  }
0x4db: {  	_ =	swait.ge [sflag:s9], $0x7D00  }
0x4dc: {  	[sflag:s9] =	ssyncset.done $0x0  }
0x4dd: {  	s1 =	rddreg [dreg:$0x1e];
	[sflag:s9] =	ssyncadd.s32 $0xFFFF8300  }
0x4de: {  	[hbm4b:s1+s2] =	stream.linear.scatter [tilespmem:s6], [sflag:$0x3], $0x7D00, $0x38;
	[tilespmem:$0x1BD50] =	vst v63  }
0x4df: {  	_ =	swait.ge [sflag:s3], $0x7D00  }
0x4e0: {  	s1 =	sld [smem:$0x7FD]  }
0x4e1: {  	[sflag:s3] =	ssyncset.done $0x0  }
0x4e2: {  	[sflag:s3] =	ssyncadd.s32 $0xFFFF8300  }
0x4e3: {  	[tilespmem:s6], [sflag:$0x1] =	stream.indirect.gather [hbm4b:s4+s7], $0x20, s1, s7, $0xb8;
	[tilespmem:$0x1BD50] =	vst v63  }
0x4e4: {  	_ =	swait.ge [sflag:s8], $0x7D00  }
0x4e5: {  	[sflag:s8] =	ssyncset.done $0x0  }
0x4e6: {  	s1 =	rddreg [dreg:$0x1f];
	[sflag:s8] =	ssyncadd.s32 $0xFFFF8300  }
0x4e7: {  	[hbm4b:s1+s2] =	stream.linear.scatter [tilespmem:s5], [sflag:$0x3], $0x7D00, $0x38;
	[tilespmem:$0x1BD50] =	vst v63  }
0x4e8: {  	_ =	swait.ge [sflag:s3], $0x7D00  }
0x4e9: {  	[sflag:s3] =	ssyncset.done $0x0  }
0x4ea: {  	[sflag:s3] =	ssyncadd.s32 $0xFFFF8300  }
0x4eb: {  	[tilespmem:s5], [sflag:$0x2] =	stream.indirect.gather [hbm4b:s4+s7], $0x20, s31, s7, $0xb8;
	[tilespmem:$0x1BD50] =	vst v63  }
0x4ec: {  	_ =	swait.ge [sflag:s9], $0x7D00  }
0x4ed: {  	s31 =	sld [smem:$0x7CD]  }
0x4ee: {  	[sflag:s9] =	ssyncset.done $0x0  }
0x4ef: {  	[sflag:s9] =	ssyncadd.s32 $0xFFFF8300  }
0x4f0: {  	[hbm4b:s31+s2] =	stream.linear.scatter [tilespmem:s6], [sflag:$0x3], $0x7D00, $0x38;
	[tilespmem:$0x1BD50] =	vst v63  }
0x4f1: {  	_ =	swait.ge [sflag:s3], $0x7D00  }
0x4f2: {  	[sflag:s3] =	ssyncset.done $0x0  }
0x4f3: {  	[sflag:s3] =	ssyncadd.s32 $0xFFFF8300  }
0x4f4: {  	[tilespmem:s6], [sflag:$0x1] =	stream.indirect.gather [hbm4b:s4+s7], $0x20, s30, s7, $0xb8;
	[tilespmem:$0x1BD50] =	vst v63  }
0x4f5: {  	_ =	swait.ge [sflag:s8], $0x7D00  }
0x4f6: {  	s1 =	sld [smem:$0x7CE]  }
0x4f7: {  	[sflag:s8] =	ssyncset.done $0x0  }
0x4f8: {  	[sflag:s8] =	ssyncadd.s32 $0xFFFF8300  }
0x4f9: {  	[hbm4b:s1+s2] =	stream.linear.scatter [tilespmem:s5], [sflag:$0x3], $0x7D00, $0x38;
	[tilespmem:$0x1BD50] =	vst v63  }
0x4fa: {  	_ =	swait.ge [sflag:s3], $0x7D00  }
0x4fb: {  	[sflag:s3] =	ssyncset.done $0x0  }
0x4fc: {  	[sflag:s3] =	ssyncadd.s32 $0xFFFF8300  }
0x4fd: {  	[tilespmem:s5], [sflag:$0x2] =	stream.indirect.gather [hbm4b:s4+s7], $0x20, s29, s7, $0xb8;
	[tilespmem:$0x1BD50] =	vst v63  }
0x4fe: {  	_ =	swait.ge [sflag:s9], $0x7D00  }
0x4ff: {  	s30 =	sld [smem:$0x7CF]  }
0x500: {  	[sflag:s9] =	ssyncset.done $0x0  }
0x501: {  	[sflag:s9] =	ssyncadd.s32 $0xFFFF8300  }
0x502: {  	[hbm4b:s30+s2] =	stream.linear.scatter [tilespmem:s6], [sflag:$0x3], $0x7D00, $0x38;
	[tilespmem:$0x1BD50] =	vst v63  }
0x503: {  	_ =	swait.ge [sflag:s3], $0x7D00  }
0x504: {  	[sflag:s3] =	ssyncset.done $0x0  }
0x505: {  	[sflag:s3] =	ssyncadd.s32 $0xFFFF8300  }
0x506: {  	[tilespmem:s6], [sflag:$0x1] =	stream.indirect.gather [hbm4b:s4+s7], $0x20, s28, s7, $0xb8;
	[tilespmem:$0x1BD50] =	vst v63  }
0x507: {  	_ =	swait.ge [sflag:s8], $0x7D00  }
0x508: {  	s31 =	sld [smem:$0x7D0]  }
0x509: {  	[sflag:s8] =	ssyncset.done $0x0  }
0x50a: {  	[sflag:s8] =	ssyncadd.s32 $0xFFFF8300  }
0x50b: {  	[hbm4b:s31+s2] =	stream.linear.scatter [tilespmem:s5], [sflag:$0x3], $0x7D00, $0x38;
	[tilespmem:$0x1BD50] =	vst v63  }
0x50c: {  	_ =	swait.ge [sflag:s3], $0x7D00  }
0x50d: {  	[sflag:s3] =	ssyncset.done $0x0  }
0x50e: {  	[sflag:s3] =	ssyncadd.s32 $0xFFFF8300  }
0x50f: {  	[tilespmem:s5], [sflag:$0x2] =	stream.indirect.gather [hbm4b:s4+s7], $0x20, s26, s7, $0xb8;
	[tilespmem:$0x1BD50] =	vst v63  }
0x510: {  	_ =	swait.ge [sflag:s9], $0x7D00  }
0x511: {  	s1 =	sld [smem:$0x7D1]  }
0x512: {  	[sflag:s9] =	ssyncset.done $0x0  }
0x513: {  	[sflag:s9] =	ssyncadd.s32 $0xFFFF8300  }
0x514: {  	[hbm4b:s1+s2] =	stream.linear.scatter [tilespmem:s6], [sflag:$0x3], $0x7D00, $0x38;
	[tilespmem:$0x1BD50] =	vst v63  }
0x515: {  	_ =	swait.ge [sflag:s3], $0x7D00  }
0x516: {  	[sflag:s3] =	ssyncset.done $0x0  }
0x517: {  	[sflag:s3] =	ssyncadd.s32 $0xFFFF8300  }
0x518: {  	[tilespmem:s6], [sflag:$0x1] =	stream.indirect.gather [hbm4b:s4+s7], $0x20, s25, s7, $0xb8;
	[tilespmem:$0x1BD50] =	vst v63  }
0x519: {  	_ =	swait.ge [sflag:s8], $0x7D00  }
0x51a: {  	s26 =	sld [smem:$0x7D2]  }
0x51b: {  	[sflag:s8] =	ssyncset.done $0x0  }
0x51c: {  	[sflag:s8] =	ssyncadd.s32 $0xFFFF8300  }
0x51d: {  	[hbm4b:s26+s2] =	stream.linear.scatter [tilespmem:s5], [sflag:$0x3], $0x7D00, $0x38;
	[tilespmem:$0x1BD50] =	vst v63  }
0x51e: {  	_ =	swait.ge [sflag:s3], $0x7D00  }
0x51f: {  	[sflag:s3] =	ssyncset.done $0x0  }
0x520: {  	[sflag:s3] =	ssyncadd.s32 $0xFFFF8300  }
0x521: {  	[tilespmem:s5], [sflag:$0x2] =	stream.indirect.gather [hbm4b:s4+s7], $0x20, s24, s7, $0xb8;
	[tilespmem:$0x1BD50] =	vst v63  }
0x522: {  	_ =	swait.ge [sflag:s9], $0x7D00  }
0x523: {  	s28 =	sld [smem:$0x7D3]  }
0x524: {  	[sflag:s9] =	ssyncset.done $0x0  }
0x525: {  	[sflag:s9] =	ssyncadd.s32 $0xFFFF8300  }
0x526: {  	[hbm4b:s28+s2] =	stream.linear.scatter [tilespmem:s6], [sflag:$0x3], $0x7D00, $0x38;
	[tilespmem:$0x1BD50] =	vst v63  }
0x527: {  	_ =	swait.ge [sflag:s3], $0x7D00  }
0x528: {  	[sflag:s3] =	ssyncset.done $0x0  }
0x529: {  	[sflag:s3] =	ssyncadd.s32 $0xFFFF8300  }
0x52a: {  	[tilespmem:s6], [sflag:$0x1] =	stream.indirect.gather [hbm4b:s4+s7], $0x20, s23, s7, $0xb8;
	[tilespmem:$0x1BD50] =	vst v63  }
0x52b: {  	_ =	swait.ge [sflag:s8], $0x7D00  }
0x52c: {  	s29 =	sld [smem:$0x7D4]  }
0x52d: {  	[sflag:s8] =	ssyncset.done $0x0  }
0x52e: {  	[sflag:s8] =	ssyncadd.s32 $0xFFFF8300  }
0x52f: {  	[hbm4b:s29+s2] =	stream.linear.scatter [tilespmem:s5], [sflag:$0x3], $0x7D00, $0x38;
	[tilespmem:$0x1BD50] =	vst v63  }
0x530: {  	_ =	swait.ge [sflag:s3], $0x7D00  }
0x531: {  	[sflag:s3] =	ssyncset.done $0x0  }
0x532: {  	[sflag:s3] =	ssyncadd.s32 $0xFFFF8300  }
0x533: {  	[tilespmem:s5], [sflag:$0x2] =	stream.indirect.gather [hbm4b:s4+s7], $0x20, s22, s7, $0xb8;
	[tilespmem:$0x1BD50] =	vst v63  }
0x534: {  	_ =	swait.ge [sflag:s9], $0x7D00  }
0x535: {  	s30 =	sld [smem:$0x7D5]  }
0x536: {  	[sflag:s9] =	ssyncset.done $0x0  }
0x537: {  	[sflag:s9] =	ssyncadd.s32 $0xFFFF8300  }
0x538: {  	[hbm4b:s30+s2] =	stream.linear.scatter [tilespmem:s6], [sflag:$0x3], $0x7D00, $0x38;
	[tilespmem:$0x1BD50] =	vst v63  }
0x539: {  	_ =	swait.ge [sflag:s3], $0x7D00  }
0x53a: {  	[sflag:s3] =	ssyncset.done $0x0  }
0x53b: {  	[sflag:s3] =	ssyncadd.s32 $0xFFFF8300  }
0x53c: {  	[tilespmem:s6], [sflag:$0x1] =	stream.indirect.gather [hbm4b:s4+s7], $0x20, s21, s7, $0xb8;
	[tilespmem:$0x1BD50] =	vst v63  }
0x53d: {  	_ =	swait.ge [sflag:s8], $0x7D00  }
0x53e: {  	s31 =	sld [smem:$0x7D6]  }
0x53f: {  	[sflag:s8] =	ssyncset.done $0x0  }
0x540: {  	[sflag:s8] =	ssyncadd.s32 $0xFFFF8300  }
0x541: {  	[hbm4b:s31+s2] =	stream.linear.scatter [tilespmem:s5], [sflag:$0x3], $0x7D00, $0x38;
	[tilespmem:$0x1BD50] =	vst v63  }
0x542: {  	_ =	swait.ge [sflag:s3], $0x7D00  }
0x543: {  	[sflag:s3] =	ssyncset.done $0x0  }
0x544: {  	[sflag:s3] =	ssyncadd.s32 $0xFFFF8300  }
0x545: {  	[tilespmem:s5], [sflag:$0x2] =	stream.indirect.gather [hbm4b:s4+s7], $0x20, s20, s7, $0xb8;
	[tilespmem:$0x1BD50] =	vst v63  }
0x546: {  	_ =	swait.ge [sflag:s9], $0x7D00  }
0x547: {  	s1 =	sld [smem:$0x7D7]  }
0x548: {  	[sflag:s9] =	ssyncset.done $0x0  }
0x549: {  	[sflag:s9] =	ssyncadd.s32 $0xFFFF8300  }
0x54a: {  	[hbm4b:s1+s2] =	stream.linear.scatter [tilespmem:s6], [sflag:$0x3], $0x7D00, $0x38;
	[tilespmem:$0x1BD50] =	vst v63  }
0x54b: {  	_ =	swait.ge [sflag:s3], $0x7D00  }
0x54c: {  	[sflag:s3] =	ssyncset.done $0x0  }
0x54d: {  	[sflag:s3] =	ssyncadd.s32 $0xFFFF8300  }
0x54e: {  	[tilespmem:s6], [sflag:$0x1] =	stream.indirect.gather [hbm4b:s4+s7], $0x20, s19, s7, $0xb8;
	[tilespmem:$0x1BD50] =	vst v63  }
0x54f: {  	_ =	swait.ge [sflag:s8], $0x7D00  }
0x550: {  	s19 =	sld [smem:$0x7D8]  }
0x551: {  	[sflag:s8] =	ssyncset.done $0x0  }
0x552: {  	[sflag:s8] =	ssyncadd.s32 $0xFFFF8300  }
0x553: {  	[hbm4b:s19+s2] =	stream.linear.scatter [tilespmem:s5], [sflag:$0x3], $0x7D00, $0x38;
	[tilespmem:$0x1BD50] =	vst v63  }
0x554: {  	_ =	swait.ge [sflag:s3], $0x7D00  }
0x555: {  	[sflag:s3] =	ssyncset.done $0x0  }
0x556: {  	[sflag:s3] =	ssyncadd.s32 $0xFFFF8300  }
0x557: {  	[tilespmem:s5], [sflag:$0x2] =	stream.indirect.gather [hbm4b:s4+s7], $0x20, s18, s7, $0xb8;
	[tilespmem:$0x1BD50] =	vst v63  }
0x558: {  	_ =	swait.ge [sflag:s9], $0x7D00  }
0x559: {  	s20 =	sld [smem:$0x7D9]  }
0x55a: {  	[sflag:s9] =	ssyncset.done $0x0  }
0x55b: {  	[sflag:s9] =	ssyncadd.s32 $0xFFFF8300  }
0x55c: {  	[hbm4b:s20+s2] =	stream.linear.scatter [tilespmem:s6], [sflag:$0x3], $0x7D00, $0x38;
	[tilespmem:$0x1BD50] =	vst v63  }
0x55d: {  	_ =	swait.ge [sflag:s3], $0x7D00  }
0x55e: {  	[sflag:s3] =	ssyncset.done $0x0  }
0x55f: {  	[sflag:s3] =	ssyncadd.s32 $0xFFFF8300  }
0x560: {  	[tilespmem:s6], [sflag:$0x1] =	stream.indirect.gather [hbm4b:s4+s7], $0x20, s17, s7, $0xb8;
	[tilespmem:$0x1BD50] =	vst v63  }
0x561: {  	_ =	swait.ge [sflag:s8], $0x7D00  }
0x562: {  	s21 =	sld [smem:$0x7DA]  }
0x563: {  	[sflag:s8] =	ssyncset.done $0x0  }
0x564: {  	[sflag:s8] =	ssyncadd.s32 $0xFFFF8300  }
0x565: {  	[hbm4b:s21+s2] =	stream.linear.scatter [tilespmem:s5], [sflag:$0x3], $0x7D00, $0x38;
	[tilespmem:$0x1BD50] =	vst v63  }
0x566: {  	_ =	swait.ge [sflag:s3], $0x7D00  }
0x567: {  	[sflag:s3] =	ssyncset.done $0x0  }
0x568: {  	[sflag:s3] =	ssyncadd.s32 $0xFFFF8300  }
0x569: {  	[tilespmem:s5], [sflag:$0x2] =	stream.indirect.gather [hbm4b:s4+s7], $0x20, s16, s7, $0xb8;
	[tilespmem:$0x1BD50] =	vst v63  }
0x56a: {  	_ =	swait.ge [sflag:s9], $0x7D00  }
0x56b: {  	s22 =	sld [smem:$0x7DB]  }
0x56c: {  	[sflag:s9] =	ssyncset.done $0x0  }
0x56d: {  	[sflag:s9] =	ssyncadd.s32 $0xFFFF8300  }
0x56e: {  	[hbm4b:s22+s2] =	stream.linear.scatter [tilespmem:s6], [sflag:$0x3], $0x7D00, $0x38;
	[tilespmem:$0x1BD50] =	vst v63  }
0x56f: {  	_ =	swait.ge [sflag:s3], $0x7D00  }
0x570: {  	[sflag:s3] =	ssyncset.done $0x0  }
0x571: {  	[sflag:s3] =	ssyncadd.s32 $0xFFFF8300  }
0x572: {  	[tilespmem:s6], [sflag:$0x1] =	stream.indirect.gather [hbm4b:s4+s7], $0x20, s15, s7, $0xb8;
	[tilespmem:$0x1BD50] =	vst v63  }
0x573: {  	_ =	swait.ge [sflag:s8], $0x7D00  }
0x574: {  	s23 =	sld [smem:$0x7DC]  }
0x575: {  	[sflag:s8] =	ssyncset.done $0x0  }
0x576: {  	[sflag:s8] =	ssyncadd.s32 $0xFFFF8300  }
0x577: {  	[hbm4b:s23+s2] =	stream.linear.scatter [tilespmem:s5], [sflag:$0x3], $0x7D00, $0x38;
	[tilespmem:$0x1BD50] =	vst v63  }
0x578: {  	_ =	swait.ge [sflag:s3], $0x7D00  }
0x579: {  	[sflag:s3] =	ssyncset.done $0x0  }
0x57a: {  	[sflag:s3] =	ssyncadd.s32 $0xFFFF8300  }
0x57b: {  	[tilespmem:s5], [sflag:$0x2] =	stream.indirect.gather [hbm4b:s4+s7], $0x20, s14, s7, $0xb8;
	[tilespmem:$0x1BD50] =	vst v63  }
0x57c: {  	_ =	swait.ge [sflag:s9], $0x7D00  }
0x57d: {  	s24 =	sld [smem:$0x7DD]  }
0x57e: {  	[sflag:s9] =	ssyncset.done $0x0  }
0x57f: {  	[sflag:s9] =	ssyncadd.s32 $0xFFFF8300  }
0x580: {  	[hbm4b:s24+s2] =	stream.linear.scatter [tilespmem:s6], [sflag:$0x3], $0x7D00, $0x38;
	[tilespmem:$0x1BD50] =	vst v63  }
0x581: {  	_ =	swait.ge [sflag:s3], $0x7D00  }
0x582: {  	[sflag:s3] =	ssyncset.done $0x0  }
0x583: {  	[sflag:s3] =	ssyncadd.s32 $0xFFFF8300  }
0x584: {  	[tilespmem:s6], [sflag:$0x1] =	stream.indirect.gather [hbm4b:s4+s7], $0x20, s13, s7, $0xb8;
	[tilespmem:$0x1BD50] =	vst v63  }
0x585: {  	_ =	swait.ge [sflag:s8], $0x7D00  }
0x586: {  	s25 =	sld [smem:$0x7DE]  }
0x587: {  	[sflag:s8] =	ssyncset.done $0x0  }
0x588: {  	[sflag:s8] =	ssyncadd.s32 $0xFFFF8300  }
0x589: {  	[hbm4b:s25+s2] =	stream.linear.scatter [tilespmem:s5], [sflag:$0x3], $0x7D00, $0x38;
	[tilespmem:$0x1BD50] =	vst v63  }
0x58a: {  	_ =	swait.ge [sflag:s3], $0x7D00  }
0x58b: {  	[sflag:s3] =	ssyncset.done $0x0  }
0x58c: {  	[sflag:s3] =	ssyncadd.s32 $0xFFFF8300  }
0x58d: {  	[tilespmem:s5], [sflag:$0x2] =	stream.indirect.gather [hbm4b:s4+s7], $0x20, s12, s7, $0xb8;
	[tilespmem:$0x1BD50] =	vst v63  }
0x58e: {  	_ =	swait.ge [sflag:s9], $0x7D00  }
0x58f: {  	s26 =	sld [smem:$0x7DF]  }
0x590: {  	[sflag:s9] =	ssyncset.done $0x0  }
0x591: {  	[sflag:s9] =	ssyncadd.s32 $0xFFFF8300  }
0x592: {  	[hbm4b:s26+s2] =	stream.linear.scatter [tilespmem:s6], [sflag:$0x3], $0x7D00, $0x38;
	[tilespmem:$0x1BD50] =	vst v63  }
0x593: {  	_ =	swait.ge [sflag:s3], $0x7D00  }
0x594: {  	[sflag:s3] =	ssyncset.done $0x0  }
0x595: {  	[sflag:s3] =	ssyncadd.s32 $0xFFFF8300  }
0x596: {  	[tilespmem:s6], [sflag:$0x1] =	stream.indirect.gather [hbm4b:s4+s7], $0x20, s11, s7, $0xb8;
	[tilespmem:$0x1BD50] =	vst v63  }
0x597: {  	_ =	swait.ge [sflag:s8], $0x7D00  }
0x598: {  	s28 =	sld [smem:$0x7E0]  }
0x599: {  	[sflag:s8] =	ssyncset.done $0x0  }
0x59a: {  	[sflag:s8] =	ssyncadd.s32 $0xFFFF8300  }
0x59b: {  	[hbm4b:s28+s2] =	stream.linear.scatter [tilespmem:s5], [sflag:$0x3], $0x7D00, $0x38;
	[tilespmem:$0x1BD50] =	vst v63  }
0x59c: {  	_ =	swait.ge [sflag:s3], $0x7D00  }
0x59d: {  	[sflag:s3] =	ssyncset.done $0x0  }
0x59e: {  	[sflag:s3] =	ssyncadd.s32 $0xFFFF8300  }
0x59f: {  	[tilespmem:s5], [sflag:$0x2] =	stream.indirect.gather [hbm4b:s4+s7], $0x20, s10, s7, $0xb8;
	[tilespmem:$0x1BD50] =	vst v63  }
0x5a0: {  	_ =	swait.ge [sflag:s9], $0x7D00  }
0x5a1: {  	s29 =	sld [smem:$0x7E1]  }
0x5a2: {  	[sflag:s9] =	ssyncset.done $0x0  }
0x5a3: {  	[sflag:s9] =	ssyncadd.s32 $0xFFFF8300  }
0x5a4: {  	[hbm4b:s29+s2] =	stream.linear.scatter [tilespmem:s6], [sflag:$0x3], $0x7D00, $0x38;
	[tilespmem:$0x1BD50] =	vst v63  }
0x5a5: {  	_ =	swait.ge [sflag:s3], $0x7D00  }
0x5a6: {  	[sflag:s3] =	ssyncset.done $0x0  }
0x5a7: {  	[sflag:s3] =	ssyncadd.s32 $0xFFFF8300  }
0x5a8: {  	_ =	swait.ge [sflag:s8], $0x7D00  }
0x5a9: {  	s30 =	sld [smem:$0x7E2]  }
0x5aa: {  	[sflag:s8] =	ssyncset.done $0x0  }
0x5ab: {  	[sflag:s8] =	ssyncadd.s32 $0xFFFF8300  }
0x5ac: {  	[hbm4b:s30+s2] =	stream.linear.scatter [tilespmem:s5], [sflag:$0x3], $0x7D00, $0x38;
	[tilespmem:$0x1BD50] =	vst v63  }
0x5ad: {  	_ =	swait.ge [sflag:s3], $0x7D00  }
0x5ae: {  	[sflag:s3] =	ssyncset.done $0x0  }
0x5af: {  	[sflag:s3] =	ssyncadd.s32 $0xFFFF8300  }
0x5b0: {  	_ =	sfence.sel $0x180000  }
0x5b1: {  	[bflag:$0x0] =	sbarrier.arrive $0xFFFF  }
0x5b2: {  	_ =	strace $0x90000047  }
0x5b3: {  	s31 =	stileid.u32;
	[bflag:$0x2] =	sbarrier.arrive $0xFFFF  }
0x5b4: {  	p0 =	sne.s32 s31, $0x0;
	s0 =	rddreg [dreg:$0x2]  }
0x5b5: {  	s0 =	sadd.s32 @!p0 $0x100000, s0  }
0x5b6: {  	[sflag:s0] =	ssyncadd.tile.s32 @!p0 $0x1;
	_ =	shalt  }
.Lfunc_end2:
_tile_overlayer_lowered:
.L_overlay_start_2:
0x5b7: {  	(tag) =	ssettag $0x2  }
0x5b8: {  	s0 =	rddreg [dreg:$0x0];
	s2 =	stileid.u32  }
0x5b9: {  	s1 =	rddreg [dreg:$0x1];
	p0 =	sne.s32 s2, $0x0  }
0x5ba: {  	s3 =	rddreg [dreg:$0x2];
	[bflag:$0x3] =	sbarrier.arrive $0xFFFF;
	s2 =	simm.s32 @!p0 $0x1C03  }
0x5bb: {  	[timem:s3], [sflag:s2] =	dma.local @!p0 [hbm:s0], s1  }
0x5bc: {  	s0 =	simm.s32 @!p0 $0x3  }
0x5bd: {  	_ =	swait.ge @!p0 [sflag:s0], s1  }
0x5be: {  	s1 =	ssub.s32 @!p0 $0x0, s1;
	[sflag:s0] =	ssyncset.done @!p0 $0x0  }
0x5bf: {  	[sflag:s0] =	ssyncadd.s32 @!p0 s1  }
0x5c0: {  	[bflag:$0x3] =	sbarrier.arrive $0xFFFF  }
0x5c1: {  	_ =	shalt  }

</sc_bundles>
